<compile_context>
chip_gen: v7x
topology: tpu7x:2x2x1
jax: 0.10.2.dev20260603
libtpu: 0.0.44.dev20260713+nightly
codegen_flags: <defaults>
</compile_context>

<pallas_src>
import jax
import jax.numpy as jnp
from jax import lax
from jax.experimental import pallas as pl
from jax.experimental.pallas import tpu as pltpu
from jax.experimental.pallas import tpu_sc as plsc

N_NODES = 10000
N_EDGES = 320000
D = 128
N_CLASSES = 40

NC = 2
NS = 16
NW = NC * NS
EPT = N_EDGES // NW
K = 80
NCHUNK = EPT // K
N_PAD = 10240
RPT = N_PAD // NS
R = 512
GRID = N_PAD // R


NBUF = 4
NGRP = NCHUNK // NBUF


def _sc_agg(compute_deg):
  mesh = plsc.VectorSubcoreMesh(
      core_axis_name="c", subcore_axis_name="s", num_cores=NC, num_subcores=NS)

  out_type = [jax.ShapeDtypeStruct((NC, N_PAD, D), jnp.float32)]
  scratch = ([pltpu.VMEM((K, D), jnp.float32) for _ in range(NBUF)]
             + [pltpu.VMEM((K,), jnp.int32) for _ in range(2 * NBUF)]
             + [pltpu.SemaphoreType.DMA for _ in range(2 * NBUF)]
             + [pltpu.SemaphoreType.DMA,
                pltpu.VMEM_SHARED((N_PAD, D), jnp.float32)])
  if compute_deg:
    out_type.append(jax.ShapeDtypeStruct((NC, N_PAD), jnp.float32))
    scratch += [pltpu.VMEM((K,), jnp.float32),
                pltpu.VMEM((RPT,), jnp.float32),
                pltpu.VMEM_SHARED((N_PAD,), jnp.float32)]

  def body(table_hbm, src_hbm, dst_hbm, zrows_hbm, ones_hbm, zdeg_hbm, *refs):
    if compute_deg:
      agg_out, deg_out = refs[0], refs[1]
      refs = refs[2:]
      ones_v, zdeg_v, deg_sh = refs[5 * NBUF + 2:]
    else:
      agg_out = refs[0]
      refs = refs[1:]
    rows_v = refs[:NBUF]
    src_v = refs[NBUF:2 * NBUF]
    dst_v = refs[2 * NBUF:3 * NBUF]
    sems = refs[3 * NBUF:4 * NBUF]
    sem_s = refs[4 * NBUF:5 * NBUF]
    sem_idx = refs[5 * NBUF]
    agg_sh = refs[5 * NBUF + 1]

    cid = lax.axis_index("c")
    sid = lax.axis_index("s")
    wid = sid * NC + cid
    row0 = pl.multiple_of(sid * RPT, 8)

    pltpu.sync_copy(zrows_hbm, rows_v[0])
    for r in range(RPT // K):
      pltpu.async_copy(rows_v[0], agg_sh.at[pl.ds(row0 + r * K, K)],
                       sem_idx)
    if compute_deg:
      pltpu.sync_copy(ones_hbm, ones_v)
      pltpu.sync_copy(zdeg_hbm, zdeg_v)
      pltpu.async_copy(zdeg_v, deg_sh.at[pl.ds(row0, RPT)], sem_idx)
    for r in range(RPT // K):
      pltpu.make_async_copy(rows_v[0], agg_sh.at[pl.ds(row0 + r * K, K)],
                            sem_idx).wait()
    if compute_deg:
      pltpu.make_async_copy(zdeg_v, deg_sh.at[pl.ds(row0, RPT)],
                            sem_idx).wait()

    plsc.subcore_barrier()

    base = wid * EPT

    def wait_scatter(b):
      pltpu.make_async_copy(rows_v[b], agg_sh.at[dst_v[b]], sem_s[b]).wait()
      if compute_deg:
        pltpu.make_async_copy(ones_v, deg_sh.at[dst_v[b]], sem_s[b]).wait()

    def fire_scatter(b):
      pltpu.async_copy(rows_v[b], agg_sh.at[dst_v[b]], sem_s[b], add=True)
      if compute_deg:
        pltpu.async_copy(ones_v, deg_sh.at[dst_v[b]], sem_s[b], add=True)

    def fire_dst(off, b):
      pltpu.async_copy(dst_hbm.at[pl.ds(off, K)], dst_v[b], sem_s[b])

    def wait_dst(off, b):
      pltpu.make_async_copy(dst_hbm.at[pl.ds(off, K)], dst_v[b],
                            sem_s[b]).wait()

    def fire_src(off, b):
      pltpu.async_copy(src_hbm.at[pl.ds(off, K)], src_v[b], sem_idx)

    def wait_src(off, b):
      pltpu.make_async_copy(src_hbm.at[pl.ds(off, K)], src_v[b],
                            sem_idx).wait()

    def fire_gather(b):
      pltpu.async_copy(table_hbm.at[src_v[b]], rows_v[b], sems[b])

    def wait_gather(b):
      pltpu.make_async_copy(table_hbm.at[src_v[b]], rows_v[b],
                            sems[b]).wait()

    pltpu.sync_copy(src_hbm.at[pl.ds(base, K)], src_v[0])
    pltpu.sync_copy(src_hbm.at[pl.ds(base + K, K)], src_v[1])
    fire_dst(base, 0)
    fire_dst(base + K, 1)
    fire_gather(0)
    fire_gather(1)
    fire_src(base + 2 * K, 2)
    fire_src(base + 3 * K, 3)

    LAST = NCHUNK - 1

    def ring(g, _):
      for k in range(4):
        off = base + (4 * g + k) * K
        b, b2 = k, (k + 2) % 4
        off2, off4 = off + 2 * K, off + 4 * K

        if k < 2:
          @pl.when(g > 0)
          def _():
            wait_scatter(b2)
        else:
          wait_scatter(b2)

        if k < 3:
          fire_dst(off2, b2)
          wait_src(off2, b2)
          fire_gather(b2)
        else:
          @pl.when(g < NGRP - 1)
          def _():
            fire_dst(off2, b2)
            wait_src(off2, b2)
            fire_gather(b2)

        wait_gather(b)
        if k == 0:
          fire_src(off4, b)
        else:
          @pl.when(g < NGRP - 1)
          def _():
            fire_src(off4, b)
        wait_dst(off, b)
        fire_scatter(b)
      return 0
    lax.fori_loop(0, NGRP, ring, 0)

    off124 = base + LAST * K
    wait_scatter(2)
    wait_gather(0)
    wait_dst(off124, 0)
    fire_scatter(0)
    wait_scatter(3)
    wait_scatter(0)

    plsc.subcore_barrier()

    out2d = agg_out.at[cid]
    nw_ = RPT // K
    offs = [pl.ds(row0 + r * K, K) for r in range(nw_)]
    for r in range(NBUF):
      pltpu.async_copy(agg_sh.at[offs[r]], rows_v[r], sem_s[r])
    if compute_deg:
      pltpu.async_copy(deg_sh.at[pl.ds(row0, RPT)], zdeg_v, sem_idx)
    for r in range(NBUF):
      pltpu.make_async_copy(agg_sh.at[offs[r]], rows_v[r], sem_s[r]).wait()
      pltpu.async_copy(rows_v[r], out2d.at[offs[r]], sems[r])
    if compute_deg:
      pltpu.make_async_copy(deg_sh.at[pl.ds(row0, RPT)], zdeg_v,
                            sem_idx).wait()
      pltpu.async_copy(zdeg_v, deg_out.at[cid].at[pl.ds(row0, RPT)], sem_idx)
    for r in range(NBUF, nw_):
      b = r % NBUF
      pltpu.make_async_copy(rows_v[b], out2d.at[offs[r - NBUF]],
                            sems[b]).wait()
      pltpu.async_copy(agg_sh.at[offs[r]], rows_v[b], sem_s[b])
    for r in range(NBUF, nw_):
      b = r % NBUF
      pltpu.make_async_copy(agg_sh.at[offs[r]], rows_v[b], sem_s[b]).wait()
      pltpu.async_copy(rows_v[b], out2d.at[offs[r]], sems[b])
    for r in range(NBUF, nw_):
      b = r % NBUF
      pltpu.make_async_copy(rows_v[b], out2d.at[offs[r]], sems[b]).wait()
    if compute_deg:
      pltpu.make_async_copy(zdeg_v, deg_out.at[cid].at[pl.ds(row0, RPT)],
                            sem_idx).wait()

  return pl.kernel(
      body,
      out_type=tuple(out_type) if compute_deg else out_type[0],
      mesh=mesh,
      scratch_types=scratch)


def _tc_layer(agg_parts, deg_parts, x, Wl, bl, Wr):

  def body(agg_ref, deg_ref, x_ref, wl_ref, bl_ref, wr_ref, o_ref):
    agg = agg_ref[0] + agg_ref[1]
    deg = deg_ref[0] + deg_ref[1]
    inv = (1.0 / jnp.maximum(deg, 1.0)).reshape(R, 1)
    mean = agg * inv
    h = (jnp.dot(mean, wl_ref[...], preferred_element_type=jnp.float32)
         + jnp.dot(x_ref[...], wr_ref[...], preferred_element_type=jnp.float32)
         + bl_ref[...])
    o_ref[...] = jnp.maximum(h, 0.0)

  return pl.pallas_call(
      body,
      grid=(GRID,),
      in_specs=[
          pl.BlockSpec((NC, R, D), lambda i: (0, i, 0)),
          pl.BlockSpec((NC, R), lambda i: (0, i)),
          pl.BlockSpec((R, D), lambda i: (i, 0)),
          pl.BlockSpec((D, D), lambda i: (0, 0)),
          pl.BlockSpec((1, D), lambda i: (0, 0)),
          pl.BlockSpec((D, D), lambda i: (0, 0)),
      ],
      out_specs=pl.BlockSpec((R, D), lambda i: (i, 0)),
      out_shape=jax.ShapeDtypeStruct((N_PAD, D), jnp.float32),
  )(agg_parts, deg_parts, x, Wl, bl, Wr)


def _tc_layer2_head(agg_parts, deg_parts, h1, Wl, bl, Wr,
                    Wlin1, blin1, Wlin2, blin2):

  def body(agg_ref, deg_ref, x_ref, wl_ref, bl_ref, wr_ref,
           wh1_ref, bh1_ref, wh2_ref, bh2_ref, o_ref, acc_ref):
    agg = agg_ref[0] + agg_ref[1]
    deg = deg_ref[0] + deg_ref[1]
    inv = (1.0 / jnp.maximum(deg, 1.0)).reshape(R, 1)
    mean = agg * inv
    h = (jnp.dot(mean, wl_ref[...], preferred_element_type=jnp.float32)
         + jnp.dot(x_ref[...], wr_ref[...], preferred_element_type=jnp.float32)
         + bl_ref[...])
    h = jnp.maximum(h, 0.0)

    i = pl.program_id(0)
    gi = i * R + lax.broadcasted_iota(jnp.int32, (R, 1), 0)
    h = jnp.where(gi < N_NODES, h, 0.0)

    @pl.when(i == 0)
    def _():
      acc_ref[...] = jnp.zeros_like(acc_ref)

    acc_ref[...] += jnp.sum(h, axis=0, keepdims=True)

    @pl.when(i == GRID - 1)
    def _():
      g = acc_ref[...] / float(N_NODES)
      g = jnp.maximum(
          jnp.dot(g, wh1_ref[...], preferred_element_type=jnp.float32)
          + bh1_ref[...], 0.0)
      logits = (jnp.dot(g, wh2_ref[...], preferred_element_type=jnp.float32)
                + bh2_ref[...])
      m = jnp.max(logits, axis=-1, keepdims=True)
      lse = jnp.log(jnp.sum(jnp.exp(logits - m), axis=-1, keepdims=True)) + m
      o_ref[...] = logits - lse

  return pl.pallas_call(
      body,
      grid=(GRID,),
      in_specs=[
          pl.BlockSpec((NC, R, D), lambda i: (0, i, 0)),
          pl.BlockSpec((NC, R), lambda i: (0, i)),
          pl.BlockSpec((R, D), lambda i: (i, 0)),
          pl.BlockSpec((D, D), lambda i: (0, 0)),
          pl.BlockSpec((1, D), lambda i: (0, 0)),
          pl.BlockSpec((D, D), lambda i: (0, 0)),
          pl.BlockSpec((D, D), lambda i: (0, 0)),
          pl.BlockSpec((1, D), lambda i: (0, 0)),
          pl.BlockSpec((D, N_CLASSES), lambda i: (0, 0)),
          pl.BlockSpec((1, N_CLASSES), lambda i: (0, 0)),
      ],
      out_specs=pl.BlockSpec((1, N_CLASSES), lambda i: (0, 0)),
      out_shape=jax.ShapeDtypeStruct((1, N_CLASSES), jnp.float32),
      scratch_shapes=[pltpu.VMEM((1, D), jnp.float32)],
  )(agg_parts, deg_parts, h1, Wl, bl, Wr, Wlin1, blin1, Wlin2, blin2)


def kernel(x, edge_index, W1l, b1l, W1r, W2l, b2l, W2r,
           Wlin1, blin1, Wlin2, blin2):
  src = edge_index[0].astype(jnp.int32)
  dst = edge_index[1].astype(jnp.int32)
  x_pad = jnp.pad(x, ((0, N_PAD - N_NODES), (0, 0)))
  zrows = jnp.zeros((K, D), jnp.float32)
  ones1 = jnp.ones((K,), jnp.float32)
  zdeg = jnp.zeros((RPT,), jnp.float32)

  sc = _sc_agg(True)
  agg1, deg = sc(x_pad, src, dst, zrows, ones1, zdeg)
  h1 = _tc_layer(agg1, deg, x_pad, W1l, b1l.reshape(1, D), W1r)
  agg2, _ = sc(h1, src, dst, zrows, ones1, zdeg)
  return _tc_layer2_head(agg2, deg, h1, W2l, b2l.reshape(1, D), W2r,
                         Wlin1, blin1.reshape(1, D),
                         Wlin2, blin2.reshape(1, N_CLASSES))

# --- scband reference (transcript-rebuilt; emitter-appended) ---
"""Pipeline reference for scband-graph-sage-37752762532360 (READ-ONLY COPY).

The authoritative reference and input builder live on the scoring server;
editing this copy changes nothing except your own understanding.
"""

import jax, jax.numpy as jnp
import numpy as np

N_NODES = 10000
N_EDGES = 320000
D_FEAT = 128
HIDDEN = 128
N_CLASSES = 40


def _glorot(key, shape):
    fan_in = shape[0]
    return jax.random.normal(key, shape, dtype=jnp.float32) / jnp.sqrt(fan_in)


def setup_inputs(seed: int = 0) -> dict:
    key = jax.random.key(seed)
    ks = jax.random.split(key, 12)
    x = jax.random.normal(ks[0], (N_NODES, D_FEAT), dtype=jnp.float32)
    edge_index = jax.random.randint(ks[1], (2, N_EDGES), 0, N_NODES, dtype=jnp.int64)
    return {
        "x": x,
        "edge_index": edge_index,
        "W1l": _glorot(ks[2], (D_FEAT, HIDDEN)),
        "b1l": jnp.zeros((HIDDEN,), dtype=jnp.float32),
        "W1r": _glorot(ks[3], (D_FEAT, HIDDEN)),
        "W2l": _glorot(ks[4], (HIDDEN, HIDDEN)),
        "b2l": jnp.zeros((HIDDEN,), dtype=jnp.float32),
        "W2r": _glorot(ks[5], (HIDDEN, HIDDEN)),
        "Wlin1": _glorot(ks[6], (HIDDEN, HIDDEN)),
        "blin1": jnp.zeros((HIDDEN,), dtype=jnp.float32),
        "Wlin2": _glorot(ks[7], (HIDDEN, N_CLASSES)),
        "blin2": jnp.zeros((N_CLASSES,), dtype=jnp.float32),
    }


def _sage_conv(x, src, dst, Wl, bl, Wr):
    # PyG SAGEConv with mean aggregation:
    # out = lin_l(mean_{j in N(i)} x_j) + lin_r(x_i)
    n = x.shape[0]
    msgs = x[src]  # gather source-node features per edge
    agg = jax.ops.segment_sum(msgs, dst, num_segments=n)
    deg = jax.ops.segment_sum(jnp.ones((src.shape[0],), dtype=x.dtype), dst, num_segments=n)
    mean = agg / jnp.clip(deg, 1.0, None)[:, None]
    return mean @ Wl + bl + x @ Wr


def reference(x, edge_index, W1l, b1l, W1r, W2l, b2l, W2r, Wlin1, blin1, Wlin2, blin2):
    src = edge_index[0]
    dst = edge_index[1]
    h = jax.nn.relu(_sage_conv(x, src, dst, W1l, b1l, W1r))
    h = jax.nn.relu(_sage_conv(h, src, dst, W2l, b2l, W2r))
    # global_mean_pool with batch = zeros -> mean over all nodes, single graph
    g = jnp.mean(h, axis=0, keepdims=True)  # [1, hidden]
    g = jax.nn.relu(g @ Wlin1 + blin1)
    # dropout is identity in eval mode
    logits = g @ Wlin2 + blin2
    return jax.nn.log_softmax(logits, axis=-1)

if __name__ == "__main__":
    import jax
    _d = setup_inputs()
    print(jax.jit(kernel)(*tuple(_d.values())))

</pallas_src>

<mosaic_0001>
#map = affine_map<(d0, d1) -> (0, 0)>
#map1 = affine_map<(d0, d1) -> (0)>
#map2 = affine_map<(d0, d1) -> (0, 0, 0)>
module attributes {stable_mosaic.version = 14 : i64} {
  func.func @body(%arg0: i32, %arg1: i32, %arg2: memref<10240x128xf32, #tpu.memory_space<hbm>>, %arg3: memref<320000xi32, #tpu.memory_space<hbm>>, %arg4: memref<320000xi32, #tpu.memory_space<hbm>>, %arg5: memref<80x128xf32, #tpu.memory_space<hbm>>, %arg6: memref<80xf32, #tpu.memory_space<hbm>>, %arg7: memref<640xf32, #tpu.memory_space<hbm>>, %arg8: memref<2x10240x128xf32, #tpu.memory_space<hbm>>, %arg9: memref<2x10240xf32, #tpu.memory_space<hbm>>, %arg10: memref<80x128xf32, #tpu.memory_space<vmem>>, %arg11: memref<80x128xf32, #tpu.memory_space<vmem>>, %arg12: memref<80x128xf32, #tpu.memory_space<vmem>>, %arg13: memref<80x128xf32, #tpu.memory_space<vmem>>, %arg14: memref<80xi32, #tpu.memory_space<vmem>>, %arg15: memref<80xi32, #tpu.memory_space<vmem>>, %arg16: memref<80xi32, #tpu.memory_space<vmem>>, %arg17: memref<80xi32, #tpu.memory_space<vmem>>, %arg18: memref<80xi32, #tpu.memory_space<vmem>>, %arg19: memref<80xi32, #tpu.memory_space<vmem>>, %arg20: memref<80xi32, #tpu.memory_space<vmem>>, %arg21: memref<80xi32, #tpu.memory_space<vmem>>, %arg22: memref<!tpu.dma_semaphore, #tpu.memory_space<semaphore_mem>>, %arg23: memref<!tpu.dma_semaphore, #tpu.memory_space<semaphore_mem>>, %arg24: memref<!tpu.dma_semaphore, #tpu.memory_space<semaphore_mem>>, %arg25: memref<!tpu.dma_semaphore, #tpu.memory_space<semaphore_mem>>, %arg26: memref<!tpu.dma_semaphore, #tpu.memory_space<semaphore_mem>>, %arg27: memref<!tpu.dma_semaphore, #tpu.memory_space<semaphore_mem>>, %arg28: memref<!tpu.dma_semaphore, #tpu.memory_space<semaphore_mem>>, %arg29: memref<!tpu.dma_semaphore, #tpu.memory_space<semaphore_mem>>, %arg30: memref<!tpu.dma_semaphore, #tpu.memory_space<semaphore_mem>>, %arg31: memref<10240x128xf32, #tpu.memory_space<vmem_shared>>, %arg32: memref<80xf32, #tpu.memory_space<vmem>>, %arg33: memref<640xf32, #tpu.memory_space<vmem>>, %arg34: memref<10240xf32, #tpu.memory_space<vmem_shared>>) attributes {dimension_semantics = [#tpu.dimension_semantics<core_parallel>, #tpu.dimension_semantics<subcore_parallel>], iteration_bounds = array<i64: 2, 16>, scalar_prefetch = 0 : i64, scratch_operands = 25 : i64, tpu.core_type = #tpu.core_type<sc_vector_subcore>, window_params = [{transform_indices = #map}, {transform_indices = #map1}, {transform_indices = #map1}, {transform_indices = #map}, {transform_indices = #map1}, {transform_indices = #map1}, {transform_indices = #map2}, {transform_indices = #map}]} {
    %mul3A = arith.constant 2 : i32
    %mul3A_0 = arith.muli %arg1, %mul3A : i32
    %add3A = arith.addi %mul3A_0, %arg0 : i32
    %mul3A_1 = arith.constant 640 : i32
    %mul3A_2 = arith.muli %arg1, %mul3A_1 : i32
    %multiple_of3A = tpu.assume_multiple %mul3A_2, 8 : i32
    "tpu.region"() ({
      %run_scoped3A = tpu.sem_alloc : memref<!tpu.dma_semaphore, #tpu.memory_space<semaphore_mem>>
      tpu.enqueue_dma source(%arg5 : memref<80x128xf32, #tpu.memory_space<hbm>>) target(%arg10 : memref<80x128xf32, #tpu.memory_space<vmem>>) target_semaphore(%run_scoped3A : memref<!tpu.dma_semaphore, #tpu.memory_space<semaphore_mem>>)
      tpu.wait_dma2 semaphore(%run_scoped3A : memref<!tpu.dma_semaphore, #tpu.memory_space<semaphore_mem>>) src(%arg5 : memref<80x128xf32, #tpu.memory_space<hbm>>) dst(%arg10 : memref<80x128xf32, #tpu.memory_space<vmem>>)
      tpu.yield
    }) : () -> ()
    %add3A_3 = arith.constant 0 : i32
    %add3A_4 = arith.addi %multiple_of3A, %add3A_3 : i32
    %dma_start3A = arith.constant 0 : i32
    %dma_start3A_5 = tpu.memref_slice %arg31[%add3A_4, %dma_start3A] : memref<10240x128xf32, #tpu.memory_space<vmem_shared>> -> memref<80x128xf32, #tpu.memory_space<vmem_shared>>
    %dma_start3A_6 = arith.constant 0 : i32
    %dma_start3A_7 = tpu.memref_slice %arg31[%add3A_4, %dma_start3A_6] : memref<10240x128xf32, #tpu.memory_space<vmem_shared>> -> memref<80x128xf32, #tpu.memory_space<vmem_shared>>
    tpu.enqueue_dma source(%arg10 : memref<80x128xf32, #tpu.memory_space<vmem>>) target(%dma_start3A_7 : memref<80x128xf32, #tpu.memory_space<vmem_shared>>) target_semaphore(%arg30 : memref<!tpu.dma_semaphore, #tpu.memory_space<semaphore_mem>>)
    %add3A_8 = arith.constant 80 : i32
    %add3A_9 = arith.addi %multiple_of3A, %add3A_8 : i32
    %dma_start3A_10 = arith.constant 0 : i32
    %dma_start3A_11 = tpu.memref_slice %arg31[%add3A_9, %dma_start3A_10] : memref<10240x128xf32, #tpu.memory_space<vmem_shared>> -> memref<80x128xf32, #tpu.memory_space<vmem_shared>>
    %dma_start3A_12 = arith.constant 0 : i32
    %dma_start3A_13 = tpu.memref_slice %arg31[%add3A_9, %dma_start3A_12] : memref<10240x128xf32, #tpu.memory_space<vmem_shared>> -> memref<80x128xf32, #tpu.memory_space<vmem_shared>>
    tpu.enqueue_dma source(%arg10 : memref<80x128xf32, #tpu.memory_space<vmem>>) target(%dma_start3A_13 : memref<80x128xf32, #tpu.memory_space<vmem_shared>>) target_semaphore(%arg30 : memref<!tpu.dma_semaphore, #tpu.memory_space<semaphore_mem>>)
    %add3A_14 = arith.constant 160 : i32
    %add3A_15 = arith.addi %multiple_of3A, %add3A_14 : i32
    %dma_start3A_16 = arith.constant 0 : i32
    %dma_start3A_17 = tpu.memref_slice %arg31[%add3A_15, %dma_start3A_16] : memref<10240x128xf32, #tpu.memory_space<vmem_shared>> -> memref<80x128xf32, #tpu.memory_space<vmem_shared>>
    %dma_start3A_18 = arith.constant 0 : i32
    %dma_start3A_19 = tpu.memref_slice %arg31[%add3A_15, %dma_start3A_18] : memref<10240x128xf32, #tpu.memory_space<vmem_shared>> -> memref<80x128xf32, #tpu.memory_space<vmem_shared>>
    tpu.enqueue_dma source(%arg10 : memref<80x128xf32, #tpu.memory_space<vmem>>) target(%dma_start3A_19 : memref<80x128xf32, #tpu.memory_space<vmem_shared>>) target_semaphore(%arg30 : memref<!tpu.dma_semaphore, #tpu.memory_space<semaphore_mem>>)
    %add3A_20 = arith.constant 240 : i32
    %add3A_21 = arith.addi %multiple_of3A, %add3A_20 : i32
    %dma_start3A_22 = arith.constant 0 : i32
    %dma_start3A_23 = tpu.memref_slice %arg31[%add3A_21, %dma_start3A_22] : memref<10240x128xf32, #tpu.memory_space<vmem_shared>> -> memref<80x128xf32, #tpu.memory_space<vmem_shared>>
    %dma_start3A_24 = arith.constant 0 : i32
    %dma_start3A_25 = tpu.memref_slice %arg31[%add3A_21, %dma_start3A_24] : memref<10240x128xf32, #tpu.memory_space<vmem_shared>> -> memref<80x128xf32, #tpu.memory_space<vmem_shared>>
    tpu.enqueue_dma source(%arg10 : memref<80x128xf32, #tpu.memory_space<vmem>>) target(%dma_start3A_25 : memref<80x128xf32, #tpu.memory_space<vmem_shared>>) target_semaphore(%arg30 : memref<!tpu.dma_semaphore, #tpu.memory_space<semaphore_mem>>)
    %add3A_26 = arith.constant 320 : i32
    %add3A_27 = arith.addi %multiple_of3A, %add3A_26 : i32
    %dma_start3A_28 = arith.constant 0 : i32
    %dma_start3A_29 = tpu.memref_slice %arg31[%add3A_27, %dma_start3A_28] : memref<10240x128xf32, #tpu.memory_space<vmem_shared>> -> memref<80x128xf32, #tpu.memory_space<vmem_shared>>
    %dma_start3A_30 = arith.constant 0 : i32
    %dma_start3A_31 = tpu.memref_slice %arg31[%add3A_27, %dma_start3A_30] : memref<10240x128xf32, #tpu.memory_space<vmem_shared>> -> memref<80x128xf32, #tpu.memory_space<vmem_shared>>
    tpu.enqueue_dma source(%arg10 : memref<80x128xf32, #tpu.memory_space<vmem>>) target(%dma_start3A_31 : memref<80x128xf32, #tpu.memory_space<vmem_shared>>) target_semaphore(%arg30 : memref<!tpu.dma_semaphore, #tpu.memory_space<semaphore_mem>>)
    %add3A_32 = arith.constant 400 : i32
    %add3A_33 = arith.addi %multiple_of3A, %add3A_32 : i32
    %dma_start3A_34 = arith.constant 0 : i32
    %dma_start3A_35 = tpu.memref_slice %arg31[%add3A_33, %dma_start3A_34] : memref<10240x128xf32, #tpu.memory_space<vmem_shared>> -> memref<80x128xf32, #tpu.memory_space<vmem_shared>>
    %dma_start3A_36 = arith.constant 0 : i32
    %dma_start3A_37 = tpu.memref_slice %arg31[%add3A_33, %dma_start3A_36] : memref<10240x128xf32, #tpu.memory_space<vmem_shared>> -> memref<80x128xf32, #tpu.memory_space<vmem_shared>>
    tpu.enqueue_dma source(%arg10 : memref<80x128xf32, #tpu.memory_space<vmem>>) target(%dma_start3A_37 : memref<80x128xf32, #tpu.memory_space<vmem_shared>>) target_semaphore(%arg30 : memref<!tpu.dma_semaphore, #tpu.memory_space<semaphore_mem>>)
    %add3A_38 = arith.constant 480 : i32
    %add3A_39 = arith.addi %multiple_of3A, %add3A_38 : i32
    %dma_start3A_40 = arith.constant 0 : i32
    %dma_start3A_41 = tpu.memref_slice %arg31[%add3A_39, %dma_start3A_40] : memref<10240x128xf32, #tpu.memory_space<vmem_shared>> -> memref<80x128xf32, #tpu.memory_space<vmem_shared>>
    %dma_start3A_42 = arith.constant 0 : i32
    %dma_start3A_43 = tpu.memref_slice %arg31[%add3A_39, %dma_start3A_42] : memref<10240x128xf32, #tpu.memory_space<vmem_shared>> -> memref<80x128xf32, #tpu.memory_space<vmem_shared>>
    tpu.enqueue_dma source(%arg10 : memref<80x128xf32, #tpu.memory_space<vmem>>) target(%dma_start3A_43 : memref<80x128xf32, #tpu.memory_space<vmem_shared>>) target_semaphore(%arg30 : memref<!tpu.dma_semaphore, #tpu.memory_space<semaphore_mem>>)
    %add3A_44 = arith.constant 560 : i32
    %add3A_45 = arith.addi %multiple_of3A, %add3A_44 : i32
    %dma_start3A_46 = arith.constant 0 : i32
    %dma_start3A_47 = tpu.memref_slice %arg31[%add3A_45, %dma_start3A_46] : memref<10240x128xf32, #tpu.memory_space<vmem_shared>> -> memref<80x128xf32, #tpu.memory_space<vmem_shared>>
    %dma_start3A_48 = arith.constant 0 : i32
    %dma_start3A_49 = tpu.memref_slice %arg31[%add3A_45, %dma_start3A_48] : memref<10240x128xf32, #tpu.memory_space<vmem_shared>> -> memref<80x128xf32, #tpu.memory_space<vmem_shared>>
    tpu.enqueue_dma source(%arg10 : memref<80x128xf32, #tpu.memory_space<vmem>>) target(%dma_start3A_49 : memref<80x128xf32, #tpu.memory_space<vmem_shared>>) target_semaphore(%arg30 : memref<!tpu.dma_semaphore, #tpu.memory_space<semaphore_mem>>)
    "tpu.region"() ({
      %run_scoped3A = tpu.sem_alloc : memref<!tpu.dma_semaphore, #tpu.memory_space<semaphore_mem>>
      tpu.enqueue_dma source(%arg6 : memref<80xf32, #tpu.memory_space<hbm>>) target(%arg32 : memref<80xf32, #tpu.memory_space<vmem>>) target_semaphore(%run_scoped3A : memref<!tpu.dma_semaphore, #tpu.memory_space<semaphore_mem>>)
      tpu.wait_dma2 semaphore(%run_scoped3A : memref<!tpu.dma_semaphore, #tpu.memory_space<semaphore_mem>>) src(%arg6 : memref<80xf32, #tpu.memory_space<hbm>>) dst(%arg32 : memref<80xf32, #tpu.memory_space<vmem>>)
      tpu.yield
    }) : () -> ()
    "tpu.region"() ({
      %run_scoped3A = tpu.sem_alloc : memref<!tpu.dma_semaphore, #tpu.memory_space<semaphore_mem>>
      tpu.enqueue_dma source(%arg7 : memref<640xf32, #tpu.memory_space<hbm>>) target(%arg33 : memref<640xf32, #tpu.memory_space<vmem>>) target_semaphore(%run_scoped3A : memref<!tpu.dma_semaphore, #tpu.memory_space<semaphore_mem>>)
      tpu.wait_dma2 semaphore(%run_scoped3A : memref<!tpu.dma_semaphore, #tpu.memory_space<semaphore_mem>>) src(%arg7 : memref<640xf32, #tpu.memory_space<hbm>>) dst(%arg33 : memref<640xf32, #tpu.memory_space<vmem>>)
      tpu.yield
    }) : () -> ()
    %dma_start3A_50 = tpu.memref_slice %arg34[%multiple_of3A] : memref<10240xf32, #tpu.memory_space<vmem_shared>> -> memref<640xf32, #tpu.memory_space<vmem_shared>>
    %dma_start3A_51 = tpu.memref_slice %arg34[%multiple_of3A] : memref<10240xf32, #tpu.memory_space<vmem_shared>> -> memref<640xf32, #tpu.memory_space<vmem_shared>>
    tpu.enqueue_dma source(%arg33 : memref<640xf32, #tpu.memory_space<vmem>>) target(%dma_start3A_51 : memref<640xf32, #tpu.memory_space<vmem_shared>>) target_semaphore(%arg30 : memref<!tpu.dma_semaphore, #tpu.memory_space<semaphore_mem>>)
    %add3A_52 = arith.constant 0 : i32
    %add3A_53 = arith.addi %multiple_of3A, %add3A_52 : i32
    %dma_wait3A = arith.constant 0 : i32
    %dma_wait3A_54 = tpu.memref_slice %arg31[%add3A_53, %dma_wait3A] : memref<10240x128xf32, #tpu.memory_space<vmem_shared>> -> memref<80x128xf32, #tpu.memory_space<vmem_shared>>
    %dma_wait3A_55 = arith.constant 0 : i32
    %dma_wait3A_56 = tpu.memref_slice %arg31[%add3A_53, %dma_wait3A_55] : memref<10240x128xf32, #tpu.memory_space<vmem_shared>> -> memref<80x128xf32, #tpu.memory_space<vmem_shared>>
    tpu.wait_dma2 semaphore(%arg30 : memref<!tpu.dma_semaphore, #tpu.memory_space<semaphore_mem>>) src(%arg10 : memref<80x128xf32, #tpu.memory_space<vmem>>) dst(%dma_wait3A_56 : memref<80x128xf32, #tpu.memory_space<vmem_shared>>)
    %add3A_57 = arith.constant 80 : i32
    %add3A_58 = arith.addi %multiple_of3A, %add3A_57 : i32
    %dma_wait3A_59 = arith.constant 0 : i32
    %dma_wait3A_60 = tpu.memref_slice %arg31[%add3A_58, %dma_wait3A_59] : memref<10240x128xf32, #tpu.memory_space<vmem_shared>> -> memref<80x128xf32, #tpu.memory_space<vmem_shared>>
    %dma_wait3A_61 = arith.constant 0 : i32
    %dma_wait3A_62 = tpu.memref_slice %arg31[%add3A_58, %dma_wait3A_61] : memref<10240x128xf32, #tpu.memory_space<vmem_shared>> -> memref<80x128xf32, #tpu.memory_space<vmem_shared>>
    tpu.wait_dma2 semaphore(%arg30 : memref<!tpu.dma_semaphore, #tpu.memory_space<semaphore_mem>>) src(%arg10 : memref<80x128xf32, #tpu.memory_space<vmem>>) dst(%dma_wait3A_62 : memref<80x128xf32, #tpu.memory_space<vmem_shared>>)
    %add3A_63 = arith.constant 160 : i32
    %add3A_64 = arith.addi %multiple_of3A, %add3A_63 : i32
    %dma_wait3A_65 = arith.constant 0 : i32
    %dma_wait3A_66 = tpu.memref_slice %arg31[%add3A_64, %dma_wait3A_65] : memref<10240x128xf32, #tpu.memory_space<vmem_shared>> -> memref<80x128xf32, #tpu.memory_space<vmem_shared>>
    %dma_wait3A_67 = arith.constant 0 : i32
    %dma_wait3A_68 = tpu.memref_slice %arg31[%add3A_64, %dma_wait3A_67] : memref<10240x128xf32, #tpu.memory_space<vmem_shared>> -> memref<80x128xf32, #tpu.memory_space<vmem_shared>>
    tpu.wait_dma2 semaphore(%arg30 : memref<!tpu.dma_semaphore, #tpu.memory_space<semaphore_mem>>) src(%arg10 : memref<80x128xf32, #tpu.memory_space<vmem>>) dst(%dma_wait3A_68 : memref<80x128xf32, #tpu.memory_space<vmem_shared>>)
    %add3A_69 = arith.constant 240 : i32
    %add3A_70 = arith.addi %multiple_of3A, %add3A_69 : i32
    %dma_wait3A_71 = arith.constant 0 : i32
    %dma_wait3A_72 = tpu.memref_slice %arg31[%add3A_70, %dma_wait3A_71] : memref<10240x128xf32, #tpu.memory_space<vmem_shared>> -> memref<80x128xf32, #tpu.memory_space<vmem_shared>>
    %dma_wait3A_73 = arith.constant 0 : i32
    %dma_wait3A_74 = tpu.memref_slice %arg31[%add3A_70, %dma_wait3A_73] : memref<10240x128xf32, #tpu.memory_space<vmem_shared>> -> memref<80x128xf32, #tpu.memory_space<vmem_shared>>
    tpu.wait_dma2 semaphore(%arg30 : memref<!tpu.dma_semaphore, #tpu.memory_space<semaphore_mem>>) src(%arg10 : memref<80x128xf32, #tpu.memory_space<vmem>>) dst(%dma_wait3A_74 : memref<80x128xf32, #tpu.memory_space<vmem_shared>>)
    %add3A_75 = arith.constant 320 : i32
    %add3A_76 = arith.addi %multiple_of3A, %add3A_75 : i32
    %dma_wait3A_77 = arith.constant 0 : i32
    %dma_wait3A_78 = tpu.memref_slice %arg31[%add3A_76, %dma_wait3A_77] : memref<10240x128xf32, #tpu.memory_space<vmem_shared>> -> memref<80x128xf32, #tpu.memory_space<vmem_shared>>
    %dma_wait3A_79 = arith.constant 0 : i32
    %dma_wait3A_80 = tpu.memref_slice %arg31[%add3A_76, %dma_wait3A_79] : memref<10240x128xf32, #tpu.memory_space<vmem_shared>> -> memref<80x128xf32, #tpu.memory_space<vmem_shared>>
    tpu.wait_dma2 semaphore(%arg30 : memref<!tpu.dma_semaphore, #tpu.memory_space<semaphore_mem>>) src(%arg10 : memref<80x128xf32, #tpu.memory_space<vmem>>) dst(%dma_wait3A_80 : memref<80x128xf32, #tpu.memory_space<vmem_shared>>)
    %add3A_81 = arith.constant 400 : i32
    %add3A_82 = arith.addi %multiple_of3A, %add3A_81 : i32
    %dma_wait3A_83 = arith.constant 0 : i32
    %dma_wait3A_84 = tpu.memref_slice %arg31[%add3A_82, %dma_wait3A_83] : memref<10240x128xf32, #tpu.memory_space<vmem_shared>> -> memref<80x128xf32, #tpu.memory_space<vmem_shared>>
    %dma_wait3A_85 = arith.constant 0 : i32
    %dma_wait3A_86 = tpu.memref_slice %arg31[%add3A_82, %dma_wait3A_85] : memref<10240x128xf32, #tpu.memory_space<vmem_shared>> -> memref<80x128xf32, #tpu.memory_space<vmem_shared>>
    tpu.wait_dma2 semaphore(%arg30 : memref<!tpu.dma_semaphore, #tpu.memory_space<semaphore_mem>>) src(%arg10 : memref<80x128xf32, #tpu.memory_space<vmem>>) dst(%dma_wait3A_86 : memref<80x128xf32, #tpu.memory_space<vmem_shared>>)
    %add3A_87 = arith.constant 480 : i32
    %add3A_88 = arith.addi %multiple_of3A, %add3A_87 : i32
    %dma_wait3A_89 = arith.constant 0 : i32
    %dma_wait3A_90 = tpu.memref_slice %arg31[%add3A_88, %dma_wait3A_89] : memref<10240x128xf32, #tpu.memory_space<vmem_shared>> -> memref<80x128xf32, #tpu.memory_space<vmem_shared>>
    %dma_wait3A_91 = arith.constant 0 : i32
    %dma_wait3A_92 = tpu.memref_slice %arg31[%add3A_88, %dma_wait3A_91] : memref<10240x128xf32, #tpu.memory_space<vmem_shared>> -> memref<80x128xf32, #tpu.memory_space<vmem_shared>>
    tpu.wait_dma2 semaphore(%arg30 : memref<!tpu.dma_semaphore, #tpu.memory_space<semaphore_mem>>) src(%arg10 : memref<80x128xf32, #tpu.memory_space<vmem>>) dst(%dma_wait3A_92 : memref<80x128xf32, #tpu.memory_space<vmem_shared>>)
    %add3A_93 = arith.constant 560 : i32
    %add3A_94 = arith.addi %multiple_of3A, %add3A_93 : i32
    %dma_wait3A_95 = arith.constant 0 : i32
    %dma_wait3A_96 = tpu.memref_slice %arg31[%add3A_94, %dma_wait3A_95] : memref<10240x128xf32, #tpu.memory_space<vmem_shared>> -> memref<80x128xf32, #tpu.memory_space<vmem_shared>>
    %dma_wait3A_97 = arith.constant 0 : i32
    %dma_wait3A_98 = tpu.memref_slice %arg31[%add3A_94, %dma_wait3A_97] : memref<10240x128xf32, #tpu.memory_space<vmem_shared>> -> memref<80x128xf32, #tpu.memory_space<vmem_shared>>
    tpu.wait_dma2 semaphore(%arg30 : memref<!tpu.dma_semaphore, #tpu.memory_space<semaphore_mem>>) src(%arg10 : memref<80x128xf32, #tpu.memory_space<vmem>>) dst(%dma_wait3A_98 : memref<80x128xf32, #tpu.memory_space<vmem_shared>>)
    %dma_wait3A_99 = tpu.memref_slice %arg34[%multiple_of3A] : memref<10240xf32, #tpu.memory_space<vmem_shared>> -> memref<640xf32, #tpu.memory_space<vmem_shared>>
    %dma_wait3A_100 = tpu.memref_slice %arg34[%multiple_of3A] : memref<10240xf32, #tpu.memory_space<vmem_shared>> -> memref<640xf32, #tpu.memory_space<vmem_shared>>
    tpu.wait_dma2 semaphore(%arg30 : memref<!tpu.dma_semaphore, #tpu.memory_space<semaphore_mem>>) src(%arg33 : memref<640xf32, #tpu.memory_space<vmem>>) dst(%dma_wait3A_100 : memref<640xf32, #tpu.memory_space<vmem_shared>>)
    %barrier3A = arith.constant 0 : index
    tpu.barrier barrier_id(%barrier3A)
    %mul3A_101 = arith.constant 10000 : i32
    %mul3A_102 = arith.muli %add3A, %mul3A_101 : i32
    "tpu.region"() ({
      %run_scoped3A = tpu.sem_alloc : memref<!tpu.dma_semaphore, #tpu.memory_space<semaphore_mem>>
      %dma_start3A_451 = tpu.memref_slice %arg3[%mul3A_102] : memref<320000xi32, #tpu.memory_space<hbm>> -> memref<80xi32, #tpu.memory_space<hbm>>
      %dma_start3A_452 = tpu.memref_slice %arg3[%mul3A_102] : memref<320000xi32, #tpu.memory_space<hbm>> -> memref<80xi32, #tpu.memory_space<hbm>>
      tpu.enqueue_dma source(%dma_start3A_452 : memref<80xi32, #tpu.memory_space<hbm>>) target(%arg14 : memref<80xi32, #tpu.memory_space<vmem>>) target_semaphore(%run_scoped3A : memref<!tpu.dma_semaphore, #tpu.memory_space<semaphore_mem>>)
      %dma_wait3A_453 = tpu.memref_slice %arg3[%mul3A_102] : memref<320000xi32, #tpu.memory_space<hbm>> -> memref<80xi32, #tpu.memory_space<hbm>>
      %dma_wait3A_454 = tpu.memref_slice %arg3[%mul3A_102] : memref<320000xi32, #tpu.memory_space<hbm>> -> memref<80xi32, #tpu.memory_space<hbm>>
      tpu.wait_dma2 semaphore(%run_scoped3A : memref<!tpu.dma_semaphore, #tpu.memory_space<semaphore_mem>>) src(%dma_wait3A_454 : memref<80xi32, #tpu.memory_space<hbm>>) dst(%arg14 : memref<80xi32, #tpu.memory_space<vmem>>)
      tpu.yield
    }) : () -> ()
    %add3A_103 = arith.constant 80 : i32
    %add3A_104 = arith.addi %mul3A_102, %add3A_103 : i32
    "tpu.region"() ({
      %run_scoped3A = tpu.sem_alloc : memref<!tpu.dma_semaphore, #tpu.memory_space<semaphore_mem>>
      %dma_start3A_451 = tpu.memref_slice %arg3[%add3A_104] : memref<320000xi32, #tpu.memory_space<hbm>> -> memref<80xi32, #tpu.memory_space<hbm>>
      %dma_start3A_452 = tpu.memref_slice %arg3[%add3A_104] : memref<320000xi32, #tpu.memory_space<hbm>> -> memref<80xi32, #tpu.memory_space<hbm>>
      tpu.enqueue_dma source(%dma_start3A_452 : memref<80xi32, #tpu.memory_space<hbm>>) target(%arg15 : memref<80xi32, #tpu.memory_space<vmem>>) target_semaphore(%run_scoped3A : memref<!tpu.dma_semaphore, #tpu.memory_space<semaphore_mem>>)
      %dma_wait3A_453 = tpu.memref_slice %arg3[%add3A_104] : memref<320000xi32, #tpu.memory_space<hbm>> -> memref<80xi32, #tpu.memory_space<hbm>>
      %dma_wait3A_454 = tpu.memref_slice %arg3[%add3A_104] : memref<320000xi32, #tpu.memory_space<hbm>> -> memref<80xi32, #tpu.memory_space<hbm>>
      tpu.wait_dma2 semaphore(%run_scoped3A : memref<!tpu.dma_semaphore, #tpu.memory_space<semaphore_mem>>) src(%dma_wait3A_454 : memref<80xi32, #tpu.memory_space<hbm>>) dst(%arg15 : memref<80xi32, #tpu.memory_space<vmem>>)
      tpu.yield
    }) : () -> ()
    %dma_start3A_105 = tpu.memref_slice %arg4[%mul3A_102] : memref<320000xi32, #tpu.memory_space<hbm>> -> memref<80xi32, #tpu.memory_space<hbm>>
    %dma_start3A_106 = tpu.memref_slice %arg4[%mul3A_102] : memref<320000xi32, #tpu.memory_space<hbm>> -> memref<80xi32, #tpu.memory_space<hbm>>
    tpu.enqueue_dma source(%dma_start3A_106 : memref<80xi32, #tpu.memory_space<hbm>>) target(%arg18 : memref<80xi32, #tpu.memory_space<vmem>>) target_semaphore(%arg26 : memref<!tpu.dma_semaphore, #tpu.memory_space<semaphore_mem>>)
    %add3A_107 = arith.constant 80 : i32
    %add3A_108 = arith.addi %mul3A_102, %add3A_107 : i32
    %dma_start3A_109 = tpu.memref_slice %arg4[%add3A_108] : memref<320000xi32, #tpu.memory_space<hbm>> -> memref<80xi32, #tpu.memory_space<hbm>>
    %dma_start3A_110 = tpu.memref_slice %arg4[%add3A_108] : memref<320000xi32, #tpu.memory_space<hbm>> -> memref<80xi32, #tpu.memory_space<hbm>>
    tpu.enqueue_dma source(%dma_start3A_110 : memref<80xi32, #tpu.memory_space<hbm>>) target(%arg19 : memref<80xi32, #tpu.memory_space<vmem>>) target_semaphore(%arg27 : memref<!tpu.dma_semaphore, #tpu.memory_space<semaphore_mem>>)
    %dma_start3A_111 = arith.constant 0 : i32
    %dma_start3A_112 = arith.constant 0 : i32
    %dma_start3A_113 = tpu.memref_slice %arg2[%dma_start3A_111, %dma_start3A_112] : memref<10240x128xf32, #tpu.memory_space<hbm>> -> memref<10240x128xf32, #tpu.memory_space<hbm>>
    tpu.enqueue_indirect_dma source(%dma_start3A_113 : memref<10240x128xf32, #tpu.memory_space<hbm>>) target(%arg10 : memref<80x128xf32, #tpu.memory_space<vmem>>) offsets(%arg14 : memref<80xi32, #tpu.memory_space<vmem>>) semaphore(%arg22 : memref<!tpu.dma_semaphore, #tpu.memory_space<semaphore_mem>>)
    %dma_start3A_114 = arith.constant 0 : i32
    %dma_start3A_115 = arith.constant 0 : i32
    %dma_start3A_116 = tpu.memref_slice %arg2[%dma_start3A_114, %dma_start3A_115] : memref<10240x128xf32, #tpu.memory_space<hbm>> -> memref<10240x128xf32, #tpu.memory_space<hbm>>
    tpu.enqueue_indirect_dma source(%dma_start3A_116 : memref<10240x128xf32, #tpu.memory_space<hbm>>) target(%arg11 : memref<80x128xf32, #tpu.memory_space<vmem>>) offsets(%arg15 : memref<80xi32, #tpu.memory_space<vmem>>) semaphore(%arg23 : memref<!tpu.dma_semaphore, #tpu.memory_space<semaphore_mem>>)
    %add3A_117 = arith.constant 160 : i32
    %add3A_118 = arith.addi %mul3A_102, %add3A_117 : i32
    %dma_start3A_119 = tpu.memref_slice %arg3[%add3A_118] : memref<320000xi32, #tpu.memory_space<hbm>> -> memref<80xi32, #tpu.memory_space<hbm>>
    %dma_start3A_120 = tpu.memref_slice %arg3[%add3A_118] : memref<320000xi32, #tpu.memory_space<hbm>> -> memref<80xi32, #tpu.memory_space<hbm>>
    tpu.enqueue_dma source(%dma_start3A_120 : memref<80xi32, #tpu.memory_space<hbm>>) target(%arg16 : memref<80xi32, #tpu.memory_space<vmem>>) target_semaphore(%arg30 : memref<!tpu.dma_semaphore, #tpu.memory_space<semaphore_mem>>)
    %add3A_121 = arith.constant 240 : i32
    %add3A_122 = arith.addi %mul3A_102, %add3A_121 : i32
    %dma_start3A_123 = tpu.memref_slice %arg3[%add3A_122] : memref<320000xi32, #tpu.memory_space<hbm>> -> memref<80xi32, #tpu.memory_space<hbm>>
    %dma_start3A_124 = tpu.memref_slice %arg3[%add3A_122] : memref<320000xi32, #tpu.memory_space<hbm>> -> memref<80xi32, #tpu.memory_space<hbm>>
    tpu.enqueue_dma source(%dma_start3A_124 : memref<80xi32, #tpu.memory_space<hbm>>) target(%arg17 : memref<80xi32, #tpu.memory_space<vmem>>) target_semaphore(%arg30 : memref<!tpu.dma_semaphore, #tpu.memory_space<semaphore_mem>>)
    %scan3A = arith.constant 0 : i32
    %scan3A_125 = arith.constant 0 : i32
    %scan3A_126 = arith.constant 31 : i32
    %scan3A_127 = arith.addi %scan3A_125, %scan3A_126 : i32
    %scan3A_128 = arith.constant 1 : i32
    %scan3A_129 = scf.for %scan3A_451 = %scan3A_125 to %scan3A_127 step %scan3A_128 iter_args(%scan3A_452 = %scan3A) -> (i32)  : i32 {
      %mul3A_453 = arith.constant 4 : i32
      %mul3A_454 = arith.muli %mul3A_453, %scan3A_451 : i32
      %add3A_455 = arith.constant 0 : i32
      %add3A_456 = arith.addi %mul3A_454, %add3A_455 : i32
      %mul3A_457 = arith.constant 80 : i32
      %mul3A_458 = arith.muli %add3A_456, %mul3A_457 : i32
      %add3A_459 = arith.addi %mul3A_102, %mul3A_458 : i32
      %add3A_460 = arith.constant 160 : i32
      %add3A_461 = arith.addi %add3A_459, %add3A_460 : i32
      %add3A_462 = arith.constant 320 : i32
      %add3A_463 = arith.addi %add3A_459, %add3A_462 : i32
      %gt3A = arith.constant 0 : i32
      %gt3A_464 = arith.cmpi sgt, %scan3A_451, %gt3A : i32
      %convert_element_type3A = arith.extui %gt3A_464 : i1 to i32
      %cond3A = arith.constant 0 : i32
      %cond3A_465 = arith.cmpi ne, %convert_element_type3A, %cond3A : i32
      scf.if %cond3A_465 {
        %dma_wait3A_597 = arith.constant 0 : i32
        %dma_wait3A_598 = arith.constant 0 : i32
        %dma_wait3A_599 = tpu.memref_slice %arg31[%dma_wait3A_597, %dma_wait3A_598] : memref<10240x128xf32, #tpu.memory_space<vmem_shared>> -> memref<10240x128xf32, #tpu.memory_space<vmem_shared>>
        tpu.wait_indirect_dma semaphore(%arg28 : memref<!tpu.dma_semaphore, #tpu.memory_space<semaphore_mem>>) src(%arg12 : memref<80x128xf32, #tpu.memory_space<vmem>>) dst(%dma_wait3A_599 : memref<10240x128xf32, #tpu.memory_space<vmem_shared>>)
        %dma_wait3A_600 = arith.constant 0 : i32
        %dma_wait3A_601 = tpu.memref_slice %arg34[%dma_wait3A_600] : memref<10240xf32, #tpu.memory_space<vmem_shared>> -> memref<10240xf32, #tpu.memory_space<vmem_shared>>
        tpu.wait_indirect_dma semaphore(%arg28 : memref<!tpu.dma_semaphore, #tpu.memory_space<semaphore_mem>>) src(%arg32 : memref<80xf32, #tpu.memory_space<vmem>>) dst(%dma_wait3A_601 : memref<10240xf32, #tpu.memory_space<vmem_shared>>)
      } else {
      }
      %dma_start3A_466 = tpu.memref_slice %arg4[%add3A_461] : memref<320000xi32, #tpu.memory_space<hbm>> -> memref<80xi32, #tpu.memory_space<hbm>>
      %dma_start3A_467 = tpu.memref_slice %arg4[%add3A_461] : memref<320000xi32, #tpu.memory_space<hbm>> -> memref<80xi32, #tpu.memory_space<hbm>>
      tpu.enqueue_dma source(%dma_start3A_467 : memref<80xi32, #tpu.memory_space<hbm>>) target(%arg20 : memref<80xi32, #tpu.memory_space<vmem>>) target_semaphore(%arg28 : memref<!tpu.dma_semaphore, #tpu.memory_space<semaphore_mem>>)
      %dma_wait3A_468 = tpu.memref_slice %arg3[%add3A_461] : memref<320000xi32, #tpu.memory_space<hbm>> -> memref<80xi32, #tpu.memory_space<hbm>>
      %dma_wait3A_469 = tpu.memref_slice %arg3[%add3A_461] : memref<320000xi32, #tpu.memory_space<hbm>> -> memref<80xi32, #tpu.memory_space<hbm>>
      tpu.wait_dma2 semaphore(%arg30 : memref<!tpu.dma_semaphore, #tpu.memory_space<semaphore_mem>>) src(%dma_wait3A_469 : memref<80xi32, #tpu.memory_space<hbm>>) dst(%arg16 : memref<80xi32, #tpu.memory_space<vmem>>)
      %dma_start3A_470 = arith.constant 0 : i32
      %dma_start3A_471 = arith.constant 0 : i32
      %dma_start3A_472 = tpu.memref_slice %arg2[%dma_start3A_470, %dma_start3A_471] : memref<10240x128xf32, #tpu.memory_space<hbm>> -> memref<10240x128xf32, #tpu.memory_space<hbm>>
      tpu.enqueue_indirect_dma source(%dma_start3A_472 : memref<10240x128xf32, #tpu.memory_space<hbm>>) target(%arg12 : memref<80x128xf32, #tpu.memory_space<vmem>>) offsets(%arg16 : memref<80xi32, #tpu.memory_space<vmem>>) semaphore(%arg24 : memref<!tpu.dma_semaphore, #tpu.memory_space<semaphore_mem>>)
      %dma_wait3A_473 = arith.constant 0 : i32
      %dma_wait3A_474 = arith.constant 0 : i32
      %dma_wait3A_475 = tpu.memref_slice %arg2[%dma_wait3A_473, %dma_wait3A_474] : memref<10240x128xf32, #tpu.memory_space<hbm>> -> memref<10240x128xf32, #tpu.memory_space<hbm>>
      tpu.wait_indirect_dma semaphore(%arg22 : memref<!tpu.dma_semaphore, #tpu.memory_space<semaphore_mem>>) src(%dma_wait3A_475 : memref<10240x128xf32, #tpu.memory_space<hbm>>) dst(%arg10 : memref<80x128xf32, #tpu.memory_space<vmem>>)
      %dma_start3A_476 = tpu.memref_slice %arg3[%add3A_463] : memref<320000xi32, #tpu.memory_space<hbm>> -> memref<80xi32, #tpu.memory_space<hbm>>
      %dma_start3A_477 = tpu.memref_slice %arg3[%add3A_463] : memref<320000xi32, #tpu.memory_space<hbm>> -> memref<80xi32, #tpu.memory_space<hbm>>
      tpu.enqueue_dma source(%dma_start3A_477 : memref<80xi32, #tpu.memory_space<hbm>>) target(%arg14 : memref<80xi32, #tpu.memory_space<vmem>>) target_semaphore(%arg30 : memref<!tpu.dma_semaphore, #tpu.memory_space<semaphore_mem>>)
      %dma_wait3A_478 = tpu.memref_slice %arg4[%add3A_459] : memref<320000xi32, #tpu.memory_space<hbm>> -> memref<80xi32, #tpu.memory_space<hbm>>
      %dma_wait3A_479 = tpu.memref_slice %arg4[%add3A_459] : memref<320000xi32, #tpu.memory_space<hbm>> -> memref<80xi32, #tpu.memory_space<hbm>>
      tpu.wait_dma2 semaphore(%arg26 : memref<!tpu.dma_semaphore, #tpu.memory_space<semaphore_mem>>) src(%dma_wait3A_479 : memref<80xi32, #tpu.memory_space<hbm>>) dst(%arg18 : memref<80xi32, #tpu.memory_space<vmem>>)
      %dma_start3A_480 = arith.constant 0 : i32
      %dma_start3A_481 = arith.constant 0 : i32
      %dma_start3A_482 = tpu.memref_slice %arg31[%dma_start3A_480, %dma_start3A_481] : memref<10240x128xf32, #tpu.memory_space<vmem_shared>> -> memref<10240x128xf32, #tpu.memory_space<vmem_shared>>
      tpu.enqueue_indirect_dma source(%arg10 : memref<80x128xf32, #tpu.memory_space<vmem>>) target(%dma_start3A_482 : memref<10240x128xf32, #tpu.memory_space<vmem_shared>>) offsets(%arg18 : memref<80xi32, #tpu.memory_space<vmem>>) semaphore(%arg26 : memref<!tpu.dma_semaphore, #tpu.memory_space<semaphore_mem>>) {add = true}
      %dma_start3A_483 = arith.constant 0 : i32
      %dma_start3A_484 = tpu.memref_slice %arg34[%dma_start3A_483] : memref<10240xf32, #tpu.memory_space<vmem_shared>> -> memref<10240xf32, #tpu.memory_space<vmem_shared>>
      tpu.enqueue_indirect_dma source(%arg32 : memref<80xf32, #tpu.memory_space<vmem>>) target(%dma_start3A_484 : memref<10240xf32, #tpu.memory_space<vmem_shared>>) offsets(%arg18 : memref<80xi32, #tpu.memory_space<vmem>>) semaphore(%arg26 : memref<!tpu.dma_semaphore, #tpu.memory_space<semaphore_mem>>) {add = true}
      %mul3A_485 = arith.constant 4 : i32
      %mul3A_486 = arith.muli %mul3A_485, %scan3A_451 : i32
      %add3A_487 = arith.constant 1 : i32
      %add3A_488 = arith.addi %mul3A_486, %add3A_487 : i32
      %mul3A_489 = arith.constant 80 : i32
      %mul3A_490 = arith.muli %add3A_488, %mul3A_489 : i32
      %add3A_491 = arith.addi %mul3A_102, %mul3A_490 : i32
      %add3A_492 = arith.constant 160 : i32
      %add3A_493 = arith.addi %add3A_491, %add3A_492 : i32
      %add3A_494 = arith.constant 320 : i32
      %add3A_495 = arith.addi %add3A_491, %add3A_494 : i32
      %gt3A_496 = arith.constant 0 : i32
      %gt3A_497 = arith.cmpi sgt, %scan3A_451, %gt3A_496 : i32
      %convert_element_type3A_498 = arith.extui %gt3A_497 : i1 to i32
      %cond3A_499 = arith.constant 0 : i32
      %cond3A_500 = arith.cmpi ne, %convert_element_type3A_498, %cond3A_499 : i32
      scf.if %cond3A_500 {
        %dma_wait3A_597 = arith.constant 0 : i32
        %dma_wait3A_598 = arith.constant 0 : i32
        %dma_wait3A_599 = tpu.memref_slice %arg31[%dma_wait3A_597, %dma_wait3A_598] : memref<10240x128xf32, #tpu.memory_space<vmem_shared>> -> memref<10240x128xf32, #tpu.memory_space<vmem_shared>>
        tpu.wait_indirect_dma semaphore(%arg29 : memref<!tpu.dma_semaphore, #tpu.memory_space<semaphore_mem>>) src(%arg13 : memref<80x128xf32, #tpu.memory_space<vmem>>) dst(%dma_wait3A_599 : memref<10240x128xf32, #tpu.memory_space<vmem_shared>>)
        %dma_wait3A_600 = arith.constant 0 : i32
        %dma_wait3A_601 = tpu.memref_slice %arg34[%dma_wait3A_600] : memref<10240xf32, #tpu.memory_space<vmem_shared>> -> memref<10240xf32, #tpu.memory_space<vmem_shared>>
        tpu.wait_indirect_dma semaphore(%arg29 : memref<!tpu.dma_semaphore, #tpu.memory_space<semaphore_mem>>) src(%arg32 : memref<80xf32, #tpu.memory_space<vmem>>) dst(%dma_wait3A_601 : memref<10240xf32, #tpu.memory_space<vmem_shared>>)
      } else {
      }
      %dma_start3A_501 = tpu.memref_slice %arg4[%add3A_493] : memref<320000xi32, #tpu.memory_space<hbm>> -> memref<80xi32, #tpu.memory_space<hbm>>
      %dma_start3A_502 = tpu.memref_slice %arg4[%add3A_493] : memref<320000xi32, #tpu.memory_space<hbm>> -> memref<80xi32, #tpu.memory_space<hbm>>
      tpu.enqueue_dma source(%dma_start3A_502 : memref<80xi32, #tpu.memory_space<hbm>>) target(%arg21 : memref<80xi32, #tpu.memory_space<vmem>>) target_semaphore(%arg29 : memref<!tpu.dma_semaphore, #tpu.memory_space<semaphore_mem>>)
      %dma_wait3A_503 = tpu.memref_slice %arg3[%add3A_493] : memref<320000xi32, #tpu.memory_space<hbm>> -> memref<80xi32, #tpu.memory_space<hbm>>
      %dma_wait3A_504 = tpu.memref_slice %arg3[%add3A_493] : memref<320000xi32, #tpu.memory_space<hbm>> -> memref<80xi32, #tpu.memory_space<hbm>>
      tpu.wait_dma2 semaphore(%arg30 : memref<!tpu.dma_semaphore, #tpu.memory_space<semaphore_mem>>) src(%dma_wait3A_504 : memref<80xi32, #tpu.memory_space<hbm>>) dst(%arg17 : memref<80xi32, #tpu.memory_space<vmem>>)
      %dma_start3A_505 = arith.constant 0 : i32
      %dma_start3A_506 = arith.constant 0 : i32
      %dma_start3A_507 = tpu.memref_slice %arg2[%dma_start3A_505, %dma_start3A_506] : memref<10240x128xf32, #tpu.memory_space<hbm>> -> memref<10240x128xf32, #tpu.memory_space<hbm>>
      tpu.enqueue_indirect_dma source(%dma_start3A_507 : memref<10240x128xf32, #tpu.memory_space<hbm>>) target(%arg13 : memref<80x128xf32, #tpu.memory_space<vmem>>) offsets(%arg17 : memref<80xi32, #tpu.memory_space<vmem>>) semaphore(%arg25 : memref<!tpu.dma_semaphore, #tpu.memory_space<semaphore_mem>>)
      %dma_wait3A_508 = arith.constant 0 : i32
      %dma_wait3A_509 = arith.constant 0 : i32
      %dma_wait3A_510 = tpu.memref_slice %arg2[%dma_wait3A_508, %dma_wait3A_509] : memref<10240x128xf32, #tpu.memory_space<hbm>> -> memref<10240x128xf32, #tpu.memory_space<hbm>>
      tpu.wait_indirect_dma semaphore(%arg23 : memref<!tpu.dma_semaphore, #tpu.memory_space<semaphore_mem>>) src(%dma_wait3A_510 : memref<10240x128xf32, #tpu.memory_space<hbm>>) dst(%arg11 : memref<80x128xf32, #tpu.memory_space<vmem>>)
      %lt3A = arith.constant 30 : i32
      %lt3A_511 = arith.cmpi slt, %scan3A_451, %lt3A : i32
      %convert_element_type3A_512 = arith.extui %lt3A_511 : i1 to i32
      %cond3A_513 = arith.constant 0 : i32
      %cond3A_514 = arith.cmpi ne, %convert_element_type3A_512, %cond3A_513 : i32
      scf.if %cond3A_514 {
        %dma_start3A_597 = tpu.memref_slice %arg3[%add3A_495] : memref<320000xi32, #tpu.memory_space<hbm>> -> memref<80xi32, #tpu.memory_space<hbm>>
        %dma_start3A_598 = tpu.memref_slice %arg3[%add3A_495] : memref<320000xi32, #tpu.memory_space<hbm>> -> memref<80xi32, #tpu.memory_space<hbm>>
        tpu.enqueue_dma source(%dma_start3A_598 : memref<80xi32, #tpu.memory_space<hbm>>) target(%arg15 : memref<80xi32, #tpu.memory_space<vmem>>) target_semaphore(%arg30 : memref<!tpu.dma_semaphore, #tpu.memory_space<semaphore_mem>>)
      } else {
      }
      %dma_wait3A_515 = tpu.memref_slice %arg4[%add3A_491] : memref<320000xi32, #tpu.memory_space<hbm>> -> memref<80xi32, #tpu.memory_space<hbm>>
      %dma_wait3A_516 = tpu.memref_slice %arg4[%add3A_491] : memref<320000xi32, #tpu.memory_space<hbm>> -> memref<80xi32, #tpu.memory_space<hbm>>
      tpu.wait_dma2 semaphore(%arg27 : memref<!tpu.dma_semaphore, #tpu.memory_space<semaphore_mem>>) src(%dma_wait3A_516 : memref<80xi32, #tpu.memory_space<hbm>>) dst(%arg19 : memref<80xi32, #tpu.memory_space<vmem>>)
      %dma_start3A_517 = arith.constant 0 : i32
      %dma_start3A_518 = arith.constant 0 : i32
      %dma_start3A_519 = tpu.memref_slice %arg31[%dma_start3A_517, %dma_start3A_518] : memref<10240x128xf32, #tpu.memory_space<vmem_shared>> -> memref<10240x128xf32, #tpu.memory_space<vmem_shared>>
      tpu.enqueue_indirect_dma source(%arg11 : memref<80x128xf32, #tpu.memory_space<vmem>>) target(%dma_start3A_519 : memref<10240x128xf32, #tpu.memory_space<vmem_shared>>) offsets(%arg19 : memref<80xi32, #tpu.memory_space<vmem>>) semaphore(%arg27 : memref<!tpu.dma_semaphore, #tpu.memory_space<semaphore_mem>>) {add = true}
      %dma_start3A_520 = arith.constant 0 : i32
      %dma_start3A_521 = tpu.memref_slice %arg34[%dma_start3A_520] : memref<10240xf32, #tpu.memory_space<vmem_shared>> -> memref<10240xf32, #tpu.memory_space<vmem_shared>>
      tpu.enqueue_indirect_dma source(%arg32 : memref<80xf32, #tpu.memory_space<vmem>>) target(%dma_start3A_521 : memref<10240xf32, #tpu.memory_space<vmem_shared>>) offsets(%arg19 : memref<80xi32, #tpu.memory_space<vmem>>) semaphore(%arg27 : memref<!tpu.dma_semaphore, #tpu.memory_space<semaphore_mem>>) {add = true}
      %mul3A_522 = arith.constant 4 : i32
      %mul3A_523 = arith.muli %mul3A_522, %scan3A_451 : i32
      %add3A_524 = arith.constant 2 : i32
      %add3A_525 = arith.addi %mul3A_523, %add3A_524 : i32
      %mul3A_526 = arith.constant 80 : i32
      %mul3A_527 = arith.muli %add3A_525, %mul3A_526 : i32
      %add3A_528 = arith.addi %mul3A_102, %mul3A_527 : i32
      %add3A_529 = arith.constant 160 : i32
      %add3A_530 = arith.addi %add3A_528, %add3A_529 : i32
      %add3A_531 = arith.constant 320 : i32
      %add3A_532 = arith.addi %add3A_528, %add3A_531 : i32
      %dma_wait3A_533 = arith.constant 0 : i32
      %dma_wait3A_534 = arith.constant 0 : i32
      %dma_wait3A_535 = tpu.memref_slice %arg31[%dma_wait3A_533, %dma_wait3A_534] : memref<10240x128xf32, #tpu.memory_space<vmem_shared>> -> memref<10240x128xf32, #tpu.memory_space<vmem_shared>>
      tpu.wait_indirect_dma semaphore(%arg26 : memref<!tpu.dma_semaphore, #tpu.memory_space<semaphore_mem>>) src(%arg10 : memref<80x128xf32, #tpu.memory_space<vmem>>) dst(%dma_wait3A_535 : memref<10240x128xf32, #tpu.memory_space<vmem_shared>>)
      %dma_wait3A_536 = arith.constant 0 : i32
      %dma_wait3A_537 = tpu.memref_slice %arg34[%dma_wait3A_536] : memref<10240xf32, #tpu.memory_space<vmem_shared>> -> memref<10240xf32, #tpu.memory_space<vmem_shared>>
      tpu.wait_indirect_dma semaphore(%arg26 : memref<!tpu.dma_semaphore, #tpu.memory_space<semaphore_mem>>) src(%arg32 : memref<80xf32, #tpu.memory_space<vmem>>) dst(%dma_wait3A_537 : memref<10240xf32, #tpu.memory_space<vmem_shared>>)
      %dma_start3A_538 = tpu.memref_slice %arg4[%add3A_530] : memref<320000xi32, #tpu.memory_space<hbm>> -> memref<80xi32, #tpu.memory_space<hbm>>
      %dma_start3A_539 = tpu.memref_slice %arg4[%add3A_530] : memref<320000xi32, #tpu.memory_space<hbm>> -> memref<80xi32, #tpu.memory_space<hbm>>
      tpu.enqueue_dma source(%dma_start3A_539 : memref<80xi32, #tpu.memory_space<hbm>>) target(%arg18 : memref<80xi32, #tpu.memory_space<vmem>>) target_semaphore(%arg26 : memref<!tpu.dma_semaphore, #tpu.memory_space<semaphore_mem>>)
      %dma_wait3A_540 = tpu.memref_slice %arg3[%add3A_530] : memref<320000xi32, #tpu.memory_space<hbm>> -> memref<80xi32, #tpu.memory_space<hbm>>
      %dma_wait3A_541 = tpu.memref_slice %arg3[%add3A_530] : memref<320000xi32, #tpu.memory_space<hbm>> -> memref<80xi32, #tpu.memory_space<hbm>>
      tpu.wait_dma2 semaphore(%arg30 : memref<!tpu.dma_semaphore, #tpu.memory_space<semaphore_mem>>) src(%dma_wait3A_541 : memref<80xi32, #tpu.memory_space<hbm>>) dst(%arg14 : memref<80xi32, #tpu.memory_space<vmem>>)
      %dma_start3A_542 = arith.constant 0 : i32
      %dma_start3A_543 = arith.constant 0 : i32
      %dma_start3A_544 = tpu.memref_slice %arg2[%dma_start3A_542, %dma_start3A_543] : memref<10240x128xf32, #tpu.memory_space<hbm>> -> memref<10240x128xf32, #tpu.memory_space<hbm>>
      tpu.enqueue_indirect_dma source(%dma_start3A_544 : memref<10240x128xf32, #tpu.memory_space<hbm>>) target(%arg10 : memref<80x128xf32, #tpu.memory_space<vmem>>) offsets(%arg14 : memref<80xi32, #tpu.memory_space<vmem>>) semaphore(%arg22 : memref<!tpu.dma_semaphore, #tpu.memory_space<semaphore_mem>>)
      %dma_wait3A_545 = arith.constant 0 : i32
      %dma_wait3A_546 = arith.constant 0 : i32
      %dma_wait3A_547 = tpu.memref_slice %arg2[%dma_wait3A_545, %dma_wait3A_546] : memref<10240x128xf32, #tpu.memory_space<hbm>> -> memref<10240x128xf32, #tpu.memory_space<hbm>>
      tpu.wait_indirect_dma semaphore(%arg24 : memref<!tpu.dma_semaphore, #tpu.memory_space<semaphore_mem>>) src(%dma_wait3A_547 : memref<10240x128xf32, #tpu.memory_space<hbm>>) dst(%arg12 : memref<80x128xf32, #tpu.memory_space<vmem>>)
      %lt3A_548 = arith.constant 30 : i32
      %lt3A_549 = arith.cmpi slt, %scan3A_451, %lt3A_548 : i32
      %convert_element_type3A_550 = arith.extui %lt3A_549 : i1 to i32
      %cond3A_551 = arith.constant 0 : i32
      %cond3A_552 = arith.cmpi ne, %convert_element_type3A_550, %cond3A_551 : i32
      scf.if %cond3A_552 {
        %dma_start3A_597 = tpu.memref_slice %arg3[%add3A_532] : memref<320000xi32, #tpu.memory_space<hbm>> -> memref<80xi32, #tpu.memory_space<hbm>>
        %dma_start3A_598 = tpu.memref_slice %arg3[%add3A_532] : memref<320000xi32, #tpu.memory_space<hbm>> -> memref<80xi32, #tpu.memory_space<hbm>>
        tpu.enqueue_dma source(%dma_start3A_598 : memref<80xi32, #tpu.memory_space<hbm>>) target(%arg16 : memref<80xi32, #tpu.memory_space<vmem>>) target_semaphore(%arg30 : memref<!tpu.dma_semaphore, #tpu.memory_space<semaphore_mem>>)
      } else {
      }
      %dma_wait3A_553 = tpu.memref_slice %arg4[%add3A_528] : memref<320000xi32, #tpu.memory_space<hbm>> -> memref<80xi32, #tpu.memory_space<hbm>>
      %dma_wait3A_554 = tpu.memref_slice %arg4[%add3A_528] : memref<320000xi32, #tpu.memory_space<hbm>> -> memref<80xi32, #tpu.memory_space<hbm>>
      tpu.wait_dma2 semaphore(%arg28 : memref<!tpu.dma_semaphore, #tpu.memory_space<semaphore_mem>>) src(%dma_wait3A_554 : memref<80xi32, #tpu.memory_space<hbm>>) dst(%arg20 : memref<80xi32, #tpu.memory_space<vmem>>)
      %dma_start3A_555 = arith.constant 0 : i32
      %dma_start3A_556 = arith.constant 0 : i32
      %dma_start3A_557 = tpu.memref_slice %arg31[%dma_start3A_555, %dma_start3A_556] : memref<10240x128xf32, #tpu.memory_space<vmem_shared>> -> memref<10240x128xf32, #tpu.memory_space<vmem_shared>>
      tpu.enqueue_indirect_dma source(%arg12 : memref<80x128xf32, #tpu.memory_space<vmem>>) target(%dma_start3A_557 : memref<10240x128xf32, #tpu.memory_space<vmem_shared>>) offsets(%arg20 : memref<80xi32, #tpu.memory_space<vmem>>) semaphore(%arg28 : memref<!tpu.dma_semaphore, #tpu.memory_space<semaphore_mem>>) {add = true}
      %dma_start3A_558 = arith.constant 0 : i32
      %dma_start3A_559 = tpu.memref_slice %arg34[%dma_start3A_558] : memref<10240xf32, #tpu.memory_space<vmem_shared>> -> memref<10240xf32, #tpu.memory_space<vmem_shared>>
      tpu.enqueue_indirect_dma source(%arg32 : memref<80xf32, #tpu.memory_space<vmem>>) target(%dma_start3A_559 : memref<10240xf32, #tpu.memory_space<vmem_shared>>) offsets(%arg20 : memref<80xi32, #tpu.memory_space<vmem>>) semaphore(%arg28 : memref<!tpu.dma_semaphore, #tpu.memory_space<semaphore_mem>>) {add = true}
      %mul3A_560 = arith.constant 4 : i32
      %mul3A_561 = arith.muli %mul3A_560, %scan3A_451 : i32
      %add3A_562 = arith.constant 3 : i32
      %add3A_563 = arith.addi %mul3A_561, %add3A_562 : i32
      %mul3A_564 = arith.constant 80 : i32
      %mul3A_565 = arith.muli %add3A_563, %mul3A_564 : i32
      %add3A_566 = arith.addi %mul3A_102, %mul3A_565 : i32
      %add3A_567 = arith.constant 160 : i32
      %add3A_568 = arith.addi %add3A_566, %add3A_567 : i32
      %add3A_569 = arith.constant 320 : i32
      %add3A_570 = arith.addi %add3A_566, %add3A_569 : i32
      %dma_wait3A_571 = arith.constant 0 : i32
      %dma_wait3A_572 = arith.constant 0 : i32
      %dma_wait3A_573 = tpu.memref_slice %arg31[%dma_wait3A_571, %dma_wait3A_572] : memref<10240x128xf32, #tpu.memory_space<vmem_shared>> -> memref<10240x128xf32, #tpu.memory_space<vmem_shared>>
      tpu.wait_indirect_dma semaphore(%arg27 : memref<!tpu.dma_semaphore, #tpu.memory_space<semaphore_mem>>) src(%arg11 : memref<80x128xf32, #tpu.memory_space<vmem>>) dst(%dma_wait3A_573 : memref<10240x128xf32, #tpu.memory_space<vmem_shared>>)
      %dma_wait3A_574 = arith.constant 0 : i32
      %dma_wait3A_575 = tpu.memref_slice %arg34[%dma_wait3A_574] : memref<10240xf32, #tpu.memory_space<vmem_shared>> -> memref<10240xf32, #tpu.memory_space<vmem_shared>>
      tpu.wait_indirect_dma semaphore(%arg27 : memref<!tpu.dma_semaphore, #tpu.memory_space<semaphore_mem>>) src(%arg32 : memref<80xf32, #tpu.memory_space<vmem>>) dst(%dma_wait3A_575 : memref<10240xf32, #tpu.memory_space<vmem_shared>>)
      %lt3A_576 = arith.constant 30 : i32
      %lt3A_577 = arith.cmpi slt, %scan3A_451, %lt3A_576 : i32
      %convert_element_type3A_578 = arith.extui %lt3A_577 : i1 to i32
      %cond3A_579 = arith.constant 0 : i32
      %cond3A_580 = arith.cmpi ne, %convert_element_type3A_578, %cond3A_579 : i32
      scf.if %cond3A_580 {
        %dma_start3A_597 = tpu.memref_slice %arg4[%add3A_568] : memref<320000xi32, #tpu.memory_space<hbm>> -> memref<80xi32, #tpu.memory_space<hbm>>
        %dma_start3A_598 = tpu.memref_slice %arg4[%add3A_568] : memref<320000xi32, #tpu.memory_space<hbm>> -> memref<80xi32, #tpu.memory_space<hbm>>
        tpu.enqueue_dma source(%dma_start3A_598 : memref<80xi32, #tpu.memory_space<hbm>>) target(%arg19 : memref<80xi32, #tpu.memory_space<vmem>>) target_semaphore(%arg27 : memref<!tpu.dma_semaphore, #tpu.memory_space<semaphore_mem>>)
        %dma_wait3A_599 = tpu.memref_slice %arg3[%add3A_568] : memref<320000xi32, #tpu.memory_space<hbm>> -> memref<80xi32, #tpu.memory_space<hbm>>
        %dma_wait3A_600 = tpu.memref_slice %arg3[%add3A_568] : memref<320000xi32, #tpu.memory_space<hbm>> -> memref<80xi32, #tpu.memory_space<hbm>>
        tpu.wait_dma2 semaphore(%arg30 : memref<!tpu.dma_semaphore, #tpu.memory_space<semaphore_mem>>) src(%dma_wait3A_600 : memref<80xi32, #tpu.memory_space<hbm>>) dst(%arg15 : memref<80xi32, #tpu.memory_space<vmem>>)
        %dma_start3A_601 = arith.constant 0 : i32
        %dma_start3A_602 = arith.constant 0 : i32
        %dma_start3A_603 = tpu.memref_slice %arg2[%dma_start3A_601, %dma_start3A_602] : memref<10240x128xf32, #tpu.memory_space<hbm>> -> memref<10240x128xf32, #tpu.memory_space<hbm>>
        tpu.enqueue_indirect_dma source(%dma_start3A_603 : memref<10240x128xf32, #tpu.memory_space<hbm>>) target(%arg11 : memref<80x128xf32, #tpu.memory_space<vmem>>) offsets(%arg15 : memref<80xi32, #tpu.memory_space<vmem>>) semaphore(%arg23 : memref<!tpu.dma_semaphore, #tpu.memory_space<semaphore_mem>>)
      } else {
      }
      %dma_wait3A_581 = arith.constant 0 : i32
      %dma_wait3A_582 = arith.constant 0 : i32
      %dma_wait3A_583 = tpu.memref_slice %arg2[%dma_wait3A_581, %dma_wait3A_582] : memref<10240x128xf32, #tpu.memory_space<hbm>> -> memref<10240x128xf32, #tpu.memory_space<hbm>>
      tpu.wait_indirect_dma semaphore(%arg25 : memref<!tpu.dma_semaphore, #tpu.memory_space<semaphore_mem>>) src(%dma_wait3A_583 : memref<10240x128xf32, #tpu.memory_space<hbm>>) dst(%arg13 : memref<80x128xf32, #tpu.memory_space<vmem>>)
      %lt3A_584 = arith.constant 30 : i32
      %lt3A_585 = arith.cmpi slt, %scan3A_451, %lt3A_584 : i32
      %convert_element_type3A_586 = arith.extui %lt3A_585 : i1 to i32
      %cond3A_587 = arith.constant 0 : i32
      %cond3A_588 = arith.cmpi ne, %convert_element_type3A_586, %cond3A_587 : i32
      scf.if %cond3A_588 {
        %dma_start3A_597 = tpu.memref_slice %arg3[%add3A_570] : memref<320000xi32, #tpu.memory_space<hbm>> -> memref<80xi32, #tpu.memory_space<hbm>>
        %dma_start3A_598 = tpu.memref_slice %arg3[%add3A_570] : memref<320000xi32, #tpu.memory_space<hbm>> -> memref<80xi32, #tpu.memory_space<hbm>>
        tpu.enqueue_dma source(%dma_start3A_598 : memref<80xi32, #tpu.memory_space<hbm>>) target(%arg17 : memref<80xi32, #tpu.memory_space<vmem>>) target_semaphore(%arg30 : memref<!tpu.dma_semaphore, #tpu.memory_space<semaphore_mem>>)
      } else {
      }
      %dma_wait3A_589 = tpu.memref_slice %arg4[%add3A_566] : memref<320000xi32, #tpu.memory_space<hbm>> -> memref<80xi32, #tpu.memory_space<hbm>>
      %dma_wait3A_590 = tpu.memref_slice %arg4[%add3A_566] : memref<320000xi32, #tpu.memory_space<hbm>> -> memref<80xi32, #tpu.memory_space<hbm>>
      tpu.wait_dma2 semaphore(%arg29 : memref<!tpu.dma_semaphore, #tpu.memory_space<semaphore_mem>>) src(%dma_wait3A_590 : memref<80xi32, #tpu.memory_space<hbm>>) dst(%arg21 : memref<80xi32, #tpu.memory_space<vmem>>)
      %dma_start3A_591 = arith.constant 0 : i32
      %dma_start3A_592 = arith.constant 0 : i32
      %dma_start3A_593 = tpu.memref_slice %arg31[%dma_start3A_591, %dma_start3A_592] : memref<10240x128xf32, #tpu.memory_space<vmem_shared>> -> memref<10240x128xf32, #tpu.memory_space<vmem_shared>>
      tpu.enqueue_indirect_dma source(%arg13 : memref<80x128xf32, #tpu.memory_space<vmem>>) target(%dma_start3A_593 : memref<10240x128xf32, #tpu.memory_space<vmem_shared>>) offsets(%arg21 : memref<80xi32, #tpu.memory_space<vmem>>) semaphore(%arg29 : memref<!tpu.dma_semaphore, #tpu.memory_space<semaphore_mem>>) {add = true}
      %dma_start3A_594 = arith.constant 0 : i32
      %dma_start3A_595 = tpu.memref_slice %arg34[%dma_start3A_594] : memref<10240xf32, #tpu.memory_space<vmem_shared>> -> memref<10240xf32, #tpu.memory_space<vmem_shared>>
      tpu.enqueue_indirect_dma source(%arg32 : memref<80xf32, #tpu.memory_space<vmem>>) target(%dma_start3A_595 : memref<10240xf32, #tpu.memory_space<vmem_shared>>) offsets(%arg21 : memref<80xi32, #tpu.memory_space<vmem>>) semaphore(%arg29 : memref<!tpu.dma_semaphore, #tpu.memory_space<semaphore_mem>>) {add = true}
      %scan3A_596 = arith.constant 0 : i32
      scf.yield %scan3A_596 : i32
    }
    %scan3A_130 = arith.constant 31 : i32
    %add3A_131 = arith.constant 9920 : i32
    %add3A_132 = arith.addi %mul3A_102, %add3A_131 : i32
    %dma_wait3A_133 = arith.constant 0 : i32
    %dma_wait3A_134 = arith.constant 0 : i32
    %dma_wait3A_135 = tpu.memref_slice %arg31[%dma_wait3A_133, %dma_wait3A_134] : memref<10240x128xf32, #tpu.memory_space<vmem_shared>> -> memref<10240x128xf32, #tpu.memory_space<vmem_shared>>
    tpu.wait_indirect_dma semaphore(%arg28 : memref<!tpu.dma_semaphore, #tpu.memory_space<semaphore_mem>>) src(%arg12 : memref<80x128xf32, #tpu.memory_space<vmem>>) dst(%dma_wait3A_135 : memref<10240x128xf32, #tpu.memory_space<vmem_shared>>)
    %dma_wait3A_136 = arith.constant 0 : i32
    %dma_wait3A_137 = tpu.memref_slice %arg34[%dma_wait3A_136] : memref<10240xf32, #tpu.memory_space<vmem_shared>> -> memref<10240xf32, #tpu.memory_space<vmem_shared>>
    tpu.wait_indirect_dma semaphore(%arg28 : memref<!tpu.dma_semaphore, #tpu.memory_space<semaphore_mem>>) src(%arg32 : memref<80xf32, #tpu.memory_space<vmem>>) dst(%dma_wait3A_137 : memref<10240xf32, #tpu.memory_space<vmem_shared>>)
    %dma_wait3A_138 = arith.constant 0 : i32
    %dma_wait3A_139 = arith.constant 0 : i32
    %dma_wait3A_140 = tpu.memref_slice %arg2[%dma_wait3A_138, %dma_wait3A_139] : memref<10240x128xf32, #tpu.memory_space<hbm>> -> memref<10240x128xf32, #tpu.memory_space<hbm>>
    tpu.wait_indirect_dma semaphore(%arg22 : memref<!tpu.dma_semaphore, #tpu.memory_space<semaphore_mem>>) src(%dma_wait3A_140 : memref<10240x128xf32, #tpu.memory_space<hbm>>) dst(%arg10 : memref<80x128xf32, #tpu.memory_space<vmem>>)
    %dma_wait3A_141 = tpu.memref_slice %arg4[%add3A_132] : memref<320000xi32, #tpu.memory_space<hbm>> -> memref<80xi32, #tpu.memory_space<hbm>>
    %dma_wait3A_142 = tpu.memref_slice %arg4[%add3A_132] : memref<320000xi32, #tpu.memory_space<hbm>> -> memref<80xi32, #tpu.memory_space<hbm>>
    tpu.wait_dma2 semaphore(%arg26 : memref<!tpu.dma_semaphore, #tpu.memory_space<semaphore_mem>>) src(%dma_wait3A_142 : memref<80xi32, #tpu.memory_space<hbm>>) dst(%arg18 : memref<80xi32, #tpu.memory_space<vmem>>)
    %dma_start3A_143 = arith.constant 0 : i32
    %dma_start3A_144 = arith.constant 0 : i32
    %dma_start3A_145 = tpu.memref_slice %arg31[%dma_start3A_143, %dma_start3A_144] : memref<10240x128xf32, #tpu.memory_space<vmem_shared>> -> memref<10240x128xf32, #tpu.memory_space<vmem_shared>>
    tpu.enqueue_indirect_dma source(%arg10 : memref<80x128xf32, #tpu.memory_space<vmem>>) target(%dma_start3A_145 : memref<10240x128xf32, #tpu.memory_space<vmem_shared>>) offsets(%arg18 : memref<80xi32, #tpu.memory_space<vmem>>) semaphore(%arg26 : memref<!tpu.dma_semaphore, #tpu.memory_space<semaphore_mem>>) {add = true}
    %dma_start3A_146 = arith.constant 0 : i32
    %dma_start3A_147 = tpu.memref_slice %arg34[%dma_start3A_146] : memref<10240xf32, #tpu.memory_space<vmem_shared>> -> memref<10240xf32, #tpu.memory_space<vmem_shared>>
    tpu.enqueue_indirect_dma source(%arg32 : memref<80xf32, #tpu.memory_space<vmem>>) target(%dma_start3A_147 : memref<10240xf32, #tpu.memory_space<vmem_shared>>) offsets(%arg18 : memref<80xi32, #tpu.memory_space<vmem>>) semaphore(%arg26 : memref<!tpu.dma_semaphore, #tpu.memory_space<semaphore_mem>>) {add = true}
    %dma_wait3A_148 = arith.constant 0 : i32
    %dma_wait3A_149 = arith.constant 0 : i32
    %dma_wait3A_150 = tpu.memref_slice %arg31[%dma_wait3A_148, %dma_wait3A_149] : memref<10240x128xf32, #tpu.memory_space<vmem_shared>> -> memref<10240x128xf32, #tpu.memory_space<vmem_shared>>
    tpu.wait_indirect_dma semaphore(%arg29 : memref<!tpu.dma_semaphore, #tpu.memory_space<semaphore_mem>>) src(%arg13 : memref<80x128xf32, #tpu.memory_space<vmem>>) dst(%dma_wait3A_150 : memref<10240x128xf32, #tpu.memory_space<vmem_shared>>)
    %dma_wait3A_151 = arith.constant 0 : i32
    %dma_wait3A_152 = tpu.memref_slice %arg34[%dma_wait3A_151] : memref<10240xf32, #tpu.memory_space<vmem_shared>> -> memref<10240xf32, #tpu.memory_space<vmem_shared>>
    tpu.wait_indirect_dma semaphore(%arg29 : memref<!tpu.dma_semaphore, #tpu.memory_space<semaphore_mem>>) src(%arg32 : memref<80xf32, #tpu.memory_space<vmem>>) dst(%dma_wait3A_152 : memref<10240xf32, #tpu.memory_space<vmem_shared>>)
    %dma_wait3A_153 = arith.constant 0 : i32
    %dma_wait3A_154 = arith.constant 0 : i32
    %dma_wait3A_155 = tpu.memref_slice %arg31[%dma_wait3A_153, %dma_wait3A_154] : memref<10240x128xf32, #tpu.memory_space<vmem_shared>> -> memref<10240x128xf32, #tpu.memory_space<vmem_shared>>
    tpu.wait_indirect_dma semaphore(%arg26 : memref<!tpu.dma_semaphore, #tpu.memory_space<semaphore_mem>>) src(%arg10 : memref<80x128xf32, #tpu.memory_space<vmem>>) dst(%dma_wait3A_155 : memref<10240x128xf32, #tpu.memory_space<vmem_shared>>)
    %dma_wait3A_156 = arith.constant 0 : i32
    %dma_wait3A_157 = tpu.memref_slice %arg34[%dma_wait3A_156] : memref<10240xf32, #tpu.memory_space<vmem_shared>> -> memref<10240xf32, #tpu.memory_space<vmem_shared>>
    tpu.wait_indirect_dma semaphore(%arg26 : memref<!tpu.dma_semaphore, #tpu.memory_space<semaphore_mem>>) src(%arg32 : memref<80xf32, #tpu.memory_space<vmem>>) dst(%dma_wait3A_157 : memref<10240xf32, #tpu.memory_space<vmem_shared>>)
    %barrier3A_158 = arith.constant 0 : index
    tpu.barrier barrier_id(%barrier3A_158)
    %add3A_159 = arith.constant 0 : i32
    %add3A_160 = arith.addi %multiple_of3A, %add3A_159 : i32
    %add3A_161 = arith.constant 80 : i32
    %add3A_162 = arith.addi %multiple_of3A, %add3A_161 : i32
    %add3A_163 = arith.constant 160 : i32
    %add3A_164 = arith.addi %multiple_of3A, %add3A_163 : i32
    %add3A_165 = arith.constant 240 : i32
    %add3A_166 = arith.addi %multiple_of3A, %add3A_165 : i32
    %add3A_167 = arith.constant 320 : i32
    %add3A_168 = arith.addi %multiple_of3A, %add3A_167 : i32
    %add3A_169 = arith.constant 400 : i32
    %add3A_170 = arith.addi %multiple_of3A, %add3A_169 : i32
    %add3A_171 = arith.constant 480 : i32
    %add3A_172 = arith.addi %multiple_of3A, %add3A_171 : i32
    %add3A_173 = arith.constant 560 : i32
    %add3A_174 = arith.addi %multiple_of3A, %add3A_173 : i32
    %dma_start3A_175 = arith.constant 0 : i32
    %dma_start3A_176 = tpu.memref_slice %arg31[%add3A_160, %dma_start3A_175] : memref<10240x128xf32, #tpu.memory_space<vmem_shared>> -> memref<80x128xf32, #tpu.memory_space<vmem_shared>>
    %dma_start3A_177 = arith.constant 0 : i32
    %dma_start3A_178 = tpu.memref_slice %arg31[%add3A_160, %dma_start3A_177] : memref<10240x128xf32, #tpu.memory_space<vmem_shared>> -> memref<80x128xf32, #tpu.memory_space<vmem_shared>>
    tpu.enqueue_dma source(%dma_start3A_178 : memref<80x128xf32, #tpu.memory_space<vmem_shared>>) target(%arg10 : memref<80x128xf32, #tpu.memory_space<vmem>>) target_semaphore(%arg26 : memref<!tpu.dma_semaphore, #tpu.memory_space<semaphore_mem>>)
    %dma_start3A_179 = arith.constant 0 : i32
    %dma_start3A_180 = tpu.memref_slice %arg31[%add3A_162, %dma_start3A_179] : memref<10240x128xf32, #tpu.memory_space<vmem_shared>> -> memref<80x128xf32, #tpu.memory_space<vmem_shared>>
    %dma_start3A_181 = arith.constant 0 : i32
    %dma_start3A_182 = tpu.memref_slice %arg31[%add3A_162, %dma_start3A_181] : memref<10240x128xf32, #tpu.memory_space<vmem_shared>> -> memref<80x128xf32, #tpu.memory_space<vmem_shared>>
    tpu.enqueue_dma source(%dma_start3A_182 : memref<80x128xf32, #tpu.memory_space<vmem_shared>>) target(%arg11 : memref<80x128xf32, #tpu.memory_space<vmem>>) target_semaphore(%arg27 : memref<!tpu.dma_semaphore, #tpu.memory_space<semaphore_mem>>)
    %dma_start3A_183 = arith.constant 0 : i32
    %dma_start3A_184 = tpu.memref_slice %arg31[%add3A_164, %dma_start3A_183] : memref<10240x128xf32, #tpu.memory_space<vmem_shared>> -> memref<80x128xf32, #tpu.memory_space<vmem_shared>>
    %dma_start3A_185 = arith.constant 0 : i32
    %dma_start3A_186 = tpu.memref_slice %arg31[%add3A_164, %dma_start3A_185] : memref<10240x128xf32, #tpu.memory_space<vmem_shared>> -> memref<80x128xf32, #tpu.memory_space<vmem_shared>>
    tpu.enqueue_dma source(%dma_start3A_186 : memref<80x128xf32, #tpu.memory_space<vmem_shared>>) target(%arg12 : memref<80x128xf32, #tpu.memory_space<vmem>>) target_semaphore(%arg28 : memref<!tpu.dma_semaphore, #tpu.memory_space<semaphore_mem>>)
    %dma_start3A_187 = arith.constant 0 : i32
    %dma_start3A_188 = tpu.memref_slice %arg31[%add3A_166, %dma_start3A_187] : memref<10240x128xf32, #tpu.memory_space<vmem_shared>> -> memref<80x128xf32, #tpu.memory_space<vmem_shared>>
    %dma_start3A_189 = arith.constant 0 : i32
    %dma_start3A_190 = tpu.memref_slice %arg31[%add3A_166, %dma_start3A_189] : memref<10240x128xf32, #tpu.memory_space<vmem_shared>> -> memref<80x128xf32, #tpu.memory_space<vmem_shared>>
    tpu.enqueue_dma source(%dma_start3A_190 : memref<80x128xf32, #tpu.memory_space<vmem_shared>>) target(%arg13 : memref<80x128xf32, #tpu.memory_space<vmem>>) target_semaphore(%arg29 : memref<!tpu.dma_semaphore, #tpu.memory_space<semaphore_mem>>)
    %dma_start3A_191 = tpu.memref_slice %arg34[%multiple_of3A] : memref<10240xf32, #tpu.memory_space<vmem_shared>> -> memref<640xf32, #tpu.memory_space<vmem_shared>>
    %dma_start3A_192 = tpu.memref_slice %arg34[%multiple_of3A] : memref<10240xf32, #tpu.memory_space<vmem_shared>> -> memref<640xf32, #tpu.memory_space<vmem_shared>>
    tpu.enqueue_dma source(%dma_start3A_192 : memref<640xf32, #tpu.memory_space<vmem_shared>>) target(%arg33 : memref<640xf32, #tpu.memory_space<vmem>>) target_semaphore(%arg30 : memref<!tpu.dma_semaphore, #tpu.memory_space<semaphore_mem>>)
    %dma_wait3A_193 = arith.constant 0 : i32
    %dma_wait3A_194 = tpu.memref_slice %arg31[%add3A_160, %dma_wait3A_193] : memref<10240x128xf32, #tpu.memory_space<vmem_shared>> -> memref<80x128xf32, #tpu.memory_space<vmem_shared>>
    %dma_wait3A_195 = arith.constant 0 : i32
    %dma_wait3A_196 = tpu.memref_slice %arg31[%add3A_160, %dma_wait3A_195] : memref<10240x128xf32, #tpu.memory_space<vmem_shared>> -> memref<80x128xf32, #tpu.memory_space<vmem_shared>>
    tpu.wait_dma2 semaphore(%arg26 : memref<!tpu.dma_semaphore, #tpu.memory_space<semaphore_mem>>) src(%dma_wait3A_196 : memref<80x128xf32, #tpu.memory_space<vmem_shared>>) dst(%arg10 : memref<80x128xf32, #tpu.memory_space<vmem>>)
    %dma_start3A_197 = arith.constant 0 : i32
    %dma_start3A_198 = arith.constant 0 : i32
    %dma_start3A_199 = tpu.memref_slice %arg8[%arg0, %dma_start3A_197, %dma_start3A_198] : memref<2x10240x128xf32, #tpu.memory_space<hbm>> -> memref<1x10240x128xf32, #tpu.memory_space<hbm>>
    %dma_start3A_200 = tpu.memref_squeeze %dma_start3A_199 : memref<1x10240x128xf32, #tpu.memory_space<hbm>> -> memref<10240x128xf32, #tpu.memory_space<hbm>>
    %dma_start3A_201 = arith.constant 0 : i32
    %dma_start3A_202 = tpu.memref_slice %dma_start3A_200[%add3A_160, %dma_start3A_201] : memref<10240x128xf32, #tpu.memory_space<hbm>> -> memref<80x128xf32, #tpu.memory_space<hbm>>
    %dma_start3A_203 = arith.constant 0 : i32
    %dma_start3A_204 = arith.constant 0 : i32
    %dma_start3A_205 = tpu.memref_slice %arg8[%arg0, %dma_start3A_203, %dma_start3A_204] : memref<2x10240x128xf32, #tpu.memory_space<hbm>> -> memref<1x10240x128xf32, #tpu.memory_space<hbm>>
    %dma_start3A_206 = tpu.memref_squeeze %dma_start3A_205 : memref<1x10240x128xf32, #tpu.memory_space<hbm>> -> memref<10240x128xf32, #tpu.memory_space<hbm>>
    %dma_start3A_207 = arith.constant 0 : i32
    %dma_start3A_208 = tpu.memref_slice %dma_start3A_206[%add3A_160, %dma_start3A_207] : memref<10240x128xf32, #tpu.memory_space<hbm>> -> memref<80x128xf32, #tpu.memory_space<hbm>>
    tpu.enqueue_dma source(%arg10 : memref<80x128xf32, #tpu.memory_space<vmem>>) target(%dma_start3A_208 : memref<80x128xf32, #tpu.memory_space<hbm>>) target_semaphore(%arg22 : memref<!tpu.dma_semaphore, #tpu.memory_space<semaphore_mem>>)
    %dma_wait3A_209 = arith.constant 0 : i32
    %dma_wait3A_210 = tpu.memref_slice %arg31[%add3A_162, %dma_wait3A_209] : memref<10240x128xf32, #tpu.memory_space<vmem_shared>> -> memref<80x128xf32, #tpu.memory_space<vmem_shared>>
    %dma_wait3A_211 = arith.constant 0 : i32
    %dma_wait3A_212 = tpu.memref_slice %arg31[%add3A_162, %dma_wait3A_211] : memref<10240x128xf32, #tpu.memory_space<vmem_shared>> -> memref<80x128xf32, #tpu.memory_space<vmem_shared>>
    tpu.wait_dma2 semaphore(%arg27 : memref<!tpu.dma_semaphore, #tpu.memory_space<semaphore_mem>>) src(%dma_wait3A_212 : memref<80x128xf32, #tpu.memory_space<vmem_shared>>) dst(%arg11 : memref<80x128xf32, #tpu.memory_space<vmem>>)
    %dma_start3A_213 = arith.constant 0 : i32
    %dma_start3A_214 = arith.constant 0 : i32
    %dma_start3A_215 = tpu.memref_slice %arg8[%arg0, %dma_start3A_213, %dma_start3A_214] : memref<2x10240x128xf32, #tpu.memory_space<hbm>> -> memref<1x10240x128xf32, #tpu.memory_space<hbm>>
    %dma_start3A_216 = tpu.memref_squeeze %dma_start3A_215 : memref<1x10240x128xf32, #tpu.memory_space<hbm>> -> memref<10240x128xf32, #tpu.memory_space<hbm>>
    %dma_start3A_217 = arith.constant 0 : i32
    %dma_start3A_218 = tpu.memref_slice %dma_start3A_216[%add3A_162, %dma_start3A_217] : memref<10240x128xf32, #tpu.memory_space<hbm>> -> memref<80x128xf32, #tpu.memory_space<hbm>>
    %dma_start3A_219 = arith.constant 0 : i32
    %dma_start3A_220 = arith.constant 0 : i32
    %dma_start3A_221 = tpu.memref_slice %arg8[%arg0, %dma_start3A_219, %dma_start3A_220] : memref<2x10240x128xf32, #tpu.memory_space<hbm>> -> memref<1x10240x128xf32, #tpu.memory_space<hbm>>
    %dma_start3A_222 = tpu.memref_squeeze %dma_start3A_221 : memref<1x10240x128xf32, #tpu.memory_space<hbm>> -> memref<10240x128xf32, #tpu.memory_space<hbm>>
    %dma_start3A_223 = arith.constant 0 : i32
    %dma_start3A_224 = tpu.memref_slice %dma_start3A_222[%add3A_162, %dma_start3A_223] : memref<10240x128xf32, #tpu.memory_space<hbm>> -> memref<80x128xf32, #tpu.memory_space<hbm>>
    tpu.enqueue_dma source(%arg11 : memref<80x128xf32, #tpu.memory_space<vmem>>) target(%dma_start3A_224 : memref<80x128xf32, #tpu.memory_space<hbm>>) target_semaphore(%arg23 : memref<!tpu.dma_semaphore, #tpu.memory_space<semaphore_mem>>)
    %dma_wait3A_225 = arith.constant 0 : i32
    %dma_wait3A_226 = tpu.memref_slice %arg31[%add3A_164, %dma_wait3A_225] : memref<10240x128xf32, #tpu.memory_space<vmem_shared>> -> memref<80x128xf32, #tpu.memory_space<vmem_shared>>
    %dma_wait3A_227 = arith.constant 0 : i32
    %dma_wait3A_228 = tpu.memref_slice %arg31[%add3A_164, %dma_wait3A_227] : memref<10240x128xf32, #tpu.memory_space<vmem_shared>> -> memref<80x128xf32, #tpu.memory_space<vmem_shared>>
    tpu.wait_dma2 semaphore(%arg28 : memref<!tpu.dma_semaphore, #tpu.memory_space<semaphore_mem>>) src(%dma_wait3A_228 : memref<80x128xf32, #tpu.memory_space<vmem_shared>>) dst(%arg12 : memref<80x128xf32, #tpu.memory_space<vmem>>)
    %dma_start3A_229 = arith.constant 0 : i32
    %dma_start3A_230 = arith.constant 0 : i32
    %dma_start3A_231 = tpu.memref_slice %arg8[%arg0, %dma_start3A_229, %dma_start3A_230] : memref<2x10240x128xf32, #tpu.memory_space<hbm>> -> memref<1x10240x128xf32, #tpu.memory_space<hbm>>
    %dma_start3A_232 = tpu.memref_squeeze %dma_start3A_231 : memref<1x10240x128xf32, #tpu.memory_space<hbm>> -> memref<10240x128xf32, #tpu.memory_space<hbm>>
    %dma_start3A_233 = arith.constant 0 : i32
    %dma_start3A_234 = tpu.memref_slice %dma_start3A_232[%add3A_164, %dma_start3A_233] : memref<10240x128xf32, #tpu.memory_space<hbm>> -> memref<80x128xf32, #tpu.memory_space<hbm>>
    %dma_start3A_235 = arith.constant 0 : i32
    %dma_start3A_236 = arith.constant 0 : i32
    %dma_start3A_237 = tpu.memref_slice %arg8[%arg0, %dma_start3A_235, %dma_start3A_236] : memref<2x10240x128xf32, #tpu.memory_space<hbm>> -> memref<1x10240x128xf32, #tpu.memory_space<hbm>>
    %dma_start3A_238 = tpu.memref_squeeze %dma_start3A_237 : memref<1x10240x128xf32, #tpu.memory_space<hbm>> -> memref<10240x128xf32, #tpu.memory_space<hbm>>
    %dma_start3A_239 = arith.constant 0 : i32
    %dma_start3A_240 = tpu.memref_slice %dma_start3A_238[%add3A_164, %dma_start3A_239] : memref<10240x128xf32, #tpu.memory_space<hbm>> -> memref<80x128xf32, #tpu.memory_space<hbm>>
    tpu.enqueue_dma source(%arg12 : memref<80x128xf32, #tpu.memory_space<vmem>>) target(%dma_start3A_240 : memref<80x128xf32, #tpu.memory_space<hbm>>) target_semaphore(%arg24 : memref<!tpu.dma_semaphore, #tpu.memory_space<semaphore_mem>>)
    %dma_wait3A_241 = arith.constant 0 : i32
    %dma_wait3A_242 = tpu.memref_slice %arg31[%add3A_166, %dma_wait3A_241] : memref<10240x128xf32, #tpu.memory_space<vmem_shared>> -> memref<80x128xf32, #tpu.memory_space<vmem_shared>>
    %dma_wait3A_243 = arith.constant 0 : i32
    %dma_wait3A_244 = tpu.memref_slice %arg31[%add3A_166, %dma_wait3A_243] : memref<10240x128xf32, #tpu.memory_space<vmem_shared>> -> memref<80x128xf32, #tpu.memory_space<vmem_shared>>
    tpu.wait_dma2 semaphore(%arg29 : memref<!tpu.dma_semaphore, #tpu.memory_space<semaphore_mem>>) src(%dma_wait3A_244 : memref<80x128xf32, #tpu.memory_space<vmem_shared>>) dst(%arg13 : memref<80x128xf32, #tpu.memory_space<vmem>>)
    %dma_start3A_245 = arith.constant 0 : i32
    %dma_start3A_246 = arith.constant 0 : i32
    %dma_start3A_247 = tpu.memref_slice %arg8[%arg0, %dma_start3A_245, %dma_start3A_246] : memref<2x10240x128xf32, #tpu.memory_space<hbm>> -> memref<1x10240x128xf32, #tpu.memory_space<hbm>>
    %dma_start3A_248 = tpu.memref_squeeze %dma_start3A_247 : memref<1x10240x128xf32, #tpu.memory_space<hbm>> -> memref<10240x128xf32, #tpu.memory_space<hbm>>
    %dma_start3A_249 = arith.constant 0 : i32
    %dma_start3A_250 = tpu.memref_slice %dma_start3A_248[%add3A_166, %dma_start3A_249] : memref<10240x128xf32, #tpu.memory_space<hbm>> -> memref<80x128xf32, #tpu.memory_space<hbm>>
    %dma_start3A_251 = arith.constant 0 : i32
    %dma_start3A_252 = arith.constant 0 : i32
    %dma_start3A_253 = tpu.memref_slice %arg8[%arg0, %dma_start3A_251, %dma_start3A_252] : memref<2x10240x128xf32, #tpu.memory_space<hbm>> -> memref<1x10240x128xf32, #tpu.memory_space<hbm>>
    %dma_start3A_254 = tpu.memref_squeeze %dma_start3A_253 : memref<1x10240x128xf32, #tpu.memory_space<hbm>> -> memref<10240x128xf32, #tpu.memory_space<hbm>>
    %dma_start3A_255 = arith.constant 0 : i32
    %dma_start3A_256 = tpu.memref_slice %dma_start3A_254[%add3A_166, %dma_start3A_255] : memref<10240x128xf32, #tpu.memory_space<hbm>> -> memref<80x128xf32, #tpu.memory_space<hbm>>
    tpu.enqueue_dma source(%arg13 : memref<80x128xf32, #tpu.memory_space<vmem>>) target(%dma_start3A_256 : memref<80x128xf32, #tpu.memory_space<hbm>>) target_semaphore(%arg25 : memref<!tpu.dma_semaphore, #tpu.memory_space<semaphore_mem>>)
    %dma_wait3A_257 = tpu.memref_slice %arg34[%multiple_of3A] : memref<10240xf32, #tpu.memory_space<vmem_shared>> -> memref<640xf32, #tpu.memory_space<vmem_shared>>
    %dma_wait3A_258 = tpu.memref_slice %arg34[%multiple_of3A] : memref<10240xf32, #tpu.memory_space<vmem_shared>> -> memref<640xf32, #tpu.memory_space<vmem_shared>>
    tpu.wait_dma2 semaphore(%arg30 : memref<!tpu.dma_semaphore, #tpu.memory_space<semaphore_mem>>) src(%dma_wait3A_258 : memref<640xf32, #tpu.memory_space<vmem_shared>>) dst(%arg33 : memref<640xf32, #tpu.memory_space<vmem>>)
    %dma_start3A_259 = arith.constant 0 : i32
    %dma_start3A_260 = tpu.memref_slice %arg9[%arg0, %dma_start3A_259] : memref<2x10240xf32, #tpu.memory_space<hbm>> -> memref<1x10240xf32, #tpu.memory_space<hbm>>
    %dma_start3A_261 = tpu.memref_squeeze %dma_start3A_260 : memref<1x10240xf32, #tpu.memory_space<hbm>> -> memref<10240xf32, #tpu.memory_space<hbm>>
    %dma_start3A_262 = tpu.memref_slice %dma_start3A_261[%multiple_of3A] : memref<10240xf32, #tpu.memory_space<hbm>> -> memref<640xf32, #tpu.memory_space<hbm>>
    %dma_start3A_263 = arith.constant 0 : i32
    %dma_start3A_264 = tpu.memref_slice %arg9[%arg0, %dma_start3A_263] : memref<2x10240xf32, #tpu.memory_space<hbm>> -> memref<1x10240xf32, #tpu.memory_space<hbm>>
    %dma_start3A_265 = tpu.memref_squeeze %dma_start3A_264 : memref<1x10240xf32, #tpu.memory_space<hbm>> -> memref<10240xf32, #tpu.memory_space<hbm>>
    %dma_start3A_266 = tpu.memref_slice %dma_start3A_265[%multiple_of3A] : memref<10240xf32, #tpu.memory_space<hbm>> -> memref<640xf32, #tpu.memory_space<hbm>>
    tpu.enqueue_dma source(%arg33 : memref<640xf32, #tpu.memory_space<vmem>>) target(%dma_start3A_266 : memref<640xf32, #tpu.memory_space<hbm>>) target_semaphore(%arg30 : memref<!tpu.dma_semaphore, #tpu.memory_space<semaphore_mem>>)
    %dma_wait3A_267 = arith.constant 0 : i32
    %dma_wait3A_268 = arith.constant 0 : i32
    %dma_wait3A_269 = tpu.memref_slice %arg8[%arg0, %dma_wait3A_267, %dma_wait3A_268] : memref<2x10240x128xf32, #tpu.memory_space<hbm>> -> memref<1x10240x128xf32, #tpu.memory_space<hbm>>
    %dma_wait3A_270 = tpu.memref_squeeze %dma_wait3A_269 : memref<1x10240x128xf32, #tpu.memory_space<hbm>> -> memref<10240x128xf32, #tpu.memory_space<hbm>>
    %dma_wait3A_271 = arith.constant 0 : i32
    %dma_wait3A_272 = tpu.memref_slice %dma_wait3A_270[%add3A_160, %dma_wait3A_271] : memref<10240x128xf32, #tpu.memory_space<hbm>> -> memref<80x128xf32, #tpu.memory_space<hbm>>
    %dma_wait3A_273 = arith.constant 0 : i32
    %dma_wait3A_274 = arith.constant 0 : i32
    %dma_wait3A_275 = tpu.memref_slice %arg8[%arg0, %dma_wait3A_273, %dma_wait3A_274] : memref<2x10240x128xf32, #tpu.memory_space<hbm>> -> memref<1x10240x128xf32, #tpu.memory_space<hbm>>
    %dma_wait3A_276 = tpu.memref_squeeze %dma_wait3A_275 : memref<1x10240x128xf32, #tpu.memory_space<hbm>> -> memref<10240x128xf32, #tpu.memory_space<hbm>>
    %dma_wait3A_277 = arith.constant 0 : i32
    %dma_wait3A_278 = tpu.memref_slice %dma_wait3A_276[%add3A_160, %dma_wait3A_277] : memref<10240x128xf32, #tpu.memory_space<hbm>> -> memref<80x128xf32, #tpu.memory_space<hbm>>
    tpu.wait_dma2 semaphore(%arg22 : memref<!tpu.dma_semaphore, #tpu.memory_space<semaphore_mem>>) src(%arg10 : memref<80x128xf32, #tpu.memory_space<vmem>>) dst(%dma_wait3A_278 : memref<80x128xf32, #tpu.memory_space<hbm>>)
    %dma_start3A_279 = arith.constant 0 : i32
    %dma_start3A_280 = tpu.memref_slice %arg31[%add3A_168, %dma_start3A_279] : memref<10240x128xf32, #tpu.memory_space<vmem_shared>> -> memref<80x128xf32, #tpu.memory_space<vmem_shared>>
    %dma_start3A_281 = arith.constant 0 : i32
    %dma_start3A_282 = tpu.memref_slice %arg31[%add3A_168, %dma_start3A_281] : memref<10240x128xf32, #tpu.memory_space<vmem_shared>> -> memref<80x128xf32, #tpu.memory_space<vmem_shared>>
    tpu.enqueue_dma source(%dma_start3A_282 : memref<80x128xf32, #tpu.memory_space<vmem_shared>>) target(%arg10 : memref<80x128xf32, #tpu.memory_space<vmem>>) target_semaphore(%arg26 : memref<!tpu.dma_semaphore, #tpu.memory_space<semaphore_mem>>)
    %dma_wait3A_283 = arith.constant 0 : i32
    %dma_wait3A_284 = arith.constant 0 : i32
    %dma_wait3A_285 = tpu.memref_slice %arg8[%arg0, %dma_wait3A_283, %dma_wait3A_284] : memref<2x10240x128xf32, #tpu.memory_space<hbm>> -> memref<1x10240x128xf32, #tpu.memory_space<hbm>>
    %dma_wait3A_286 = tpu.memref_squeeze %dma_wait3A_285 : memref<1x10240x128xf32, #tpu.memory_space<hbm>> -> memref<10240x128xf32, #tpu.memory_space<hbm>>
    %dma_wait3A_287 = arith.constant 0 : i32
    %dma_wait3A_288 = tpu.memref_slice %dma_wait3A_286[%add3A_162, %dma_wait3A_287] : memref<10240x128xf32, #tpu.memory_space<hbm>> -> memref<80x128xf32, #tpu.memory_space<hbm>>
    %dma_wait3A_289 = arith.constant 0 : i32
    %dma_wait3A_290 = arith.constant 0 : i32
    %dma_wait3A_291 = tpu.memref_slice %arg8[%arg0, %dma_wait3A_289, %dma_wait3A_290] : memref<2x10240x128xf32, #tpu.memory_space<hbm>> -> memref<1x10240x128xf32, #tpu.memory_space<hbm>>
    %dma_wait3A_292 = tpu.memref_squeeze %dma_wait3A_291 : memref<1x10240x128xf32, #tpu.memory_space<hbm>> -> memref<10240x128xf32, #tpu.memory_space<hbm>>
    %dma_wait3A_293 = arith.constant 0 : i32
    %dma_wait3A_294 = tpu.memref_slice %dma_wait3A_292[%add3A_162, %dma_wait3A_293] : memref<10240x128xf32, #tpu.memory_space<hbm>> -> memref<80x128xf32, #tpu.memory_space<hbm>>
    tpu.wait_dma2 semaphore(%arg23 : memref<!tpu.dma_semaphore, #tpu.memory_space<semaphore_mem>>) src(%arg11 : memref<80x128xf32, #tpu.memory_space<vmem>>) dst(%dma_wait3A_294 : memref<80x128xf32, #tpu.memory_space<hbm>>)
    %dma_start3A_295 = arith.constant 0 : i32
    %dma_start3A_296 = tpu.memref_slice %arg31[%add3A_170, %dma_start3A_295] : memref<10240x128xf32, #tpu.memory_space<vmem_shared>> -> memref<80x128xf32, #tpu.memory_space<vmem_shared>>
    %dma_start3A_297 = arith.constant 0 : i32
    %dma_start3A_298 = tpu.memref_slice %arg31[%add3A_170, %dma_start3A_297] : memref<10240x128xf32, #tpu.memory_space<vmem_shared>> -> memref<80x128xf32, #tpu.memory_space<vmem_shared>>
    tpu.enqueue_dma source(%dma_start3A_298 : memref<80x128xf32, #tpu.memory_space<vmem_shared>>) target(%arg11 : memref<80x128xf32, #tpu.memory_space<vmem>>) target_semaphore(%arg27 : memref<!tpu.dma_semaphore, #tpu.memory_space<semaphore_mem>>)
    %dma_wait3A_299 = arith.constant 0 : i32
    %dma_wait3A_300 = arith.constant 0 : i32
    %dma_wait3A_301 = tpu.memref_slice %arg8[%arg0, %dma_wait3A_299, %dma_wait3A_300] : memref<2x10240x128xf32, #tpu.memory_space<hbm>> -> memref<1x10240x128xf32, #tpu.memory_space<hbm>>
    %dma_wait3A_302 = tpu.memref_squeeze %dma_wait3A_301 : memref<1x10240x128xf32, #tpu.memory_space<hbm>> -> memref<10240x128xf32, #tpu.memory_space<hbm>>
    %dma_wait3A_303 = arith.constant 0 : i32
    %dma_wait3A_304 = tpu.memref_slice %dma_wait3A_302[%add3A_164, %dma_wait3A_303] : memref<10240x128xf32, #tpu.memory_space<hbm>> -> memref<80x128xf32, #tpu.memory_space<hbm>>
    %dma_wait3A_305 = arith.constant 0 : i32
    %dma_wait3A_306 = arith.constant 0 : i32
    %dma_wait3A_307 = tpu.memref_slice %arg8[%arg0, %dma_wait3A_305, %dma_wait3A_306] : memref<2x10240x128xf32, #tpu.memory_space<hbm>> -> memref<1x10240x128xf32, #tpu.memory_space<hbm>>
    %dma_wait3A_308 = tpu.memref_squeeze %dma_wait3A_307 : memref<1x10240x128xf32, #tpu.memory_space<hbm>> -> memref<10240x128xf32, #tpu.memory_space<hbm>>
    %dma_wait3A_309 = arith.constant 0 : i32
    %dma_wait3A_310 = tpu.memref_slice %dma_wait3A_308[%add3A_164, %dma_wait3A_309] : memref<10240x128xf32, #tpu.memory_space<hbm>> -> memref<80x128xf32, #tpu.memory_space<hbm>>
    tpu.wait_dma2 semaphore(%arg24 : memref<!tpu.dma_semaphore, #tpu.memory_space<semaphore_mem>>) src(%arg12 : memref<80x128xf32, #tpu.memory_space<vmem>>) dst(%dma_wait3A_310 : memref<80x128xf32, #tpu.memory_space<hbm>>)
    %dma_start3A_311 = arith.constant 0 : i32
    %dma_start3A_312 = tpu.memref_slice %arg31[%add3A_172, %dma_start3A_311] : memref<10240x128xf32, #tpu.memory_space<vmem_shared>> -> memref<80x128xf32, #tpu.memory_space<vmem_shared>>
    %dma_start3A_313 = arith.constant 0 : i32
    %dma_start3A_314 = tpu.memref_slice %arg31[%add3A_172, %dma_start3A_313] : memref<10240x128xf32, #tpu.memory_space<vmem_shared>> -> memref<80x128xf32, #tpu.memory_space<vmem_shared>>
    tpu.enqueue_dma source(%dma_start3A_314 : memref<80x128xf32, #tpu.memory_space<vmem_shared>>) target(%arg12 : memref<80x128xf32, #tpu.memory_space<vmem>>) target_semaphore(%arg28 : memref<!tpu.dma_semaphore, #tpu.memory_space<semaphore_mem>>)
    %dma_wait3A_315 = arith.constant 0 : i32
    %dma_wait3A_316 = arith.constant 0 : i32
    %dma_wait3A_317 = tpu.memref_slice %arg8[%arg0, %dma_wait3A_315, %dma_wait3A_316] : memref<2x10240x128xf32, #tpu.memory_space<hbm>> -> memref<1x10240x128xf32, #tpu.memory_space<hbm>>
    %dma_wait3A_318 = tpu.memref_squeeze %dma_wait3A_317 : memref<1x10240x128xf32, #tpu.memory_space<hbm>> -> memref<10240x128xf32, #tpu.memory_space<hbm>>
    %dma_wait3A_319 = arith.constant 0 : i32
    %dma_wait3A_320 = tpu.memref_slice %dma_wait3A_318[%add3A_166, %dma_wait3A_319] : memref<10240x128xf32, #tpu.memory_space<hbm>> -> memref<80x128xf32, #tpu.memory_space<hbm>>
    %dma_wait3A_321 = arith.constant 0 : i32
    %dma_wait3A_322 = arith.constant 0 : i32
    %dma_wait3A_323 = tpu.memref_slice %arg8[%arg0, %dma_wait3A_321, %dma_wait3A_322] : memref<2x10240x128xf32, #tpu.memory_space<hbm>> -> memref<1x10240x128xf32, #tpu.memory_space<hbm>>
    %dma_wait3A_324 = tpu.memref_squeeze %dma_wait3A_323 : memref<1x10240x128xf32, #tpu.memory_space<hbm>> -> memref<10240x128xf32, #tpu.memory_space<hbm>>
    %dma_wait3A_325 = arith.constant 0 : i32
    %dma_wait3A_326 = tpu.memref_slice %dma_wait3A_324[%add3A_166, %dma_wait3A_325] : memref<10240x128xf32, #tpu.memory_space<hbm>> -> memref<80x128xf32, #tpu.memory_space<hbm>>
    tpu.wait_dma2 semaphore(%arg25 : memref<!tpu.dma_semaphore, #tpu.memory_space<semaphore_mem>>) src(%arg13 : memref<80x128xf32, #tpu.memory_space<vmem>>) dst(%dma_wait3A_326 : memref<80x128xf32, #tpu.memory_space<hbm>>)
    %dma_start3A_327 = arith.constant 0 : i32
    %dma_start3A_328 = tpu.memref_slice %arg31[%add3A_174, %dma_start3A_327] : memref<10240x128xf32, #tpu.memory_space<vmem_shared>> -> memref<80x128xf32, #tpu.memory_space<vmem_shared>>
    %dma_start3A_329 = arith.constant 0 : i32
    %dma_start3A_330 = tpu.memref_slice %arg31[%add3A_174, %dma_start3A_329] : memref<10240x128xf32, #tpu.memory_space<vmem_shared>> -> memref<80x128xf32, #tpu.memory_space<vmem_shared>>
    tpu.enqueue_dma source(%dma_start3A_330 : memref<80x128xf32, #tpu.memory_space<vmem_shared>>) target(%arg13 : memref<80x128xf32, #tpu.memory_space<vmem>>) target_semaphore(%arg29 : memref<!tpu.dma_semaphore, #tpu.memory_space<semaphore_mem>>)
    %dma_wait3A_331 = arith.constant 0 : i32
    %dma_wait3A_332 = tpu.memref_slice %arg31[%add3A_168, %dma_wait3A_331] : memref<10240x128xf32, #tpu.memory_space<vmem_shared>> -> memref<80x128xf32, #tpu.memory_space<vmem_shared>>
    %dma_wait3A_333 = arith.constant 0 : i32
    %dma_wait3A_334 = tpu.memref_slice %arg31[%add3A_168, %dma_wait3A_333] : memref<10240x128xf32, #tpu.memory_space<vmem_shared>> -> memref<80x128xf32, #tpu.memory_space<vmem_shared>>
    tpu.wait_dma2 semaphore(%arg26 : memref<!tpu.dma_semaphore, #tpu.memory_space<semaphore_mem>>) src(%dma_wait3A_334 : memref<80x128xf32, #tpu.memory_space<vmem_shared>>) dst(%arg10 : memref<80x128xf32, #tpu.memory_space<vmem>>)
    %dma_start3A_335 = arith.constant 0 : i32
    %dma_start3A_336 = arith.constant 0 : i32
    %dma_start3A_337 = tpu.memref_slice %arg8[%arg0, %dma_start3A_335, %dma_start3A_336] : memref<2x10240x128xf32, #tpu.memory_space<hbm>> -> memref<1x10240x128xf32, #tpu.memory_space<hbm>>
    %dma_start3A_338 = tpu.memref_squeeze %dma_start3A_337 : memref<1x10240x128xf32, #tpu.memory_space<hbm>> -> memref<10240x128xf32, #tpu.memory_space<hbm>>
    %dma_start3A_339 = arith.constant 0 : i32
    %dma_start3A_340 = tpu.memref_slice %dma_start3A_338[%add3A_168, %dma_start3A_339] : memref<10240x128xf32, #tpu.memory_space<hbm>> -> memref<80x128xf32, #tpu.memory_space<hbm>>
    %dma_start3A_341 = arith.constant 0 : i32
    %dma_start3A_342 = arith.constant 0 : i32
    %dma_start3A_343 = tpu.memref_slice %arg8[%arg0, %dma_start3A_341, %dma_start3A_342] : memref<2x10240x128xf32, #tpu.memory_space<hbm>> -> memref<1x10240x128xf32, #tpu.memory_space<hbm>>
    %dma_start3A_344 = tpu.memref_squeeze %dma_start3A_343 : memref<1x10240x128xf32, #tpu.memory_space<hbm>> -> memref<10240x128xf32, #tpu.memory_space<hbm>>
    %dma_start3A_345 = arith.constant 0 : i32
    %dma_start3A_346 = tpu.memref_slice %dma_start3A_344[%add3A_168, %dma_start3A_345] : memref<10240x128xf32, #tpu.memory_space<hbm>> -> memref<80x128xf32, #tpu.memory_space<hbm>>
    tpu.enqueue_dma source(%arg10 : memref<80x128xf32, #tpu.memory_space<vmem>>) target(%dma_start3A_346 : memref<80x128xf32, #tpu.memory_space<hbm>>) target_semaphore(%arg22 : memref<!tpu.dma_semaphore, #tpu.memory_space<semaphore_mem>>)
    %dma_wait3A_347 = arith.constant 0 : i32
    %dma_wait3A_348 = tpu.memref_slice %arg31[%add3A_170, %dma_wait3A_347] : memref<10240x128xf32, #tpu.memory_space<vmem_shared>> -> memref<80x128xf32, #tpu.memory_space<vmem_shared>>
    %dma_wait3A_349 = arith.constant 0 : i32
    %dma_wait3A_350 = tpu.memref_slice %arg31[%add3A_170, %dma_wait3A_349] : memref<10240x128xf32, #tpu.memory_space<vmem_shared>> -> memref<80x128xf32, #tpu.memory_space<vmem_shared>>
    tpu.wait_dma2 semaphore(%arg27 : memref<!tpu.dma_semaphore, #tpu.memory_space<semaphore_mem>>) src(%dma_wait3A_350 : memref<80x128xf32, #tpu.memory_space<vmem_shared>>) dst(%arg11 : memref<80x128xf32, #tpu.memory_space<vmem>>)
    %dma_start3A_351 = arith.constant 0 : i32
    %dma_start3A_352 = arith.constant 0 : i32
    %dma_start3A_353 = tpu.memref_slice %arg8[%arg0, %dma_start3A_351, %dma_start3A_352] : memref<2x10240x128xf32, #tpu.memory_space<hbm>> -> memref<1x10240x128xf32, #tpu.memory_space<hbm>>
    %dma_start3A_354 = tpu.memref_squeeze %dma_start3A_353 : memref<1x10240x128xf32, #tpu.memory_space<hbm>> -> memref<10240x128xf32, #tpu.memory_space<hbm>>
    %dma_start3A_355 = arith.constant 0 : i32
    %dma_start3A_356 = tpu.memref_slice %dma_start3A_354[%add3A_170, %dma_start3A_355] : memref<10240x128xf32, #tpu.memory_space<hbm>> -> memref<80x128xf32, #tpu.memory_space<hbm>>
    %dma_start3A_357 = arith.constant 0 : i32
    %dma_start3A_358 = arith.constant 0 : i32
    %dma_start3A_359 = tpu.memref_slice %arg8[%arg0, %dma_start3A_357, %dma_start3A_358] : memref<2x10240x128xf32, #tpu.memory_space<hbm>> -> memref<1x10240x128xf32, #tpu.memory_space<hbm>>
    %dma_start3A_360 = tpu.memref_squeeze %dma_start3A_359 : memref<1x10240x128xf32, #tpu.memory_space<hbm>> -> memref<10240x128xf32, #tpu.memory_space<hbm>>
    %dma_start3A_361 = arith.constant 0 : i32
    %dma_start3A_362 = tpu.memref_slice %dma_start3A_360[%add3A_170, %dma_start3A_361] : memref<10240x128xf32, #tpu.memory_space<hbm>> -> memref<80x128xf32, #tpu.memory_space<hbm>>
    tpu.enqueue_dma source(%arg11 : memref<80x128xf32, #tpu.memory_space<vmem>>) target(%dma_start3A_362 : memref<80x128xf32, #tpu.memory_space<hbm>>) target_semaphore(%arg23 : memref<!tpu.dma_semaphore, #tpu.memory_space<semaphore_mem>>)
    %dma_wait3A_363 = arith.constant 0 : i32
    %dma_wait3A_364 = tpu.memref_slice %arg31[%add3A_172, %dma_wait3A_363] : memref<10240x128xf32, #tpu.memory_space<vmem_shared>> -> memref<80x128xf32, #tpu.memory_space<vmem_shared>>
    %dma_wait3A_365 = arith.constant 0 : i32
    %dma_wait3A_366 = tpu.memref_slice %arg31[%add3A_172, %dma_wait3A_365] : memref<10240x128xf32, #tpu.memory_space<vmem_shared>> -> memref<80x128xf32, #tpu.memory_space<vmem_shared>>
    tpu.wait_dma2 semaphore(%arg28 : memref<!tpu.dma_semaphore, #tpu.memory_space<semaphore_mem>>) src(%dma_wait3A_366 : memref<80x128xf32, #tpu.memory_space<vmem_shared>>) dst(%arg12 : memref<80x128xf32, #tpu.memory_space<vmem>>)
    %dma_start3A_367 = arith.constant 0 : i32
    %dma_start3A_368 = arith.constant 0 : i32
    %dma_start3A_369 = tpu.memref_slice %arg8[%arg0, %dma_start3A_367, %dma_start3A_368] : memref<2x10240x128xf32, #tpu.memory_space<hbm>> -> memref<1x10240x128xf32, #tpu.memory_space<hbm>>
    %dma_start3A_370 = tpu.memref_squeeze %dma_start3A_369 : memref<1x10240x128xf32, #tpu.memory_space<hbm>> -> memref<10240x128xf32, #tpu.memory_space<hbm>>
    %dma_start3A_371 = arith.constant 0 : i32
    %dma_start3A_372 = tpu.memref_slice %dma_start3A_370[%add3A_172, %dma_start3A_371] : memref<10240x128xf32, #tpu.memory_space<hbm>> -> memref<80x128xf32, #tpu.memory_space<hbm>>
    %dma_start3A_373 = arith.constant 0 : i32
    %dma_start3A_374 = arith.constant 0 : i32
    %dma_start3A_375 = tpu.memref_slice %arg8[%arg0, %dma_start3A_373, %dma_start3A_374] : memref<2x10240x128xf32, #tpu.memory_space<hbm>> -> memref<1x10240x128xf32, #tpu.memory_space<hbm>>
    %dma_start3A_376 = tpu.memref_squeeze %dma_start3A_375 : memref<1x10240x128xf32, #tpu.memory_space<hbm>> -> memref<10240x128xf32, #tpu.memory_space<hbm>>
    %dma_start3A_377 = arith.constant 0 : i32
    %dma_start3A_378 = tpu.memref_slice %dma_start3A_376[%add3A_172, %dma_start3A_377] : memref<10240x128xf32, #tpu.memory_space<hbm>> -> memref<80x128xf32, #tpu.memory_space<hbm>>
    tpu.enqueue_dma source(%arg12 : memref<80x128xf32, #tpu.memory_space<vmem>>) target(%dma_start3A_378 : memref<80x128xf32, #tpu.memory_space<hbm>>) target_semaphore(%arg24 : memref<!tpu.dma_semaphore, #tpu.memory_space<semaphore_mem>>)
    %dma_wait3A_379 = arith.constant 0 : i32
    %dma_wait3A_380 = tpu.memref_slice %arg31[%add3A_174, %dma_wait3A_379] : memref<10240x128xf32, #tpu.memory_space<vmem_shared>> -> memref<80x128xf32, #tpu.memory_space<vmem_shared>>
    %dma_wait3A_381 = arith.constant 0 : i32
    %dma_wait3A_382 = tpu.memref_slice %arg31[%add3A_174, %dma_wait3A_381] : memref<10240x128xf32, #tpu.memory_space<vmem_shared>> -> memref<80x128xf32, #tpu.memory_space<vmem_shared>>
    tpu.wait_dma2 semaphore(%arg29 : memref<!tpu.dma_semaphore, #tpu.memory_space<semaphore_mem>>) src(%dma_wait3A_382 : memref<80x128xf32, #tpu.memory_space<vmem_shared>>) dst(%arg13 : memref<80x128xf32, #tpu.memory_space<vmem>>)
    %dma_start3A_383 = arith.constant 0 : i32
    %dma_start3A_384 = arith.constant 0 : i32
    %dma_start3A_385 = tpu.memref_slice %arg8[%arg0, %dma_start3A_383, %dma_start3A_384] : memref<2x10240x128xf32, #tpu.memory_space<hbm>> -> memref<1x10240x128xf32, #tpu.memory_space<hbm>>
    %dma_start3A_386 = tpu.memref_squeeze %dma_start3A_385 : memref<1x10240x128xf32, #tpu.memory_space<hbm>> -> memref<10240x128xf32, #tpu.memory_space<hbm>>
    %dma_start3A_387 = arith.constant 0 : i32
    %dma_start3A_388 = tpu.memref_slice %dma_start3A_386[%add3A_174, %dma_start3A_387] : memref<10240x128xf32, #tpu.memory_space<hbm>> -> memref<80x128xf32, #tpu.memory_space<hbm>>
    %dma_start3A_389 = arith.constant 0 : i32
    %dma_start3A_390 = arith.constant 0 : i32
    %dma_start3A_391 = tpu.memref_slice %arg8[%arg0, %dma_start3A_389, %dma_start3A_390] : memref<2x10240x128xf32, #tpu.memory_space<hbm>> -> memref<1x10240x128xf32, #tpu.memory_space<hbm>>
    %dma_start3A_392 = tpu.memref_squeeze %dma_start3A_391 : memref<1x10240x128xf32, #tpu.memory_space<hbm>> -> memref<10240x128xf32, #tpu.memory_space<hbm>>
    %dma_start3A_393 = arith.constant 0 : i32
    %dma_start3A_394 = tpu.memref_slice %dma_start3A_392[%add3A_174, %dma_start3A_393] : memref<10240x128xf32, #tpu.memory_space<hbm>> -> memref<80x128xf32, #tpu.memory_space<hbm>>
    tpu.enqueue_dma source(%arg13 : memref<80x128xf32, #tpu.memory_space<vmem>>) target(%dma_start3A_394 : memref<80x128xf32, #tpu.memory_space<hbm>>) target_semaphore(%arg25 : memref<!tpu.dma_semaphore, #tpu.memory_space<semaphore_mem>>)
    %dma_wait3A_395 = arith.constant 0 : i32
    %dma_wait3A_396 = arith.constant 0 : i32
    %dma_wait3A_397 = tpu.memref_slice %arg8[%arg0, %dma_wait3A_395, %dma_wait3A_396] : memref<2x10240x128xf32, #tpu.memory_space<hbm>> -> memref<1x10240x128xf32, #tpu.memory_space<hbm>>
    %dma_wait3A_398 = tpu.memref_squeeze %dma_wait3A_397 : memref<1x10240x128xf32, #tpu.memory_space<hbm>> -> memref<10240x128xf32, #tpu.memory_space<hbm>>
    %dma_wait3A_399 = arith.constant 0 : i32
    %dma_wait3A_400 = tpu.memref_slice %dma_wait3A_398[%add3A_168, %dma_wait3A_399] : memref<10240x128xf32, #tpu.memory_space<hbm>> -> memref<80x128xf32, #tpu.memory_space<hbm>>
    %dma_wait3A_401 = arith.constant 0 : i32
    %dma_wait3A_402 = arith.constant 0 : i32
    %dma_wait3A_403 = tpu.memref_slice %arg8[%arg0, %dma_wait3A_401, %dma_wait3A_402] : memref<2x10240x128xf32, #tpu.memory_space<hbm>> -> memref<1x10240x128xf32, #tpu.memory_space<hbm>>
    %dma_wait3A_404 = tpu.memref_squeeze %dma_wait3A_403 : memref<1x10240x128xf32, #tpu.memory_space<hbm>> -> memref<10240x128xf32, #tpu.memory_space<hbm>>
    %dma_wait3A_405 = arith.constant 0 : i32
    %dma_wait3A_406 = tpu.memref_slice %dma_wait3A_404[%add3A_168, %dma_wait3A_405] : memref<10240x128xf32, #tpu.memory_space<hbm>> -> memref<80x128xf32, #tpu.memory_space<hbm>>
    tpu.wait_dma2 semaphore(%arg22 : memref<!tpu.dma_semaphore, #tpu.memory_space<semaphore_mem>>) src(%arg10 : memref<80x128xf32, #tpu.memory_space<vmem>>) dst(%dma_wait3A_406 : memref<80x128xf32, #tpu.memory_space<hbm>>)
    %dma_wait3A_407 = arith.constant 0 : i32
    %dma_wait3A_408 = arith.constant 0 : i32
    %dma_wait3A_409 = tpu.memref_slice %arg8[%arg0, %dma_wait3A_407, %dma_wait3A_408] : memref<2x10240x128xf32, #tpu.memory_space<hbm>> -> memref<1x10240x128xf32, #tpu.memory_space<hbm>>
    %dma_wait3A_410 = tpu.memref_squeeze %dma_wait3A_409 : memref<1x10240x128xf32, #tpu.memory_space<hbm>> -> memref<10240x128xf32, #tpu.memory_space<hbm>>
    %dma_wait3A_411 = arith.constant 0 : i32
    %dma_wait3A_412 = tpu.memref_slice %dma_wait3A_410[%add3A_170, %dma_wait3A_411] : memref<10240x128xf32, #tpu.memory_space<hbm>> -> memref<80x128xf32, #tpu.memory_space<hbm>>
    %dma_wait3A_413 = arith.constant 0 : i32
    %dma_wait3A_414 = arith.constant 0 : i32
    %dma_wait3A_415 = tpu.memref_slice %arg8[%arg0, %dma_wait3A_413, %dma_wait3A_414] : memref<2x10240x128xf32, #tpu.memory_space<hbm>> -> memref<1x10240x128xf32, #tpu.memory_space<hbm>>
    %dma_wait3A_416 = tpu.memref_squeeze %dma_wait3A_415 : memref<1x10240x128xf32, #tpu.memory_space<hbm>> -> memref<10240x128xf32, #tpu.memory_space<hbm>>
    %dma_wait3A_417 = arith.constant 0 : i32
    %dma_wait3A_418 = tpu.memref_slice %dma_wait3A_416[%add3A_170, %dma_wait3A_417] : memref<10240x128xf32, #tpu.memory_space<hbm>> -> memref<80x128xf32, #tpu.memory_space<hbm>>
    tpu.wait_dma2 semaphore(%arg23 : memref<!tpu.dma_semaphore, #tpu.memory_space<semaphore_mem>>) src(%arg11 : memref<80x128xf32, #tpu.memory_space<vmem>>) dst(%dma_wait3A_418 : memref<80x128xf32, #tpu.memory_space<hbm>>)
    %dma_wait3A_419 = arith.constant 0 : i32
    %dma_wait3A_420 = arith.constant 0 : i32
    %dma_wait3A_421 = tpu.memref_slice %arg8[%arg0, %dma_wait3A_419, %dma_wait3A_420] : memref<2x10240x128xf32, #tpu.memory_space<hbm>> -> memref<1x10240x128xf32, #tpu.memory_space<hbm>>
    %dma_wait3A_422 = tpu.memref_squeeze %dma_wait3A_421 : memref<1x10240x128xf32, #tpu.memory_space<hbm>> -> memref<10240x128xf32, #tpu.memory_space<hbm>>
    %dma_wait3A_423 = arith.constant 0 : i32
    %dma_wait3A_424 = tpu.memref_slice %dma_wait3A_422[%add3A_172, %dma_wait3A_423] : memref<10240x128xf32, #tpu.memory_space<hbm>> -> memref<80x128xf32, #tpu.memory_space<hbm>>
    %dma_wait3A_425 = arith.constant 0 : i32
    %dma_wait3A_426 = arith.constant 0 : i32
    %dma_wait3A_427 = tpu.memref_slice %arg8[%arg0, %dma_wait3A_425, %dma_wait3A_426] : memref<2x10240x128xf32, #tpu.memory_space<hbm>> -> memref<1x10240x128xf32, #tpu.memory_space<hbm>>
    %dma_wait3A_428 = tpu.memref_squeeze %dma_wait3A_427 : memref<1x10240x128xf32, #tpu.memory_space<hbm>> -> memref<10240x128xf32, #tpu.memory_space<hbm>>
    %dma_wait3A_429 = arith.constant 0 : i32
    %dma_wait3A_430 = tpu.memref_slice %dma_wait3A_428[%add3A_172, %dma_wait3A_429] : memref<10240x128xf32, #tpu.memory_space<hbm>> -> memref<80x128xf32, #tpu.memory_space<hbm>>
    tpu.wait_dma2 semaphore(%arg24 : memref<!tpu.dma_semaphore, #tpu.memory_space<semaphore_mem>>) src(%arg12 : memref<80x128xf32, #tpu.memory_space<vmem>>) dst(%dma_wait3A_430 : memref<80x128xf32, #tpu.memory_space<hbm>>)
    %dma_wait3A_431 = arith.constant 0 : i32
    %dma_wait3A_432 = arith.constant 0 : i32
    %dma_wait3A_433 = tpu.memref_slice %arg8[%arg0, %dma_wait3A_431, %dma_wait3A_432] : memref<2x10240x128xf32, #tpu.memory_space<hbm>> -> memref<1x10240x128xf32, #tpu.memory_space<hbm>>
    %dma_wait3A_434 = tpu.memref_squeeze %dma_wait3A_433 : memref<1x10240x128xf32, #tpu.memory_space<hbm>> -> memref<10240x128xf32, #tpu.memory_space<hbm>>
    %dma_wait3A_435 = arith.constant 0 : i32
    %dma_wait3A_436 = tpu.memref_slice %dma_wait3A_434[%add3A_174, %dma_wait3A_435] : memref<10240x128xf32, #tpu.memory_space<hbm>> -> memref<80x128xf32, #tpu.memory_space<hbm>>
    %dma_wait3A_437 = arith.constant 0 : i32
    %dma_wait3A_438 = arith.constant 0 : i32
    %dma_wait3A_439 = tpu.memref_slice %arg8[%arg0, %dma_wait3A_437, %dma_wait3A_438] : memref<2x10240x128xf32, #tpu.memory_space<hbm>> -> memref<1x10240x128xf32, #tpu.memory_space<hbm>>
    %dma_wait3A_440 = tpu.memref_squeeze %dma_wait3A_439 : memref<1x10240x128xf32, #tpu.memory_space<hbm>> -> memref<10240x128xf32, #tpu.memory_space<hbm>>
    %dma_wait3A_441 = arith.constant 0 : i32
    %dma_wait3A_442 = tpu.memref_slice %dma_wait3A_440[%add3A_174, %dma_wait3A_441] : memref<10240x128xf32, #tpu.memory_space<hbm>> -> memref<80x128xf32, #tpu.memory_space<hbm>>
    tpu.wait_dma2 semaphore(%arg25 : memref<!tpu.dma_semaphore, #tpu.memory_space<semaphore_mem>>) src(%arg13 : memref<80x128xf32, #tpu.memory_space<vmem>>) dst(%dma_wait3A_442 : memref<80x128xf32, #tpu.memory_space<hbm>>)
    %dma_wait3A_443 = arith.constant 0 : i32
    %dma_wait3A_444 = tpu.memref_slice %arg9[%arg0, %dma_wait3A_443] : memref<2x10240xf32, #tpu.memory_space<hbm>> -> memref<1x10240xf32, #tpu.memory_space<hbm>>
    %dma_wait3A_445 = tpu.memref_squeeze %dma_wait3A_444 : memref<1x10240xf32, #tpu.memory_space<hbm>> -> memref<10240xf32, #tpu.memory_space<hbm>>
    %dma_wait3A_446 = tpu.memref_slice %dma_wait3A_445[%multiple_of3A] : memref<10240xf32, #tpu.memory_space<hbm>> -> memref<640xf32, #tpu.memory_space<hbm>>
    %dma_wait3A_447 = arith.constant 0 : i32
    %dma_wait3A_448 = tpu.memref_slice %arg9[%arg0, %dma_wait3A_447] : memref<2x10240xf32, #tpu.memory_space<hbm>> -> memref<1x10240xf32, #tpu.memory_space<hbm>>
    %dma_wait3A_449 = tpu.memref_squeeze %dma_wait3A_448 : memref<1x10240xf32, #tpu.memory_space<hbm>> -> memref<10240xf32, #tpu.memory_space<hbm>>
    %dma_wait3A_450 = tpu.memref_slice %dma_wait3A_449[%multiple_of3A] : memref<10240xf32, #tpu.memory_space<hbm>> -> memref<640xf32, #tpu.memory_space<hbm>>
    tpu.wait_dma2 semaphore(%arg30 : memref<!tpu.dma_semaphore, #tpu.memory_space<semaphore_mem>>) src(%arg33 : memref<640xf32, #tpu.memory_space<vmem>>) dst(%dma_wait3A_450 : memref<640xf32, #tpu.memory_space<hbm>>)
    return
  }
}

#map = affine_map<(d0, d1) -> (0, 0)>
#map1 = affine_map<(d0, d1) -> (0)>
#map2 = affine_map<(d0, d1) -> (0, 0, 0)>
module attributes {stable_mosaic.version = 14 : i64} {
  func.func @body(%arg0: i32, %arg1: i32, %arg2: memref<10240x128xf32, #tpu.memory_space<hbm>>, %arg3: memref<320000xi32, #tpu.memory_space<hbm>>, %arg4: memref<320000xi32, #tpu.memory_space<hbm>>, %arg5: memref<80x128xf32, #tpu.memory_space<hbm>>, %arg6: memref<80xf32, #tpu.memory_space<hbm>>, %arg7: memref<640xf32, #tpu.memory_space<hbm>>, %arg8: memref<2x10240x128xf32, #tpu.memory_space<hbm>>, %arg9: memref<2x10240xf32, #tpu.memory_space<hbm>>, %arg10: memref<80x128xf32, #tpu.memory_space<vmem>>, %arg11: memref<80x128xf32, #tpu.memory_space<vmem>>, %arg12: memref<80x128xf32, #tpu.memory_space<vmem>>, %arg13: memref<80x128xf32, #tpu.memory_space<vmem>>, %arg14: memref<80xi32, #tpu.memory_space<vmem>>, %arg15: memref<80xi32, #tpu.memory_space<vmem>>, %arg16: memref<80xi32, #tpu.memory_space<vmem>>, %arg17: memref<80xi32, #tpu.memory_space<vmem>>, %arg18: memref<80xi32, #tpu.memory_space<vmem>>, %arg19: memref<80xi32, #tpu.memory_space<vmem>>, %arg20: memref<80xi32, #tpu.memory_space<vmem>>, %arg21: memref<80xi32, #tpu.memory_space<vmem>>, %arg22: memref<!tpu.dma_semaphore, #tpu.memory_space<semaphore_mem>>, %arg23: memref<!tpu.dma_semaphore, #tpu.memory_space<semaphore_mem>>, %arg24: memref<!tpu.dma_semaphore, #tpu.memory_space<semaphore_mem>>, %arg25: memref<!tpu.dma_semaphore, #tpu.memory_space<semaphore_mem>>, %arg26: memref<!tpu.dma_semaphore, #tpu.memory_space<semaphore_mem>>, %arg27: memref<!tpu.dma_semaphore, #tpu.memory_space<semaphore_mem>>, %arg28: memref<!tpu.dma_semaphore, #tpu.memory_space<semaphore_mem>>, %arg29: memref<!tpu.dma_semaphore, #tpu.memory_space<semaphore_mem>>, %arg30: memref<!tpu.dma_semaphore, #tpu.memory_space<semaphore_mem>>, %arg31: memref<10240x128xf32, #tpu.memory_space<vmem_shared>>, %arg32: memref<80xf32, #tpu.memory_space<vmem>>, %arg33: memref<640xf32, #tpu.memory_space<vmem>>, %arg34: memref<10240xf32, #tpu.memory_space<vmem_shared>>) attributes {dimension_semantics = [#tpu.dimension_semantics<core_parallel>, #tpu.dimension_semantics<subcore_parallel>], iteration_bounds = array<i64: 2, 16>, scalar_prefetch = 0 : i64, scratch_operands = 25 : i64, tpu.core_type = #tpu.core_type<sc_vector_subcore>, window_params = [{transform_indices = #map}, {transform_indices = #map1}, {transform_indices = #map1}, {transform_indices = #map}, {transform_indices = #map1}, {transform_indices = #map1}, {transform_indices = #map2}, {transform_indices = #map}]} {
    %mul3A = arith.constant 2 : i32
    %mul3A_0 = arith.muli %arg1, %mul3A : i32
    %add3A = arith.addi %mul3A_0, %arg0 : i32
    %mul3A_1 = arith.constant 640 : i32
    %mul3A_2 = arith.muli %arg1, %mul3A_1 : i32
    %multiple_of3A = tpu.assume_multiple %mul3A_2, 8 : i32
    "tpu.region"() ({
      %run_scoped3A = tpu.sem_alloc : memref<!tpu.dma_semaphore, #tpu.memory_space<semaphore_mem>>
      tpu.enqueue_dma source(%arg5 : memref<80x128xf32, #tpu.memory_space<hbm>>) target(%arg10 : memref<80x128xf32, #tpu.memory_space<vmem>>) target_semaphore(%run_scoped3A : memref<!tpu.dma_semaphore, #tpu.memory_space<semaphore_mem>>)
      tpu.wait_dma2 semaphore(%run_scoped3A : memref<!tpu.dma_semaphore, #tpu.memory_space<semaphore_mem>>) src(%arg5 : memref<80x128xf32, #tpu.memory_space<hbm>>) dst(%arg10 : memref<80x128xf32, #tpu.memory_space<vmem>>)
      tpu.yield
    }) : () -> ()
    %add3A_3 = arith.constant 0 : i32
    %add3A_4 = arith.addi %multiple_of3A, %add3A_3 : i32
    %dma_start3A = arith.constant 0 : i32
    %dma_start3A_5 = tpu.memref_slice %arg31[%add3A_4, %dma_start3A] : memref<10240x128xf32, #tpu.memory_space<vmem_shared>> -> memref<80x128xf32, #tpu.memory_space<vmem_shared>>
    %dma_start3A_6 = arith.constant 0 : i32
    %dma_start3A_7 = tpu.memref_slice %arg31[%add3A_4, %dma_start3A_6] : memref<10240x128xf32, #tpu.memory_space<vmem_shared>> -> memref<80x128xf32, #tpu.memory_space<vmem_shared>>
    tpu.enqueue_dma source(%arg10 : memref<80x128xf32, #tpu.memory_space<vmem>>) target(%dma_start3A_7 : memref<80x128xf32, #tpu.memory_space<vmem_shared>>) target_semaphore(%arg30 : memref<!tpu.dma_semaphore, #tpu.memory_space<semaphore_mem>>)
    %add3A_8 = arith.constant 80 : i32
    %add3A_9 = arith.addi %multiple_of3A, %add3A_8 : i32
    %dma_start3A_10 = arith.constant 0 : i32
    %dma_start3A_11 = tpu.memref_slice %arg31[%add3A_9, %dma_start3A_10] : memref<10240x128xf32, #tpu.memory_space<vmem_shared>> -> memref<80x128xf32, #tpu.memory_space<vmem_shared>>
    %dma_start3A_12 = arith.constant 0 : i32
    %dma_start3A_13 = tpu.memref_slice %arg31[%add3A_9, %dma_start3A_12] : memref<10240x128xf32, #tpu.memory_space<vmem_shared>> -> memref<80x128xf32, #tpu.memory_space<vmem_shared>>
    tpu.enqueue_dma source(%arg10 : memref<80x128xf32, #tpu.memory_space<vmem>>) target(%dma_start3A_13 : memref<80x128xf32, #tpu.memory_space<vmem_shared>>) target_semaphore(%arg30 : memref<!tpu.dma_semaphore, #tpu.memory_space<semaphore_mem>>)
    %add3A_14 = arith.constant 160 : i32
    %add3A_15 = arith.addi %multiple_of3A, %add3A_14 : i32
    %dma_start3A_16 = arith.constant 0 : i32
    %dma_start3A_17 = tpu.memref_slice %arg31[%add3A_15, %dma_start3A_16] : memref<10240x128xf32, #tpu.memory_space<vmem_shared>> -> memref<80x128xf32, #tpu.memory_space<vmem_shared>>
    %dma_start3A_18 = arith.constant 0 : i32
    %dma_start3A_19 = tpu.memref_slice %arg31[%add3A_15, %dma_start3A_18] : memref<10240x128xf32, #tpu.memory_space<vmem_shared>> -> memref<80x128xf32, #tpu.memory_space<vmem_shared>>
    tpu.enqueue_dma source(%arg10 : memref<80x128xf32, #tpu.memory_space<vmem>>) target(%dma_start3A_19 : memref<80x128xf32, #tpu.memory_space<vmem_shared>>) target_semaphore(%arg30 : memref<!tpu.dma_semaphore, #tpu.memory_space<semaphore_mem>>)
    %add3A_20 = arith.constant 240 : i32
    %add3A_21 = arith.addi %multiple_of3A, %add3A_20 : i32
    %dma_start3A_22 = arith.constant 0 : i32
    %dma_start3A_23 = tpu.memref_slice %arg31[%add3A_21, %dma_start3A_22] : memref<10240x128xf32, #tpu.memory_space<vmem_shared>> -> memref<80x128xf32, #tpu.memory_space<vmem_shared>>
    %dma_start3A_24 = arith.constant 0 : i32
    %dma_start3A_25 = tpu.memref_slice %arg31[%add3A_21, %dma_start3A_24] : memref<10240x128xf32, #tpu.memory_space<vmem_shared>> -> memref<80x128xf32, #tpu.memory_space<vmem_shared>>
    tpu.enqueue_dma source(%arg10 : memref<80x128xf32, #tpu.memory_space<vmem>>) target(%dma_start3A_25 : memref<80x128xf32, #tpu.memory_space<vmem_shared>>) target_semaphore(%arg30 : memref<!tpu.dma_semaphore, #tpu.memory_space<semaphore_mem>>)
    %add3A_26 = arith.constant 320 : i32
    %add3A_27 = arith.addi %multiple_of3A, %add3A_26 : i32
    %dma_start3A_28 = arith.constant 0 : i32
    %dma_start3A_29 = tpu.memref_slice %arg31[%add3A_27, %dma_start3A_28] : memref<10240x128xf32, #tpu.memory_space<vmem_shared>> -> memref<80x128xf32, #tpu.memory_space<vmem_shared>>
    %dma_start3A_30 = arith.constant 0 : i32
    %dma_start3A_31 = tpu.memref_slice %arg31[%add3A_27, %dma_start3A_30] : memref<10240x128xf32, #tpu.memory_space<vmem_shared>> -> memref<80x128xf32, #tpu.memory_space<vmem_shared>>
    tpu.enqueue_dma source(%arg10 : memref<80x128xf32, #tpu.memory_space<vmem>>) target(%dma_start3A_31 : memref<80x128xf32, #tpu.memory_space<vmem_shared>>) target_semaphore(%arg30 : memref<!tpu.dma_semaphore, #tpu.memory_space<semaphore_mem>>)
    %add3A_32 = arith.constant 400 : i32
    %add3A_33 = arith.addi %multiple_of3A, %add3A_32 : i32
    %dma_start3A_34 = arith.constant 0 : i32
    %dma_start3A_35 = tpu.memref_slice %arg31[%add3A_33, %dma_start3A_34] : memref<10240x128xf32, #tpu.memory_space<vmem_shared>> -> memref<80x128xf32, #tpu.memory_space<vmem_shared>>
    %dma_start3A_36 = arith.constant 0 : i32
    %dma_start3A_37 = tpu.memref_slice %arg31[%add3A_33, %dma_start3A_36] : memref<10240x128xf32, #tpu.memory_space<vmem_shared>> -> memref<80x128xf32, #tpu.memory_space<vmem_shared>>
    tpu.enqueue_dma source(%arg10 : memref<80x128xf32, #tpu.memory_space<vmem>>) target(%dma_start3A_37 : memref<80x128xf32, #tpu.memory_space<vmem_shared>>) target_semaphore(%arg30 : memref<!tpu.dma_semaphore, #tpu.memory_space<semaphore_mem>>)
    %add3A_38 = arith.constant 480 : i32
    %add3A_39 = arith.addi %multiple_of3A, %add3A_38 : i32
    %dma_start3A_40 = arith.constant 0 : i32
    %dma_start3A_41 = tpu.memref_slice %arg31[%add3A_39, %dma_start3A_40] : memref<10240x128xf32, #tpu.memory_space<vmem_shared>> -> memref<80x128xf32, #tpu.memory_space<vmem_shared>>
    %dma_start3A_42 = arith.constant 0 : i32
    %dma_start3A_43 = tpu.memref_slice %arg31[%add3A_39, %dma_start3A_42] : memref<10240x128xf32, #tpu.memory_space<vmem_shared>> -> memref<80x128xf32, #tpu.memory_space<vmem_shared>>
    tpu.enqueue_dma source(%arg10 : memref<80x128xf32, #tpu.memory_space<vmem>>) target(%dma_start3A_43 : memref<80x128xf32, #tpu.memory_space<vmem_shared>>) target_semaphore(%arg30 : memref<!tpu.dma_semaphore, #tpu.memory_space<semaphore_mem>>)
    %add3A_44 = arith.constant 560 : i32
    %add3A_45 = arith.addi %multiple_of3A, %add3A_44 : i32
    %dma_start3A_46 = arith.constant 0 : i32
    %dma_start3A_47 = tpu.memref_slice %arg31[%add3A_45, %dma_start3A_46] : memref<10240x128xf32, #tpu.memory_space<vmem_shared>> -> memref<80x128xf32, #tpu.memory_space<vmem_shared>>
    %dma_start3A_48 = arith.constant 0 : i32
    %dma_start3A_49 = tpu.memref_slice %arg31[%add3A_45, %dma_start3A_48] : memref<10240x128xf32, #tpu.memory_space<vmem_shared>> -> memref<80x128xf32, #tpu.memory_space<vmem_shared>>
    tpu.enqueue_dma source(%arg10 : memref<80x128xf32, #tpu.memory_space<vmem>>) target(%dma_start3A_49 : memref<80x128xf32, #tpu.memory_space<vmem_shared>>) target_semaphore(%arg30 : memref<!tpu.dma_semaphore, #tpu.memory_space<semaphore_mem>>)
    "tpu.region"() ({
      %run_scoped3A = tpu.sem_alloc : memref<!tpu.dma_semaphore, #tpu.memory_space<semaphore_mem>>
      tpu.enqueue_dma source(%arg6 : memref<80xf32, #tpu.memory_space<hbm>>) target(%arg32 : memref<80xf32, #tpu.memory_space<vmem>>) target_semaphore(%run_scoped3A : memref<!tpu.dma_semaphore, #tpu.memory_space<semaphore_mem>>)
      tpu.wait_dma2 semaphore(%run_scoped3A : memref<!tpu.dma_semaphore, #tpu.memory_space<semaphore_mem>>) src(%arg6 : memref<80xf32, #tpu.memory_space<hbm>>) dst(%arg32 : memref<80xf32, #tpu.memory_space<vmem>>)
      tpu.yield
    }) : () -> ()
    "tpu.region"() ({
      %run_scoped3A = tpu.sem_alloc : memref<!tpu.dma_semaphore, #tpu.memory_space<semaphore_mem>>
      tpu.enqueue_dma source(%arg7 : memref<640xf32, #tpu.memory_space<hbm>>) target(%arg33 : memref<640xf32, #tpu.memory_space<vmem>>) target_semaphore(%run_scoped3A : memref<!tpu.dma_semaphore, #tpu.memory_space<semaphore_mem>>)
      tpu.wait_dma2 semaphore(%run_scoped3A : memref<!tpu.dma_semaphore, #tpu.memory_space<semaphore_mem>>) src(%arg7 : memref<640xf32, #tpu.memory_space<hbm>>) dst(%arg33 : memref<640xf32, #tpu.memory_space<vmem>>)
      tpu.yield
    }) : () -> ()
    %dma_start3A_50 = tpu.memref_slice %arg34[%multiple_of3A] : memref<10240xf32, #tpu.memory_space<vmem_shared>> -> memref<640xf32, #tpu.memory_space<vmem_shared>>
    %dma_start3A_51 = tpu.memref_slice %arg34[%multiple_of3A] : memref<10240xf32, #tpu.memory_space<vmem_shared>> -> memref<640xf32, #tpu.memory_space<vmem_shared>>
    tpu.enqueue_dma source(%arg33 : memref<640xf32, #tpu.memory_space<vmem>>) target(%dma_start3A_51 : memref<640xf32, #tpu.memory_space<vmem_shared>>) target_semaphore(%arg30 : memref<!tpu.dma_semaphore, #tpu.memory_space<semaphore_mem>>)
    %add3A_52 = arith.constant 0 : i32
    %add3A_53 = arith.addi %multiple_of3A, %add3A_52 : i32
    %dma_wait3A = arith.constant 0 : i32
    %dma_wait3A_54 = tpu.memref_slice %arg31[%add3A_53, %dma_wait3A] : memref<10240x128xf32, #tpu.memory_space<vmem_shared>> -> memref<80x128xf32, #tpu.memory_space<vmem_shared>>
    %dma_wait3A_55 = arith.constant 0 : i32
    %dma_wait3A_56 = tpu.memref_slice %arg31[%add3A_53, %dma_wait3A_55] : memref<10240x128xf32, #tpu.memory_space<vmem_shared>> -> memref<80x128xf32, #tpu.memory_space<vmem_shared>>
    tpu.wait_dma2 semaphore(%arg30 : memref<!tpu.dma_semaphore, #tpu.memory_space<semaphore_mem>>) src(%arg10 : memref<80x128xf32, #tpu.memory_space<vmem>>) dst(%dma_wait3A_56 : memref<80x128xf32, #tpu.memory_space<vmem_shared>>)
    %add3A_57 = arith.constant 80 : i32
    %add3A_58 = arith.addi %multiple_of3A, %add3A_57 : i32
    %dma_wait3A_59 = arith.constant 0 : i32
    %dma_wait3A_60 = tpu.memref_slice %arg31[%add3A_58, %dma_wait3A_59] : memref<10240x128xf32, #tpu.memory_space<vmem_shared>> -> memref<80x128xf32, #tpu.memory_space<vmem_shared>>
    %dma_wait3A_61 = arith.constant 0 : i32
    %dma_wait3A_62 = tpu.memref_slice %arg31[%add3A_58, %dma_wait3A_61] : memref<10240x128xf32, #tpu.memory_space<vmem_shared>> -> memref<80x128xf32, #tpu.memory_space<vmem_shared>>
    tpu.wait_dma2 semaphore(%arg30 : memref<!tpu.dma_semaphore, #tpu.memory_space<semaphore_mem>>) src(%arg10 : memref<80x128xf32, #tpu.memory_space<vmem>>) dst(%dma_wait3A_62 : memref<80x128xf32, #tpu.memory_space<vmem_shared>>)
    %add3A_63 = arith.constant 160 : i32
    %add3A_64 = arith.addi %multiple_of3A, %add3A_63 : i32
    %dma_wait3A_65 = arith.constant 0 : i32
    %dma_wait3A_66 = tpu.memref_slice %arg31[%add3A_64, %dma_wait3A_65] : memref<10240x128xf32, #tpu.memory_space<vmem_shared>> -> memref<80x128xf32, #tpu.memory_space<vmem_shared>>
    %dma_wait3A_67 = arith.constant 0 : i32
    %dma_wait3A_68 = tpu.memref_slice %arg31[%add3A_64, %dma_wait3A_67] : memref<10240x128xf32, #tpu.memory_space<vmem_shared>> -> memref<80x128xf32, #tpu.memory_space<vmem_shared>>
    tpu.wait_dma2 semaphore(%arg30 : memref<!tpu.dma_semaphore, #tpu.memory_space<semaphore_mem>>) src(%arg10 : memref<80x128xf32, #tpu.memory_space<vmem>>) dst(%dma_wait3A_68 : memref<80x128xf32, #tpu.memory_space<vmem_shared>>)
    %add3A_69 = arith.constant 240 : i32
    %add3A_70 = arith.addi %multiple_of3A, %add3A_69 : i32
    %dma_wait3A_71 = arith.constant 0 : i32
    %dma_wait3A_72 = tpu.memref_slice %arg31[%add3A_70, %dma_wait3A_71] : memref<10240x128xf32, #tpu.memory_space<vmem_shared>> -> memref<80x128xf32, #tpu.memory_space<vmem_shared>>
    %dma_wait3A_73 = arith.constant 0 : i32
    %dma_wait3A_74 = tpu.memref_slice %arg31[%add3A_70, %dma_wait3A_73] : memref<10240x128xf32, #tpu.memory_space<vmem_shared>> -> memref<80x128xf32, #tpu.memory_space<vmem_shared>>
    tpu.wait_dma2 semaphore(%arg30 : memref<!tpu.dma_semaphore, #tpu.memory_space<semaphore_mem>>) src(%arg10 : memref<80x128xf32, #tpu.memory_space<vmem>>) dst(%dma_wait3A_74 : memref<80x128xf32, #tpu.memory_space<vmem_shared>>)
    %add3A_75 = arith.constant 320 : i32
    %add3A_76 = arith.addi %multiple_of3A, %add3A_75 : i32
    %dma_wait3A_77 = arith.constant 0 : i32
    %dma_wait3A_78 = tpu.memref_slice %arg31[%add3A_76, %dma_wait3A_77] : memref<10240x128xf32, #tpu.memory_space<vmem_shared>> -> memref<80x128xf32, #tpu.memory_space<vmem_shared>>
    %dma_wait3A_79 = arith.constant 0 : i32
    %dma_wait3A_80 = tpu.memref_slice %arg31[%add3A_76, %dma_wait3A_79] : memref<10240x128xf32, #tpu.memory_space<vmem_shared>> -> memref<80x128xf32, #tpu.memory_space<vmem_shared>>
    tpu.wait_dma2 semaphore(%arg30 : memref<!tpu.dma_semaphore, #tpu.memory_space<semaphore_mem>>) src(%arg10 : memref<80x128xf32, #tpu.memory_space<vmem>>) dst(%dma_wait3A_80 : memref<80x128xf32, #tpu.memory_space<vmem_shared>>)
    %add3A_81 = arith.constant 400 : i32
    %add3A_82 = arith.addi %multiple_of3A, %add3A_81 : i32
    %dma_wait3A_83 = arith.constant 0 : i32
    %dma_wait3A_84 = tpu.memref_slice %arg31[%add3A_82, %dma_wait3A_83] : memref<10240x128xf32, #tpu.memory_space<vmem_shared>> -> memref<80x128xf32, #tpu.memory_space<vmem_shared>>
    %dma_wait3A_85 = arith.constant 0 : i32
    %dma_wait3A_86 = tpu.memref_slice %arg31[%add3A_82, %dma_wait3A_85] : memref<10240x128xf32, #tpu.memory_space<vmem_shared>> -> memref<80x128xf32, #tpu.memory_space<vmem_shared>>
    tpu.wait_dma2 semaphore(%arg30 : memref<!tpu.dma_semaphore, #tpu.memory_space<semaphore_mem>>) src(%arg10 : memref<80x128xf32, #tpu.memory_space<vmem>>) dst(%dma_wait3A_86 : memref<80x128xf32, #tpu.memory_space<vmem_shared>>)
    %add3A_87 = arith.constant 480 : i32
    %add3A_88 = arith.addi %multiple_of3A, %add3A_87 : i32
    %dma_wait3A_89 = arith.constant 0 : i32
    %dma_wait3A_90 = tpu.memref_slice %arg31[%add3A_88, %dma_wait3A_89] : memref<10240x128xf32, #tpu.memory_space<vmem_shared>> -> memref<80x128xf32, #tpu.memory_space<vmem_shared>>
    %dma_wait3A_91 = arith.constant 0 : i32
    %dma_wait3A_92 = tpu.memref_slice %arg31[%add3A_88, %dma_wait3A_91] : memref<10240x128xf32, #tpu.memory_space<vmem_shared>> -> memref<80x128xf32, #tpu.memory_space<vmem_shared>>
    tpu.wait_dma2 semaphore(%arg30 : memref<!tpu.dma_semaphore, #tpu.memory_space<semaphore_mem>>) src(%arg10 : memref<80x128xf32, #tpu.memory_space<vmem>>) dst(%dma_wait3A_92 : memref<80x128xf32, #tpu.memory_space<vmem_shared>>)
    %add3A_93 = arith.constant 560 : i32
    %add3A_94 = arith.addi %multiple_of3A, %add3A_93 : i32
    %dma_wait3A_95 = arith.constant 0 : i32
    %dma_wait3A_96 = tpu.memref_slice %arg31[%add3A_94, %dma_wait3A_95] : memref<10240x128xf32, #tpu.memory_space<vmem_shared>> -> memref<80x128xf32, #tpu.memory_space<vmem_shared>>
    %dma_wait3A_97 = arith.constant 0 : i32
    %dma_wait3A_98 = tpu.memref_slice %arg31[%add3A_94, %dma_wait3A_97] : memref<10240x128xf32, #tpu.memory_space<vmem_shared>> -> memref<80x128xf32, #tpu.memory_space<vmem_shared>>
    tpu.wait_dma2 semaphore(%arg30 : memref<!tpu.dma_semaphore, #tpu.memory_space<semaphore_mem>>) src(%arg10 : memref<80x128xf32, #tpu.memory_space<vmem>>) dst(%dma_wait3A_98 : memref<80x128xf32, #tpu.memory_space<vmem_shared>>)
    %dma_wait3A_99 = tpu.memref_slice %arg34[%multiple_of3A] : memref<10240xf32, #tpu.memory_space<vmem_shared>> -> memref<640xf32, #tpu.memory_space<vmem_shared>>
    %dma_wait3A_100 = tpu.memref_slice %arg34[%multiple_of3A] : memref<10240xf32, #tpu.memory_space<vmem_shared>> -> memref<640xf32, #tpu.memory_space<vmem_shared>>
    tpu.wait_dma2 semaphore(%arg30 : memref<!tpu.dma_semaphore, #tpu.memory_space<semaphore_mem>>) src(%arg33 : memref<640xf32, #tpu.memory_space<vmem>>) dst(%dma_wait3A_100 : memref<640xf32, #tpu.memory_space<vmem_shared>>)
    %barrier3A = arith.constant 0 : index
    tpu.barrier barrier_id(%barrier3A)
    %mul3A_101 = arith.constant 10000 : i32
    %mul3A_102 = arith.muli %add3A, %mul3A_101 : i32
    "tpu.region"() ({
      %run_scoped3A = tpu.sem_alloc : memref<!tpu.dma_semaphore, #tpu.memory_space<semaphore_mem>>
      %dma_start3A_451 = tpu.memref_slice %arg3[%mul3A_102] : memref<320000xi32, #tpu.memory_space<hbm>> -> memref<80xi32, #tpu.memory_space<hbm>>
      %dma_start3A_452 = tpu.memref_slice %arg3[%mul3A_102] : memref<320000xi32, #tpu.memory_space<hbm>> -> memref<80xi32, #tpu.memory_space<hbm>>
      tpu.enqueue_dma source(%dma_start3A_452 : memref<80xi32, #tpu.memory_space<hbm>>) target(%arg14 : memref<80xi32, #tpu.memory_space<vmem>>) target_semaphore(%run_scoped3A : memref<!tpu.dma_semaphore, #tpu.memory_space<semaphore_mem>>)
      %dma_wait3A_453 = tpu.memref_slice %arg3[%mul3A_102] : memref<320000xi32, #tpu.memory_space<hbm>> -> memref<80xi32, #tpu.memory_space<hbm>>
      %dma_wait3A_454 = tpu.memref_slice %arg3[%mul3A_102] : memref<320000xi32, #tpu.memory_space<hbm>> -> memref<80xi32, #tpu.memory_space<hbm>>
      tpu.wait_dma2 semaphore(%run_scoped3A : memref<!tpu.dma_semaphore, #tpu.memory_space<semaphore_mem>>) src(%dma_wait3A_454 : memref<80xi32, #tpu.memory_space<hbm>>) dst(%arg14 : memref<80xi32, #tpu.memory_space<vmem>>)
      tpu.yield
    }) : () -> ()
    %add3A_103 = arith.constant 80 : i32
    %add3A_104 = arith.addi %mul3A_102, %add3A_103 : i32
    "tpu.region"() ({
      %run_scoped3A = tpu.sem_alloc : memref<!tpu.dma_semaphore, #tpu.memory_space<semaphore_mem>>
      %dma_start3A_451 = tpu.memref_slice %arg3[%add3A_104] : memref<320000xi32, #tpu.memory_space<hbm>> -> memref<80xi32, #tpu.memory_space<hbm>>
      %dma_start3A_452 = tpu.memref_slice %arg3[%add3A_104] : memref<320000xi32, #tpu.memory_space<hbm>> -> memref<80xi32, #tpu.memory_space<hbm>>
      tpu.enqueue_dma source(%dma_start3A_452 : memref<80xi32, #tpu.memory_space<hbm>>) target(%arg15 : memref<80xi32, #tpu.memory_space<vmem>>) target_semaphore(%run_scoped3A : memref<!tpu.dma_semaphore, #tpu.memory_space<semaphore_mem>>)
      %dma_wait3A_453 = tpu.memref_slice %arg3[%add3A_104] : memref<320000xi32, #tpu.memory_space<hbm>> -> memref<80xi32, #tpu.memory_space<hbm>>
      %dma_wait3A_454 = tpu.memref_slice %arg3[%add3A_104] : memref<320000xi32, #tpu.memory_space<hbm>> -> memref<80xi32, #tpu.memory_space<hbm>>
      tpu.wait_dma2 semaphore(%run_scoped3A : memref<!tpu.dma_semaphore, #tpu.memory_space<semaphore_mem>>) src(%dma_wait3A_454 : memref<80xi32, #tpu.memory_space<hbm>>) dst(%arg15 : memref<80xi32, #tpu.memory_space<vmem>>)
      tpu.yield
    }) : () -> ()
    %dma_start3A_105 = tpu.memref_slice %arg4[%mul3A_102] : memref<320000xi32, #tpu.memory_space<hbm>> -> memref<80xi32, #tpu.memory_space<hbm>>
    %dma_start3A_106 = tpu.memref_slice %arg4[%mul3A_102] : memref<320000xi32, #tpu.memory_space<hbm>> -> memref<80xi32, #tpu.memory_space<hbm>>
    tpu.enqueue_dma source(%dma_start3A_106 : memref<80xi32, #tpu.memory_space<hbm>>) target(%arg18 : memref<80xi32, #tpu.memory_space<vmem>>) target_semaphore(%arg26 : memref<!tpu.dma_semaphore, #tpu.memory_space<semaphore_mem>>)
    %add3A_107 = arith.constant 80 : i32
    %add3A_108 = arith.addi %mul3A_102, %add3A_107 : i32
    %dma_start3A_109 = tpu.memref_slice %arg4[%add3A_108] : memref<320000xi32, #tpu.memory_space<hbm>> -> memref<80xi32, #tpu.memory_space<hbm>>
    %dma_start3A_110 = tpu.memref_slice %arg4[%add3A_108] : memref<320000xi32, #tpu.memory_space<hbm>> -> memref<80xi32, #tpu.memory_space<hbm>>
    tpu.enqueue_dma source(%dma_start3A_110 : memref<80xi32, #tpu.memory_space<hbm>>) target(%arg19 : memref<80xi32, #tpu.memory_space<vmem>>) target_semaphore(%arg27 : memref<!tpu.dma_semaphore, #tpu.memory_space<semaphore_mem>>)
    %dma_start3A_111 = arith.constant 0 : i32
    %dma_start3A_112 = arith.constant 0 : i32
    %dma_start3A_113 = tpu.memref_slice %arg2[%dma_start3A_111, %dma_start3A_112] : memref<10240x128xf32, #tpu.memory_space<hbm>> -> memref<10240x128xf32, #tpu.memory_space<hbm>>
    tpu.enqueue_indirect_dma source(%dma_start3A_113 : memref<10240x128xf32, #tpu.memory_space<hbm>>) target(%arg10 : memref<80x128xf32, #tpu.memory_space<vmem>>) offsets(%arg14 : memref<80xi32, #tpu.memory_space<vmem>>) semaphore(%arg22 : memref<!tpu.dma_semaphore, #tpu.memory_space<semaphore_mem>>)
    %dma_start3A_114 = arith.constant 0 : i32
    %dma_start3A_115 = arith.constant 0 : i32
    %dma_start3A_116 = tpu.memref_slice %arg2[%dma_start3A_114, %dma_start3A_115] : memref<10240x128xf32, #tpu.memory_space<hbm>> -> memref<10240x128xf32, #tpu.memory_space<hbm>>
    tpu.enqueue_indirect_dma source(%dma_start3A_116 : memref<10240x128xf32, #tpu.memory_space<hbm>>) target(%arg11 : memref<80x128xf32, #tpu.memory_space<vmem>>) offsets(%arg15 : memref<80xi32, #tpu.memory_space<vmem>>) semaphore(%arg23 : memref<!tpu.dma_semaphore, #tpu.memory_space<semaphore_mem>>)
    %add3A_117 = arith.constant 160 : i32
    %add3A_118 = arith.addi %mul3A_102, %add3A_117 : i32
    %dma_start3A_119 = tpu.memref_slice %arg3[%add3A_118] : memref<320000xi32, #tpu.memory_space<hbm>> -> memref<80xi32, #tpu.memory_space<hbm>>
    %dma_start3A_120 = tpu.memref_slice %arg3[%add3A_118] : memref<320000xi32, #tpu.memory_space<hbm>> -> memref<80xi32, #tpu.memory_space<hbm>>
    tpu.enqueue_dma source(%dma_start3A_120 : memref<80xi32, #tpu.memory_space<hbm>>) target(%arg16 : memref<80xi32, #tpu.memory_space<vmem>>) target_semaphore(%arg30 : memref<!tpu.dma_semaphore, #tpu.memory_space<semaphore_mem>>)
    %add3A_121 = arith.constant 240 : i32
    %add3A_122 = arith.addi %mul3A_102, %add3A_121 : i32
    %dma_start3A_123 = tpu.memref_slice %arg3[%add3A_122] : memref<320000xi32, #tpu.memory_space<hbm>> -> memref<80xi32, #tpu.memory_space<hbm>>
    %dma_start3A_124 = tpu.memref_slice %arg3[%add3A_122] : memref<320000xi32, #tpu.memory_space<hbm>> -> memref<80xi32, #tpu.memory_space<hbm>>
    tpu.enqueue_dma source(%dma_start3A_124 : memref<80xi32, #tpu.memory_space<hbm>>) target(%arg17 : memref<80xi32, #tpu.memory_space<vmem>>) target_semaphore(%arg30 : memref<!tpu.dma_semaphore, #tpu.memory_space<semaphore_mem>>)
    %scan3A = arith.constant 0 : i32
    %scan3A_125 = arith.constant 0 : i32
    %scan3A_126 = arith.constant 31 : i32
    %scan3A_127 = arith.addi %scan3A_125, %scan3A_126 : i32
    %scan3A_128 = arith.constant 1 : i32
    %scan3A_129 = scf.for %scan3A_451 = %scan3A_125 to %scan3A_127 step %scan3A_128 iter_args(%scan3A_452 = %scan3A) -> (i32)  : i32 {
      %mul3A_453 = arith.constant 4 : i32
      %mul3A_454 = arith.muli %mul3A_453, %scan3A_451 : i32
      %add3A_455 = arith.constant 0 : i32
      %add3A_456 = arith.addi %mul3A_454, %add3A_455 : i32
      %mul3A_457 = arith.constant 80 : i32
      %mul3A_458 = arith.muli %add3A_456, %mul3A_457 : i32
      %add3A_459 = arith.addi %mul3A_102, %mul3A_458 : i32
      %add3A_460 = arith.constant 160 : i32
      %add3A_461 = arith.addi %add3A_459, %add3A_460 : i32
      %add3A_462 = arith.constant 320 : i32
      %add3A_463 = arith.addi %add3A_459, %add3A_462 : i32
      %gt3A = arith.constant 0 : i32
      %gt3A_464 = arith.cmpi sgt, %scan3A_451, %gt3A : i32
      %convert_element_type3A = arith.extui %gt3A_464 : i1 to i32
      %cond3A = arith.constant 0 : i32
      %cond3A_465 = arith.cmpi ne, %convert_element_type3A, %cond3A : i32
      scf.if %cond3A_465 {
        %dma_wait3A_597 = arith.constant 0 : i32
        %dma_wait3A_598 = arith.constant 0 : i32
        %dma_wait3A_599 = tpu.memref_slice %arg31[%dma_wait3A_597, %dma_wait3A_598] : memref<10240x128xf32, #tpu.memory_space<vmem_shared>> -> memref<10240x128xf32, #tpu.memory_space<vmem_shared>>
        tpu.wait_indirect_dma semaphore(%arg28 : memref<!tpu.dma_semaphore, #tpu.memory_space<semaphore_mem>>) src(%arg12 : memref<80x128xf32, #tpu.memory_space<vmem>>) dst(%dma_wait3A_599 : memref<10240x128xf32, #tpu.memory_space<vmem_shared>>)
        %dma_wait3A_600 = arith.constant 0 : i32
        %dma_wait3A_601 = tpu.memref_slice %arg34[%dma_wait3A_600] : memref<10240xf32, #tpu.memory_space<vmem_shared>> -> memref<10240xf32, #tpu.memory_space<vmem_shared>>
        tpu.wait_indirect_dma semaphore(%arg28 : memref<!tpu.dma_semaphore, #tpu.memory_space<semaphore_mem>>) src(%arg32 : memref<80xf32, #tpu.memory_space<vmem>>) dst(%dma_wait3A_601 : memref<10240xf32, #tpu.memory_space<vmem_shared>>)
      } else {
      }
      %dma_start3A_466 = tpu.memref_slice %arg4[%add3A_461] : memref<320000xi32, #tpu.memory_space<hbm>> -> memref<80xi32, #tpu.memory_space<hbm>>
      %dma_start3A_467 = tpu.memref_slice %arg4[%add3A_461] : memref<320000xi32, #tpu.memory_space<hbm>> -> memref<80xi32, #tpu.memory_space<hbm>>
      tpu.enqueue_dma source(%dma_start3A_467 : memref<80xi32, #tpu.memory_space<hbm>>) target(%arg20 : memref<80xi32, #tpu.memory_space<vmem>>) target_semaphore(%arg28 : memref<!tpu.dma_semaphore, #tpu.memory_space<semaphore_mem>>)
      %dma_wait3A_468 = tpu.memref_slice %arg3[%add3A_461] : memref<320000xi32, #tpu.memory_space<hbm>> -> memref<80xi32, #tpu.memory_space<hbm>>
      %dma_wait3A_469 = tpu.memref_slice %arg3[%add3A_461] : memref<320000xi32, #tpu.memory_space<hbm>> -> memref<80xi32, #tpu.memory_space<hbm>>
      tpu.wait_dma2 semaphore(%arg30 : memref<!tpu.dma_semaphore, #tpu.memory_space<semaphore_mem>>) src(%dma_wait3A_469 : memref<80xi32, #tpu.memory_space<hbm>>) dst(%arg16 : memref<80xi32, #tpu.memory_space<vmem>>)
      %dma_start3A_470 = arith.constant 0 : i32
      %dma_start3A_471 = arith.constant 0 : i32
      %dma_start3A_472 = tpu.memref_slice %arg2[%dma_start3A_470, %dma_start3A_471] : memref<10240x128xf32, #tpu.memory_space<hbm>> -> memref<10240x128xf32, #tpu.memory_space<hbm>>
      tpu.enqueue_indirect_dma source(%dma_start3A_472 : memref<10240x128xf32, #tpu.memory_space<hbm>>) target(%arg12 : memref<80x128xf32, #tpu.memory_space<vmem>>) offsets(%arg16 : memref<80xi32, #tpu.memory_space<vmem>>) semaphore(%arg24 : memref<!tpu.dma_semaphore, #tpu.memory_space<semaphore_mem>>)
      %dma_wait3A_473 = arith.constant 0 : i32
      %dma_wait3A_474 = arith.constant 0 : i32
      %dma_wait3A_475 = tpu.memref_slice %arg2[%dma_wait3A_473, %dma_wait3A_474] : memref<10240x128xf32, #tpu.memory_space<hbm>> -> memref<10240x128xf32, #tpu.memory_space<hbm>>
      tpu.wait_indirect_dma semaphore(%arg22 : memref<!tpu.dma_semaphore, #tpu.memory_space<semaphore_mem>>) src(%dma_wait3A_475 : memref<10240x128xf32, #tpu.memory_space<hbm>>) dst(%arg10 : memref<80x128xf32, #tpu.memory_space<vmem>>)
      %dma_start3A_476 = tpu.memref_slice %arg3[%add3A_463] : memref<320000xi32, #tpu.memory_space<hbm>> -> memref<80xi32, #tpu.memory_space<hbm>>
      %dma_start3A_477 = tpu.memref_slice %arg3[%add3A_463] : memref<320000xi32, #tpu.memory_space<hbm>> -> memref<80xi32, #tpu.memory_space<hbm>>
      tpu.enqueue_dma source(%dma_start3A_477 : memref<80xi32, #tpu.memory_space<hbm>>) target(%arg14 : memref<80xi32, #tpu.memory_space<vmem>>) target_semaphore(%arg30 : memref<!tpu.dma_semaphore, #tpu.memory_space<semaphore_mem>>)
      %dma_wait3A_478 = tpu.memref_slice %arg4[%add3A_459] : memref<320000xi32, #tpu.memory_space<hbm>> -> memref<80xi32, #tpu.memory_space<hbm>>
      %dma_wait3A_479 = tpu.memref_slice %arg4[%add3A_459] : memref<320000xi32, #tpu.memory_space<hbm>> -> memref<80xi32, #tpu.memory_space<hbm>>
      tpu.wait_dma2 semaphore(%arg26 : memref<!tpu.dma_semaphore, #tpu.memory_space<semaphore_mem>>) src(%dma_wait3A_479 : memref<80xi32, #tpu.memory_space<hbm>>) dst(%arg18 : memref<80xi32, #tpu.memory_space<vmem>>)
      %dma_start3A_480 = arith.constant 0 : i32
      %dma_start3A_481 = arith.constant 0 : i32
      %dma_start3A_482 = tpu.memref_slice %arg31[%dma_start3A_480, %dma_start3A_481] : memref<10240x128xf32, #tpu.memory_space<vmem_shared>> -> memref<10240x128xf32, #tpu.memory_space<vmem_shared>>
      tpu.enqueue_indirect_dma source(%arg10 : memref<80x128xf32, #tpu.memory_space<vmem>>) target(%dma_start3A_482 : memref<10240x128xf32, #tpu.memory_space<vmem_shared>>) offsets(%arg18 : memref<80xi32, #tpu.memory_space<vmem>>) semaphore(%arg26 : memref<!tpu.dma_semaphore, #tpu.memory_space<semaphore_mem>>) {add = true}
      %dma_start3A_483 = arith.constant 0 : i32
      %dma_start3A_484 = tpu.memref_slice %arg34[%dma_start3A_483] : memref<10240xf32, #tpu.memory_space<vmem_shared>> -> memref<10240xf32, #tpu.memory_space<vmem_shared>>
      tpu.enqueue_indirect_dma source(%arg32 : memref<80xf32, #tpu.memory_space<vmem>>) target(%dma_start3A_484 : memref<10240xf32, #tpu.memory_space<vmem_shared>>) offsets(%arg18 : memref<80xi32, #tpu.memory_space<vmem>>) semaphore(%arg26 : memref<!tpu.dma_semaphore, #tpu.memory_space<semaphore_mem>>) {add = true}
      %mul3A_485 = arith.constant 4 : i32
      %mul3A_486 = arith.muli %mul3A_485, %scan3A_451 : i32
      %add3A_487 = arith.constant 1 : i32
      %add3A_488 = arith.addi %mul3A_486, %add3A_487 : i32
      %mul3A_489 = arith.constant 80 : i32
      %mul3A_490 = arith.muli %add3A_488, %mul3A_489 : i32
      %add3A_491 = arith.addi %mul3A_102, %mul3A_490 : i32
      %add3A_492 = arith.constant 160 : i32
      %add3A_493 = arith.addi %add3A_491, %add3A_492 : i32
      %add3A_494 = arith.constant 320 : i32
      %add3A_495 = arith.addi %add3A_491, %add3A_494 : i32
      %gt3A_496 = arith.constant 0 : i32
      %gt3A_497 = arith.cmpi sgt, %scan3A_451, %gt3A_496 : i32
      %convert_element_type3A_498 = arith.extui %gt3A_497 : i1 to i32
      %cond3A_499 = arith.constant 0 : i32
      %cond3A_500 = arith.cmpi ne, %convert_element_type3A_498, %cond3A_499 : i32
      scf.if %cond3A_500 {
        %dma_wait3A_597 = arith.constant 0 : i32
        %dma_wait3A_598 = arith.constant 0 : i32
        %dma_wait3A_599 = tpu.memref_slice %arg31[%dma_wait3A_597, %dma_wait3A_598] : memref<10240x128xf32, #tpu.memory_space<vmem_shared>> -> memref<10240x128xf32, #tpu.memory_space<vmem_shared>>
        tpu.wait_indirect_dma semaphore(%arg29 : memref<!tpu.dma_semaphore, #tpu.memory_space<semaphore_mem>>) src(%arg13 : memref<80x128xf32, #tpu.memory_space<vmem>>) dst(%dma_wait3A_599 : memref<10240x128xf32, #tpu.memory_space<vmem_shared>>)
        %dma_wait3A_600 = arith.constant 0 : i32
        %dma_wait3A_601 = tpu.memref_slice %arg34[%dma_wait3A_600] : memref<10240xf32, #tpu.memory_space<vmem_shared>> -> memref<10240xf32, #tpu.memory_space<vmem_shared>>
        tpu.wait_indirect_dma semaphore(%arg29 : memref<!tpu.dma_semaphore, #tpu.memory_space<semaphore_mem>>) src(%arg32 : memref<80xf32, #tpu.memory_space<vmem>>) dst(%dma_wait3A_601 : memref<10240xf32, #tpu.memory_space<vmem_shared>>)
      } else {
      }
      %dma_start3A_501 = tpu.memref_slice %arg4[%add3A_493] : memref<320000xi32, #tpu.memory_space<hbm>> -> memref<80xi32, #tpu.memory_space<hbm>>
      %dma_start3A_502 = tpu.memref_slice %arg4[%add3A_493] : memref<320000xi32, #tpu.memory_space<hbm>> -> memref<80xi32, #tpu.memory_space<hbm>>
      tpu.enqueue_dma source(%dma_start3A_502 : memref<80xi32, #tpu.memory_space<hbm>>) target(%arg21 : memref<80xi32, #tpu.memory_space<vmem>>) target_semaphore(%arg29 : memref<!tpu.dma_semaphore, #tpu.memory_space<semaphore_mem>>)
      %dma_wait3A_503 = tpu.memref_slice %arg3[%add3A_493] : memref<320000xi32, #tpu.memory_space<hbm>> -> memref<80xi32, #tpu.memory_space<hbm>>
      %dma_wait3A_504 = tpu.memref_slice %arg3[%add3A_493] : memref<320000xi32, #tpu.memory_space<hbm>> -> memref<80xi32, #tpu.memory_space<hbm>>
      tpu.wait_dma2 semaphore(%arg30 : memref<!tpu.dma_semaphore, #tpu.memory_space<semaphore_mem>>) src(%dma_wait3A_504 : memref<80xi32, #tpu.memory_space<hbm>>) dst(%arg17 : memref<80xi32, #tpu.memory_space<vmem>>)
      %dma_start3A_505 = arith.constant 0 : i32
      %dma_start3A_506 = arith.constant 0 : i32
      %dma_start3A_507 = tpu.memref_slice %arg2[%dma_start3A_505, %dma_start3A_506] : memref<10240x128xf32, #tpu.memory_space<hbm>> -> memref<10240x128xf32, #tpu.memory_space<hbm>>
      tpu.enqueue_indirect_dma source(%dma_start3A_507 : memref<10240x128xf32, #tpu.memory_space<hbm>>) target(%arg13 : memref<80x128xf32, #tpu.memory_space<vmem>>) offsets(%arg17 : memref<80xi32, #tpu.memory_space<vmem>>) semaphore(%arg25 : memref<!tpu.dma_semaphore, #tpu.memory_space<semaphore_mem>>)
      %dma_wait3A_508 = arith.constant 0 : i32
      %dma_wait3A_509 = arith.constant 0 : i32
      %dma_wait3A_510 = tpu.memref_slice %arg2[%dma_wait3A_508, %dma_wait3A_509] : memref<10240x128xf32, #tpu.memory_space<hbm>> -> memref<10240x128xf32, #tpu.memory_space<hbm>>
      tpu.wait_indirect_dma semaphore(%arg23 : memref<!tpu.dma_semaphore, #tpu.memory_space<semaphore_mem>>) src(%dma_wait3A_510 : memref<10240x128xf32, #tpu.memory_space<hbm>>) dst(%arg11 : memref<80x128xf32, #tpu.memory_space<vmem>>)
      %lt3A = arith.constant 30 : i32
      %lt3A_511 = arith.cmpi slt, %scan3A_451, %lt3A : i32
      %convert_element_type3A_512 = arith.extui %lt3A_511 : i1 to i32
      %cond3A_513 = arith.constant 0 : i32
      %cond3A_514 = arith.cmpi ne, %convert_element_type3A_512, %cond3A_513 : i32
      scf.if %cond3A_514 {
        %dma_start3A_597 = tpu.memref_slice %arg3[%add3A_495] : memref<320000xi32, #tpu.memory_space<hbm>> -> memref<80xi32, #tpu.memory_space<hbm>>
        %dma_start3A_598 = tpu.memref_slice %arg3[%add3A_495] : memref<320000xi32, #tpu.memory_space<hbm>> -> memref<80xi32, #tpu.memory_space<hbm>>
        tpu.enqueue_dma source(%dma_start3A_598 : memref<80xi32, #tpu.memory_space<hbm>>) target(%arg15 : memref<80xi32, #tpu.memory_space<vmem>>) target_semaphore(%arg30 : memref<!tpu.dma_semaphore, #tpu.memory_space<semaphore_mem>>)
      } else {
      }
      %dma_wait3A_515 = tpu.memref_slice %arg4[%add3A_491] : memref<320000xi32, #tpu.memory_space<hbm>> -> memref<80xi32, #tpu.memory_space<hbm>>
      %dma_wait3A_516 = tpu.memref_slice %arg4[%add3A_491] : memref<320000xi32, #tpu.memory_space<hbm>> -> memref<80xi32, #tpu.memory_space<hbm>>
      tpu.wait_dma2 semaphore(%arg27 : memref<!tpu.dma_semaphore, #tpu.memory_space<semaphore_mem>>) src(%dma_wait3A_516 : memref<80xi32, #tpu.memory_space<hbm>>) dst(%arg19 : memref<80xi32, #tpu.memory_space<vmem>>)
      %dma_start3A_517 = arith.constant 0 : i32
      %dma_start3A_518 = arith.constant 0 : i32
      %dma_start3A_519 = tpu.memref_slice %arg31[%dma_start3A_517, %dma_start3A_518] : memref<10240x128xf32, #tpu.memory_space<vmem_shared>> -> memref<10240x128xf32, #tpu.memory_space<vmem_shared>>
      tpu.enqueue_indirect_dma source(%arg11 : memref<80x128xf32, #tpu.memory_space<vmem>>) target(%dma_start3A_519 : memref<10240x128xf32, #tpu.memory_space<vmem_shared>>) offsets(%arg19 : memref<80xi32, #tpu.memory_space<vmem>>) semaphore(%arg27 : memref<!tpu.dma_semaphore, #tpu.memory_space<semaphore_mem>>) {add = true}
      %dma_start3A_520 = arith.constant 0 : i32
      %dma_start3A_521 = tpu.memref_slice %arg34[%dma_start3A_520] : memref<10240xf32, #tpu.memory_space<vmem_shared>> -> memref<10240xf32, #tpu.memory_space<vmem_shared>>
      tpu.enqueue_indirect_dma source(%arg32 : memref<80xf32, #tpu.memory_space<vmem>>) target(%dma_start3A_521 : memref<10240xf32, #tpu.memory_space<vmem_shared>>) offsets(%arg19 : memref<80xi32, #tpu.memory_space<vmem>>) semaphore(%arg27 : memref<!tpu.dma_semaphore, #tpu.memory_space<semaphore_mem>>) {add = true}
      %mul3A_522 = arith.constant 4 : i32
      %mul3A_523 = arith.muli %mul3A_522, %scan3A_451 : i32
      %add3A_524 = arith.constant 2 : i32
      %add3A_525 = arith.addi %mul3A_523, %add3A_524 : i32
      %mul3A_526 = arith.constant 80 : i32
      %mul3A_527 = arith.muli %add3A_525, %mul3A_526 : i32
      %add3A_528 = arith.addi %mul3A_102, %mul3A_527 : i32
      %add3A_529 = arith.constant 160 : i32
      %add3A_530 = arith.addi %add3A_528, %add3A_529 : i32
      %add3A_531 = arith.constant 320 : i32
      %add3A_532 = arith.addi %add3A_528, %add3A_531 : i32
      %dma_wait3A_533 = arith.constant 0 : i32
      %dma_wait3A_534 = arith.constant 0 : i32
      %dma_wait3A_535 = tpu.memref_slice %arg31[%dma_wait3A_533, %dma_wait3A_534] : memref<10240x128xf32, #tpu.memory_space<vmem_shared>> -> memref<10240x128xf32, #tpu.memory_space<vmem_shared>>
      tpu.wait_indirect_dma semaphore(%arg26 : memref<!tpu.dma_semaphore, #tpu.memory_space<semaphore_mem>>) src(%arg10 : memref<80x128xf32, #tpu.memory_space<vmem>>) dst(%dma_wait3A_535 : memref<10240x128xf32, #tpu.memory_space<vmem_shared>>)
      %dma_wait3A_536 = arith.constant 0 : i32
      %dma_wait3A_537 = tpu.memref_slice %arg34[%dma_wait3A_536] : memref<10240xf32, #tpu.memory_space<vmem_shared>> -> memref<10240xf32, #tpu.memory_space<vmem_shared>>
      tpu.wait_indirect_dma semaphore(%arg26 : memref<!tpu.dma_semaphore, #tpu.memory_space<semaphore_mem>>) src(%arg32 : memref<80xf32, #tpu.memory_space<vmem>>) dst(%dma_wait3A_537 : memref<10240xf32, #tpu.memory_space<vmem_shared>>)
      %dma_start3A_538 = tpu.memref_slice %arg4[%add3A_530] : memref<320000xi32, #tpu.memory_space<hbm>> -> memref<80xi32, #tpu.memory_space<hbm>>
      %dma_start3A_539 = tpu.memref_slice %arg4[%add3A_530] : memref<320000xi32, #tpu.memory_space<hbm>> -> memref<80xi32, #tpu.memory_space<hbm>>
      tpu.enqueue_dma source(%dma_start3A_539 : memref<80xi32, #tpu.memory_space<hbm>>) target(%arg18 : memref<80xi32, #tpu.memory_space<vmem>>) target_semaphore(%arg26 : memref<!tpu.dma_semaphore, #tpu.memory_space<semaphore_mem>>)
      %dma_wait3A_540 = tpu.memref_slice %arg3[%add3A_530] : memref<320000xi32, #tpu.memory_space<hbm>> -> memref<80xi32, #tpu.memory_space<hbm>>
      %dma_wait3A_541 = tpu.memref_slice %arg3[%add3A_530] : memref<320000xi32, #tpu.memory_space<hbm>> -> memref<80xi32, #tpu.memory_space<hbm>>
      tpu.wait_dma2 semaphore(%arg30 : memref<!tpu.dma_semaphore, #tpu.memory_space<semaphore_mem>>) src(%dma_wait3A_541 : memref<80xi32, #tpu.memory_space<hbm>>) dst(%arg14 : memref<80xi32, #tpu.memory_space<vmem>>)
      %dma_start3A_542 = arith.constant 0 : i32
      %dma_start3A_543 = arith.constant 0 : i32
      %dma_start3A_544 = tpu.memref_slice %arg2[%dma_start3A_542, %dma_start3A_543] : memref<10240x128xf32, #tpu.memory_space<hbm>> -> memref<10240x128xf32, #tpu.memory_space<hbm>>
      tpu.enqueue_indirect_dma source(%dma_start3A_544 : memref<10240x128xf32, #tpu.memory_space<hbm>>) target(%arg10 : memref<80x128xf32, #tpu.memory_space<vmem>>) offsets(%arg14 : memref<80xi32, #tpu.memory_space<vmem>>) semaphore(%arg22 : memref<!tpu.dma_semaphore, #tpu.memory_space<semaphore_mem>>)
      %dma_wait3A_545 = arith.constant 0 : i32
      %dma_wait3A_546 = arith.constant 0 : i32
      %dma_wait3A_547 = tpu.memref_slice %arg2[%dma_wait3A_545, %dma_wait3A_546] : memref<10240x128xf32, #tpu.memory_space<hbm>> -> memref<10240x128xf32, #tpu.memory_space<hbm>>
      tpu.wait_indirect_dma semaphore(%arg24 : memref<!tpu.dma_semaphore, #tpu.memory_space<semaphore_mem>>) src(%dma_wait3A_547 : memref<10240x128xf32, #tpu.memory_space<hbm>>) dst(%arg12 : memref<80x128xf32, #tpu.memory_space<vmem>>)
      %lt3A_548 = arith.constant 30 : i32
      %lt3A_549 = arith.cmpi slt, %scan3A_451, %lt3A_548 : i32
      %convert_element_type3A_550 = arith.extui %lt3A_549 : i1 to i32
      %cond3A_551 = arith.constant 0 : i32
      %cond3A_552 = arith.cmpi ne, %convert_element_type3A_550, %cond3A_551 : i32
      scf.if %cond3A_552 {
        %dma_start3A_597 = tpu.memref_slice %arg3[%add3A_532] : memref<320000xi32, #tpu.memory_space<hbm>> -> memref<80xi32, #tpu.memory_space<hbm>>
        %dma_start3A_598 = tpu.memref_slice %arg3[%add3A_532] : memref<320000xi32, #tpu.memory_space<hbm>> -> memref<80xi32, #tpu.memory_space<hbm>>
        tpu.enqueue_dma source(%dma_start3A_598 : memref<80xi32, #tpu.memory_space<hbm>>) target(%arg16 : memref<80xi32, #tpu.memory_space<vmem>>) target_semaphore(%arg30 : memref<!tpu.dma_semaphore, #tpu.memory_space<semaphore_mem>>)
      } else {
      }
      %dma_wait3A_553 = tpu.memref_slice %arg4[%add3A_528] : memref<320000xi32, #tpu.memory_space<hbm>> -> memref<80xi32, #tpu.memory_space<hbm>>
      %dma_wait3A_554 = tpu.memref_slice %arg4[%add3A_528] : memref<320000xi32, #tpu.memory_space<hbm>> -> memref<80xi32, #tpu.memory_space<hbm>>
      tpu.wait_dma2 semaphore(%arg28 : memref<!tpu.dma_semaphore, #tpu.memory_space<semaphore_mem>>) src(%dma_wait3A_554 : memref<80xi32, #tpu.memory_space<hbm>>) dst(%arg20 : memref<80xi32, #tpu.memory_space<vmem>>)
      %dma_start3A_555 = arith.constant 0 : i32
      %dma_start3A_556 = arith.constant 0 : i32
      %dma_start3A_557 = tpu.memref_slice %arg31[%dma_start3A_555, %dma_start3A_556] : memref<10240x128xf32, #tpu.memory_space<vmem_shared>> -> memref<10240x128xf32, #tpu.memory_space<vmem_shared>>
      tpu.enqueue_indirect_dma source(%arg12 : memref<80x128xf32, #tpu.memory_space<vmem>>) target(%dma_start3A_557 : memref<10240x128xf32, #tpu.memory_space<vmem_shared>>) offsets(%arg20 : memref<80xi32, #tpu.memory_space<vmem>>) semaphore(%arg28 : memref<!tpu.dma_semaphore, #tpu.memory_space<semaphore_mem>>) {add = true}
      %dma_start3A_558 = arith.constant 0 : i32
      %dma_start3A_559 = tpu.memref_slice %arg34[%dma_start3A_558] : memref<10240xf32, #tpu.memory_space<vmem_shared>> -> memref<10240xf32, #tpu.memory_space<vmem_shared>>
      tpu.enqueue_indirect_dma source(%arg32 : memref<80xf32, #tpu.memory_space<vmem>>) target(%dma_start3A_559 : memref<10240xf32, #tpu.memory_space<vmem_shared>>) offsets(%arg20 : memref<80xi32, #tpu.memory_space<vmem>>) semaphore(%arg28 : memref<!tpu.dma_semaphore, #tpu.memory_space<semaphore_mem>>) {add = true}
      %mul3A_560 = arith.constant 4 : i32
      %mul3A_561 = arith.muli %mul3A_560, %scan3A_451 : i32
      %add3A_562 = arith.constant 3 : i32
      %add3A_563 = arith.addi %mul3A_561, %add3A_562 : i32
      %mul3A_564 = arith.constant 80 : i32
      %mul3A_565 = arith.muli %add3A_563, %mul3A_564 : i32
      %add3A_566 = arith.addi %mul3A_102, %mul3A_565 : i32
      %add3A_567 = arith.constant 160 : i32
      %add3A_568 = arith.addi %add3A_566, %add3A_567 : i32
      %add3A_569 = arith.constant 320 : i32
      %add3A_570 = arith.addi %add3A_566, %add3A_569 : i32
      %dma_wait3A_571 = arith.constant 0 : i32
      %dma_wait3A_572 = arith.constant 0 : i32
      %dma_wait3A_573 = tpu.memref_slice %arg31[%dma_wait3A_571, %dma_wait3A_572] : memref<10240x128xf32, #tpu.memory_space<vmem_shared>> -> memref<10240x128xf32, #tpu.memory_space<vmem_shared>>
      tpu.wait_indirect_dma semaphore(%arg27 : memref<!tpu.dma_semaphore, #tpu.memory_space<semaphore_mem>>) src(%arg11 : memref<80x128xf32, #tpu.memory_space<vmem>>) dst(%dma_wait3A_573 : memref<10240x128xf32, #tpu.memory_space<vmem_shared>>)
      %dma_wait3A_574 = arith.constant 0 : i32
      %dma_wait3A_575 = tpu.memref_slice %arg34[%dma_wait3A_574] : memref<10240xf32, #tpu.memory_space<vmem_shared>> -> memref<10240xf32, #tpu.memory_space<vmem_shared>>
      tpu.wait_indirect_dma semaphore(%arg27 : memref<!tpu.dma_semaphore, #tpu.memory_space<semaphore_mem>>) src(%arg32 : memref<80xf32, #tpu.memory_space<vmem>>) dst(%dma_wait3A_575 : memref<10240xf32, #tpu.memory_space<vmem_shared>>)
      %lt3A_576 = arith.constant 30 : i32
      %lt3A_577 = arith.cmpi slt, %scan3A_451, %lt3A_576 : i32
      %convert_element_type3A_578 = arith.extui %lt3A_577 : i1 to i32
      %cond3A_579 = arith.constant 0 : i32
      %cond3A_580 = arith.cmpi ne, %convert_element_type3A_578, %cond3A_579 : i32
      scf.if %cond3A_580 {
        %dma_start3A_597 = tpu.memref_slice %arg4[%add3A_568] : memref<320000xi32, #tpu.memory_space<hbm>> -> memref<80xi32, #tpu.memory_space<hbm>>
        %dma_start3A_598 = tpu.memref_slice %arg4[%add3A_568] : memref<320000xi32, #tpu.memory_space<hbm>> -> memref<80xi32, #tpu.memory_space<hbm>>
        tpu.enqueue_dma source(%dma_start3A_598 : memref<80xi32, #tpu.memory_space<hbm>>) target(%arg19 : memref<80xi32, #tpu.memory_space<vmem>>) target_semaphore(%arg27 : memref<!tpu.dma_semaphore, #tpu.memory_space<semaphore_mem>>)
        %dma_wait3A_599 = tpu.memref_slice %arg3[%add3A_568] : memref<320000xi32, #tpu.memory_space<hbm>> -> memref<80xi32, #tpu.memory_space<hbm>>
        %dma_wait3A_600 = tpu.memref_slice %arg3[%add3A_568] : memref<320000xi32, #tpu.memory_space<hbm>> -> memref<80xi32, #tpu.memory_space<hbm>>
        tpu.wait_dma2 semaphore(%arg30 : memref<!tpu.dma_semaphore, #tpu.memory_space<semaphore_mem>>) src(%dma_wait3A_600 : memref<80xi32, #tpu.memory_space<hbm>>) dst(%arg15 : memref<80xi32, #tpu.memory_space<vmem>>)
        %dma_start3A_601 = arith.constant 0 : i32
        %dma_start3A_602 = arith.constant 0 : i32
        %dma_start3A_603 = tpu.memref_slice %arg2[%dma_start3A_601, %dma_start3A_602] : memref<10240x128xf32, #tpu.memory_space<hbm>> -> memref<10240x128xf32, #tpu.memory_space<hbm>>
        tpu.enqueue_indirect_dma source(%dma_start3A_603 : memref<10240x128xf32, #tpu.memory_space<hbm>>) target(%arg11 : memref<80x128xf32, #tpu.memory_space<vmem>>) offsets(%arg15 : memref<80xi32, #tpu.memory_space<vmem>>) semaphore(%arg23 : memref<!tpu.dma_semaphore, #tpu.memory_space<semaphore_mem>>)
      } else {
      }
      %dma_wait3A_581 = arith.constant 0 : i32
      %dma_wait3A_582 = arith.constant 0 : i32
      %dma_wait3A_583 = tpu.memref_slice %arg2[%dma_wait3A_581, %dma_wait3A_582] : memref<10240x128xf32, #tpu.memory_space<hbm>> -> memref<10240x128xf32, #tpu.memory_space<hbm>>
      tpu.wait_indirect_dma semaphore(%arg25 : memref<!tpu.dma_semaphore, #tpu.memory_space<semaphore_mem>>) src(%dma_wait3A_583 : memref<10240x128xf32, #tpu.memory_space<hbm>>) dst(%arg13 : memref<80x128xf32, #tpu.memory_space<vmem>>)
      %lt3A_584 = arith.constant 30 : i32
      %lt3A_585 = arith.cmpi slt, %scan3A_451, %lt3A_584 : i32
      %convert_element_type3A_586 = arith.extui %lt3A_585 : i1 to i32
      %cond3A_587 = arith.constant 0 : i32
      %cond3A_588 = arith.cmpi ne, %convert_element_type3A_586, %cond3A_587 : i32
      scf.if %cond3A_588 {
        %dma_start3A_597 = tpu.memref_slice %arg3[%add3A_570] : memref<320000xi32, #tpu.memory_space<hbm>> -> memref<80xi32, #tpu.memory_space<hbm>>
        %dma_start3A_598 = tpu.memref_slice %arg3[%add3A_570] : memref<320000xi32, #tpu.memory_space<hbm>> -> memref<80xi32, #tpu.memory_space<hbm>>
        tpu.enqueue_dma source(%dma_start3A_598 : memref<80xi32, #tpu.memory_space<hbm>>) target(%arg17 : memref<80xi32, #tpu.memory_space<vmem>>) target_semaphore(%arg30 : memref<!tpu.dma_semaphore, #tpu.memory_space<semaphore_mem>>)
      } else {
      }
      %dma_wait3A_589 = tpu.memref_slice %arg4[%add3A_566] : memref<320000xi32, #tpu.memory_space<hbm>> -> memref<80xi32, #tpu.memory_space<hbm>>
      %dma_wait3A_590 = tpu.memref_slice %arg4[%add3A_566] : memref<320000xi32, #tpu.memory_space<hbm>> -> memref<80xi32, #tpu.memory_space<hbm>>
      tpu.wait_dma2 semaphore(%arg29 : memref<!tpu.dma_semaphore, #tpu.memory_space<semaphore_mem>>) src(%dma_wait3A_590 : memref<80xi32, #tpu.memory_space<hbm>>) dst(%arg21 : memref<80xi32, #tpu.memory_space<vmem>>)
      %dma_start3A_591 = arith.constant 0 : i32
      %dma_start3A_592 = arith.constant 0 : i32
      %dma_start3A_593 = tpu.memref_slice %arg31[%dma_start3A_591, %dma_start3A_592] : memref<10240x128xf32, #tpu.memory_space<vmem_shared>> -> memref<10240x128xf32, #tpu.memory_space<vmem_shared>>
      tpu.enqueue_indirect_dma source(%arg13 : memref<80x128xf32, #tpu.memory_space<vmem>>) target(%dma_start3A_593 : memref<10240x128xf32, #tpu.memory_space<vmem_shared>>) offsets(%arg21 : memref<80xi32, #tpu.memory_space<vmem>>) semaphore(%arg29 : memref<!tpu.dma_semaphore, #tpu.memory_space<semaphore_mem>>) {add = true}
      %dma_start3A_594 = arith.constant 0 : i32
      %dma_start3A_595 = tpu.memref_slice %arg34[%dma_start3A_594] : memref<10240xf32, #tpu.memory_space<vmem_shared>> -> memref<10240xf32, #tpu.memory_space<vmem_shared>>
      tpu.enqueue_indirect_dma source(%arg32 : memref<80xf32, #tpu.memory_space<vmem>>) target(%dma_start3A_595 : memref<10240xf32, #tpu.memory_space<vmem_shared>>) offsets(%arg21 : memref<80xi32, #tpu.memory_space<vmem>>) semaphore(%arg29 : memref<!tpu.dma_semaphore, #tpu.memory_space<semaphore_mem>>) {add = true}
      %scan3A_596 = arith.constant 0 : i32
      scf.yield %scan3A_596 : i32
    }
    %scan3A_130 = arith.constant 31 : i32
    %add3A_131 = arith.constant 9920 : i32
    %add3A_132 = arith.addi %mul3A_102, %add3A_131 : i32
    %dma_wait3A_133 = arith.constant 0 : i32
    %dma_wait3A_134 = arith.constant 0 : i32
    %dma_wait3A_135 = tpu.memref_slice %arg31[%dma_wait3A_133, %dma_wait3A_134] : memref<10240x128xf32, #tpu.memory_space<vmem_shared>> -> memref<10240x128xf32, #tpu.memory_space<vmem_shared>>
    tpu.wait_indirect_dma semaphore(%arg28 : memref<!tpu.dma_semaphore, #tpu.memory_space<semaphore_mem>>) src(%arg12 : memref<80x128xf32, #tpu.memory_space<vmem>>) dst(%dma_wait3A_135 : memref<10240x128xf32, #tpu.memory_space<vmem_shared>>)
    %dma_wait3A_136 = arith.constant 0 : i32
    %dma_wait3A_137 = tpu.memref_slice %arg34[%dma_wait3A_136] : memref<10240xf32, #tpu.memory_space<vmem_shared>> -> memref<10240xf32, #tpu.memory_space<vmem_shared>>
    tpu.wait_indirect_dma semaphore(%arg28 : memref<!tpu.dma_semaphore, #tpu.memory_space<semaphore_mem>>) src(%arg32 : memref<80xf32, #tpu.memory_space<vmem>>) dst(%dma_wait3A_137 : memref<10240xf32, #tpu.memory_space<vmem_shared>>)
    %dma_wait3A_138 = arith.constant 0 : i32
    %dma_wait3A_139 = arith.constant 0 : i32
    %dma_wait3A_140 = tpu.memref_slice %arg2[%dma_wait3A_138, %dma_wait3A_139] : memref<10240x128xf32, #tpu.memory_space<hbm>> -> memref<10240x128xf32, #tpu.memory_space<hbm>>
    tpu.wait_indirect_dma semaphore(%arg22 : memref<!tpu.dma_semaphore, #tpu.memory_space<semaphore_mem>>) src(%dma_wait3A_140 : memref<10240x128xf32, #tpu.memory_space<hbm>>) dst(%arg10 : memref<80x128xf32, #tpu.memory_space<vmem>>)
    %dma_wait3A_141 = tpu.memref_slice %arg4[%add3A_132] : memref<320000xi32, #tpu.memory_space<hbm>> -> memref<80xi32, #tpu.memory_space<hbm>>
    %dma_wait3A_142 = tpu.memref_slice %arg4[%add3A_132] : memref<320000xi32, #tpu.memory_space<hbm>> -> memref<80xi32, #tpu.memory_space<hbm>>
    tpu.wait_dma2 semaphore(%arg26 : memref<!tpu.dma_semaphore, #tpu.memory_space<semaphore_mem>>) src(%dma_wait3A_142 : memref<80xi32, #tpu.memory_space<hbm>>) dst(%arg18 : memref<80xi32, #tpu.memory_space<vmem>>)
    %dma_start3A_143 = arith.constant 0 : i32
    %dma_start3A_144 = arith.constant 0 : i32
    %dma_start3A_145 = tpu.memref_slice %arg31[%dma_start3A_143, %dma_start3A_144] : memref<10240x128xf32, #tpu.memory_space<vmem_shared>> -> memref<10240x128xf32, #tpu.memory_space<vmem_shared>>
    tpu.enqueue_indirect_dma source(%arg10 : memref<80x128xf32, #tpu.memory_space<vmem>>) target(%dma_start3A_145 : memref<10240x128xf32, #tpu.memory_space<vmem_shared>>) offsets(%arg18 : memref<80xi32, #tpu.memory_space<vmem>>) semaphore(%arg26 : memref<!tpu.dma_semaphore, #tpu.memory_space<semaphore_mem>>) {add = true}
    %dma_start3A_146 = arith.constant 0 : i32
    %dma_start3A_147 = tpu.memref_slice %arg34[%dma_start3A_146] : memref<10240xf32, #tpu.memory_space<vmem_shared>> -> memref<10240xf32, #tpu.memory_space<vmem_shared>>
    tpu.enqueue_indirect_dma source(%arg32 : memref<80xf32, #tpu.memory_space<vmem>>) target(%dma_start3A_147 : memref<10240xf32, #tpu.memory_space<vmem_shared>>) offsets(%arg18 : memref<80xi32, #tpu.memory_space<vmem>>) semaphore(%arg26 : memref<!tpu.dma_semaphore, #tpu.memory_space<semaphore_mem>>) {add = true}
    %dma_wait3A_148 = arith.constant 0 : i32
    %dma_wait3A_149 = arith.constant 0 : i32
    %dma_wait3A_150 = tpu.memref_slice %arg31[%dma_wait3A_148, %dma_wait3A_149] : memref<10240x128xf32, #tpu.memory_space<vmem_shared>> -> memref<10240x128xf32, #tpu.memory_space<vmem_shared>>
    tpu.wait_indirect_dma semaphore(%arg29 : memref<!tpu.dma_semaphore, #tpu.memory_space<semaphore_mem>>) src(%arg13 : memref<80x128xf32, #tpu.memory_space<vmem>>) dst(%dma_wait3A_150 : memref<10240x128xf32, #tpu.memory_space<vmem_shared>>)
    %dma_wait3A_151 = arith.constant 0 : i32
    %dma_wait3A_152 = tpu.memref_slice %arg34[%dma_wait3A_151] : memref<10240xf32, #tpu.memory_space<vmem_shared>> -> memref<10240xf32, #tpu.memory_space<vmem_shared>>
    tpu.wait_indirect_dma semaphore(%arg29 : memref<!tpu.dma_semaphore, #tpu.memory_space<semaphore_mem>>) src(%arg32 : memref<80xf32, #tpu.memory_space<vmem>>) dst(%dma_wait3A_152 : memref<10240xf32, #tpu.memory_space<vmem_shared>>)
    %dma_wait3A_153 = arith.constant 0 : i32
    %dma_wait3A_154 = arith.constant 0 : i32
    %dma_wait3A_155 = tpu.memref_slice %arg31[%dma_wait3A_153, %dma_wait3A_154] : memref<10240x128xf32, #tpu.memory_space<vmem_shared>> -> memref<10240x128xf32, #tpu.memory_space<vmem_shared>>
    tpu.wait_indirect_dma semaphore(%arg26 : memref<!tpu.dma_semaphore, #tpu.memory_space<semaphore_mem>>) src(%arg10 : memref<80x128xf32, #tpu.memory_space<vmem>>) dst(%dma_wait3A_155 : memref<10240x128xf32, #tpu.memory_space<vmem_shared>>)
    %dma_wait3A_156 = arith.constant 0 : i32
    %dma_wait3A_157 = tpu.memref_slice %arg34[%dma_wait3A_156] : memref<10240xf32, #tpu.memory_space<vmem_shared>> -> memref<10240xf32, #tpu.memory_space<vmem_shared>>
    tpu.wait_indirect_dma semaphore(%arg26 : memref<!tpu.dma_semaphore, #tpu.memory_space<semaphore_mem>>) src(%arg32 : memref<80xf32, #tpu.memory_space<vmem>>) dst(%dma_wait3A_157 : memref<10240xf32, #tpu.memory_space<vmem_shared>>)
    %barrier3A_158 = arith.constant 0 : index
    tpu.barrier barrier_id(%barrier3A_158)
    %add3A_159 = arith.constant 0 : i32
    %add3A_160 = arith.addi %multiple_of3A, %add3A_159 : i32
    %add3A_161 = arith.constant 80 : i32
    %add3A_162 = arith.addi %multiple_of3A, %add3A_161 : i32
    %add3A_163 = arith.constant 160 : i32
    %add3A_164 = arith.addi %multiple_of3A, %add3A_163 : i32
    %add3A_165 = arith.constant 240 : i32
    %add3A_166 = arith.addi %multiple_of3A, %add3A_165 : i32
    %add3A_167 = arith.constant 320 : i32
    %add3A_168 = arith.addi %multiple_of3A, %add3A_167 : i32
    %add3A_169 = arith.constant 400 : i32
    %add3A_170 = arith.addi %multiple_of3A, %add3A_169 : i32
    %add3A_171 = arith.constant 480 : i32
    %add3A_172 = arith.addi %multiple_of3A, %add3A_171 : i32
    %add3A_173 = arith.constant 560 : i32
    %add3A_174 = arith.addi %multiple_of3A, %add3A_173 : i32
    %dma_start3A_175 = arith.constant 0 : i32
    %dma_start3A_176 = tpu.memref_slice %arg31[%add3A_160, %dma_start3A_175] : memref<10240x128xf32, #tpu.memory_space<vmem_shared>> -> memref<80x128xf32, #tpu.memory_space<vmem_shared>>
    %dma_start3A_177 = arith.constant 0 : i32
    %dma_start3A_178 = tpu.memref_slice %arg31[%add3A_160, %dma_start3A_177] : memref<10240x128xf32, #tpu.memory_space<vmem_shared>> -> memref<80x128xf32, #tpu.memory_space<vmem_shared>>
    tpu.enqueue_dma source(%dma_start3A_178 : memref<80x128xf32, #tpu.memory_space<vmem_shared>>) target(%arg10 : memref<80x128xf32, #tpu.memory_space<vmem>>) target_semaphore(%arg26 : memref<!tpu.dma_semaphore, #tpu.memory_space<semaphore_mem>>)
    %dma_start3A_179 = arith.constant 0 : i32
    %dma_start3A_180 = tpu.memref_slice %arg31[%add3A_162, %dma_start3A_179] : memref<10240x128xf32, #tpu.memory_space<vmem_shared>> -> memref<80x128xf32, #tpu.memory_space<vmem_shared>>
    %dma_start3A_181 = arith.constant 0 : i32
    %dma_start3A_182 = tpu.memref_slice %arg31[%add3A_162, %dma_start3A_181] : memref<10240x128xf32, #tpu.memory_space<vmem_shared>> -> memref<80x128xf32, #tpu.memory_space<vmem_shared>>
    tpu.enqueue_dma source(%dma_start3A_182 : memref<80x128xf32, #tpu.memory_space<vmem_shared>>) target(%arg11 : memref<80x128xf32, #tpu.memory_space<vmem>>) target_semaphore(%arg27 : memref<!tpu.dma_semaphore, #tpu.memory_space<semaphore_mem>>)
    %dma_start3A_183 = arith.constant 0 : i32
    %dma_start3A_184 = tpu.memref_slice %arg31[%add3A_164, %dma_start3A_183] : memref<10240x128xf32, #tpu.memory_space<vmem_shared>> -> memref<80x128xf32, #tpu.memory_space<vmem_shared>>
    %dma_start3A_185 = arith.constant 0 : i32
    %dma_start3A_186 = tpu.memref_slice %arg31[%add3A_164, %dma_start3A_185] : memref<10240x128xf32, #tpu.memory_space<vmem_shared>> -> memref<80x128xf32, #tpu.memory_space<vmem_shared>>
    tpu.enqueue_dma source(%dma_start3A_186 : memref<80x128xf32, #tpu.memory_space<vmem_shared>>) target(%arg12 : memref<80x128xf32, #tpu.memory_space<vmem>>) target_semaphore(%arg28 : memref<!tpu.dma_semaphore, #tpu.memory_space<semaphore_mem>>)
    %dma_start3A_187 = arith.constant 0 : i32
    %dma_start3A_188 = tpu.memref_slice %arg31[%add3A_166, %dma_start3A_187] : memref<10240x128xf32, #tpu.memory_space<vmem_shared>> -> memref<80x128xf32, #tpu.memory_space<vmem_shared>>
    %dma_start3A_189 = arith.constant 0 : i32
    %dma_start3A_190 = tpu.memref_slice %arg31[%add3A_166, %dma_start3A_189] : memref<10240x128xf32, #tpu.memory_space<vmem_shared>> -> memref<80x128xf32, #tpu.memory_space<vmem_shared>>
    tpu.enqueue_dma source(%dma_start3A_190 : memref<80x128xf32, #tpu.memory_space<vmem_shared>>) target(%arg13 : memref<80x128xf32, #tpu.memory_space<vmem>>) target_semaphore(%arg29 : memref<!tpu.dma_semaphore, #tpu.memory_space<semaphore_mem>>)
    %dma_start3A_191 = tpu.memref_slice %arg34[%multiple_of3A] : memref<10240xf32, #tpu.memory_space<vmem_shared>> -> memref<640xf32, #tpu.memory_space<vmem_shared>>
    %dma_start3A_192 = tpu.memref_slice %arg34[%multiple_of3A] : memref<10240xf32, #tpu.memory_space<vmem_shared>> -> memref<640xf32, #tpu.memory_space<vmem_shared>>
    tpu.enqueue_dma source(%dma_start3A_192 : memref<640xf32, #tpu.memory_space<vmem_shared>>) target(%arg33 : memref<640xf32, #tpu.memory_space<vmem>>) target_semaphore(%arg30 : memref<!tpu.dma_semaphore, #tpu.memory_space<semaphore_mem>>)
    %dma_wait3A_193 = arith.constant 0 : i32
    %dma_wait3A_194 = tpu.memref_slice %arg31[%add3A_160, %dma_wait3A_193] : memref<10240x128xf32, #tpu.memory_space<vmem_shared>> -> memref<80x128xf32, #tpu.memory_space<vmem_shared>>
    %dma_wait3A_195 = arith.constant 0 : i32
    %dma_wait3A_196 = tpu.memref_slice %arg31[%add3A_160, %dma_wait3A_195] : memref<10240x128xf32, #tpu.memory_space<vmem_shared>> -> memref<80x128xf32, #tpu.memory_space<vmem_shared>>
    tpu.wait_dma2 semaphore(%arg26 : memref<!tpu.dma_semaphore, #tpu.memory_space<semaphore_mem>>) src(%dma_wait3A_196 : memref<80x128xf32, #tpu.memory_space<vmem_shared>>) dst(%arg10 : memref<80x128xf32, #tpu.memory_space<vmem>>)
    %dma_start3A_197 = arith.constant 0 : i32
    %dma_start3A_198 = arith.constant 0 : i32
    %dma_start3A_199 = tpu.memref_slice %arg8[%arg0, %dma_start3A_197, %dma_start3A_198] : memref<2x10240x128xf32, #tpu.memory_space<hbm>> -> memref<1x10240x128xf32, #tpu.memory_space<hbm>>
    %dma_start3A_200 = tpu.memref_squeeze %dma_start3A_199 : memref<1x10240x128xf32, #tpu.memory_space<hbm>> -> memref<10240x128xf32, #tpu.memory_space<hbm>>
    %dma_start3A_201 = arith.constant 0 : i32
    %dma_start3A_202 = tpu.memref_slice %dma_start3A_200[%add3A_160, %dma_start3A_201] : memref<10240x128xf32, #tpu.memory_space<hbm>> -> memref<80x128xf32, #tpu.memory_space<hbm>>
    %dma_start3A_203 = arith.constant 0 : i32
    %dma_start3A_204 = arith.constant 0 : i32
    %dma_start3A_205 = tpu.memref_slice %arg8[%arg0, %dma_start3A_203, %dma_start3A_204] : memref<2x10240x128xf32, #tpu.memory_space<hbm>> -> memref<1x10240x128xf32, #tpu.memory_space<hbm>>
    %dma_start3A_206 = tpu.memref_squeeze %dma_start3A_205 : memref<1x10240x128xf32, #tpu.memory_space<hbm>> -> memref<10240x128xf32, #tpu.memory_space<hbm>>
    %dma_start3A_207 = arith.constant 0 : i32
    %dma_start3A_208 = tpu.memref_slice %dma_start3A_206[%add3A_160, %dma_start3A_207] : memref<10240x128xf32, #tpu.memory_space<hbm>> -> memref<80x128xf32, #tpu.memory_space<hbm>>
    tpu.enqueue_dma source(%arg10 : memref<80x128xf32, #tpu.memory_space<vmem>>) target(%dma_start3A_208 : memref<80x128xf32, #tpu.memory_space<hbm>>) target_semaphore(%arg22 : memref<!tpu.dma_semaphore, #tpu.memory_space<semaphore_mem>>)
    %dma_wait3A_209 = arith.constant 0 : i32
    %dma_wait3A_210 = tpu.memref_slice %arg31[%add3A_162, %dma_wait3A_209] : memref<10240x128xf32, #tpu.memory_space<vmem_shared>> -> memref<80x128xf32, #tpu.memory_space<vmem_shared>>
    %dma_wait3A_211 = arith.constant 0 : i32
    %dma_wait3A_212 = tpu.memref_slice %arg31[%add3A_162, %dma_wait3A_211] : memref<10240x128xf32, #tpu.memory_space<vmem_shared>> -> memref<80x128xf32, #tpu.memory_space<vmem_shared>>
    tpu.wait_dma2 semaphore(%arg27 : memref<!tpu.dma_semaphore, #tpu.memory_space<semaphore_mem>>) src(%dma_wait3A_212 : memref<80x128xf32, #tpu.memory_space<vmem_shared>>) dst(%arg11 : memref<80x128xf32, #tpu.memory_space<vmem>>)
    %dma_start3A_213 = arith.constant 0 : i32
    %dma_start3A_214 = arith.constant 0 : i32
    %dma_start3A_215 = tpu.memref_slice %arg8[%arg0, %dma_start3A_213, %dma_start3A_214] : memref<2x10240x128xf32, #tpu.memory_space<hbm>> -> memref<1x10240x128xf32, #tpu.memory_space<hbm>>
    %dma_start3A_216 = tpu.memref_squeeze %dma_start3A_215 : memref<1x10240x128xf32, #tpu.memory_space<hbm>> -> memref<10240x128xf32, #tpu.memory_space<hbm>>
    %dma_start3A_217 = arith.constant 0 : i32
    %dma_start3A_218 = tpu.memref_slice %dma_start3A_216[%add3A_162, %dma_start3A_217] : memref<10240x128xf32, #tpu.memory_space<hbm>> -> memref<80x128xf32, #tpu.memory_space<hbm>>
    %dma_start3A_219 = arith.constant 0 : i32
    %dma_start3A_220 = arith.constant 0 : i32
    %dma_start3A_221 = tpu.memref_slice %arg8[%arg0, %dma_start3A_219, %dma_start3A_220] : memref<2x10240x128xf32, #tpu.memory_space<hbm>> -> memref<1x10240x128xf32, #tpu.memory_space<hbm>>
    %dma_start3A_222 = tpu.memref_squeeze %dma_start3A_221 : memref<1x10240x128xf32, #tpu.memory_space<hbm>> -> memref<10240x128xf32, #tpu.memory_space<hbm>>
    %dma_start3A_223 = arith.constant 0 : i32
    %dma_start3A_224 = tpu.memref_slice %dma_start3A_222[%add3A_162, %dma_start3A_223] : memref<10240x128xf32, #tpu.memory_space<hbm>> -> memref<80x128xf32, #tpu.memory_space<hbm>>
    tpu.enqueue_dma source(%arg11 : memref<80x128xf32, #tpu.memory_space<vmem>>) target(%dma_start3A_224 : memref<80x128xf32, #tpu.memory_space<hbm>>) target_semaphore(%arg23 : memref<!tpu.dma_semaphore, #tpu.memory_space<semaphore_mem>>)
    %dma_wait3A_225 = arith.constant 0 : i32
    %dma_wait3A_226 = tpu.memref_slice %arg31[%add3A_164, %dma_wait3A_225] : memref<10240x128xf32, #tpu.memory_space<vmem_shared>> -> memref<80x128xf32, #tpu.memory_space<vmem_shared>>
    %dma_wait3A_227 = arith.constant 0 : i32
    %dma_wait3A_228 = tpu.memref_slice %arg31[%add3A_164, %dma_wait3A_227] : memref<10240x128xf32, #tpu.memory_space<vmem_shared>> -> memref<80x128xf32, #tpu.memory_space<vmem_shared>>
    tpu.wait_dma2 semaphore(%arg28 : memref<!tpu.dma_semaphore, #tpu.memory_space<semaphore_mem>>) src(%dma_wait3A_228 : memref<80x128xf32, #tpu.memory_space<vmem_shared>>) dst(%arg12 : memref<80x128xf32, #tpu.memory_space<vmem>>)
    %dma_start3A_229 = arith.constant 0 : i32
    %dma_start3A_230 = arith.constant 0 : i32
    %dma_start3A_231 = tpu.memref_slice %arg8[%arg0, %dma_start3A_229, %dma_start3A_230] : memref<2x10240x128xf32, #tpu.memory_space<hbm>> -> memref<1x10240x128xf32, #tpu.memory_space<hbm>>
    %dma_start3A_232 = tpu.memref_squeeze %dma_start3A_231 : memref<1x10240x128xf32, #tpu.memory_space<hbm>> -> memref<10240x128xf32, #tpu.memory_space<hbm>>
    %dma_start3A_233 = arith.constant 0 : i32
    %dma_start3A_234 = tpu.memref_slice %dma_start3A_232[%add3A_164, %dma_start3A_233] : memref<10240x128xf32, #tpu.memory_space<hbm>> -> memref<80x128xf32, #tpu.memory_space<hbm>>
    %dma_start3A_235 = arith.constant 0 : i32
    %dma_start3A_236 = arith.constant 0 : i32
    %dma_start3A_237 = tpu.memref_slice %arg8[%arg0, %dma_start3A_235, %dma_start3A_236] : memref<2x10240x128xf32, #tpu.memory_space<hbm>> -> memref<1x10240x128xf32, #tpu.memory_space<hbm>>
    %dma_start3A_238 = tpu.memref_squeeze %dma_start3A_237 : memref<1x10240x128xf32, #tpu.memory_space<hbm>> -> memref<10240x128xf32, #tpu.memory_space<hbm>>
    %dma_start3A_239 = arith.constant 0 : i32
    %dma_start3A_240 = tpu.memref_slice %dma_start3A_238[%add3A_164, %dma_start3A_239] : memref<10240x128xf32, #tpu.memory_space<hbm>> -> memref<80x128xf32, #tpu.memory_space<hbm>>
    tpu.enqueue_dma source(%arg12 : memref<80x128xf32, #tpu.memory_space<vmem>>) target(%dma_start3A_240 : memref<80x128xf32, #tpu.memory_space<hbm>>) target_semaphore(%arg24 : memref<!tpu.dma_semaphore, #tpu.memory_space<semaphore_mem>>)
    %dma_wait3A_241 = arith.constant 0 : i32
    %dma_wait3A_242 = tpu.memref_slice %arg31[%add3A_166, %dma_wait3A_241] : memref<10240x128xf32, #tpu.memory_space<vmem_shared>> -> memref<80x128xf32, #tpu.memory_space<vmem_shared>>
    %dma_wait3A_243 = arith.constant 0 : i32
    %dma_wait3A_244 = tpu.memref_slice %arg31[%add3A_166, %dma_wait3A_243] : memref<10240x128xf32, #tpu.memory_space<vmem_shared>> -> memref<80x128xf32, #tpu.memory_space<vmem_shared>>
    tpu.wait_dma2 semaphore(%arg29 : memref<!tpu.dma_semaphore, #tpu.memory_space<semaphore_mem>>) src(%dma_wait3A_244 : memref<80x128xf32, #tpu.memory_space<vmem_shared>>) dst(%arg13 : memref<80x128xf32, #tpu.memory_space<vmem>>)
    %dma_start3A_245 = arith.constant 0 : i32
    %dma_start3A_246 = arith.constant 0 : i32
    %dma_start3A_247 = tpu.memref_slice %arg8[%arg0, %dma_start3A_245, %dma_start3A_246] : memref<2x10240x128xf32, #tpu.memory_space<hbm>> -> memref<1x10240x128xf32, #tpu.memory_space<hbm>>
    %dma_start3A_248 = tpu.memref_squeeze %dma_start3A_247 : memref<1x10240x128xf32, #tpu.memory_space<hbm>> -> memref<10240x128xf32, #tpu.memory_space<hbm>>
    %dma_start3A_249 = arith.constant 0 : i32
    %dma_start3A_250 = tpu.memref_slice %dma_start3A_248[%add3A_166, %dma_start3A_249] : memref<10240x128xf32, #tpu.memory_space<hbm>> -> memref<80x128xf32, #tpu.memory_space<hbm>>
    %dma_start3A_251 = arith.constant 0 : i32
    %dma_start3A_252 = arith.constant 0 : i32
    %dma_start3A_253 = tpu.memref_slice %arg8[%arg0, %dma_start3A_251, %dma_start3A_252] : memref<2x10240x128xf32, #tpu.memory_space<hbm>> -> memref<1x10240x128xf32, #tpu.memory_space<hbm>>
    %dma_start3A_254 = tpu.memref_squeeze %dma_start3A_253 : memref<1x10240x128xf32, #tpu.memory_space<hbm>> -> memref<10240x128xf32, #tpu.memory_space<hbm>>
    %dma_start3A_255 = arith.constant 0 : i32
    %dma_start3A_256 = tpu.memref_slice %dma_start3A_254[%add3A_166, %dma_start3A_255] : memref<10240x128xf32, #tpu.memory_space<hbm>> -> memref<80x128xf32, #tpu.memory_space<hbm>>
    tpu.enqueue_dma source(%arg13 : memref<80x128xf32, #tpu.memory_space<vmem>>) target(%dma_start3A_256 : memref<80x128xf32, #tpu.memory_space<hbm>>) target_semaphore(%arg25 : memref<!tpu.dma_semaphore, #tpu.memory_space<semaphore_mem>>)
    %dma_wait3A_257 = tpu.memref_slice %arg34[%multiple_of3A] : memref<10240xf32, #tpu.memory_space<vmem_shared>> -> memref<640xf32, #tpu.memory_space<vmem_shared>>
    %dma_wait3A_258 = tpu.memref_slice %arg34[%multiple_of3A] : memref<10240xf32, #tpu.memory_space<vmem_shared>> -> memref<640xf32, #tpu.memory_space<vmem_shared>>
    tpu.wait_dma2 semaphore(%arg30 : memref<!tpu.dma_semaphore, #tpu.memory_space<semaphore_mem>>) src(%dma_wait3A_258 : memref<640xf32, #tpu.memory_space<vmem_shared>>) dst(%arg33 : memref<640xf32, #tpu.memory_space<vmem>>)
    %dma_start3A_259 = arith.constant 0 : i32
    %dma_start3A_260 = tpu.memref_slice %arg9[%arg0, %dma_start3A_259] : memref<2x10240xf32, #tpu.memory_space<hbm>> -> memref<1x10240xf32, #tpu.memory_space<hbm>>
    %dma_start3A_261 = tpu.memref_squeeze %dma_start3A_260 : memref<1x10240xf32, #tpu.memory_space<hbm>> -> memref<10240xf32, #tpu.memory_space<hbm>>
    %dma_start3A_262 = tpu.memref_slice %dma_start3A_261[%multiple_of3A] : memref<10240xf32, #tpu.memory_space<hbm>> -> memref<640xf32, #tpu.memory_space<hbm>>
    %dma_start3A_263 = arith.constant 0 : i32
    %dma_start3A_264 = tpu.memref_slice %arg9[%arg0, %dma_start3A_263] : memref<2x10240xf32, #tpu.memory_space<hbm>> -> memref<1x10240xf32, #tpu.memory_space<hbm>>
    %dma_start3A_265 = tpu.memref_squeeze %dma_start3A_264 : memref<1x10240xf32, #tpu.memory_space<hbm>> -> memref<10240xf32, #tpu.memory_space<hbm>>
    %dma_start3A_266 = tpu.memref_slice %dma_start3A_265[%multiple_of3A] : memref<10240xf32, #tpu.memory_space<hbm>> -> memref<640xf32, #tpu.memory_space<hbm>>
    tpu.enqueue_dma source(%arg33 : memref<640xf32, #tpu.memory_space<vmem>>) target(%dma_start3A_266 : memref<640xf32, #tpu.memory_space<hbm>>) target_semaphore(%arg30 : memref<!tpu.dma_semaphore, #tpu.memory_space<semaphore_mem>>)
    %dma_wait3A_267 = arith.constant 0 : i32
    %dma_wait3A_268 = arith.constant 0 : i32
    %dma_wait3A_269 = tpu.memref_slice %arg8[%arg0, %dma_wait3A_267, %dma_wait3A_268] : memref<2x10240x128xf32, #tpu.memory_space<hbm>> -> memref<1x10240x128xf32, #tpu.memory_space<hbm>>
    %dma_wait3A_270 = tpu.memref_squeeze %dma_wait3A_269 : memref<1x10240x128xf32, #tpu.memory_space<hbm>> -> memref<10240x128xf32, #tpu.memory_space<hbm>>
    %dma_wait3A_271 = arith.constant 0 : i32
    %dma_wait3A_272 = tpu.memref_slice %dma_wait3A_270[%add3A_160, %dma_wait3A_271] : memref<10240x128xf32, #tpu.memory_space<hbm>> -> memref<80x128xf32, #tpu.memory_space<hbm>>
    %dma_wait3A_273 = arith.constant 0 : i32
    %dma_wait3A_274 = arith.constant 0 : i32
    %dma_wait3A_275 = tpu.memref_slice %arg8[%arg0, %dma_wait3A_273, %dma_wait3A_274] : memref<2x10240x128xf32, #tpu.memory_space<hbm>> -> memref<1x10240x128xf32, #tpu.memory_space<hbm>>
    %dma_wait3A_276 = tpu.memref_squeeze %dma_wait3A_275 : memref<1x10240x128xf32, #tpu.memory_space<hbm>> -> memref<10240x128xf32, #tpu.memory_space<hbm>>
    %dma_wait3A_277 = arith.constant 0 : i32
    %dma_wait3A_278 = tpu.memref_slice %dma_wait3A_276[%add3A_160, %dma_wait3A_277] : memref<10240x128xf32, #tpu.memory_space<hbm>> -> memref<80x128xf32, #tpu.memory_space<hbm>>
    tpu.wait_dma2 semaphore(%arg22 : memref<!tpu.dma_semaphore, #tpu.memory_space<semaphore_mem>>) src(%arg10 : memref<80x128xf32, #tpu.memory_space<vmem>>) dst(%dma_wait3A_278 : memref<80x128xf32, #tpu.memory_space<hbm>>)
    %dma_start3A_279 = arith.constant 0 : i32
    %dma_start3A_280 = tpu.memref_slice %arg31[%add3A_168, %dma_start3A_279] : memref<10240x128xf32, #tpu.memory_space<vmem_shared>> -> memref<80x128xf32, #tpu.memory_space<vmem_shared>>
    %dma_start3A_281 = arith.constant 0 : i32
    %dma_start3A_282 = tpu.memref_slice %arg31[%add3A_168, %dma_start3A_281] : memref<10240x128xf32, #tpu.memory_space<vmem_shared>> -> memref<80x128xf32, #tpu.memory_space<vmem_shared>>
    tpu.enqueue_dma source(%dma_start3A_282 : memref<80x128xf32, #tpu.memory_space<vmem_shared>>) target(%arg10 : memref<80x128xf32, #tpu.memory_space<vmem>>) target_semaphore(%arg26 : memref<!tpu.dma_semaphore, #tpu.memory_space<semaphore_mem>>)
    %dma_wait3A_283 = arith.constant 0 : i32
    %dma_wait3A_284 = arith.constant 0 : i32
    %dma_wait3A_285 = tpu.memref_slice %arg8[%arg0, %dma_wait3A_283, %dma_wait3A_284] : memref<2x10240x128xf32, #tpu.memory_space<hbm>> -> memref<1x10240x128xf32, #tpu.memory_space<hbm>>
    %dma_wait3A_286 = tpu.memref_squeeze %dma_wait3A_285 : memref<1x10240x128xf32, #tpu.memory_space<hbm>> -> memref<10240x128xf32, #tpu.memory_space<hbm>>
    %dma_wait3A_287 = arith.constant 0 : i32
    %dma_wait3A_288 = tpu.memref_slice %dma_wait3A_286[%add3A_162, %dma_wait3A_287] : memref<10240x128xf32, #tpu.memory_space<hbm>> -> memref<80x128xf32, #tpu.memory_space<hbm>>
    %dma_wait3A_289 = arith.constant 0 : i32
    %dma_wait3A_290 = arith.constant 0 : i32
    %dma_wait3A_291 = tpu.memref_slice %arg8[%arg0, %dma_wait3A_289, %dma_wait3A_290] : memref<2x10240x128xf32, #tpu.memory_space<hbm>> -> memref<1x10240x128xf32, #tpu.memory_space<hbm>>
    %dma_wait3A_292 = tpu.memref_squeeze %dma_wait3A_291 : memref<1x10240x128xf32, #tpu.memory_space<hbm>> -> memref<10240x128xf32, #tpu.memory_space<hbm>>
    %dma_wait3A_293 = arith.constant 0 : i32
    %dma_wait3A_294 = tpu.memref_slice %dma_wait3A_292[%add3A_162, %dma_wait3A_293] : memref<10240x128xf32, #tpu.memory_space<hbm>> -> memref<80x128xf32, #tpu.memory_space<hbm>>
    tpu.wait_dma2 semaphore(%arg23 : memref<!tpu.dma_semaphore, #tpu.memory_space<semaphore_mem>>) src(%arg11 : memref<80x128xf32, #tpu.memory_space<vmem>>) dst(%dma_wait3A_294 : memref<80x128xf32, #tpu.memory_space<hbm>>)
    %dma_start3A_295 = arith.constant 0 : i32
    %dma_start3A_296 = tpu.memref_slice %arg31[%add3A_170, %dma_start3A_295] : memref<10240x128xf32, #tpu.memory_space<vmem_shared>> -> memref<80x128xf32, #tpu.memory_space<vmem_shared>>
    %dma_start3A_297 = arith.constant 0 : i32
    %dma_start3A_298 = tpu.memref_slice %arg31[%add3A_170, %dma_start3A_297] : memref<10240x128xf32, #tpu.memory_space<vmem_shared>> -> memref<80x128xf32, #tpu.memory_space<vmem_shared>>
    tpu.enqueue_dma source(%dma_start3A_298 : memref<80x128xf32, #tpu.memory_space<vmem_shared>>) target(%arg11 : memref<80x128xf32, #tpu.memory_space<vmem>>) target_semaphore(%arg27 : memref<!tpu.dma_semaphore, #tpu.memory_space<semaphore_mem>>)
    %dma_wait3A_299 = arith.constant 0 : i32
    %dma_wait3A_300 = arith.constant 0 : i32
    %dma_wait3A_301 = tpu.memref_slice %arg8[%arg0, %dma_wait3A_299, %dma_wait3A_300] : memref<2x10240x128xf32, #tpu.memory_space<hbm>> -> memref<1x10240x128xf32, #tpu.memory_space<hbm>>
    %dma_wait3A_302 = tpu.memref_squeeze %dma_wait3A_301 : memref<1x10240x128xf32, #tpu.memory_space<hbm>> -> memref<10240x128xf32, #tpu.memory_space<hbm>>
    %dma_wait3A_303 = arith.constant 0 : i32
    %dma_wait3A_304 = tpu.memref_slice %dma_wait3A_302[%add3A_164, %dma_wait3A_303] : memref<10240x128xf32, #tpu.memory_space<hbm>> -> memref<80x128xf32, #tpu.memory_space<hbm>>
    %dma_wait3A_305 = arith.constant 0 : i32
    %dma_wait3A_306 = arith.constant 0 : i32
    %dma_wait3A_307 = tpu.memref_slice %arg8[%arg0, %dma_wait3A_305, %dma_wait3A_306] : memref<2x10240x128xf32, #tpu.memory_space<hbm>> -> memref<1x10240x128xf32, #tpu.memory_space<hbm>>
    %dma_wait3A_308 = tpu.memref_squeeze %dma_wait3A_307 : memref<1x10240x128xf32, #tpu.memory_space<hbm>> -> memref<10240x128xf32, #tpu.memory_space<hbm>>
    %dma_wait3A_309 = arith.constant 0 : i32
    %dma_wait3A_310 = tpu.memref_slice %dma_wait3A_308[%add3A_164, %dma_wait3A_309] : memref<10240x128xf32, #tpu.memory_space<hbm>> -> memref<80x128xf32, #tpu.memory_space<hbm>>
    tpu.wait_dma2 semaphore(%arg24 : memref<!tpu.dma_semaphore, #tpu.memory_space<semaphore_mem>>) src(%arg12 : memref<80x128xf32, #tpu.memory_space<vmem>>) dst(%dma_wait3A_310 : memref<80x128xf32, #tpu.memory_space<hbm>>)
    %dma_start3A_311 = arith.constant 0 : i32
    %dma_start3A_312 = tpu.memref_slice %arg31[%add3A_172, %dma_start3A_311] : memref<10240x128xf32, #tpu.memory_space<vmem_shared>> -> memref<80x128xf32, #tpu.memory_space<vmem_shared>>
    %dma_start3A_313 = arith.constant 0 : i32
    %dma_start3A_314 = tpu.memref_slice %arg31[%add3A_172, %dma_start3A_313] : memref<10240x128xf32, #tpu.memory_space<vmem_shared>> -> memref<80x128xf32, #tpu.memory_space<vmem_shared>>
    tpu.enqueue_dma source(%dma_start3A_314 : memref<80x128xf32, #tpu.memory_space<vmem_shared>>) target(%arg12 : memref<80x128xf32, #tpu.memory_space<vmem>>) target_semaphore(%arg28 : memref<!tpu.dma_semaphore, #tpu.memory_space<semaphore_mem>>)
    %dma_wait3A_315 = arith.constant 0 : i32
    %dma_wait3A_316 = arith.constant 0 : i32
    %dma_wait3A_317 = tpu.memref_slice %arg8[%arg0, %dma_wait3A_315, %dma_wait3A_316] : memref<2x10240x128xf32, #tpu.memory_space<hbm>> -> memref<1x10240x128xf32, #tpu.memory_space<hbm>>
    %dma_wait3A_318 = tpu.memref_squeeze %dma_wait3A_317 : memref<1x10240x128xf32, #tpu.memory_space<hbm>> -> memref<10240x128xf32, #tpu.memory_space<hbm>>
    %dma_wait3A_319 = arith.constant 0 : i32
    %dma_wait3A_320 = tpu.memref_slice %dma_wait3A_318[%add3A_166, %dma_wait3A_319] : memref<10240x128xf32, #tpu.memory_space<hbm>> -> memref<80x128xf32, #tpu.memory_space<hbm>>
    %dma_wait3A_321 = arith.constant 0 : i32
    %dma_wait3A_322 = arith.constant 0 : i32
    %dma_wait3A_323 = tpu.memref_slice %arg8[%arg0, %dma_wait3A_321, %dma_wait3A_322] : memref<2x10240x128xf32, #tpu.memory_space<hbm>> -> memref<1x10240x128xf32, #tpu.memory_space<hbm>>
    %dma_wait3A_324 = tpu.memref_squeeze %dma_wait3A_323 : memref<1x10240x128xf32, #tpu.memory_space<hbm>> -> memref<10240x128xf32, #tpu.memory_space<hbm>>
    %dma_wait3A_325 = arith.constant 0 : i32
    %dma_wait3A_326 = tpu.memref_slice %dma_wait3A_324[%add3A_166, %dma_wait3A_325] : memref<10240x128xf32, #tpu.memory_space<hbm>> -> memref<80x128xf32, #tpu.memory_space<hbm>>
    tpu.wait_dma2 semaphore(%arg25 : memref<!tpu.dma_semaphore, #tpu.memory_space<semaphore_mem>>) src(%arg13 : memref<80x128xf32, #tpu.memory_space<vmem>>) dst(%dma_wait3A_326 : memref<80x128xf32, #tpu.memory_space<hbm>>)
    %dma_start3A_327 = arith.constant 0 : i32
    %dma_start3A_328 = tpu.memref_slice %arg31[%add3A_174, %dma_start3A_327] : memref<10240x128xf32, #tpu.memory_space<vmem_shared>> -> memref<80x128xf32, #tpu.memory_space<vmem_shared>>
    %dma_start3A_329 = arith.constant 0 : i32
    %dma_start3A_330 = tpu.memref_slice %arg31[%add3A_174, %dma_start3A_329] : memref<10240x128xf32, #tpu.memory_space<vmem_shared>> -> memref<80x128xf32, #tpu.memory_space<vmem_shared>>
    tpu.enqueue_dma source(%dma_start3A_330 : memref<80x128xf32, #tpu.memory_space<vmem_shared>>) target(%arg13 : memref<80x128xf32, #tpu.memory_space<vmem>>) target_semaphore(%arg29 : memref<!tpu.dma_semaphore, #tpu.memory_space<semaphore_mem>>)
    %dma_wait3A_331 = arith.constant 0 : i32
    %dma_wait3A_332 = tpu.memref_slice %arg31[%add3A_168, %dma_wait3A_331] : memref<10240x128xf32, #tpu.memory_space<vmem_shared>> -> memref<80x128xf32, #tpu.memory_space<vmem_shared>>
    %dma_wait3A_333 = arith.constant 0 : i32
    %dma_wait3A_334 = tpu.memref_slice %arg31[%add3A_168, %dma_wait3A_333] : memref<10240x128xf32, #tpu.memory_space<vmem_shared>> -> memref<80x128xf32, #tpu.memory_space<vmem_shared>>
    tpu.wait_dma2 semaphore(%arg26 : memref<!tpu.dma_semaphore, #tpu.memory_space<semaphore_mem>>) src(%dma_wait3A_334 : memref<80x128xf32, #tpu.memory_space<vmem_shared>>) dst(%arg10 : memref<80x128xf32, #tpu.memory_space<vmem>>)
    %dma_start3A_335 = arith.constant 0 : i32
    %dma_start3A_336 = arith.constant 0 : i32
    %dma_start3A_337 = tpu.memref_slice %arg8[%arg0, %dma_start3A_335, %dma_start3A_336] : memref<2x10240x128xf32, #tpu.memory_space<hbm>> -> memref<1x10240x128xf32, #tpu.memory_space<hbm>>
    %dma_start3A_338 = tpu.memref_squeeze %dma_start3A_337 : memref<1x10240x128xf32, #tpu.memory_space<hbm>> -> memref<10240x128xf32, #tpu.memory_space<hbm>>
    %dma_start3A_339 = arith.constant 0 : i32
    %dma_start3A_340 = tpu.memref_slice %dma_start3A_338[%add3A_168, %dma_start3A_339] : memref<10240x128xf32, #tpu.memory_space<hbm>> -> memref<80x128xf32, #tpu.memory_space<hbm>>
    %dma_start3A_341 = arith.constant 0 : i32
    %dma_start3A_342 = arith.constant 0 : i32
    %dma_start3A_343 = tpu.memref_slice %arg8[%arg0, %dma_start3A_341, %dma_start3A_342] : memref<2x10240x128xf32, #tpu.memory_space<hbm>> -> memref<1x10240x128xf32, #tpu.memory_space<hbm>>
    %dma_start3A_344 = tpu.memref_squeeze %dma_start3A_343 : memref<1x10240x128xf32, #tpu.memory_space<hbm>> -> memref<10240x128xf32, #tpu.memory_space<hbm>>
    %dma_start3A_345 = arith.constant 0 : i32
    %dma_start3A_346 = tpu.memref_slice %dma_start3A_344[%add3A_168, %dma_start3A_345] : memref<10240x128xf32, #tpu.memory_space<hbm>> -> memref<80x128xf32, #tpu.memory_space<hbm>>
    tpu.enqueue_dma source(%arg10 : memref<80x128xf32, #tpu.memory_space<vmem>>) target(%dma_start3A_346 : memref<80x128xf32, #tpu.memory_space<hbm>>) target_semaphore(%arg22 : memref<!tpu.dma_semaphore, #tpu.memory_space<semaphore_mem>>)
    %dma_wait3A_347 = arith.constant 0 : i32
    %dma_wait3A_348 = tpu.memref_slice %arg31[%add3A_170, %dma_wait3A_347] : memref<10240x128xf32, #tpu.memory_space<vmem_shared>> -> memref<80x128xf32, #tpu.memory_space<vmem_shared>>
    %dma_wait3A_349 = arith.constant 0 : i32
    %dma_wait3A_350 = tpu.memref_slice %arg31[%add3A_170, %dma_wait3A_349] : memref<10240x128xf32, #tpu.memory_space<vmem_shared>> -> memref<80x128xf32, #tpu.memory_space<vmem_shared>>
    tpu.wait_dma2 semaphore(%arg27 : memref<!tpu.dma_semaphore, #tpu.memory_space<semaphore_mem>>) src(%dma_wait3A_350 : memref<80x128xf32, #tpu.memory_space<vmem_shared>>) dst(%arg11 : memref<80x128xf32, #tpu.memory_space<vmem>>)
    %dma_start3A_351 = arith.constant 0 : i32
    %dma_start3A_352 = arith.constant 0 : i32
    %dma_start3A_353 = tpu.memref_slice %arg8[%arg0, %dma_start3A_351, %dma_start3A_352] : memref<2x10240x128xf32, #tpu.memory_space<hbm>> -> memref<1x10240x128xf32, #tpu.memory_space<hbm>>
    %dma_start3A_354 = tpu.memref_squeeze %dma_start3A_353 : memref<1x10240x128xf32, #tpu.memory_space<hbm>> -> memref<10240x128xf32, #tpu.memory_space<hbm>>
    %dma_start3A_355 = arith.constant 0 : i32
    %dma_start3A_356 = tpu.memref_slice %dma_start3A_354[%add3A_170, %dma_start3A_355] : memref<10240x128xf32, #tpu.memory_space<hbm>> -> memref<80x128xf32, #tpu.memory_space<hbm>>
    %dma_start3A_357 = arith.constant 0 : i32
    %dma_start3A_358 = arith.constant 0 : i32
    %dma_start3A_359 = tpu.memref_slice %arg8[%arg0, %dma_start3A_357, %dma_start3A_358] : memref<2x10240x128xf32, #tpu.memory_space<hbm>> -> memref<1x10240x128xf32, #tpu.memory_space<hbm>>
    %dma_start3A_360 = tpu.memref_squeeze %dma_start3A_359 : memref<1x10240x128xf32, #tpu.memory_space<hbm>> -> memref<10240x128xf32, #tpu.memory_space<hbm>>
    %dma_start3A_361 = arith.constant 0 : i32
    %dma_start3A_362 = tpu.memref_slice %dma_start3A_360[%add3A_170, %dma_start3A_361] : memref<10240x128xf32, #tpu.memory_space<hbm>> -> memref<80x128xf32, #tpu.memory_space<hbm>>
    tpu.enqueue_dma source(%arg11 : memref<80x128xf32, #tpu.memory_space<vmem>>) target(%dma_start3A_362 : memref<80x128xf32, #tpu.memory_space<hbm>>) target_semaphore(%arg23 : memref<!tpu.dma_semaphore, #tpu.memory_space<semaphore_mem>>)
    %dma_wait3A_363 = arith.constant 0 : i32
    %dma_wait3A_364 = tpu.memref_slice %arg31[%add3A_172, %dma_wait3A_363] : memref<10240x128xf32, #tpu.memory_space<vmem_shared>> -> memref<80x128xf32, #tpu.memory_space<vmem_shared>>
    %dma_wait3A_365 = arith.constant 0 : i32
    %dma_wait3A_366 = tpu.memref_slice %arg31[%add3A_172, %dma_wait3A_365] : memref<10240x128xf32, #tpu.memory_space<vmem_shared>> -> memref<80x128xf32, #tpu.memory_space<vmem_shared>>
    tpu.wait_dma2 semaphore(%arg28 : memref<!tpu.dma_semaphore, #tpu.memory_space<semaphore_mem>>) src(%dma_wait3A_366 : memref<80x128xf32, #tpu.memory_space<vmem_shared>>) dst(%arg12 : memref<80x128xf32, #tpu.memory_space<vmem>>)
    %dma_start3A_367 = arith.constant 0 : i32
    %dma_start3A_368 = arith.constant 0 : i32
    %dma_start3A_369 = tpu.memref_slice %arg8[%arg0, %dma_start3A_367, %dma_start3A_368] : memref<2x10240x128xf32, #tpu.memory_space<hbm>> -> memref<1x10240x128xf32, #tpu.memory_space<hbm>>
    %dma_start3A_370 = tpu.memref_squeeze %dma_start3A_369 : memref<1x10240x128xf32, #tpu.memory_space<hbm>> -> memref<10240x128xf32, #tpu.memory_space<hbm>>
    %dma_start3A_371 = arith.constant 0 : i32
    %dma_start3A_372 = tpu.memref_slice %dma_start3A_370[%add3A_172, %dma_start3A_371] : memref<10240x128xf32, #tpu.memory_space<hbm>> -> memref<80x128xf32, #tpu.memory_space<hbm>>
    %dma_start3A_373 = arith.constant 0 : i32
    %dma_start3A_374 = arith.constant 0 : i32
    %dma_start3A_375 = tpu.memref_slice %arg8[%arg0, %dma_start3A_373, %dma_start3A_374] : memref<2x10240x128xf32, #tpu.memory_space<hbm>> -> memref<1x10240x128xf32, #tpu.memory_space<hbm>>
    %dma_start3A_376 = tpu.memref_squeeze %dma_start3A_375 : memref<1x10240x128xf32, #tpu.memory_space<hbm>> -> memref<10240x128xf32, #tpu.memory_space<hbm>>
    %dma_start3A_377 = arith.constant 0 : i32
    %dma_start3A_378 = tpu.memref_slice %dma_start3A_376[%add3A_172, %dma_start3A_377] : memref<10240x128xf32, #tpu.memory_space<hbm>> -> memref<80x128xf32, #tpu.memory_space<hbm>>
    tpu.enqueue_dma source(%arg12 : memref<80x128xf32, #tpu.memory_space<vmem>>) target(%dma_start3A_378 : memref<80x128xf32, #tpu.memory_space<hbm>>) target_semaphore(%arg24 : memref<!tpu.dma_semaphore, #tpu.memory_space<semaphore_mem>>)
    %dma_wait3A_379 = arith.constant 0 : i32
    %dma_wait3A_380 = tpu.memref_slice %arg31[%add3A_174, %dma_wait3A_379] : memref<10240x128xf32, #tpu.memory_space<vmem_shared>> -> memref<80x128xf32, #tpu.memory_space<vmem_shared>>
    %dma_wait3A_381 = arith.constant 0 : i32
    %dma_wait3A_382 = tpu.memref_slice %arg31[%add3A_174, %dma_wait3A_381] : memref<10240x128xf32, #tpu.memory_space<vmem_shared>> -> memref<80x128xf32, #tpu.memory_space<vmem_shared>>
    tpu.wait_dma2 semaphore(%arg29 : memref<!tpu.dma_semaphore, #tpu.memory_space<semaphore_mem>>) src(%dma_wait3A_382 : memref<80x128xf32, #tpu.memory_space<vmem_shared>>) dst(%arg13 : memref<80x128xf32, #tpu.memory_space<vmem>>)
    %dma_start3A_383 = arith.constant 0 : i32
    %dma_start3A_384 = arith.constant 0 : i32
    %dma_start3A_385 = tpu.memref_slice %arg8[%arg0, %dma_start3A_383, %dma_start3A_384] : memref<2x10240x128xf32, #tpu.memory_space<hbm>> -> memref<1x10240x128xf32, #tpu.memory_space<hbm>>
    %dma_start3A_386 = tpu.memref_squeeze %dma_start3A_385 : memref<1x10240x128xf32, #tpu.memory_space<hbm>> -> memref<10240x128xf32, #tpu.memory_space<hbm>>
    %dma_start3A_387 = arith.constant 0 : i32
    %dma_start3A_388 = tpu.memref_slice %dma_start3A_386[%add3A_174, %dma_start3A_387] : memref<10240x128xf32, #tpu.memory_space<hbm>> -> memref<80x128xf32, #tpu.memory_space<hbm>>
    %dma_start3A_389 = arith.constant 0 : i32
    %dma_start3A_390 = arith.constant 0 : i32
    %dma_start3A_391 = tpu.memref_slice %arg8[%arg0, %dma_start3A_389, %dma_start3A_390] : memref<2x10240x128xf32, #tpu.memory_space<hbm>> -> memref<1x10240x128xf32, #tpu.memory_space<hbm>>
    %dma_start3A_392 = tpu.memref_squeeze %dma_start3A_391 : memref<1x10240x128xf32, #tpu.memory_space<hbm>> -> memref<10240x128xf32, #tpu.memory_space<hbm>>
    %dma_start3A_393 = arith.constant 0 : i32
    %dma_start3A_394 = tpu.memref_slice %dma_start3A_392[%add3A_174, %dma_start3A_393] : memref<10240x128xf32, #tpu.memory_space<hbm>> -> memref<80x128xf32, #tpu.memory_space<hbm>>
    tpu.enqueue_dma source(%arg13 : memref<80x128xf32, #tpu.memory_space<vmem>>) target(%dma_start3A_394 : memref<80x128xf32, #tpu.memory_space<hbm>>) target_semaphore(%arg25 : memref<!tpu.dma_semaphore, #tpu.memory_space<semaphore_mem>>)
    %dma_wait3A_395 = arith.constant 0 : i32
    %dma_wait3A_396 = arith.constant 0 : i32
    %dma_wait3A_397 = tpu.memref_slice %arg8[%arg0, %dma_wait3A_395, %dma_wait3A_396] : memref<2x10240x128xf32, #tpu.memory_space<hbm>> -> memref<1x10240x128xf32, #tpu.memory_space<hbm>>
    %dma_wait3A_398 = tpu.memref_squeeze %dma_wait3A_397 : memref<1x10240x128xf32, #tpu.memory_space<hbm>> -> memref<10240x128xf32, #tpu.memory_space<hbm>>
    %dma_wait3A_399 = arith.constant 0 : i32
    %dma_wait3A_400 = tpu.memref_slice %dma_wait3A_398[%add3A_168, %dma_wait3A_399] : memref<10240x128xf32, #tpu.memory_space<hbm>> -> memref<80x128xf32, #tpu.memory_space<hbm>>
    %dma_wait3A_401 = arith.constant 0 : i32
    %dma_wait3A_402 = arith.constant 0 : i32
    %dma_wait3A_403 = tpu.memref_slice %arg8[%arg0, %dma_wait3A_401, %dma_wait3A_402] : memref<2x10240x128xf32, #tpu.memory_space<hbm>> -> memref<1x10240x128xf32, #tpu.memory_space<hbm>>
    %dma_wait3A_404 = tpu.memref_squeeze %dma_wait3A_403 : memref<1x10240x128xf32, #tpu.memory_space<hbm>> -> memref<10240x128xf32, #tpu.memory_space<hbm>>
    %dma_wait3A_405 = arith.constant 0 : i32
    %dma_wait3A_406 = tpu.memref_slice %dma_wait3A_404[%add3A_168, %dma_wait3A_405] : memref<10240x128xf32, #tpu.memory_space<hbm>> -> memref<80x128xf32, #tpu.memory_space<hbm>>
    tpu.wait_dma2 semaphore(%arg22 : memref<!tpu.dma_semaphore, #tpu.memory_space<semaphore_mem>>) src(%arg10 : memref<80x128xf32, #tpu.memory_space<vmem>>) dst(%dma_wait3A_406 : memref<80x128xf32, #tpu.memory_space<hbm>>)
    %dma_wait3A_407 = arith.constant 0 : i32
    %dma_wait3A_408 = arith.constant 0 : i32
    %dma_wait3A_409 = tpu.memref_slice %arg8[%arg0, %dma_wait3A_407, %dma_wait3A_408] : memref<2x10240x128xf32, #tpu.memory_space<hbm>> -> memref<1x10240x128xf32, #tpu.memory_space<hbm>>
    %dma_wait3A_410 = tpu.memref_squeeze %dma_wait3A_409 : memref<1x10240x128xf32, #tpu.memory_space<hbm>> -> memref<10240x128xf32, #tpu.memory_space<hbm>>
    %dma_wait3A_411 = arith.constant 0 : i32
    %dma_wait3A_412 = tpu.memref_slice %dma_wait3A_410[%add3A_170, %dma_wait3A_411] : memref<10240x128xf32, #tpu.memory_space<hbm>> -> memref<80x128xf32, #tpu.memory_space<hbm>>
    %dma_wait3A_413 = arith.constant 0 : i32
    %dma_wait3A_414 = arith.constant 0 : i32
    %dma_wait3A_415 = tpu.memref_slice %arg8[%arg0, %dma_wait3A_413, %dma_wait3A_414] : memref<2x10240x128xf32, #tpu.memory_space<hbm>> -> memref<1x10240x128xf32, #tpu.memory_space<hbm>>
    %dma_wait3A_416 = tpu.memref_squeeze %dma_wait3A_415 : memref<1x10240x128xf32, #tpu.memory_space<hbm>> -> memref<10240x128xf32, #tpu.memory_space<hbm>>
    %dma_wait3A_417 = arith.constant 0 : i32
    %dma_wait3A_418 = tpu.memref_slice %dma_wait3A_416[%add3A_170, %dma_wait3A_417] : memref<10240x128xf32, #tpu.memory_space<hbm>> -> memref<80x128xf32, #tpu.memory_space<hbm>>
    tpu.wait_dma2 semaphore(%arg23 : memref<!tpu.dma_semaphore, #tpu.memory_space<semaphore_mem>>) src(%arg11 : memref<80x128xf32, #tpu.memory_space<vmem>>) dst(%dma_wait3A_418 : memref<80x128xf32, #tpu.memory_space<hbm>>)
    %dma_wait3A_419 = arith.constant 0 : i32
    %dma_wait3A_420 = arith.constant 0 : i32
    %dma_wait3A_421 = tpu.memref_slice %arg8[%arg0, %dma_wait3A_419, %dma_wait3A_420] : memref<2x10240x128xf32, #tpu.memory_space<hbm>> -> memref<1x10240x128xf32, #tpu.memory_space<hbm>>
    %dma_wait3A_422 = tpu.memref_squeeze %dma_wait3A_421 : memref<1x10240x128xf32, #tpu.memory_space<hbm>> -> memref<10240x128xf32, #tpu.memory_space<hbm>>
    %dma_wait3A_423 = arith.constant 0 : i32
    %dma_wait3A_424 = tpu.memref_slice %dma_wait3A_422[%add3A_172, %dma_wait3A_423] : memref<10240x128xf32, #tpu.memory_space<hbm>> -> memref<80x128xf32, #tpu.memory_space<hbm>>
    %dma_wait3A_425 = arith.constant 0 : i32
    %dma_wait3A_426 = arith.constant 0 : i32
    %dma_wait3A_427 = tpu.memref_slice %arg8[%arg0, %dma_wait3A_425, %dma_wait3A_426] : memref<2x10240x128xf32, #tpu.memory_space<hbm>> -> memref<1x10240x128xf32, #tpu.memory_space<hbm>>
    %dma_wait3A_428 = tpu.memref_squeeze %dma_wait3A_427 : memref<1x10240x128xf32, #tpu.memory_space<hbm>> -> memref<10240x128xf32, #tpu.memory_space<hbm>>
    %dma_wait3A_429 = arith.constant 0 : i32
    %dma_wait3A_430 = tpu.memref_slice %dma_wait3A_428[%add3A_172, %dma_wait3A_429] : memref<10240x128xf32, #tpu.memory_space<hbm>> -> memref<80x128xf32, #tpu.memory_space<hbm>>
    tpu.wait_dma2 semaphore(%arg24 : memref<!tpu.dma_semaphore, #tpu.memory_space<semaphore_mem>>) src(%arg12 : memref<80x128xf32, #tpu.memory_space<vmem>>) dst(%dma_wait3A_430 : memref<80x128xf32, #tpu.memory_space<hbm>>)
    %dma_wait3A_431 = arith.constant 0 : i32
    %dma_wait3A_432 = arith.constant 0 : i32
    %dma_wait3A_433 = tpu.memref_slice %arg8[%arg0, %dma_wait3A_431, %dma_wait3A_432] : memref<2x10240x128xf32, #tpu.memory_space<hbm>> -> memref<1x10240x128xf32, #tpu.memory_space<hbm>>
    %dma_wait3A_434 = tpu.memref_squeeze %dma_wait3A_433 : memref<1x10240x128xf32, #tpu.memory_space<hbm>> -> memref<10240x128xf32, #tpu.memory_space<hbm>>
    %dma_wait3A_435 = arith.constant 0 : i32
    %dma_wait3A_436 = tpu.memref_slice %dma_wait3A_434[%add3A_174, %dma_wait3A_435] : memref<10240x128xf32, #tpu.memory_space<hbm>> -> memref<80x128xf32, #tpu.memory_space<hbm>>
    %dma_wait3A_437 = arith.constant 0 : i32
    %dma_wait3A_438 = arith.constant 0 : i32
    %dma_wait3A_439 = tpu.memref_slice %arg8[%arg0, %dma_wait3A_437, %dma_wait3A_438] : memref<2x10240x128xf32, #tpu.memory_space<hbm>> -> memref<1x10240x128xf32, #tpu.memory_space<hbm>>
    %dma_wait3A_440 = tpu.memref_squeeze %dma_wait3A_439 : memref<1x10240x128xf32, #tpu.memory_space<hbm>> -> memref<10240x128xf32, #tpu.memory_space<hbm>>
    %dma_wait3A_441 = arith.constant 0 : i32
    %dma_wait3A_442 = tpu.memref_slice %dma_wait3A_440[%add3A_174, %dma_wait3A_441] : memref<10240x128xf32, #tpu.memory_space<hbm>> -> memref<80x128xf32, #tpu.memory_space<hbm>>
    tpu.wait_dma2 semaphore(%arg25 : memref<!tpu.dma_semaphore, #tpu.memory_space<semaphore_mem>>) src(%arg13 : memref<80x128xf32, #tpu.memory_space<vmem>>) dst(%dma_wait3A_442 : memref<80x128xf32, #tpu.memory_space<hbm>>)
    %dma_wait3A_443 = arith.constant 0 : i32
    %dma_wait3A_444 = tpu.memref_slice %arg9[%arg0, %dma_wait3A_443] : memref<2x10240xf32, #tpu.memory_space<hbm>> -> memref<1x10240xf32, #tpu.memory_space<hbm>>
    %dma_wait3A_445 = tpu.memref_squeeze %dma_wait3A_444 : memref<1x10240xf32, #tpu.memory_space<hbm>> -> memref<10240xf32, #tpu.memory_space<hbm>>
    %dma_wait3A_446 = tpu.memref_slice %dma_wait3A_445[%multiple_of3A] : memref<10240xf32, #tpu.memory_space<hbm>> -> memref<640xf32, #tpu.memory_space<hbm>>
    %dma_wait3A_447 = arith.constant 0 : i32
    %dma_wait3A_448 = tpu.memref_slice %arg9[%arg0, %dma_wait3A_447] : memref<2x10240xf32, #tpu.memory_space<hbm>> -> memref<1x10240xf32, #tpu.memory_space<hbm>>
    %dma_wait3A_449 = tpu.memref_squeeze %dma_wait3A_448 : memref<1x10240xf32, #tpu.memory_space<hbm>> -> memref<10240xf32, #tpu.memory_space<hbm>>
    %dma_wait3A_450 = tpu.memref_slice %dma_wait3A_449[%multiple_of3A] : memref<10240xf32, #tpu.memory_space<hbm>> -> memref<640xf32, #tpu.memory_space<hbm>>
    tpu.wait_dma2 semaphore(%arg30 : memref<!tpu.dma_semaphore, #tpu.memory_space<semaphore_mem>>) src(%arg33 : memref<640xf32, #tpu.memory_space<vmem>>) dst(%dma_wait3A_450 : memref<640xf32, #tpu.memory_space<hbm>>)
    return
  }
}

module attributes {stable_mosaic.version = 14 : i64} {
  func.func @body(%arg0: i32, %arg1: memref<2x512x128xf32, #tpu.memory_space<vmem>>, %arg2: memref<2x512xf32, #tpu.memory_space<vmem>>, %arg3: memref<512x128xf32, #tpu.memory_space<vmem>>, %arg4: memref<128x128xf32, #tpu.memory_space<vmem>>, %arg5: memref<1x128xf32, #tpu.memory_space<vmem>>, %arg6: memref<128x128xf32, #tpu.memory_space<vmem>>, %arg7: memref<512x128xf32, #tpu.memory_space<vmem>>) attributes {dimension_semantics = [#tpu.dimension_semantics<arbitrary>], iteration_bounds = array<i64: 20>, scalar_prefetch = 0 : i64, scratch_operands = 0 : i64, tpu.core_type = #tpu.core_type<tc>, window_params = [{transform_indices = @transform_0, window_bounds = array<i64: 2, 512, 128>}, {transform_indices = @transform_1, window_bounds = array<i64: 2, 512>}, {transform_indices = @transform_2, window_bounds = array<i64: 512, 128>}, {pipeline_mode = #tpu.pipeline_mode<synchronous>, transform_indices = @transform_3, window_bounds = array<i64: 128, 128>}, {pipeline_mode = #tpu.pipeline_mode<synchronous>, transform_indices = @transform_4, window_bounds = array<i64: 1, 128>}, {pipeline_mode = #tpu.pipeline_mode<synchronous>, transform_indices = @transform_5, window_bounds = array<i64: 128, 128>}, {transform_indices = @transform_6, window_bounds = array<i64: 512, 128>}]} {
    %get3A = arith.constant 0 : index
    %get3A_0 = arith.constant 0 : index
    %get3A_1 = arith.constant 0 : index
    %get3A_2 = vector.load %arg1[%get3A, %get3A_0, %get3A_1] : memref<2x512x128xf32, #tpu.memory_space<vmem>>, vector<1x512x128xf32>
    %get3A_3 = vector.shape_cast %get3A_2 : vector<1x512x128xf32> to vector<512x128xf32>
    %get3A_4 = arith.constant 1 : index
    %get3A_5 = arith.constant 0 : index
    %get3A_6 = arith.constant 0 : index
    %get3A_7 = vector.load %arg1[%get3A_4, %get3A_5, %get3A_6] : memref<2x512x128xf32, #tpu.memory_space<vmem>>, vector<1x512x128xf32>
    %get3A_8 = vector.shape_cast %get3A_7 : vector<1x512x128xf32> to vector<512x128xf32>
    %add3A = arith.addf %get3A_3, %get3A_8 : vector<512x128xf32>
    %get3A_9 = arith.constant 0 : index
    %get3A_10 = arith.constant 0 : index
    %get3A_11 = vector.load %arg2[%get3A_9, %get3A_10] : memref<2x512xf32, #tpu.memory_space<vmem>>, vector<1x512xf32>
    %get3A_12 = vector.shape_cast %get3A_11 : vector<1x512xf32> to vector<512xf32>
    %get3A_13 = arith.constant 1 : index
    %get3A_14 = arith.constant 0 : index
    %get3A_15 = vector.load %arg2[%get3A_13, %get3A_14] : memref<2x512xf32, #tpu.memory_space<vmem>>, vector<1x512xf32>
    %get3A_16 = vector.shape_cast %get3A_15 : vector<1x512xf32> to vector<512xf32>
    %add3A_17 = arith.addf %get3A_12, %get3A_16 : vector<512xf32>
    %max3A = arith.constant 1.000000e+00 : f32
    %max3A_18 = vector.broadcast %max3A : f32 to vector<512xf32>
    %max3A_19 = arith.maximumf %add3A_17, %max3A_18 : vector<512xf32>
    %div3A = arith.constant 1.000000e+00 : f32
    %div3A_20 = vector.broadcast %div3A : f32 to vector<512xf32>
    %div3A_21 = arith.divf %div3A_20, %max3A_19 : vector<512xf32>
    %reshape3A = vector.shape_cast %div3A_21 : vector<512xf32> to vector<512x1xf32>
    %mul3A = vector.broadcast %reshape3A : vector<512x1xf32> to vector<512x128xf32>
    %mul3A_22 = arith.mulf %add3A, %mul3A : vector<512x128xf32>
    %get3A_23 = arith.constant 0 : index
    %get3A_24 = arith.constant 0 : index
    %get3A_25 = vector.load %arg4[%get3A_23, %get3A_24] : memref<128x128xf32, #tpu.memory_space<vmem>>, vector<128x128xf32>
    %dot_general3A = arith.constant dense<0.000000e+00> : vector<512x128xf32>
    %dot_general3A_26 = tpu.matmul %mul3A_22, %get3A_25, %dot_general3A {dimension_numbers = #tpu.dot_dimension_numbers<[1], [0], [0], [1], [0, 0, 1, 1], [], []>, transpose_lhs_hint = false} : vector<512x128xf32>, vector<128x128xf32>, vector<512x128xf32> -> vector<512x128xf32>
    %get3A_27 = arith.constant 0 : index
    %get3A_28 = arith.constant 0 : index
    %get3A_29 = vector.load %arg3[%get3A_27, %get3A_28] : memref<512x128xf32, #tpu.memory_space<vmem>>, vector<512x128xf32>
    %get3A_30 = arith.constant 0 : index
    %get3A_31 = arith.constant 0 : index
    %get3A_32 = vector.load %arg6[%get3A_30, %get3A_31] : memref<128x128xf32, #tpu.memory_space<vmem>>, vector<128x128xf32>
    %dot_general3A_33 = arith.constant dense<0.000000e+00> : vector<512x128xf32>
    %dot_general3A_34 = tpu.matmul %get3A_29, %get3A_32, %dot_general3A_33 {dimension_numbers = #tpu.dot_dimension_numbers<[1], [0], [0], [1], [0, 0, 1, 1], [], []>, transpose_lhs_hint = false} : vector<512x128xf32>, vector<128x128xf32>, vector<512x128xf32> -> vector<512x128xf32>
    %add3A_35 = arith.addf %dot_general3A_26, %dot_general3A_34 : vector<512x128xf32>
    %get3A_36 = arith.constant 0 : index
    %get3A_37 = arith.constant 0 : index
    %get3A_38 = vector.load %arg5[%get3A_36, %get3A_37] : memref<1x128xf32, #tpu.memory_space<vmem>>, vector<1x128xf32>
    %add3A_39 = vector.broadcast %get3A_38 : vector<1x128xf32> to vector<512x128xf32>
    %add3A_40 = arith.addf %add3A_35, %add3A_39 : vector<512x128xf32>
    %max3A_41 = arith.constant 0.000000e+00 : f32
    %max3A_42 = vector.broadcast %max3A_41 : f32 to vector<512x128xf32>
    %max3A_43 = arith.maximumf %add3A_40, %max3A_42 : vector<512x128xf32>
    %swap3A = arith.constant 0 : index
    %swap3A_44 = arith.constant 0 : index
    %swap3A_45 = vector.load %arg7[%swap3A, %swap3A_44] : memref<512x128xf32, #tpu.memory_space<vmem>>, vector<512x128xf32>
    tpu.vector_store %arg7[%swap3A, %swap3A_44], %max3A_43 {strides = array<i32>} : memref<512x128xf32, #tpu.memory_space<vmem>>, vector<512x128xf32>,
    return
  }
  func.func @transform_0(%arg0: i32) -> (i32, i32, i32) {
    %c0_i32 = arith.constant 0 : i32
    %c0_i32_0 = arith.constant 0 : i32
    %c0_i32_1 = arith.constant 0 : i32
    return %c0_i32, %arg0, %c0_i32_0 : i32, i32, i32
  }
  func.func @transform_1(%arg0: i32) -> (i32, i32) {
    %c0_i32 = arith.constant 0 : i32
    %c0_i32_0 = arith.constant 0 : i32
    return %c0_i32, %arg0 : i32, i32
  }
  func.func @transform_2(%arg0: i32) -> (i32, i32) {
    %c0_i32 = arith.constant 0 : i32
    %c0_i32_0 = arith.constant 0 : i32
    return %arg0, %c0_i32 : i32, i32
  }
  func.func @transform_3(%arg0: i32) -> (i32, i32) {
    %c0_i32 = arith.constant 0 : i32
    %c0_i32_0 = arith.constant 0 : i32
    %c0_i32_1 = arith.constant 0 : i32
    return %c0_i32, %c0_i32_0 : i32, i32
  }
  func.func @transform_4(%arg0: i32) -> (i32, i32) {
    %c0_i32 = arith.constant 0 : i32
    %c0_i32_0 = arith.constant 0 : i32
    %c0_i32_1 = arith.constant 0 : i32
    return %c0_i32, %c0_i32_0 : i32, i32
  }
  func.func @transform_5(%arg0: i32) -> (i32, i32) {
    %c0_i32 = arith.constant 0 : i32
    %c0_i32_0 = arith.constant 0 : i32
    %c0_i32_1 = arith.constant 0 : i32
    return %c0_i32, %c0_i32_0 : i32, i32
  }
  func.func @transform_6(%arg0: i32) -> (i32, i32) {
    %c0_i32 = arith.constant 0 : i32
    %c0_i32_0 = arith.constant 0 : i32
    return %arg0, %c0_i32 : i32, i32
  }
}

module attributes {stable_mosaic.version = 14 : i64} {
  func.func @body(%arg0: i32, %arg1: memref<2x512x128xf32, #tpu.memory_space<vmem>>, %arg2: memref<2x512xf32, #tpu.memory_space<vmem>>, %arg3: memref<512x128xf32, #tpu.memory_space<vmem>>, %arg4: memref<128x128xf32, #tpu.memory_space<vmem>>, %arg5: memref<1x128xf32, #tpu.memory_space<vmem>>, %arg6: memref<128x128xf32, #tpu.memory_space<vmem>>, %arg7: memref<128x128xf32, #tpu.memory_space<vmem>>, %arg8: memref<1x128xf32, #tpu.memory_space<vmem>>, %arg9: memref<128x40xf32, #tpu.memory_space<vmem>>, %arg10: memref<1x40xf32, #tpu.memory_space<vmem>>, %arg11: memref<1x40xf32, #tpu.memory_space<vmem>>, %arg12: memref<1x128xf32, #tpu.memory_space<vmem>>) attributes {dimension_semantics = [#tpu.dimension_semantics<arbitrary>], iteration_bounds = array<i64: 20>, scalar_prefetch = 0 : i64, scratch_operands = 1 : i64, tpu.core_type = #tpu.core_type<tc>, window_params = [{transform_indices = @transform_0, window_bounds = array<i64: 2, 512, 128>}, {transform_indices = @transform_1, window_bounds = array<i64: 2, 512>}, {transform_indices = @transform_2, window_bounds = array<i64: 512, 128>}, {pipeline_mode = #tpu.pipeline_mode<synchronous>, transform_indices = @transform_3, window_bounds = array<i64: 128, 128>}, {pipeline_mode = #tpu.pipeline_mode<synchronous>, transform_indices = @transform_4, window_bounds = array<i64: 1, 128>}, {pipeline_mode = #tpu.pipeline_mode<synchronous>, transform_indices = @transform_5, window_bounds = array<i64: 128, 128>}, {pipeline_mode = #tpu.pipeline_mode<synchronous>, transform_indices = @transform_6, window_bounds = array<i64: 128, 128>}, {pipeline_mode = #tpu.pipeline_mode<synchronous>, transform_indices = @transform_7, window_bounds = array<i64: 1, 128>}, {pipeline_mode = #tpu.pipeline_mode<synchronous>, transform_indices = @transform_8, window_bounds = array<i64: 128, 40>}, {pipeline_mode = #tpu.pipeline_mode<synchronous>, transform_indices = @transform_9, window_bounds = array<i64: 1, 40>}, {pipeline_mode = #tpu.pipeline_mode<synchronous>, transform_indices = @transform_10, window_bounds = array<i64: 1, 40>}]} {
    %get3A = arith.constant 0 : index
    %get3A_0 = arith.constant 0 : index
    %get3A_1 = arith.constant 0 : index
    %get3A_2 = vector.load %arg1[%get3A, %get3A_0, %get3A_1] : memref<2x512x128xf32, #tpu.memory_space<vmem>>, vector<1x512x128xf32>
    %get3A_3 = vector.shape_cast %get3A_2 : vector<1x512x128xf32> to vector<512x128xf32>
    %get3A_4 = arith.constant 1 : index
    %get3A_5 = arith.constant 0 : index
    %get3A_6 = arith.constant 0 : index
    %get3A_7 = vector.load %arg1[%get3A_4, %get3A_5, %get3A_6] : memref<2x512x128xf32, #tpu.memory_space<vmem>>, vector<1x512x128xf32>
    %get3A_8 = vector.shape_cast %get3A_7 : vector<1x512x128xf32> to vector<512x128xf32>
    %add3A = arith.addf %get3A_3, %get3A_8 : vector<512x128xf32>
    %get3A_9 = arith.constant 0 : index
    %get3A_10 = arith.constant 0 : index
    %get3A_11 = vector.load %arg2[%get3A_9, %get3A_10] : memref<2x512xf32, #tpu.memory_space<vmem>>, vector<1x512xf32>
    %get3A_12 = vector.shape_cast %get3A_11 : vector<1x512xf32> to vector<512xf32>
    %get3A_13 = arith.constant 1 : index
    %get3A_14 = arith.constant 0 : index
    %get3A_15 = vector.load %arg2[%get3A_13, %get3A_14] : memref<2x512xf32, #tpu.memory_space<vmem>>, vector<1x512xf32>
    %get3A_16 = vector.shape_cast %get3A_15 : vector<1x512xf32> to vector<512xf32>
    %add3A_17 = arith.addf %get3A_12, %get3A_16 : vector<512xf32>
    %max3A = arith.constant 1.000000e+00 : f32
    %max3A_18 = vector.broadcast %max3A : f32 to vector<512xf32>
    %max3A_19 = arith.maximumf %add3A_17, %max3A_18 : vector<512xf32>
    %div3A = arith.constant 1.000000e+00 : f32
    %div3A_20 = vector.broadcast %div3A : f32 to vector<512xf32>
    %div3A_21 = arith.divf %div3A_20, %max3A_19 : vector<512xf32>
    %reshape3A = vector.shape_cast %div3A_21 : vector<512xf32> to vector<512x1xf32>
    %mul3A = vector.broadcast %reshape3A : vector<512x1xf32> to vector<512x128xf32>
    %mul3A_22 = arith.mulf %add3A, %mul3A : vector<512x128xf32>
    %get3A_23 = arith.constant 0 : index
    %get3A_24 = arith.constant 0 : index
    %get3A_25 = vector.load %arg4[%get3A_23, %get3A_24] : memref<128x128xf32, #tpu.memory_space<vmem>>, vector<128x128xf32>
    %dot_general3A = arith.constant dense<0.000000e+00> : vector<512x128xf32>
    %dot_general3A_26 = tpu.matmul %mul3A_22, %get3A_25, %dot_general3A {dimension_numbers = #tpu.dot_dimension_numbers<[1], [0], [0], [1], [0, 0, 1, 1], [], []>, transpose_lhs_hint = false} : vector<512x128xf32>, vector<128x128xf32>, vector<512x128xf32> -> vector<512x128xf32>
    %get3A_27 = arith.constant 0 : index
    %get3A_28 = arith.constant 0 : index
    %get3A_29 = vector.load %arg3[%get3A_27, %get3A_28] : memref<512x128xf32, #tpu.memory_space<vmem>>, vector<512x128xf32>
    %get3A_30 = arith.constant 0 : index
    %get3A_31 = arith.constant 0 : index
    %get3A_32 = vector.load %arg6[%get3A_30, %get3A_31] : memref<128x128xf32, #tpu.memory_space<vmem>>, vector<128x128xf32>
    %dot_general3A_33 = arith.constant dense<0.000000e+00> : vector<512x128xf32>
    %dot_general3A_34 = tpu.matmul %get3A_29, %get3A_32, %dot_general3A_33 {dimension_numbers = #tpu.dot_dimension_numbers<[1], [0], [0], [1], [0, 0, 1, 1], [], []>, transpose_lhs_hint = false} : vector<512x128xf32>, vector<128x128xf32>, vector<512x128xf32> -> vector<512x128xf32>
    %add3A_35 = arith.addf %dot_general3A_26, %dot_general3A_34 : vector<512x128xf32>
    %get3A_36 = arith.constant 0 : index
    %get3A_37 = arith.constant 0 : index
    %get3A_38 = vector.load %arg5[%get3A_36, %get3A_37] : memref<1x128xf32, #tpu.memory_space<vmem>>, vector<1x128xf32>
    %add3A_39 = vector.broadcast %get3A_38 : vector<1x128xf32> to vector<512x128xf32>
    %add3A_40 = arith.addf %add3A_35, %add3A_39 : vector<512x128xf32>
    %max3A_41 = arith.constant 0.000000e+00 : f32
    %max3A_42 = vector.broadcast %max3A_41 : f32 to vector<512x128xf32>
    %max3A_43 = arith.maximumf %add3A_40, %max3A_42 : vector<512x128xf32>
    %mul3A_44 = arith.constant 512 : i32
    %mul3A_45 = arith.muli %arg0, %mul3A_44 : i32
    %iota3A = tpu.iota {dimensions = array<i32: 0>} : vector<512x1xi32>
    %add3A_46 = vector.broadcast %mul3A_45 : i32 to vector<512x1xi32>
    %add3A_47 = arith.addi %add3A_46, %iota3A : vector<512x1xi32>
    %lt3A = arith.constant 10000 : i32
    %lt3A_48 = vector.broadcast %lt3A : i32 to vector<512x1xi32>
    %lt3A_49 = arith.cmpi slt, %add3A_47, %lt3A_48 : vector<512x1xi32>
    %jit3A = arith.constant 0.000000e+00 : f32
    %broadcast_in_dim3A = vector.shape_cast %lt3A_49 : vector<512x1xi1> to vector<512x1xi1>
    %broadcast_in_dim3A_50 = vector.broadcast %broadcast_in_dim3A : vector<512x1xi1> to vector<512x128xi1>
    %broadcast_in_dim3A_51 = vector.broadcast %jit3A : f32 to vector<512x128xf32>
    %select_n3A = arith.select %broadcast_in_dim3A_50, %max3A_43, %broadcast_in_dim3A_51 : vector<512x128xi1>, vector<512x128xf32>
    %eq3A = arith.constant 0 : i32
    %eq3A_52 = arith.cmpi eq, %arg0, %eq3A : i32
    %convert_element_type3A = arith.extui %eq3A_52 : i1 to i32
    %cond3A = arith.constant 0 : i32
    %cond3A_53 = arith.cmpi ne, %convert_element_type3A, %cond3A : i32
    scf.if %cond3A_53 {
      %broadcast_in_dim3A_67 = arith.constant 0.000000e+00 : f32
      %broadcast_in_dim3A_68 = vector.broadcast %broadcast_in_dim3A_67 : f32 to vector<1x128xf32>
      %swap3A_69 = arith.constant 0 : index
      %swap3A_70 = arith.constant 0 : index
      %swap3A_71 = vector.load %arg12[%swap3A_69, %swap3A_70] : memref<1x128xf32, #tpu.memory_space<vmem>>, vector<1x128xf32>
      tpu.vector_store %arg12[%swap3A_69, %swap3A_70], %broadcast_in_dim3A_68 {strides = array<i32>} : memref<1x128xf32, #tpu.memory_space<vmem>>, vector<1x128xf32>,
    } else {
    }
    %get3A_54 = arith.constant 0 : index
    %get3A_55 = arith.constant 0 : index
    %get3A_56 = vector.load %arg12[%get3A_54, %get3A_55] : memref<1x128xf32, #tpu.memory_space<vmem>>, vector<1x128xf32>
    %reduce_sum3A = arith.constant dense<0.000000e+00> : vector<128xf32>
    %reduce_sum3A_57 = vector.multi_reduction <add>, %select_n3A, %reduce_sum3A [0] : vector<512x128xf32> to vector<128xf32>
    %broadcast_in_dim3A_58 = vector.shape_cast %reduce_sum3A_57 : vector<128xf32> to vector<1x128xf32>
    %add3A_59 = arith.addf %get3A_56, %broadcast_in_dim3A_58 : vector<1x128xf32>
    %swap3A = arith.constant 0 : index
    %swap3A_60 = arith.constant 0 : index
    %swap3A_61 = vector.load %arg12[%swap3A, %swap3A_60] : memref<1x128xf32, #tpu.memory_space<vmem>>, vector<1x128xf32>
    tpu.vector_store %arg12[%swap3A, %swap3A_60], %add3A_59 {strides = array<i32>} : memref<1x128xf32, #tpu.memory_space<vmem>>, vector<1x128xf32>,
    %eq3A_62 = arith.constant 19 : i32
    %eq3A_63 = arith.cmpi eq, %arg0, %eq3A_62 : i32
    %convert_element_type3A_64 = arith.extui %eq3A_63 : i1 to i32
    %cond3A_65 = arith.constant 0 : i32
    %cond3A_66 = arith.cmpi ne, %convert_element_type3A_64, %cond3A_65 : i32
    scf.if %cond3A_66 {
      %get3A_67 = arith.constant 0 : index
      %get3A_68 = arith.constant 0 : index
      %get3A_69 = vector.load %arg12[%get3A_67, %get3A_68] : memref<1x128xf32, #tpu.memory_space<vmem>>, vector<1x128xf32>
      %div3A_70 = arith.constant 1.000000e+04 : f32
      %div3A_71 = vector.broadcast %div3A_70 : f32 to vector<1x128xf32>
      %div3A_72 = arith.divf %get3A_69, %div3A_71 : vector<1x128xf32>
      %get3A_73 = arith.constant 0 : index
      %get3A_74 = arith.constant 0 : index
      %get3A_75 = vector.load %arg7[%get3A_73, %get3A_74] : memref<128x128xf32, #tpu.memory_space<vmem>>, vector<128x128xf32>
      %dot_general3A_76 = arith.constant dense<0.000000e+00> : vector<1x128xf32>
      %dot_general3A_77 = tpu.matmul %div3A_72, %get3A_75, %dot_general3A_76 {dimension_numbers = #tpu.dot_dimension_numbers<[1], [0], [0], [1], [0, 0, 1, 1], [], []>, transpose_lhs_hint = false} : vector<1x128xf32>, vector<128x128xf32>, vector<1x128xf32> -> vector<1x128xf32>
      %get3A_78 = arith.constant 0 : index
      %get3A_79 = arith.constant 0 : index
      %get3A_80 = vector.load %arg8[%get3A_78, %get3A_79] : memref<1x128xf32, #tpu.memory_space<vmem>>, vector<1x128xf32>
      %add3A_81 = arith.addf %dot_general3A_77, %get3A_80 : vector<1x128xf32>
      %max3A_82 = arith.constant 0.000000e+00 : f32
      %max3A_83 = vector.broadcast %max3A_82 : f32 to vector<1x128xf32>
      %max3A_84 = arith.maximumf %add3A_81, %max3A_83 : vector<1x128xf32>
      %get3A_85 = arith.constant 0 : index
      %get3A_86 = arith.constant 0 : index
      %get3A_87 = vector.load %arg9[%get3A_85, %get3A_86] : memref<128x40xf32, #tpu.memory_space<vmem>>, vector<128x40xf32>
      %dot_general3A_88 = arith.constant dense<0.000000e+00> : vector<1x40xf32>
      %dot_general3A_89 = tpu.matmul %max3A_84, %get3A_87, %dot_general3A_88 {dimension_numbers = #tpu.dot_dimension_numbers<[1], [0], [0], [1], [0, 0, 1, 1], [], []>, transpose_lhs_hint = false} : vector<1x128xf32>, vector<128x40xf32>, vector<1x40xf32> -> vector<1x40xf32>
      %get3A_90 = arith.constant 0 : index
      %get3A_91 = arith.constant 0 : index
      %get3A_92 = vector.load %arg10[%get3A_90, %get3A_91] : memref<1x40xf32, #tpu.memory_space<vmem>>, vector<1x40xf32>
      %add3A_93 = arith.addf %dot_general3A_89, %get3A_92 : vector<1x40xf32>
      %reduce_max3A = arith.constant dense<0xFF800000> : vector<1xf32>
      %reduce_max3A_94 = vector.multi_reduction <maximumf>, %add3A_93, %reduce_max3A [1] : vector<1x40xf32> to vector<1xf32>
      %broadcast_in_dim3A_95 = vector.shape_cast %reduce_max3A_94 : vector<1xf32> to vector<1x1xf32>
      %sub3A = vector.broadcast %broadcast_in_dim3A_95 : vector<1x1xf32> to vector<1x40xf32>
      %sub3A_96 = arith.subf %add3A_93, %sub3A : vector<1x40xf32>
      %exp3A = math.exp %sub3A_96 : vector<1x40xf32>
      %reduce_sum3A_97 = arith.constant dense<0.000000e+00> : vector<1xf32>
      %reduce_sum3A_98 = vector.multi_reduction <add>, %exp3A, %reduce_sum3A_97 [1] : vector<1x40xf32> to vector<1xf32>
      %broadcast_in_dim3A_99 = vector.shape_cast %reduce_sum3A_98 : vector<1xf32> to vector<1x1xf32>
      %log3A = math.log %broadcast_in_dim3A_99 : vector<1x1xf32>
      %add3A_100 = arith.addf %log3A, %broadcast_in_dim3A_95 : vector<1x1xf32>
      %sub3A_101 = vector.broadcast %add3A_100 : vector<1x1xf32> to vector<1x40xf32>
      %sub3A_102 = arith.subf %add3A_93, %sub3A_101 : vector<1x40xf32>
      %swap3A_103 = arith.constant 0 : index
      %swap3A_104 = arith.constant 0 : index
      %swap3A_105 = vector.load %arg11[%swap3A_103, %swap3A_104] : memref<1x40xf32, #tpu.memory_space<vmem>>, vector<1x40xf32>
      tpu.vector_store %arg11[%swap3A_103, %swap3A_104], %sub3A_102 {strides = array<i32>} : memref<1x40xf32, #tpu.memory_space<vmem>>, vector<1x40xf32>,
    } else {
    }
    return
  }
  func.func @transform_0(%arg0: i32) -> (i32, i32, i32) {
    %c0_i32 = arith.constant 0 : i32
    %c0_i32_0 = arith.constant 0 : i32
    %c0_i32_1 = arith.constant 0 : i32
    return %c0_i32, %arg0, %c0_i32_0 : i32, i32, i32
  }
  func.func @transform_1(%arg0: i32) -> (i32, i32) {
    %c0_i32 = arith.constant 0 : i32
    %c0_i32_0 = arith.constant 0 : i32
    return %c0_i32, %arg0 : i32, i32
  }
  func.func @transform_2(%arg0: i32) -> (i32, i32) {
    %c0_i32 = arith.constant 0 : i32
    %c0_i32_0 = arith.constant 0 : i32
    return %arg0, %c0_i32 : i32, i32
  }
  func.func @transform_3(%arg0: i32) -> (i32, i32) {
    %c0_i32 = arith.constant 0 : i32
    %c0_i32_0 = arith.constant 0 : i32
    %c0_i32_1 = arith.constant 0 : i32
    return %c0_i32, %c0_i32_0 : i32, i32
  }
  func.func @transform_4(%arg0: i32) -> (i32, i32) {
    %c0_i32 = arith.constant 0 : i32
    %c0_i32_0 = arith.constant 0 : i32
    %c0_i32_1 = arith.constant 0 : i32
    return %c0_i32, %c0_i32_0 : i32, i32
  }
  func.func @transform_5(%arg0: i32) -> (i32, i32) {
    %c0_i32 = arith.constant 0 : i32
    %c0_i32_0 = arith.constant 0 : i32
    %c0_i32_1 = arith.constant 0 : i32
    return %c0_i32, %c0_i32_0 : i32, i32
  }
  func.func @transform_6(%arg0: i32) -> (i32, i32) {
    %c0_i32 = arith.constant 0 : i32
    %c0_i32_0 = arith.constant 0 : i32
    %c0_i32_1 = arith.constant 0 : i32
    return %c0_i32, %c0_i32_0 : i32, i32
  }
  func.func @transform_7(%arg0: i32) -> (i32, i32) {
    %c0_i32 = arith.constant 0 : i32
    %c0_i32_0 = arith.constant 0 : i32
    %c0_i32_1 = arith.constant 0 : i32
    return %c0_i32, %c0_i32_0 : i32, i32
  }
  func.func @transform_8(%arg0: i32) -> (i32, i32) {
    %c0_i32 = arith.constant 0 : i32
    %c0_i32_0 = arith.constant 0 : i32
    %c0_i32_1 = arith.constant 0 : i32
    return %c0_i32, %c0_i32_0 : i32, i32
  }
  func.func @transform_9(%arg0: i32) -> (i32, i32) {
    %c0_i32 = arith.constant 0 : i32
    %c0_i32_0 = arith.constant 0 : i32
    %c0_i32_1 = arith.constant 0 : i32
    return %c0_i32, %c0_i32_0 : i32, i32
  }
  func.func @transform_10(%arg0: i32) -> (i32, i32) {
    %c0_i32 = arith.constant 0 : i32
    %c0_i32_0 = arith.constant 0 : i32
    %c0_i32_1 = arith.constant 0 : i32
    return %c0_i32, %c0_i32_0 : i32, i32
  }
}

</mosaic_0001>

<sc_bundles>
// kernel: kernel.6.cloned.1.call-start
scs
__scs_entry_jumppad:
0x0: {  	(pc) =	sbr.rel $0x88, $3  }
0x1: {  	(tag) =	ssettag $0x0;
	lr =	simm.s32 $0x1  }
0x2: {  	[smem:$0x3F95] =	sst lr;
	_ =	strace $0xD0000000  }
0x3: {  	_ = 	snop  }
0x4: {  	_ = 	snop  }
0x5: {  	_ = 	snop  }
0x6: {  	_ = 	snop  }
0x7: {  	_ = 	snop  }
__scs_overlays_trampoline_lowered:
0x8: {  	[smem:$0x3FA4] =	sst s0  }
0x9: {  	[smem:$0x3FA5] =	sst s1  }
0xa: {  	[smem:$0x3FA6] =	sst s2  }
0xb: {  	[smem:$0x3FA7] =	sst s3  }
0xc: {  	[smem:$0x3FA8] =	sst s4  }
0xd: {  	[smem:$0x3FA9] =	sst s5  }
0xe: {  	[smem:$0x3FAA] =	sst s6  }
0xf: {  	[smem:$0x3FAB] =	sst s7  }
0x10: {  	[smem:$0x3FAC] =	sst s8  }
0x11: {  	[smem:$0x3FAD] =	sst s9;
	s0 =	simm.s32 @!p0 $0x0  }
0x12: {  	s1 =	sld [smem:$0x3F93];
	s0 =	simm.s32 @p0 $0x1  }
0x13: {  	[smem:$0x3FAE] =	sst s0;
	s0 =	simm.s32 @!p1 $0x0  }
0x14: {  	s2 =	sld [smem:$0x3F92];
	s0 =	simm.s32 @p1 $0x1  }
0x15: {  	[smem:$0x3FAF] =	sst s0;
	s0 =	simm.s32 @!p2 $0x0  }
0x16: {  	s3 =	sld [smem:$0x3FDB];
	s0 =	simm.s32 @p2 $0x1  }
0x17: {  	s4 =	simm.s32 $0x1BF5;
	[smem:$0x3FB1] =	sst s0  }
0x18: {  	s0 =	sld [smem:$0x3F94];
	_ =	swait.ge [sflag:s4], $0x0  }
0x19: {  	s7 =	sld [smem:$0x3F95]  }
0x1a: {  	s8 =	sadd.s32 $0xFFFFE003, lr  }
0x1b: {  	s9 =	sadd.s32 $0xFFFFFEF7, lr;
	s5 =	simm.s32 $0xFFFFFFFF;
	p2 =	slt.u32 s8, $0xFFFFF086  }
0x1c: {  	p1 =	slt.u32 s9, $0xF7A;
	s5 =	simm.s32 @!p2 $0x0  }
0x1d: {  	s5 =	simm.s32 @p1 $0x1;
	p0 =	seq.s32 s7, s2  }
0x1e: {  	s7 =	smul.u32 @!p0 $0xF7A, s2;
	p2 =	seq.s32 @!p0 s5, $0x0  }
0x1f: {  	s9 =	smul.u32 $0xF7A, s1;
	s8 =	simm.s32 @!p0 $0x1BF5;
	p2 =	por !p2, p0  }
0x20: {  	[sflag:s8] =	ssyncset.s32 @!p0 $0xFFFFF086;
	s6 =	sadd.s32 @!p0 s3, s7;
	s7 =	simm.s32 @!p0 $0x108  }
0x21: {  	s3 =	sadd.s32 s3, s9;
	s6 =	sadd.s32 @!p0 $0x88, s6;
	s7 =	simm.s32 @p2 $0x1082  }
0x22: {  	[simem:s7], [sflag:s8] =	dma.local @!p0 [hbm:s6], $0xF7A  }
0x23: {  	s9 =	sor.u32 $0xD0000000, s2;
	s6 =	simm.s32 $0x108;
	_ =	swait.ge @!p0 [sflag:s8], $0x0  }
0x24: {  	s3 =	sadd.s32 $0x88, s3;
	s6 =	simm.s32 @!p1 $0x1082;
	[sflag:s4] =	ssyncset.s32 $0xFFFFF086  }
0x25: {  	[simem:s6], [sflag:s4] =	dma.local [hbm:s3], $0xF7A  }
0x26: {  	[smem:$0x3F95] =	sst s1;
	(tag) =	ssettag s2;
	_ =	strace s9  }
0x27: {  	s1 =	sld [smem:$0x3FA5]  }
0x28: {  	s2 =	sld [smem:$0x3FA6]  }
0x29: {  	s4 =	sld [smem:$0x3FA8]  }
0x2a: {  	p0 =	seq.s32 s5, $0x0;
	s5 =	sld [smem:$0x3FA9]  }
0x2b: {  	s6 =	sld [smem:$0x3FAA]  }
0x2c: {  	s7 =	sld [smem:$0x3FAB]  }
0x2d: {  	s3 =	simm.s32 $0x108;
	s8 =	sld [smem:$0x3FAC]  }
0x2e: {  	s3 =	simm.s32 @!p0 $0x1082;
	s9 =	sld [smem:$0x3FAD]  }
0x2f: {  	lr =	sadd.s32 s0, s3;
	s0 =	sld [smem:$0x3FA4]  }
0x30: {  	s3 =	sld [smem:$0x3FA7]  }
0x31: {  	[smem:$0x3FB0] =	sst s10  }
0x32: {  	s10 =	sld [smem:$0x3FAE];
	_ =	sdelay $0x3  }
0x33: {  	p0 =	seq.s32 s10, $0x1;
	s10 =	sld [smem:$0x3FB0];
	_ =	sdelay $0x3  }
0x34: {  	[smem:$0x3FB0] =	sst s10  }
0x35: {  	s10 =	sld [smem:$0x3FAF];
	_ =	sdelay $0x3  }
0x36: {  	p1 =	seq.s32 s10, $0x1;
	s10 =	sld [smem:$0x3FB0];
	_ =	sdelay $0x3  }
0x37: {  	[smem:$0x3FB0] =	sst s10  }
0x38: {  	s10 =	sld [smem:$0x3FB1]  }
0x39: {  	_ = 	snop;
	(pc) =	sbr.ind lr, $3  }
0x3a: {  	_ = 	snop  }
0x3b: {  	_ = 	snop  }
0x3c: {  	p2 =	seq.s32 s10, $0x1;
	s10 =	sld [smem:$0x3FB0]  }
0x3d: {  	_ =	shalt  }
0x3e: {  	_ =	shalt  }
0x3f: {  	_ =	shalt  }
0x40: {  	_ =	shalt  }
0x41: {  	_ =	shalt  }
0x42: {  	_ =	shalt  }
0x43: {  	_ =	shalt  }
0x44: {  	_ =	shalt  }
0x45: {  	_ =	shalt  }
0x46: {  	_ =	shalt  }
0x47: {  	_ =	shalt  }
0x48: {  	_ =	shalt  }
0x49: {  	_ =	shalt  }
0x4a: {  	_ =	shalt  }
0x4b: {  	_ =	shalt  }
0x4c: {  	_ =	shalt  }
0x4d: {  	_ =	shalt  }
0x4e: {  	_ =	shalt  }
0x4f: {  	_ =	shalt  }
0x50: {  	_ =	shalt  }
0x51: {  	_ =	shalt  }
0x52: {  	_ =	shalt  }
0x53: {  	_ =	shalt  }
0x54: {  	_ =	shalt  }
0x55: {  	_ =	shalt  }
0x56: {  	_ =	shalt  }
0x57: {  	_ =	shalt  }
0x58: {  	_ =	shalt  }
0x59: {  	_ =	shalt  }
0x5a: {  	_ =	shalt  }
0x5b: {  	_ =	shalt  }
0x5c: {  	_ =	shalt  }
0x5d: {  	_ =	shalt  }
0x5e: {  	_ =	shalt  }
0x5f: {  	_ =	shalt  }
0x60: {  	_ =	shalt  }
0x61: {  	_ =	shalt  }
0x62: {  	_ =	shalt  }
0x63: {  	_ =	shalt  }
0x64: {  	_ =	shalt  }
0x65: {  	_ =	shalt  }
0x66: {  	_ =	shalt  }
0x67: {  	_ =	shalt  }
0x68: {  	_ =	shalt  }
0x69: {  	_ =	shalt  }
0x6a: {  	_ =	shalt  }
0x6b: {  	_ =	shalt  }
0x6c: {  	_ =	shalt  }
0x6d: {  	_ =	shalt  }
0x6e: {  	_ =	shalt  }
0x6f: {  	_ =	shalt  }
0x70: {  	_ =	shalt  }
0x71: {  	_ =	shalt  }
0x72: {  	_ =	shalt  }
0x73: {  	_ =	shalt  }
0x74: {  	_ =	shalt  }
0x75: {  	_ =	shalt  }
0x76: {  	_ =	shalt  }
0x77: {  	_ =	shalt  }
0x78: {  	_ =	shalt  }
0x79: {  	_ =	shalt  }
0x7a: {  	_ =	shalt  }
0x7b: {  	_ =	shalt  }
0x7c: {  	_ =	shalt  }
0x7d: {  	_ =	shalt  }
0x7e: {  	_ =	shalt  }
0x7f: {  	_ =	shalt  }
0x80: {  	_ =	shalt  }
0x81: {  	_ =	shalt  }
0x82: {  	_ =	shalt  }
0x83: {  	_ =	shalt  }
0x84: {  	_ =	shalt  }
0x85: {  	_ =	shalt  }
0x86: {  	_ =	shalt  }
0x87: {  	_ =	shalt  }
.Lfunc_end0:
.L_simem_size_0:
called_computation_lowered:
.L_overlay_start_0:
0x88: {  	s2 =	sld [smem:$0x3FD9]  }
0x89: {  	s3 =	sld [smem:$0x3FFE];
	_ =	sdelay $0x1  }
0x8a: {  	s1 =	srdreg.scid  }
0x8b: {  	s0 =	sand.u32 $0x1, s1  }
0x8c: {  	s17 =	sshll.u32 s0, $0xA;
	s2 =	sadd.s32 s3, s2  }
0x8d: {  	s2 =	sadd.s32 s2, s17  }
0x8e: {  	[smem:$0x3FBC] =	sst s2  }
0x8f: {  	_ = 	snop  }
0x90: {  	s2 =	sld [smem:$0x3FD0];
	(tm) =	ssettm $0x1  }
0x91: {  	s18 =	sld [smem:$0x3FFB];
	_ =	sdelay $0x3  }
0x92: {  	_ =	strace s18  }
0x93: {  	s3 =	sld [smem:$0x3FFC];
	_ =	sdelay $0x3  }
0x94: {  	_ =	strace s3  }
0x95: {  	s3 =	sld [smem:$0x3FFD];
	_ =	sdelay $0x3  }
0x96: {  	_ =	strace s3  }
0x97: {  	_ =	strace $0x8FFFFFFF  }
0x98: {  	s19 =	sld [smem:$0x3FDB];
	_ =	sdelay $0x1  }
0x99: {  	s4 =	simm.s32 $_scs_section_size  }
0x9a: {  	s5 =	simm.s32 $_size__tile_overlayer_lowered;
	s6 =	simm.s32 $_tile_overlayer_lowered  }
0x9b: {  	s22 =	simm.s32 $0x1BFF;
	s21 =	sshll.u32 s6, $0x1;
	s3 =	sadd.s32 s4, s19  }
0x9c: {  	s7 =	simm.s32 $0x0;
	s20 =	sshll.u32 s5, $0x1;
	s5 =	sadd.s32 s21, s3  }
0x9d: {  	[timem:s7], [sflag:s22] =	dma.local [hbm:s5], s20  }
0x9e: {  	_ =	swait.ge [sflag:s22], s20  }
0x9f: {  	s4 =	ssub.s32 $0x0, s20;
	[sflag:s22] =	ssyncset.done $0x0  }
0xa0: {  	[sflag:s22] =	ssyncadd.s32 s4;
	_ =	sdelay $0x1  }
0xa1: {  	s23 =	simm.s32 $0x1B8B  }
0xa2: {  	_ =	swait.ge [sflag:s23], $0x1  }
0xa3: {  	[sflag:s23] =	ssyncset.done $0x0  }
0xa4: {  	s25 =	simm.s32 $0x1B8E;
	s24 =	sld [smem:$0x3FFE];
	[sflag:s23] =	ssyncadd.s32 $0xFFFFFFFF  }
0xa5: {  	s26 =	simm.s32 $execute0_lowered;
	[smem:$0x3FD2] =	sst s25  }
0xa6: {  	s5 =	sshll.u32 s26, $0x1;
	_ =	strace $0x80000046;
	[dreg:$0x1] =	wrdreg $0xFFFFFFFF  }
0xa7: {  	s28 =	simm.s32 $_size_execute0_lowered;
	s3 =	sadd.s32 s3, s5;
	[dreg:$0x0] =	wrdreg $0x0  }
0xa8: {  	s5 =	sshll.u32 s28, $0x1;
	[dreg:$0x2] =	wrdreg s3  }
0xa9: {  	[dreg:$0x3] =	wrdreg s5  }
0xaa: {  	[dreg:$0x4] =	wrdreg $0xC0  }
0xab: {  	_ =	task [dreg:s7], $0x5FFFF  }
0xac: {  	[dreg:$0x1] =	wrdreg $0xFFFFFFFF  }
0xad: {  	[dreg:$0x0] =	wrdreg $0x60  }
0xae: {  	[dreg:$0x2] =	wrdreg s24  }
0xaf: {  	[dreg:$0x3] =	wrdreg s2  }
0xb0: {  	[dreg:$0x4] =	wrdreg $0xA4000  }
0xb1: {  	[dreg:$0x5] =	wrdreg $0x1E7000  }
0xb2: {  	[dreg:$0x6] =	wrdreg $0x9  }
0xb3: {  	_ =	task.clear_ibuf [dreg:s7], $0x7FFFF;
	_ =	strace $0x90000046  }
0xb4: {  	s29 =	simm.s32 $0x9;
	_ =	strace $0x80000048  }
0xb5: {  	_ =	swait.ge [sflag:s29], $0x1  }
0xb6: {  	[sflag:s29] =	ssyncadd.s32 $0xFFFFFFFF  }
0xb7: {  	_ =	strace $0x90000048  }
0xb8: {  	_ =	sfence  }
0xb9: {  	s30 =	sld [smem:$0x0];
	_ =	sdelay $0x2  }
0xba: {  	s31 =	sshll.u32 s1, $0xD;
	s1 =	sshrl.u32 s1, $0x2  }
0xbb: {  	s3 =	sand.u32 $0x4000, s31;
	s1 =	sadd.s32 s1, s30  }
0xbc: {  	s0 =	sor.u32 s3, s0;
	s1 =	sshll.u32 s1, $0x11  }
0xbd: {  	s0 =	sor.u32 s1, s0  }
0xbe: {  	s0 =	sadd.s32 $0x8F2B, s0  }
0xbf: {  	[sflag:s0] =	ssyncadd.remote.s32 $0x1  }
0xc0: {  	_ =	sfence.sel $0xFFFF  }
0xc1: {  	[dreg:$0x0] =	wrdreg $0xFFFFFFFF;
	(pc) =	sbr.abs _section_cstart, $3  }
0xc2: {  	[dreg:$0x1] =	wrdreg $0xFFFFFFFF  }
0xc3: {  	_ =	task.clear_ibuf [dreg:s7], $0x2FFFF;
	_ =	strace $0x9FFFFFFF  }
0xc4: {  	(tm) =	ssettm $0x7FFFFFFF  }
0xc5: {  	_ =	shalt  }
tec
execute0_lowered:
.L_overlay_start_1:
0x0: {  	(tag) =	ssettag $0x1  }
0x1: {  	s0 =	rddreg [dreg:$0x0]  }
0x2: {  	s2 =	rddreg [dreg:$0x2]  }
0x3: {  	s3 =	rddreg [dreg:$0x3];
	s4 =	simm.s32 $0x0;
	s1 =	srdreg.scid  }
0x4: {  	s6 =	stileid.u32;
	s31 =	simm.s32 $0x50;
	s30 =	simm.s32 $0x5  }
0x5: {  	[smem:$0x7FF] =	sst s4;
	s8 =	sand.u32 $0x1, s1;
	s5 =	smul.u32 $0x280, s6  }
0x6: {  	s23 =	sadd.s32 $0xD000, s0;
	s24 =	sadd.s32 $0x3200, s0;
	s12 =	smul.u32 $0x50000, s6  }
0x7: {  	s13 =	sshll.u32 s6, $0x1;
	s14 =	smul.u32 $0x4E20, s6;
	_ =	strace $0x80000047  }
0x8: {  	s1 =	smul.u32 $0x28000, s8;
	s21 =	sshll.u32 s8, $0x4;
	[dreg:$0xb] =	wrdreg s23  }
0x9: {  	s22 =	ssub.s32 $0x2, s8;
	[dreg:$0xc] =	wrdreg s24;
	s11 =	sadd.s32 s21, s0  }
0xa: {  	s9 =	sshrl.u32 s22, $0x1;
	s15 =	sadd.s32 $0xA0, s5;
	s16 =	sadd.s32 $0xF0, s5  }
0xb: {  	s18 =	sadd.s32 $0x140, s5;
	s19 =	sadd.s32 $0x190, s5;
	s10 =	sadd.s32 s1, s0  }
0xc: {  	s1 =	ssub.s32 s22, s9;
	s9 =	sor.u32 s8, s13;
	s8 =	smul.u32 $0x2710, s8  }
0xd: {  	s12 =	sshrl.u32 s12, $0x2;
	s13 =	sor.u32 $0x50, s5;
	s9 =	smul.u32 $0x2710, s9  }
0xe: {  	s11 =	sadd.s32 $0x8F600, s11;
	s8 =	sadd.s32 s8, s14;
	s14 =	smul.u32 $0x2800, s6  }
0xf: {  	s10 =	sadd.s32 $0x3F600, s10;
	s20 =	sshll.u32 s13, $0x4;
	s6 =	smul.u32 $0xA0, s6  }
0x10: {  	s17 =	sadd.s32 $0x230, s8;
	s21 =	sadd.s32 $0x190, s8;
	s22 =	sadd.s32 $0x1E0, s8  }
0x11: {  	s7 =	sadd.s32 $0xF0, s8;
	s17 =	sshrl.u32 s17, $0x3;
	s6 =	sadd.s32 s6, s11  }
0x12: {  	s21 =	sshrl.u32 s21, $0x3;
	s17 =	sadd.s32 s17, s23;
	[dreg:$0xd] =	wrdreg s6  }
0x13: {  	s22 =	sshrl.u32 s22, $0x3;
	s25 =	sadd.s32 s21, s24;
	[dreg:$0x5] =	wrdreg s17  }
0x14: {  	s11 =	sadd.s32 $0x1E0, s5;
	s26 =	sadd.s32 s22, s23;
	[dreg:$0x6] =	wrdreg s25  }
0x15: {  	s21 =	sadd.s32 s21, s23;
	s22 =	sshrl.u32 s7, $0x3;
	[dreg:$0x7] =	wrdreg s26  }
0x16: {  	s6 =	sshll.u32 s16, $0x7;
	[dreg:$0x8] =	wrdreg s21;
	s25 =	sadd.s32 s22, s24  }
0x17: {  	s26 =	sadd.s32 $0xA0, s8;
	s28 =	sadd.s32 s6, s2;
	[dreg:$0x9] =	wrdreg s25  }
0x18: {  	s21 =	sshll.u32 s15, $0x4;
	s6 =	sadd.s32 s5, s3;
	[dreg:$0x1b] =	wrdreg s28  }
0x19: {  	s7 =	sshrl.u32 s26, $0x3;
	s26 =	sadd.s32 s14, s10;
	[smem:$0x7FD] =	sst s6  }
0x1a: {  	s25 =	sshll.u32 s18, $0x4;
	s14 =	sadd.s32 s21, s10;
	[dreg:$0xe] =	wrdreg s26  }
0x1b: {  	s21 =	sshll.u32 s19, $0x4;
	s17 =	sadd.s32 s7, s24;
	[dreg:$0x10] =	wrdreg s14  }
0x1c: {  	s7 =	sadd.s32 s20, s10;
	s20 =	sadd.s32 s25, s10;
	[dreg:$0xa] =	wrdreg s17  }
0x1d: {  	s14 =	sadd.s32 $0x230, s5;
	s22 =	sadd.s32 s21, s10;
	[dreg:$0xf] =	wrdreg s7  }
0x1e: {  	s25 =	sshll.u32 s11, $0x4;
	s21 =	sadd.s32 $0x3EE00, s0;
	[dreg:$0x12] =	wrdreg s20  }
0x1f: {  	s17 =	sshll.u32 s16, $0x4;
	[dreg:$0x13] =	wrdreg s22;
	s26 =	sshll.u32 s14, $0x4  }
0x20: {  	s7 =	sadd.s32 s25, s10;
	s20 =	sshll.u32 s13, $0x7;
	[dreg:$0x16] =	wrdreg s21  }
0x21: {  	s22 =	sadd.s32 s12, s2;
	s12 =	sshll.u32 s19, $0x7;
	s13 =	sshll.u32 s11, $0x7  }
0x22: {  	s19 =	sshrl.u32 s9, $0x3;
	s17 =	sadd.s32 s17, s10;
	[dreg:$0x14] =	wrdreg s7  }
0x23: {  	s10 =	sadd.s32 s26, s10;
	[dreg:$0x18] =	wrdreg s22;
	s25 =	sadd.s32 s20, s2  }
0x24: {  	s26 =	sshll.u32 s15, $0x7;
	s7 =	sshll.u32 s18, $0x7;
	s11 =	sadd.s32 s12, s2  }
0x25: {  	s15 =	sshll.u32 s14, $0x7;
	s9 =	sadd.s32 s23, s19;
	[dreg:$0x11] =	wrdreg s17  }
0x26: {  	s20 =	sadd.s32 $0xA, s19;
	s12 =	simm.s32 $0x1E400;
	[dreg:$0x15] =	wrdreg s10  }
0x27: {  	s14 =	simm.s32 $0x9;
	s17 =	sadd.s32 $0x16E00, s0;
	[dreg:$0x19] =	wrdreg s25  }
0x28: {  	s0 =	sadd.s32 $0x3F400, s0;
	s16 =	sadd.s32 s26, s2;
	[smem:$0x7FB] =	sst s9  }
0x29: {  	s29 =	sadd.s32 s7, s2;
	s10 =	sadd.s32 s13, s2;
	[dreg:$0x1d] =	wrdreg s11  }
0x2a: {  	s18 =	sadd.s32 s15, s2;
	s21 =	sadd.s32 s23, s20;
	[dreg:$0x17] =	wrdreg s0  }
0x2b: {  	s22 =	sadd.s32 s24, s20;
	s23 =	smax.u32 s1, $0x1;
	[smem:$0x7F6] =	sst s21  }
0x2c: {  	s25 =	sadd.s32 $0x14, s9;
	s26 =	sadd.s32 $0x1E, s9;
	[smem:$0x7F7] =	sst s22  }
0x2d: {  	s15 =	simm.s32 $0xA000;
	s1 =	simm.s32 $0xA300;
	[smem:$0x7F8] =	sst s23  }
0x2e: {  	s9 =	simm.s32 $0x5000;
	s20 =	simm.s32 $0xA380;
	[smem:$0x7FA] =	sst s25  }
0x2f: {  	s7 =	simm.s32 $0x0;
	s0 =	sadd.s32 s24, s19;
	[smem:$0x7FC] =	sst s26  }
0x30: {  	s5 =	smov.u32 s10;
	s24 =	sadd.s32 $0x140, s8;
	[dreg:$0x1a] =	wrdreg s16  }
0x31: {  	s8 =	smov.u32 s18;
	s18 =	simm.s32 $0xA200;
	[dreg:$0x1c] =	wrdreg s29  }
0x32: {  	s19 =	simm.s32 $0xA280;
	s10 =	simm.s32 $0x1;
	[smem:$0x7F5] =	sst s0  }
0x33: {  	s21 =	simm.s32 $0x7800;
	s22 =	simm.s32 $0x2;
	[smem:$0x7F9] =	sst s24  }
0x34: {  	s23 =	simm.s32 $0x6;
	s25 =	simm.s32 $0x7;
	[dreg:$0x1e] =	wrdreg s5  }
0x35: {  	s26 =	simm.s32 $0x8;
	s24 =	simm.s32 $0x3;
	[dreg:$0x1f] =	wrdreg s8  }
.LBB2_1:
0x36: {  	[smem:$0x7F4] =	sst s7  }
0x37: {  	s0 =	rddreg [dreg:$0x16];
	s13 =	simm.s32 $0xA  }
0x38: {  	[tilespmem:s4], [sflag:$0xA] =	stream.linear.gather [hbm4b:s0+s4], $0x2800, $0x38;
	[tilespmem:$0x1E980] =	vst v63  }
0x39: {  	_ =	swait.ge [sflag:s13], $0x2800  }
0x3a: {  	[sflag:s13] =	ssyncset.done $0x0  }
0x3b: {  	s0 =	rddreg [dreg:$0x18];
	[sflag:s13] =	ssyncadd.s32 $0xFFFFD800  }
0x3c: {  	[spmem:s0] =	stream.linear.scatter [tilespmem:s4], [sflag:$0x9], $0x2800, $0x38;
	[tilespmem:$0x1E980] =	vst v63  }
0x3d: {  	s0 =	rddreg [dreg:$0x19]  }
0x3e: {  	[spmem:s0] =	stream.linear.scatter [tilespmem:s4], [sflag:$0x9], $0x2800, $0x38;
	[tilespmem:$0x1E980] =	vst v63  }
0x3f: {  	_ = 	snop  }
0x40: {  	[spmem:s16] =	stream.linear.scatter [tilespmem:s4], [sflag:$0x9], $0x2800, $0x38;
	[tilespmem:$0x1E980] =	vst v63  }
0x41: {  	_ = 	snop  }
0x42: {  	[spmem:s28] =	stream.linear.scatter [tilespmem:s4], [sflag:$0x9], $0x2800, $0x38;
	[tilespmem:$0x1E980] =	vst v63  }
0x43: {  	_ = 	snop  }
0x44: {  	[spmem:s29] =	stream.linear.scatter [tilespmem:s4], [sflag:$0x9], $0x2800, $0x38;
	[tilespmem:$0x1E980] =	vst v63  }
0x45: {  	_ = 	snop  }
0x46: {  	[spmem:s11] =	stream.linear.scatter [tilespmem:s4], [sflag:$0x9], $0x2800, $0x38;
	[tilespmem:$0x1E980] =	vst v63  }
0x47: {  	_ = 	snop  }
0x48: {  	[spmem:s5] =	stream.linear.scatter [tilespmem:s4], [sflag:$0x9], $0x2800, $0x38;
	[tilespmem:$0x1E980] =	vst v63  }
0x49: {  	_ = 	snop  }
0x4a: {  	[spmem:s8] =	stream.linear.scatter [tilespmem:s4], [sflag:$0x9], $0x2800, $0x38;
	[tilespmem:$0x1E980] =	vst v63  }
0x4b: {  	s11 =	rddreg [dreg:$0x1]  }
0x4c: {  	[tilespmem:s12], [sflag:$0xA] =	stream.linear.gather [hbm4b:s11+s4], $0x80, $0x38;
	[tilespmem:$0x1E980] =	vst v63  }
0x4d: {  	_ =	swait.ge [sflag:s13], $0x80  }
0x4e: {  	[sflag:s13] =	ssyncset.done $0x0  }
0x4f: {  	s7 =	simm.s32 $0x1E480;
	s16 =	rddreg [dreg:$0x17];
	[sflag:s13] =	ssyncadd.s32 $0xFFFFFF80  }
0x50: {  	[tilespmem:s7], [sflag:$0xA] =	stream.linear.gather [hbm4b:s16+s4], $0x280, $0x38;
	[tilespmem:$0x1E980] =	vst v63  }
0x51: {  	_ =	swait.ge [sflag:s13], $0x280  }
0x52: {  	[sflag:s13] =	ssyncset.done $0x0  }
0x53: {  	[sflag:s13] =	ssyncadd.s32 $0xFFFFFD80  }
0x54: {  	[spmem:s6] =	stream.linear.scatter [tilespmem:s7], [sflag:$0x9], $0x280, $0x38;
	[tilespmem:$0x1E980] =	vst v63  }
0x55: {  	_ =	swait.ge [sflag:s14], $0x2800  }
0x56: {  	[sflag:s14] =	ssyncset.done $0x0  }
0x57: {  	[sflag:s14] =	ssyncadd.s32 $0xFFFFD800  }
0x58: {  	_ =	swait.ge [sflag:s14], $0x2800  }
0x59: {  	[sflag:s14] =	ssyncset.done $0x0  }
0x5a: {  	[sflag:s14] =	ssyncadd.s32 $0xFFFFD800  }
0x5b: {  	_ =	swait.ge [sflag:s14], $0x2800  }
0x5c: {  	[sflag:s14] =	ssyncset.done $0x0  }
0x5d: {  	[sflag:s14] =	ssyncadd.s32 $0xFFFFD800  }
0x5e: {  	_ =	swait.ge [sflag:s14], $0x2800  }
0x5f: {  	[sflag:s14] =	ssyncset.done $0x0  }
0x60: {  	[sflag:s14] =	ssyncadd.s32 $0xFFFFD800  }
0x61: {  	_ =	swait.ge [sflag:s14], $0x2800  }
0x62: {  	[sflag:s14] =	ssyncset.done $0x0  }
0x63: {  	[sflag:s14] =	ssyncadd.s32 $0xFFFFD800  }
0x64: {  	_ =	swait.ge [sflag:s14], $0x2800  }
0x65: {  	[sflag:s14] =	ssyncset.done $0x0  }
0x66: {  	[sflag:s14] =	ssyncadd.s32 $0xFFFFD800  }
0x67: {  	_ =	swait.ge [sflag:s14], $0x2800  }
0x68: {  	[sflag:s14] =	ssyncset.done $0x0  }
0x69: {  	[sflag:s14] =	ssyncadd.s32 $0xFFFFD800  }
0x6a: {  	_ =	swait.ge [sflag:s14], $0x2800  }
0x6b: {  	[sflag:s14] =	ssyncset.done $0x0  }
0x6c: {  	[sflag:s14] =	ssyncadd.s32 $0xFFFFD800  }
0x6d: {  	_ =	swait.ge [sflag:s14], $0x280  }
0x6e: {  	[sflag:s14] =	ssyncset.done $0x0  }
0x6f: {  	[sflag:s14] =	ssyncadd.s32 $0xFFFFFD80  }
0x70: {  	[bflag:$0x0] =	sbarrier.arrive $0xFFFF  }
0x71: {  	s29 =	sld [smem:$0x7FB];
	_ =	sdelay $0x2  }
0x72: {  	[tilespmem:s15], [sflag:$0xA] =	stream.linear.gather [hbm4b:s29+s4], $0x50, $0x38;
	[tilespmem:$0x1E980] =	vst v63  }
0x73: {  	_ =	swait.ge [sflag:s13], $0x50  }
0x74: {  	s5 =	sld [smem:$0x7F6]  }
0x75: {  	[sflag:s13] =	ssyncset.done $0x0  }
0x76: {  	s6 =	simm.s32 $0xA080;
	[sflag:s13] =	ssyncadd.s32 $0xFFFFFFB0  }
0x77: {  	[tilespmem:s6], [sflag:$0xA] =	stream.linear.gather [hbm4b:s5+s4], $0x50, $0x38;
	[tilespmem:$0x1E980] =	vst v63  }
0x78: {  	_ =	swait.ge [sflag:s13], $0x50  }
0x79: {  	s7 =	sld [smem:$0x7F5]  }
0x7a: {  	[sflag:s13] =	ssyncset.done $0x0  }
0x7b: {  	s8 =	sld [smem:$0x7F7];
	[sflag:s13] =	ssyncadd.s32 $0xFFFFFFB0  }
0x7c: {  	[tilespmem:s18], [sflag:$0x5] =	stream.linear.gather [hbm4b:s7+s4], $0x50, $0x38;
	[tilespmem:$0x1E980] =	vst v63  }
0x7d: {  	_ = 	snop  }
0x7e: {  	[tilespmem:s19], [sflag:$0x6] =	stream.linear.gather [hbm4b:s8+s4], $0x50, $0x38;
	[tilespmem:$0x1E980] =	vst v63  }
0x7f: {  	_ = 	snop  }
0x80: {  	[tilespmem:s4], [sflag:$0x1] =	stream.indirect.gather [hbm4b:s17+s31], $0x80, s15, s31, $0xb8;
	[tilespmem:$0x1E980] =	vst v63  }
0x81: {  	p0 =	por $0x1, $0x1;
	s16 =	simm.s32 $0x2800;
	s11 =	sld [smem:$0x7FA]  }
0x82: {  	[tilespmem:s16], [sflag:$0x2] =	stream.indirect.gather [hbm4b:s17+s31], $0x80, s6, s31, $0xb8;
	[tilespmem:$0x1E980] =	vst v63  }
0x83: {  	p0 =	por p0, p0;
	s29 =	sld [smem:$0x7FC];
	s13 =	simm.s32 $0xA100  }
0x84: {  	[tilespmem:s13], [sflag:$0x9] =	stream.linear.gather [hbm4b:s11+s4], $0x50, $0x38;
	[tilespmem:$0x1E980] =	vst v63  }
0x85: {  	s5 =	simm.s32 @!p0 $0x7;
	s7 =	simm.s32 $0xA180  }
0x86: {  	[tilespmem:s7], [sflag:$0x9] =	stream.linear.gather [hbm4b:s29+s4], $0x50, $0x38;
	[tilespmem:$0x1E980] =	vst v63  }
0x87: {  	_ =	swait.ge @!p0 [sflag:s5], $0x2800  }
0x88: {  	[sflag:s5] =	ssyncset.done @!p0 $0x0  }
0x89: {  	[sflag:s5] =	ssyncadd.s32 @!p0 $0xFFFFD800  }
0x8a: {  	_ =	swait.ge @!p0 [sflag:s5], $0x50  }
0x8b: {  	s0 =	rddreg [dreg:$0xa];
	[sflag:s5] =	ssyncset.done @!p0 $0x0  }
0x8c: {  	[sflag:s5] =	ssyncadd.s32 @!p0 $0xFFFFFFB0;
	s11 =	sadd.s32 $0x0, s0  }
0x8d: {  	[tilespmem:s1], [sflag:$0x7] =	stream.linear.gather [hbm4b:s11+s4], $0x50, $0x38;
	[tilespmem:$0x1E980] =	vst v63  }
0x8e: {  	_ =	swait.ge [sflag:s14], $0x50  }
0x8f: {  	[sflag:s14] =	ssyncset.done $0x0  }
0x90: {  	[sflag:s14] =	ssyncadd.s32 $0xFFFFFFB0  }
0x91: {  	[tilespmem:s9], [sflag:$0x3] =	stream.indirect.gather [hbm4b:s17+s31], $0x80, s13, s31, $0xb8;
	[tilespmem:$0x1E980] =	vst v63  }
0x92: {  	_ =	swait.ge [sflag:s10], $0x2800  }
0x93: {  	s6 =	sld [smem:$0x7F9];
	_ =	sdelay $0x2  }
0x94: {  	[sflag:s10] =	ssyncset.done $0x0;
	s13 =	rddreg [dreg:$0xb];
	s5 =	sshrl.u32 s6, $0x3  }
0x95: {  	[sflag:s10] =	ssyncadd.s32 $0xFFFFD800;
	s29 =	sadd.s32 s13, s5  }
0x96: {  	[tilespmem:s15], [sflag:$0x9] =	stream.linear.gather [hbm4b:s29+s4], $0x50, $0x38;
	[tilespmem:$0x1E980] =	vst v63  }
0x97: {  	_ =	swait.ge [sflag:s30], $0x50  }
0x98: {  	[sflag:s30] =	ssyncset.done $0x0  }
0x99: {  	[sflag:s30] =	ssyncadd.s32 $0xFFFFFFB0  }
0x9a: {  	[spmem:s2] =	stream.indirect.scatter.add.f32 [tilespmem:s4], [sflag:$0x5], $0x80, s18, s31, $0xb8;
	[tilespmem:$0x1E980] =	vst v63  }
0x9b: {  	s8 =	simm.s32 @!p0 $0x8  }
0x9c: {  	[spmem:s3] =	stream.indirect.scatter.add.f32 [tilespmem:s12], [sflag:$0x5], $0x1, s18, s31, $0xb8;
	[tilespmem:$0x1E980] =	vst v63  }
0x9d: {  	_ =	swait.ge @!p0 [sflag:s8], $0x2800  }
0x9e: {  	[sflag:s8] =	ssyncset.done @!p0 $0x0  }
0x9f: {  	[sflag:s8] =	ssyncadd.s32 @!p0 $0xFFFFD800  }
0xa0: {  	_ =	swait.ge @!p0 [sflag:s8], $0x50  }
0xa1: {  	s0 =	rddreg [dreg:$0x9];
	[sflag:s8] =	ssyncset.done @!p0 $0x0  }
0xa2: {  	[sflag:s8] =	ssyncadd.s32 @!p0 $0xFFFFFFB0;
	s13 =	sadd.s32 $0x0, s0  }
0xa3: {  	[tilespmem:s20], [sflag:$0x8] =	stream.linear.gather [hbm4b:s13+s4], $0x50, $0x38;
	[tilespmem:$0x1E980] =	vst v63  }
0xa4: {  	_ =	swait.ge [sflag:s14], $0x50  }
0xa5: {  	[sflag:s14] =	ssyncset.done $0x0  }
0xa6: {  	[sflag:s14] =	ssyncadd.s32 $0xFFFFFFB0  }
0xa7: {  	[tilespmem:s21], [sflag:$0x4] =	stream.indirect.gather [hbm4b:s17+s31], $0x80, s7, s31, $0xb8;
	[tilespmem:$0x1E980] =	vst v63  }
0xa8: {  	p0 =	por $0x0, $0x0;
	_ =	swait.ge [sflag:s22], $0x2800  }
0xa9: {  	s11 =	simm.s32 @!p0 $0x0;
	s8 =	rddreg [dreg:$0x8];
	[sflag:s22] =	ssyncset.done $0x0  }
0xaa: {  	s13 =	simm.s32 @!p0 $0xA080;
	[sflag:s22] =	ssyncadd.s32 $0xFFFFD800;
	s8 =	sadd.s32 @!p0 $0x0, s8  }
0xab: {  	[tilespmem:s13], [sflag:$0x9] =	stream.linear.gather @!p0 [hbm4b:s8+s11], $0x50, $0x38;
	[tilespmem:$0x1E980] =	vst v63  }
0xac: {  	_ =	swait.ge [sflag:s23], $0x50  }
0xad: {  	[sflag:s23] =	ssyncset.done $0x0  }
0xae: {  	[sflag:s23] =	ssyncadd.s32 $0xFFFFFFB0  }
0xaf: {  	[spmem:s2] =	stream.indirect.scatter.add.f32 [tilespmem:s16], [sflag:$0x6], $0x80, s19, s31, $0xb8;
	[tilespmem:$0x1E980] =	vst v63  }
0xb0: {  	_ = 	snop  }
0xb1: {  	[spmem:s3] =	stream.indirect.scatter.add.f32 [tilespmem:s12], [sflag:$0x6], $0x1, s19, s31, $0xb8;
	[tilespmem:$0x1E980] =	vst v63  }
0xb2: {  	_ =	swait.ge [sflag:s30], $0x2800  }
0xb3: {  	[sflag:s30] =	ssyncset.done $0x0  }
0xb4: {  	[sflag:s30] =	ssyncadd.s32 $0xFFFFD800  }
0xb5: {  	_ =	swait.ge [sflag:s30], $0x50  }
0xb6: {  	[sflag:s30] =	ssyncset.done $0x0;
	s29 =	rddreg [dreg:$0xc]  }
0xb7: {  	s5 =	sadd.s32 s29, s5;
	[sflag:s30] =	ssyncadd.s32 $0xFFFFFFB0  }
0xb8: {  	[tilespmem:s18], [sflag:$0x5] =	stream.linear.gather [hbm4b:s5+s4], $0x50, $0x38;
	[tilespmem:$0x1E980] =	vst v63  }
0xb9: {  	_ =	swait.ge [sflag:s14], $0x50  }
0xba: {  	[sflag:s14] =	ssyncset.done $0x0  }
0xbb: {  	[sflag:s14] =	ssyncadd.s32 $0xFFFFFFB0  }
0xbc: {  	[tilespmem:s4], [sflag:$0x1] =	stream.indirect.gather [hbm4b:s17+s31], $0x80, s15, s31, $0xb8;
	[tilespmem:$0x1E980] =	vst v63  }
0xbd: {  	_ =	swait.ge [sflag:s24], $0x2800  }
0xbe: {  	s5 =	rddreg [dreg:$0x7];
	[sflag:s24] =	ssyncset.done $0x0  }
0xbf: {  	s8 =	simm.s32 @!p0 $0xA100;
	[sflag:s24] =	ssyncadd.s32 $0xFFFFD800;
	s5 =	sadd.s32 @!p0 $0x0, s5  }
0xc0: {  	[tilespmem:s8], [sflag:$0x9] =	stream.linear.gather @!p0 [hbm4b:s5+s11], $0x50, $0x38;
	[tilespmem:$0x1E980] =	vst v63  }
0xc1: {  	_ =	swait.ge [sflag:s25], $0x50  }
0xc2: {  	[sflag:s25] =	ssyncset.done $0x0  }
0xc3: {  	[sflag:s25] =	ssyncadd.s32 $0xFFFFFFB0  }
0xc4: {  	[spmem:s2] =	stream.indirect.scatter.add.f32 [tilespmem:s9], [sflag:$0x7], $0x80, s1, s31, $0xb8;
	[tilespmem:$0x1E980] =	vst v63  }
0xc5: {  	_ = 	snop  }
0xc6: {  	[spmem:s3] =	stream.indirect.scatter.add.f32 [tilespmem:s12], [sflag:$0x7], $0x1, s1, s31, $0xb8;
	[tilespmem:$0x1E980] =	vst v63  }
0xc7: {  	_ =	swait.ge [sflag:s23], $0x2800  }
0xc8: {  	[sflag:s23] =	ssyncset.done $0x0  }
0xc9: {  	[sflag:s23] =	ssyncadd.s32 $0xFFFFD800  }
0xca: {  	_ =	swait.ge [sflag:s23], $0x50  }
0xcb: {  	[sflag:s23] =	ssyncset.done $0x0  }
0xcc: {  	s5 =	simm.s32 @p0 $0x4;
	[sflag:s23] =	ssyncadd.s32 $0xFFFFFFB0  }
0xcd: {  	_ =	swait.ge @p0 [sflag:s5], $0x2800  }
0xce: {  	s8 =	rddreg [dreg:$0x6];
	[sflag:s5] =	ssyncset.done @p0 $0x0  }
0xcf: {  	[sflag:s5] =	ssyncadd.s32 @p0 $0xFFFFD800;
	s5 =	simm.s32 @!p0 $0xA280;
	s8 =	sadd.s32 @!p0 $0x0, s8  }
0xd0: {  	[tilespmem:s5], [sflag:$0x6] =	stream.linear.gather @!p0 [hbm4b:s8+s11], $0x50, $0x38;
	[tilespmem:$0x1E980] =	vst v63  }
0xd1: {  	s5 =	simm.s32 @!p0 $0x9  }
0xd2: {  	_ =	swait.ge @!p0 [sflag:s5], $0x50  }
0xd3: {  	[sflag:s5] =	ssyncset.done @!p0 $0x0  }
0xd4: {  	s8 =	simm.s32 @!p0 $0x50;
	[sflag:s5] =	ssyncadd.s32 @!p0 $0xFFFFFFB0;
	s5 =	simm.s32 @!p0 $0x2800  }
0xd5: {  	[tilespmem:s5], [sflag:$0x2] =	stream.indirect.gather @!p0 [hbm4b:s17+s8], $0x80, s13, s8, $0xb8;
	[tilespmem:$0x1E980] =	vst v63  }
0xd6: {  	s5 =	simm.s32 @!p0 $0x4  }
0xd7: {  	_ =	swait.ge @!p0 [sflag:s5], $0x2800  }
0xd8: {  	s8 =	rddreg [dreg:$0x5];
	[sflag:s5] =	ssyncset.done @!p0 $0x0  }
0xd9: {  	[sflag:s5] =	ssyncadd.s32 @!p0 $0xFFFFD800;
	s5 =	simm.s32 @!p0 $0xA180;
	s8 =	sadd.s32 @!p0 $0x0, s8  }
0xda: {  	[tilespmem:s5], [sflag:$0x9] =	stream.linear.gather @!p0 [hbm4b:s8+s11], $0x50, $0x38;
	[tilespmem:$0x1E980] =	vst v63  }
0xdb: {  	p6 =	por $0x0, $0x0;
	s28 =	simm.s32 $0x50;
	_ =	swait.ge [sflag:s26], $0x50  }
0xdc: {  	s7 =	simm.s32 $0x2800;
	s13 =	simm.s32 $0x28;
	[sflag:s26] =	ssyncset.done $0x0  }
0xdd: {  	p0 =	por p6, p6;
	s8 =	sadd.s32 $0x140, s6;
	[sflag:s26] =	ssyncadd.s32 $0xFFFFFFB0  }
0xde: {  	[spmem:s2] =	stream.indirect.scatter.add.f32 [tilespmem:s21], [sflag:$0x8], $0x80, s20, s31, $0xb8;
	[tilespmem:$0x1E980] =	vst v63  }
.LBB2_2:
0xdf: {  	s5 =	simm.s32 @!p0 $0x7  }
0xe0: {  	[spmem:s3] =	stream.indirect.scatter.add.f32 [tilespmem:s12], [sflag:$0x8], $0x1, s20, s31, $0xb8;
	[tilespmem:$0x1E980] =	vst v63  }
0xe1: {  	_ =	swait.ge @!p0 [sflag:s5], $0x2800  }
0xe2: {  	[sflag:s5] =	ssyncset.done @!p0 $0x0  }
0xe3: {  	[sflag:s5] =	ssyncadd.s32 @!p0 $0xFFFFD800  }
0xe4: {  	_ =	swait.ge @!p0 [sflag:s5], $0x50  }
0xe5: {  	[sflag:s5] =	ssyncset.done @!p0 $0x0;
	s11 =	rddreg [dreg:$0xa]  }
0xe6: {  	[sflag:s5] =	ssyncadd.s32 @!p0 $0xFFFFFFB0;
	s11 =	sadd.s32 s13, s11  }
0xe7: {  	[tilespmem:s1], [sflag:$0x7] =	stream.linear.gather [hbm4b:s11+s4], $0x50, $0x38;
	[tilespmem:$0x1E980] =	vst v63  }
0xe8: {  	_ =	swait.ge [sflag:s14], $0x50  }
0xe9: {  	[sflag:s14] =	ssyncset.done $0x0  }
0xea: {  	s0 =	simm.s32 $0xA100;
	[sflag:s14] =	ssyncadd.s32 $0xFFFFFFB0  }
0xeb: {  	[tilespmem:s9], [sflag:$0x3] =	stream.indirect.gather [hbm4b:s17+s31], $0x80, s0, s31, $0xb8;
	[tilespmem:$0x1E980] =	vst v63  }
0xec: {  	_ =	swait.ge [sflag:s10], $0x2800  }
0xed: {  	s5 =	sshrl.u32 s8, $0x3;
	[sflag:s10] =	ssyncset.done $0x0;
	s16 =	rddreg [dreg:$0xb]  }
0xee: {  	[sflag:s10] =	ssyncadd.s32 $0xFFFFD800;
	s0 =	sadd.s32 s16, s5  }
0xef: {  	[tilespmem:s15], [sflag:$0x9] =	stream.linear.gather [hbm4b:s0+s4], $0x50, $0x38;
	[tilespmem:$0x1E980] =	vst v63  }
0xf0: {  	_ =	swait.ge [sflag:s30], $0x50  }
0xf1: {  	[sflag:s30] =	ssyncset.done $0x0  }
0xf2: {  	[sflag:s30] =	ssyncadd.s32 $0xFFFFFFB0  }
0xf3: {  	[spmem:s2] =	stream.indirect.scatter.add.f32 [tilespmem:s4], [sflag:$0x5], $0x80, s18, s31, $0xb8;
	[tilespmem:$0x1E980] =	vst v63  }
0xf4: {  	s11 =	simm.s32 @!p0 $0x8  }
0xf5: {  	[spmem:s3] =	stream.indirect.scatter.add.f32 [tilespmem:s12], [sflag:$0x5], $0x1, s18, s31, $0xb8;
	[tilespmem:$0x1E980] =	vst v63  }
0xf6: {  	_ =	swait.ge @!p0 [sflag:s11], $0x2800  }
0xf7: {  	[sflag:s11] =	ssyncset.done @!p0 $0x0  }
0xf8: {  	[sflag:s11] =	ssyncadd.s32 @!p0 $0xFFFFD800  }
0xf9: {  	_ =	swait.ge @!p0 [sflag:s11], $0x50  }
0xfa: {  	s16 =	rddreg [dreg:$0x9];
	[sflag:s11] =	ssyncset.done @!p0 $0x0  }
0xfb: {  	[sflag:s11] =	ssyncadd.s32 @!p0 $0xFFFFFFB0;
	s6 =	sadd.s32 s13, s16  }
0xfc: {  	[tilespmem:s20], [sflag:$0x8] =	stream.linear.gather [hbm4b:s6+s4], $0x50, $0x38;
	[tilespmem:$0x1E980] =	vst v63  }
0xfd: {  	_ =	swait.ge [sflag:s14], $0x50  }
0xfe: {  	[sflag:s14] =	ssyncset.done $0x0  }
0xff: {  	p2 =	seq.s32 s28, $0x0;
	s16 =	simm.s32 $0xA180;
	[sflag:s14] =	ssyncadd.s32 $0xFFFFFFB0  }
0x100: {  	[tilespmem:s21], [sflag:$0x4] =	stream.indirect.gather [hbm4b:s17+s31], $0x80, s16, s31, $0xb8;
	[tilespmem:$0x1E980] =	vst v63  }
0x101: {  	p0 =	por p2, p2;
	p2 =	seq.s32 s13, $0x4B0;
	_ =	swait.ge [sflag:s22], $0x2800  }
0x102: {  	s16 =	simm.s32 @!p2 $0xA080;
	s11 =	rddreg [dreg:$0x8];
	[sflag:s22] =	ssyncset.done $0x0  }
0x103: {  	[sflag:s22] =	ssyncadd.s32 $0xFFFFD800;
	s0 =	sadd.s32 @!p2 s13, s11;
	s11 =	simm.s32 @!p2 $0x0  }
0x104: {  	[tilespmem:s16], [sflag:$0x9] =	stream.linear.gather @!p2 [hbm4b:s0+s11], $0x50, $0x38;
	[tilespmem:$0x1E980] =	vst v63  }
0x105: {  	_ =	swait.ge [sflag:s23], $0x50  }
0x106: {  	[sflag:s23] =	ssyncset.done $0x0  }
0x107: {  	[sflag:s23] =	ssyncadd.s32 $0xFFFFFFB0  }
0x108: {  	[spmem:s2] =	stream.indirect.scatter.add.f32 [tilespmem:s7], [sflag:$0x6], $0x80, s19, s31, $0xb8;
	[tilespmem:$0x1E980] =	vst v63  }
0x109: {  	_ = 	snop  }
0x10a: {  	[spmem:s3] =	stream.indirect.scatter.add.f32 [tilespmem:s12], [sflag:$0x6], $0x1, s19, s31, $0xb8;
	[tilespmem:$0x1E980] =	vst v63  }
0x10b: {  	_ =	swait.ge [sflag:s30], $0x2800  }
0x10c: {  	[sflag:s30] =	ssyncset.done $0x0  }
0x10d: {  	[sflag:s30] =	ssyncadd.s32 $0xFFFFD800  }
0x10e: {  	_ =	swait.ge [sflag:s30], $0x50  }
0x10f: {  	[sflag:s30] =	ssyncset.done $0x0;
	s6 =	rddreg [dreg:$0xc]  }
0x110: {  	s0 =	sadd.s32 s6, s5;
	[sflag:s30] =	ssyncadd.s32 $0xFFFFFFB0  }
0x111: {  	[tilespmem:s18], [sflag:$0x5] =	stream.linear.gather [hbm4b:s0+s4], $0x50, $0x38;
	[tilespmem:$0x1E980] =	vst v63  }
0x112: {  	_ =	swait.ge [sflag:s14], $0x50  }
0x113: {  	[sflag:s14] =	ssyncset.done $0x0  }
0x114: {  	[sflag:s14] =	ssyncadd.s32 $0xFFFFFFB0  }
0x115: {  	[tilespmem:s4], [sflag:$0x1] =	stream.indirect.gather [hbm4b:s17+s31], $0x80, s15, s31, $0xb8;
	[tilespmem:$0x1E980] =	vst v63  }
0x116: {  	_ =	swait.ge [sflag:s24], $0x2800  }
0x117: {  	s0 =	rddreg [dreg:$0x7];
	[sflag:s24] =	ssyncset.done $0x0  }
0x118: {  	s5 =	simm.s32 @!p2 $0xA100;
	[sflag:s24] =	ssyncadd.s32 $0xFFFFD800;
	s0 =	sadd.s32 @!p2 s13, s0  }
0x119: {  	[tilespmem:s5], [sflag:$0x9] =	stream.linear.gather @!p2 [hbm4b:s0+s11], $0x50, $0x38;
	[tilespmem:$0x1E980] =	vst v63  }
0x11a: {  	_ =	swait.ge [sflag:s25], $0x50  }
0x11b: {  	[sflag:s25] =	ssyncset.done $0x0  }
0x11c: {  	[sflag:s25] =	ssyncadd.s32 $0xFFFFFFB0  }
0x11d: {  	[spmem:s2] =	stream.indirect.scatter.add.f32 [tilespmem:s9], [sflag:$0x7], $0x80, s1, s31, $0xb8;
	[tilespmem:$0x1E980] =	vst v63  }
0x11e: {  	_ = 	snop  }
0x11f: {  	[spmem:s3] =	stream.indirect.scatter.add.f32 [tilespmem:s12], [sflag:$0x7], $0x1, s1, s31, $0xb8;
	[tilespmem:$0x1E980] =	vst v63  }
0x120: {  	_ =	swait.ge [sflag:s23], $0x2800  }
0x121: {  	[sflag:s23] =	ssyncset.done $0x0  }
0x122: {  	[sflag:s23] =	ssyncadd.s32 $0xFFFFD800  }
0x123: {  	_ =	swait.ge [sflag:s23], $0x50  }
0x124: {  	[sflag:s23] =	ssyncset.done $0x0  }
0x125: {  	s0 =	simm.s32 @p2 $0x4;
	[sflag:s23] =	ssyncadd.s32 $0xFFFFFFB0  }
0x126: {  	_ =	swait.ge @p2 [sflag:s0], $0x2800  }
0x127: {  	s6 =	simm.s32 @!p2 $0x9;
	[sflag:s0] =	ssyncset.done @p2 $0x0;
	s5 =	rddreg [dreg:$0x6]  }
0x128: {  	[sflag:s0] =	ssyncadd.s32 @p2 $0xFFFFD800;
	s0 =	simm.s32 @!p2 $0xA280;
	s5 =	sadd.s32 @!p2 s13, s5  }
0x129: {  	[tilespmem:s0], [sflag:$0x6] =	stream.linear.gather @!p2 [hbm4b:s5+s11], $0x50, $0x38;
	[tilespmem:$0x1E980] =	vst v63  }
0x12a: {  	_ =	swait.ge @!p2 [sflag:s6], $0x50  }
0x12b: {  	s0 =	simm.s32 @!p2 $0x50;
	[sflag:s6] =	ssyncset.done @!p2 $0x0  }
0x12c: {  	s5 =	simm.s32 @!p2 $0x2800;
	[sflag:s6] =	ssyncadd.s32 @!p2 $0xFFFFFFB0;
	s6 =	simm.s32 @!p2 $0x4  }
0x12d: {  	[tilespmem:s5], [sflag:$0x2] =	stream.indirect.gather @!p2 [hbm4b:s17+s0], $0x80, s16, s0, $0xb8;
	[tilespmem:$0x1E980] =	vst v63  }
0x12e: {  	s29 =	smov.u32 s28;
	s28 =	sadd.s32 $0x28, s28;
	_ =	swait.ge @!p2 [sflag:s6], $0x2800  }
0x12f: {  	p1 =	sne.s32 s28, $0x4D8;
	[sflag:s6] =	ssyncset.done @!p2 $0x0;
	s0 =	rddreg [dreg:$0x5]  }
0x130: {  	s5 =	simm.s32 @!p2 $0xA180;
	[sflag:s6] =	ssyncadd.s32 @!p2 $0xFFFFD800;
	s0 =	sadd.s32 @!p2 s13, s0  }
0x131: {  	[tilespmem:s5], [sflag:$0x9] =	stream.linear.gather @!p2 [hbm4b:s0+s11], $0x50, $0x38;
	[tilespmem:$0x1E980] =	vst v63  }
.Ltmp0:
0x132: {  	_ = 	snop;
	(pc) =	sbr.rel @p1 .LBB2_2-.Ltmp0, $4  }
0x133: {  	_ =	swait.ge [sflag:s26], $0x50  }
0x134: {  	[sflag:s26] =	ssyncset.done $0x0  }
0x135: {  	s8 =	sadd.s32 $0x140, s8;
	s13 =	smov.u32 s29;
	[sflag:s26] =	ssyncadd.s32 $0xFFFFFFB0  }
0x136: {  	[spmem:s2] =	stream.indirect.scatter.add.f32 [tilespmem:s21], [sflag:$0x8], $0x80, s20, s31, $0xb8;
	[tilespmem:$0x1E980] =	vst v63  }
0x137: {  	s0 =	simm.s32 @!p0 $0x7  }
0x138: {  	[spmem:s3] =	stream.indirect.scatter.add.f32 [tilespmem:s12], [sflag:$0x8], $0x1, s20, s31, $0xb8;
	[tilespmem:$0x1E980] =	vst v63  }
0x139: {  	_ =	swait.ge @!p0 [sflag:s0], $0x2800  }
0x13a: {  	[sflag:s0] =	ssyncset.done @!p0 $0x0  }
0x13b: {  	[sflag:s0] =	ssyncadd.s32 @!p0 $0xFFFFD800  }
0x13c: {  	_ =	swait.ge @!p0 [sflag:s0], $0x50  }
0x13d: {  	s5 =	rddreg [dreg:$0xa];
	[sflag:s0] =	ssyncset.done @!p0 $0x0  }
0x13e: {  	[sflag:s0] =	ssyncadd.s32 @!p0 $0xFFFFFFB0;
	s5 =	sadd.s32 s13, s5  }
0x13f: {  	[tilespmem:s1], [sflag:$0x7] =	stream.linear.gather [hbm4b:s5+s4], $0x50, $0x38;
	[tilespmem:$0x1E980] =	vst v63  }
0x140: {  	_ =	swait.ge [sflag:s14], $0x50  }
0x141: {  	[sflag:s14] =	ssyncset.done $0x0  }
0x142: {  	s6 =	simm.s32 $0xA100;
	[sflag:s14] =	ssyncadd.s32 $0xFFFFFFB0  }
0x143: {  	[tilespmem:s9], [sflag:$0x3] =	stream.indirect.gather [hbm4b:s17+s31], $0x80, s6, s31, $0xb8;
	[tilespmem:$0x1E980] =	vst v63  }
0x144: {  	_ =	swait.ge [sflag:s10], $0x2800  }
0x145: {  	s0 =	sshrl.u32 s8, $0x3;
	[sflag:s10] =	ssyncset.done $0x0;
	s7 =	rddreg [dreg:$0xb]  }
0x146: {  	[sflag:s10] =	ssyncadd.s32 $0xFFFFD800;
	s5 =	sadd.s32 s7, s0  }
0x147: {  	[tilespmem:s15], [sflag:$0x9] =	stream.linear.gather [hbm4b:s5+s4], $0x50, $0x38;
	[tilespmem:$0x1E980] =	vst v63  }
0x148: {  	_ =	swait.ge [sflag:s30], $0x50  }
0x149: {  	[sflag:s30] =	ssyncset.done $0x0  }
0x14a: {  	[sflag:s30] =	ssyncadd.s32 $0xFFFFFFB0  }
0x14b: {  	[spmem:s2] =	stream.indirect.scatter.add.f32 [tilespmem:s4], [sflag:$0x5], $0x80, s18, s31, $0xb8;
	[tilespmem:$0x1E980] =	vst v63  }
0x14c: {  	s5 =	simm.s32 @!p0 $0x8  }
0x14d: {  	[spmem:s3] =	stream.indirect.scatter.add.f32 [tilespmem:s12], [sflag:$0x5], $0x1, s18, s31, $0xb8;
	[tilespmem:$0x1E980] =	vst v63  }
0x14e: {  	_ =	swait.ge @!p0 [sflag:s5], $0x2800  }
0x14f: {  	[sflag:s5] =	ssyncset.done @!p0 $0x0  }
0x150: {  	[sflag:s5] =	ssyncadd.s32 @!p0 $0xFFFFD800  }
0x151: {  	_ =	swait.ge @!p0 [sflag:s5], $0x50  }
0x152: {  	s6 =	rddreg [dreg:$0x9];
	[sflag:s5] =	ssyncset.done @!p0 $0x0  }
0x153: {  	[sflag:s5] =	ssyncadd.s32 @!p0 $0xFFFFFFB0;
	s8 =	sadd.s32 s13, s6  }
0x154: {  	[tilespmem:s20], [sflag:$0x8] =	stream.linear.gather [hbm4b:s8+s4], $0x50, $0x38;
	[tilespmem:$0x1E980] =	vst v63  }
0x155: {  	_ =	swait.ge [sflag:s14], $0x50  }
0x156: {  	[sflag:s14] =	ssyncset.done $0x0  }
0x157: {  	s11 =	simm.s32 $0xA180;
	[sflag:s14] =	ssyncadd.s32 $0xFFFFFFB0  }
0x158: {  	[tilespmem:s21], [sflag:$0x4] =	stream.indirect.gather [hbm4b:s17+s31], $0x80, s11, s31, $0xb8;
	[tilespmem:$0x1E980] =	vst v63  }
0x159: {  	p0 =	seq.s32 s13, $0x4B0;
	_ =	swait.ge [sflag:s22], $0x2800  }
0x15a: {  	s6 =	simm.s32 @!p0 $0x0;
	s5 =	rddreg [dreg:$0x8];
	[sflag:s22] =	ssyncset.done $0x0  }
0x15b: {  	s8 =	simm.s32 @!p0 $0xA080;
	[sflag:s22] =	ssyncadd.s32 $0xFFFFD800;
	s5 =	sadd.s32 @!p0 s13, s5  }
0x15c: {  	[tilespmem:s8], [sflag:$0x9] =	stream.linear.gather @!p0 [hbm4b:s5+s6], $0x50, $0x38;
	[tilespmem:$0x1E980] =	vst v63  }
0x15d: {  	_ =	swait.ge [sflag:s23], $0x50  }
0x15e: {  	[sflag:s23] =	ssyncset.done $0x0  }
0x15f: {  	s7 =	simm.s32 $0x2800;
	[sflag:s23] =	ssyncadd.s32 $0xFFFFFFB0  }
0x160: {  	[spmem:s2] =	stream.indirect.scatter.add.f32 [tilespmem:s7], [sflag:$0x6], $0x80, s19, s31, $0xb8;
	[tilespmem:$0x1E980] =	vst v63  }
0x161: {  	_ = 	snop  }
0x162: {  	[spmem:s3] =	stream.indirect.scatter.add.f32 [tilespmem:s12], [sflag:$0x6], $0x1, s19, s31, $0xb8;
	[tilespmem:$0x1E980] =	vst v63  }
0x163: {  	_ =	swait.ge [sflag:s30], $0x2800  }
0x164: {  	[sflag:s30] =	ssyncset.done $0x0  }
0x165: {  	[sflag:s30] =	ssyncadd.s32 $0xFFFFD800  }
0x166: {  	_ =	swait.ge [sflag:s30], $0x50  }
0x167: {  	[sflag:s30] =	ssyncset.done $0x0;
	s16 =	rddreg [dreg:$0xc]  }
0x168: {  	s0 =	sadd.s32 s16, s0;
	[sflag:s30] =	ssyncadd.s32 $0xFFFFFFB0  }
0x169: {  	[tilespmem:s18], [sflag:$0x5] =	stream.linear.gather [hbm4b:s0+s4], $0x50, $0x38;
	[tilespmem:$0x1E980] =	vst v63  }
0x16a: {  	_ =	swait.ge [sflag:s14], $0x50  }
0x16b: {  	[sflag:s14] =	ssyncset.done $0x0  }
0x16c: {  	[sflag:s14] =	ssyncadd.s32 $0xFFFFFFB0  }
0x16d: {  	[tilespmem:s4], [sflag:$0x1] =	stream.indirect.gather [hbm4b:s17+s31], $0x80, s15, s31, $0xb8;
	[tilespmem:$0x1E980] =	vst v63  }
0x16e: {  	_ =	swait.ge [sflag:s24], $0x2800  }
0x16f: {  	s0 =	rddreg [dreg:$0x7];
	[sflag:s24] =	ssyncset.done $0x0  }
0x170: {  	s5 =	simm.s32 @!p0 $0xA100;
	[sflag:s24] =	ssyncadd.s32 $0xFFFFD800;
	s0 =	sadd.s32 @!p0 s13, s0  }
0x171: {  	[tilespmem:s5], [sflag:$0x9] =	stream.linear.gather @!p0 [hbm4b:s0+s6], $0x50, $0x38;
	[tilespmem:$0x1E980] =	vst v63  }
0x172: {  	_ =	swait.ge [sflag:s25], $0x50  }
0x173: {  	[sflag:s25] =	ssyncset.done $0x0  }
0x174: {  	[sflag:s25] =	ssyncadd.s32 $0xFFFFFFB0  }
0x175: {  	[spmem:s2] =	stream.indirect.scatter.add.f32 [tilespmem:s9], [sflag:$0x7], $0x80, s1, s31, $0xb8;
	[tilespmem:$0x1E980] =	vst v63  }
0x176: {  	_ = 	snop  }
0x177: {  	[spmem:s3] =	stream.indirect.scatter.add.f32 [tilespmem:s12], [sflag:$0x7], $0x1, s1, s31, $0xb8;
	[tilespmem:$0x1E980] =	vst v63  }
0x178: {  	_ =	swait.ge [sflag:s23], $0x2800  }
0x179: {  	[sflag:s23] =	ssyncset.done $0x0  }
0x17a: {  	[sflag:s23] =	ssyncadd.s32 $0xFFFFD800  }
0x17b: {  	_ =	swait.ge [sflag:s23], $0x50  }
0x17c: {  	[sflag:s23] =	ssyncset.done $0x0  }
0x17d: {  	s0 =	simm.s32 @p0 $0x4;
	[sflag:s23] =	ssyncadd.s32 $0xFFFFFFB0  }
0x17e: {  	_ =	swait.ge @p0 [sflag:s0], $0x2800  }
0x17f: {  	s5 =	rddreg [dreg:$0x6];
	[sflag:s0] =	ssyncset.done @p0 $0x0  }
0x180: {  	[sflag:s0] =	ssyncadd.s32 @p0 $0xFFFFD800;
	s0 =	simm.s32 @!p0 $0xA280;
	s5 =	sadd.s32 @!p0 s13, s5  }
0x181: {  	[tilespmem:s0], [sflag:$0x6] =	stream.linear.gather @!p0 [hbm4b:s5+s6], $0x50, $0x38;
	[tilespmem:$0x1E980] =	vst v63  }
0x182: {  	s0 =	simm.s32 @!p0 $0x9  }
0x183: {  	_ =	swait.ge @!p0 [sflag:s0], $0x50  }
0x184: {  	[sflag:s0] =	ssyncset.done @!p0 $0x0  }
0x185: {  	s5 =	simm.s32 @!p0 $0x50;
	[sflag:s0] =	ssyncadd.s32 @!p0 $0xFFFFFFB0;
	s0 =	simm.s32 @!p0 $0x2800  }
0x186: {  	[tilespmem:s0], [sflag:$0x2] =	stream.indirect.gather @!p0 [hbm4b:s17+s5], $0x80, s8, s5, $0xb8;
	[tilespmem:$0x1E980] =	vst v63  }
0x187: {  	s0 =	simm.s32 @!p0 $0x4  }
0x188: {  	_ =	swait.ge @!p0 [sflag:s0], $0x2800  }
0x189: {  	s5 =	rddreg [dreg:$0x5];
	[sflag:s0] =	ssyncset.done @!p0 $0x0  }
0x18a: {  	[sflag:s0] =	ssyncadd.s32 @!p0 $0xFFFFD800;
	s0 =	sadd.s32 @!p0 s13, s5;
	s5 =	simm.s32 @!p0 $0xA180  }
0x18b: {  	[tilespmem:s5], [sflag:$0x9] =	stream.linear.gather @!p0 [hbm4b:s0+s6], $0x50, $0x38;
	[tilespmem:$0x1E980] =	vst v63  }
0x18c: {  	_ =	swait.ge [sflag:s26], $0x50  }
0x18d: {  	[sflag:s26] =	ssyncset.done $0x0  }
0x18e: {  	[sflag:s26] =	ssyncadd.s32 $0xFFFFFFB0  }
0x18f: {  	[spmem:s2] =	stream.indirect.scatter.add.f32 [tilespmem:s21], [sflag:$0x8], $0x80, s20, s31, $0xb8;
	[tilespmem:$0x1E980] =	vst v63  }
0x190: {  	_ = 	snop  }
0x191: {  	[spmem:s3] =	stream.indirect.scatter.add.f32 [tilespmem:s12], [sflag:$0x8], $0x1, s20, s31, $0xb8;
	[tilespmem:$0x1E980] =	vst v63  }
0x192: {  	_ =	swait.ge [sflag:s25], $0x2800  }
0x193: {  	[sflag:s25] =	ssyncset.done $0x0  }
0x194: {  	[sflag:s25] =	ssyncadd.s32 $0xFFFFD800  }
0x195: {  	_ =	swait.ge [sflag:s25], $0x50  }
0x196: {  	[sflag:s25] =	ssyncset.done $0x0  }
0x197: {  	[sflag:s25] =	ssyncadd.s32 $0xFFFFFFB0  }
0x198: {  	_ =	swait.ge [sflag:s10], $0x2800  }
0x199: {  	[sflag:s10] =	ssyncset.done $0x0  }
0x19a: {  	[sflag:s10] =	ssyncadd.s32 $0xFFFFD800  }
0x19b: {  	_ =	swait.ge [sflag:s30], $0x50  }
0x19c: {  	[sflag:s30] =	ssyncset.done $0x0  }
0x19d: {  	[sflag:s30] =	ssyncadd.s32 $0xFFFFFFB0  }
0x19e: {  	[spmem:s2] =	stream.indirect.scatter.add.f32 [tilespmem:s4], [sflag:$0x5], $0x80, s18, s31, $0xb8;
	[tilespmem:$0x1E980] =	vst v63  }
0x19f: {  	_ = 	snop  }
0x1a0: {  	[spmem:s3] =	stream.indirect.scatter.add.f32 [tilespmem:s12], [sflag:$0x5], $0x1, s18, s31, $0xb8;
	[tilespmem:$0x1E980] =	vst v63  }
0x1a1: {  	_ =	swait.ge [sflag:s26], $0x2800  }
0x1a2: {  	[sflag:s26] =	ssyncset.done $0x0  }
0x1a3: {  	[sflag:s26] =	ssyncadd.s32 $0xFFFFD800  }
0x1a4: {  	_ =	swait.ge [sflag:s26], $0x50  }
0x1a5: {  	[sflag:s26] =	ssyncset.done $0x0  }
0x1a6: {  	[sflag:s26] =	ssyncadd.s32 $0xFFFFFFB0  }
0x1a7: {  	_ =	swait.ge [sflag:s30], $0x2800  }
0x1a8: {  	[sflag:s30] =	ssyncset.done $0x0  }
0x1a9: {  	[sflag:s30] =	ssyncadd.s32 $0xFFFFD800  }
0x1aa: {  	_ =	swait.ge [sflag:s30], $0x50  }
0x1ab: {  	[sflag:s30] =	ssyncset.done $0x0  }
0x1ac: {  	[sflag:s30] =	ssyncadd.s32 $0xFFFFFFB0  }
0x1ad: {  	[bflag:$0x0] =	sbarrier.arrive $0xFFFF  }
0x1ae: {  	s8 =	rddreg [dreg:$0x18]  }
0x1af: {  	s11 =	rddreg [dreg:$0x19]  }
0x1b0: {  	[tilespmem:s4], [sflag:$0x5] =	stream.linear.gather [spmem:s8], $0x2800, $0x38;
	[tilespmem:$0x1E980] =	vst v63  }
0x1b1: {  	s16 =	rddreg [dreg:$0x1a]  }
0x1b2: {  	[tilespmem:s7], [sflag:$0x6] =	stream.linear.gather [spmem:s11], $0x2800, $0x38;
	[tilespmem:$0x1E980] =	vst v63  }
0x1b3: {  	s28 =	rddreg [dreg:$0x1b]  }
0x1b4: {  	[tilespmem:s9], [sflag:$0x7] =	stream.linear.gather [spmem:s16], $0x2800, $0x38;
	[tilespmem:$0x1E980] =	vst v63  }
0x1b5: {  	s6 =	sld [smem:$0x7FD]  }
0x1b6: {  	[tilespmem:s21], [sflag:$0x8] =	stream.linear.gather [spmem:s28], $0x2800, $0x38;
	[tilespmem:$0x1E980] =	vst v63  }
0x1b7: {  	s5 =	simm.s32 $0x1E480  }
0x1b8: {  	[tilespmem:s5], [sflag:$0x9] =	stream.linear.gather [spmem:s6], $0x280, $0x38;
	[tilespmem:$0x1E980] =	vst v63  }
0x1b9: {  	_ =	swait.ge [sflag:s30], $0x2800  }
0x1ba: {  	[sflag:s30] =	ssyncset.done $0x0  }
0x1bb: {  	s13 =	rddreg [dreg:$0xe];
	[sflag:s30] =	ssyncadd.s32 $0xFFFFD800  }
0x1bc: {  	[hbm4b:s13+s4] =	stream.linear.scatter [tilespmem:s4], [sflag:$0x1], $0x2800, $0x38;
	[tilespmem:$0x1E980] =	vst v63  }
0x1bd: {  	_ =	swait.ge [sflag:s23], $0x2800  }
0x1be: {  	[sflag:s23] =	ssyncset.done $0x0  }
0x1bf: {  	s8 =	rddreg [dreg:$0xf];
	[sflag:s23] =	ssyncadd.s32 $0xFFFFD800  }
0x1c0: {  	[hbm4b:s8+s4] =	stream.linear.scatter [tilespmem:s7], [sflag:$0x2], $0x2800, $0x38;
	[tilespmem:$0x1E980] =	vst v63  }
0x1c1: {  	_ =	swait.ge [sflag:s25], $0x2800  }
0x1c2: {  	[sflag:s25] =	ssyncset.done $0x0  }
0x1c3: {  	s11 =	rddreg [dreg:$0x10];
	[sflag:s25] =	ssyncadd.s32 $0xFFFFD800  }
0x1c4: {  	[hbm4b:s11+s4] =	stream.linear.scatter [tilespmem:s9], [sflag:$0x3], $0x2800, $0x38;
	[tilespmem:$0x1E980] =	vst v63  }
0x1c5: {  	_ =	swait.ge [sflag:s26], $0x2800  }
0x1c6: {  	[sflag:s26] =	ssyncset.done $0x0  }
0x1c7: {  	s13 =	rddreg [dreg:$0x11];
	[sflag:s26] =	ssyncadd.s32 $0xFFFFD800  }
0x1c8: {  	[hbm4b:s13+s4] =	stream.linear.scatter [tilespmem:s21], [sflag:$0x4], $0x2800, $0x38;
	[tilespmem:$0x1E980] =	vst v63  }
0x1c9: {  	_ =	swait.ge [sflag:s14], $0x280  }
0x1ca: {  	s11 =	simm.s32 $0x100;
	[sflag:s14] =	ssyncset.done $0x0  }
0x1cb: {  	s13 =	simm.s32 $0x80;
	s8 =	rddreg [dreg:$0xd];
	[sflag:s14] =	ssyncadd.s32 $0xFFFFFD80  }
0x1cc: {  	[hbm4b:s8+s13] =	stream.strided.scatter [tilespmem:s5], [sflag:$0x9], $0x280, s11, s13, $0x38;
	[tilespmem:$0x1E980] =	vst v63  }
0x1cd: {  	_ =	swait.ge [sflag:s10], $0x2800  }
0x1ce: {  	[sflag:s10] =	ssyncset.done $0x0  }
0x1cf: {  	s29 =	rddreg [dreg:$0x1c];
	[sflag:s10] =	ssyncadd.s32 $0xFFFFD800  }
0x1d0: {  	[tilespmem:s4], [sflag:$0x5] =	stream.linear.gather [spmem:s29], $0x2800, $0x38;
	[tilespmem:$0x1E980] =	vst v63  }
0x1d1: {  	_ =	swait.ge [sflag:s22], $0x2800  }
0x1d2: {  	[sflag:s22] =	ssyncset.done $0x0  }
0x1d3: {  	s11 =	rddreg [dreg:$0x1d];
	[sflag:s22] =	ssyncadd.s32 $0xFFFFD800  }
0x1d4: {  	[tilespmem:s7], [sflag:$0x6] =	stream.linear.gather [spmem:s11], $0x2800, $0x38;
	[tilespmem:$0x1E980] =	vst v63  }
0x1d5: {  	_ =	swait.ge [sflag:s24], $0x2800  }
0x1d6: {  	[sflag:s24] =	ssyncset.done $0x0  }
0x1d7: {  	s13 =	simm.s32 $0x4;
	s5 =	rddreg [dreg:$0x1e];
	[sflag:s24] =	ssyncadd.s32 $0xFFFFD800  }
0x1d8: {  	[tilespmem:s9], [sflag:$0x7] =	stream.linear.gather [spmem:s5], $0x2800, $0x38;
	[tilespmem:$0x1E980] =	vst v63  }
0x1d9: {  	_ =	swait.ge [sflag:s13], $0x2800  }
0x1da: {  	[sflag:s13] =	ssyncset.done $0x0  }
0x1db: {  	s8 =	rddreg [dreg:$0x1f];
	[sflag:s13] =	ssyncadd.s32 $0xFFFFD800  }
0x1dc: {  	[tilespmem:s21], [sflag:$0x8] =	stream.linear.gather [spmem:s8], $0x2800, $0x38;
	[tilespmem:$0x1E980] =	vst v63  }
0x1dd: {  	_ =	swait.ge [sflag:s30], $0x2800  }
0x1de: {  	[sflag:s30] =	ssyncset.done $0x0  }
0x1df: {  	s0 =	rddreg [dreg:$0x12];
	[sflag:s30] =	ssyncadd.s32 $0xFFFFD800  }
0x1e0: {  	[hbm4b:s0+s4] =	stream.linear.scatter [tilespmem:s4], [sflag:$0x1], $0x2800, $0x38;
	[tilespmem:$0x1E980] =	vst v63  }
0x1e1: {  	_ =	swait.ge [sflag:s23], $0x2800  }
0x1e2: {  	[sflag:s23] =	ssyncset.done $0x0  }
0x1e3: {  	s0 =	rddreg [dreg:$0x13];
	[sflag:s23] =	ssyncadd.s32 $0xFFFFD800  }
0x1e4: {  	[hbm4b:s0+s4] =	stream.linear.scatter [tilespmem:s7], [sflag:$0x2], $0x2800, $0x38;
	[tilespmem:$0x1E980] =	vst v63  }
0x1e5: {  	_ =	swait.ge [sflag:s25], $0x2800  }
0x1e6: {  	[sflag:s25] =	ssyncset.done $0x0  }
0x1e7: {  	s7 =	rddreg [dreg:$0x14];
	[sflag:s25] =	ssyncadd.s32 $0xFFFFD800  }
0x1e8: {  	[hbm4b:s7+s4] =	stream.linear.scatter [tilespmem:s9], [sflag:$0x3], $0x2800, $0x38;
	[tilespmem:$0x1E980] =	vst v63  }
0x1e9: {  	_ =	swait.ge [sflag:s26], $0x2800  }
0x1ea: {  	[sflag:s26] =	ssyncset.done $0x0  }
0x1eb: {  	s7 =	rddreg [dreg:$0x15];
	[sflag:s26] =	ssyncadd.s32 $0xFFFFD800  }
0x1ec: {  	[hbm4b:s7+s4] =	stream.linear.scatter [tilespmem:s21], [sflag:$0x4], $0x2800, $0x38;
	[tilespmem:$0x1E980] =	vst v63  }
0x1ed: {  	_ =	swait.ge [sflag:s10], $0x2800  }
0x1ee: {  	[sflag:s10] =	ssyncset.done $0x0  }
0x1ef: {  	[sflag:s10] =	ssyncadd.s32 $0xFFFFD800  }
0x1f0: {  	_ =	swait.ge [sflag:s22], $0x2800  }
0x1f1: {  	[sflag:s22] =	ssyncset.done $0x0  }
0x1f2: {  	[sflag:s22] =	ssyncadd.s32 $0xFFFFD800  }
0x1f3: {  	_ =	swait.ge [sflag:s24], $0x2800  }
0x1f4: {  	[sflag:s24] =	ssyncset.done $0x0  }
0x1f5: {  	[sflag:s24] =	ssyncadd.s32 $0xFFFFD800  }
0x1f6: {  	_ =	swait.ge [sflag:s13], $0x2800  }
0x1f7: {  	[sflag:s13] =	ssyncset.done $0x0  }
0x1f8: {  	[sflag:s13] =	ssyncadd.s32 $0xFFFFD800  }
0x1f9: {  	_ =	swait.ge [sflag:s14], $0x280  }
0x1fa: {  	s0 =	sld [smem:$0x7F4]  }
0x1fb: {  	s13 =	sld [smem:$0x7F8];
	_ =	sdelay $0x1  }
0x1fc: {  	s7 =	sadd.s32 $0x1, s0  }
0x1fd: {  	p0 =	sne.s32 s7, s13  }
.Ltmp1:
0x1fe: {  	_ = 	snop;
	(pc) =	sbr.rel @p0 .LBB2_1-.Ltmp1, $3  }
0x1ff: {  	_ =	sdelay $0x1  }
0x200: {  	[sflag:s14] =	ssyncset.done $0x0  }
0x201: {  	[sflag:s14] =	ssyncadd.s32 $0xFFFFFD80  }
0x202: {  	_ =	sfence.sel $0x180000  }
0x203: {  	[bflag:$0x0] =	sbarrier.arrive $0xFFFF  }
0x204: {  	_ =	strace $0x90000047  }
0x205: {  	s0 =	stileid.u32;
	[bflag:$0x2] =	sbarrier.arrive $0xFFFF  }
0x206: {  	p0 =	sne.s32 s0, $0x0;
	s0 =	rddreg [dreg:$0x4]  }
0x207: {  	s0 =	sadd.s32 @!p0 $0x100000, s0  }
0x208: {  	[sflag:s0] =	ssyncadd.tile.s32 @!p0 $0x1;
	_ =	shalt  }
.Lfunc_end2:
_tile_overlayer_lowered:
.L_overlay_start_2:
0x209: {  	(tag) =	ssettag $0x2  }
0x20a: {  	s0 =	rddreg [dreg:$0x0];
	s2 =	stileid.u32  }
0x20b: {  	s1 =	rddreg [dreg:$0x1];
	p0 =	sne.s32 s2, $0x0  }
0x20c: {  	s3 =	rddreg [dreg:$0x2];
	[bflag:$0x3] =	sbarrier.arrive $0xFFFF;
	s2 =	simm.s32 @!p0 $0x1C0A  }
0x20d: {  	[timem:s3], [sflag:s2] =	dma.local @!p0 [hbm:s0], s1  }
0x20e: {  	s0 =	simm.s32 @!p0 $0xA  }
0x20f: {  	_ =	swait.ge @!p0 [sflag:s0], s1  }
0x210: {  	s1 =	ssub.s32 @!p0 $0x0, s1;
	[sflag:s0] =	ssyncset.done @!p0 $0x0  }
0x211: {  	[sflag:s0] =	ssyncadd.s32 @!p0 s1  }
0x212: {  	[bflag:$0x3] =	sbarrier.arrive $0xFFFF  }
0x213: {  	_ =	shalt  }

// kernel: kernel.9.cloned.1.call-start
scs
__scs_entry_jumppad:
0x0: {  	(pc) =	sbr.rel $0x88, $3  }
0x1: {  	(tag) =	ssettag $0x0;
	lr =	simm.s32 $0x1  }
0x2: {  	[smem:$0x3F95] =	sst lr;
	_ =	strace $0xD0000000  }
0x3: {  	_ = 	snop  }
0x4: {  	_ = 	snop  }
0x5: {  	_ = 	snop  }
0x6: {  	_ = 	snop  }
0x7: {  	_ = 	snop  }
__scs_overlays_trampoline_lowered:
0x8: {  	[smem:$0x3FA4] =	sst s0  }
0x9: {  	[smem:$0x3FA5] =	sst s1  }
0xa: {  	[smem:$0x3FA6] =	sst s2  }
0xb: {  	[smem:$0x3FA7] =	sst s3  }
0xc: {  	[smem:$0x3FA8] =	sst s4  }
0xd: {  	[smem:$0x3FA9] =	sst s5  }
0xe: {  	[smem:$0x3FAA] =	sst s6  }
0xf: {  	[smem:$0x3FAB] =	sst s7  }
0x10: {  	[smem:$0x3FAC] =	sst s8  }
0x11: {  	[smem:$0x3FAD] =	sst s9;
	s0 =	simm.s32 @!p0 $0x0  }
0x12: {  	s1 =	sld [smem:$0x3F93];
	s0 =	simm.s32 @p0 $0x1  }
0x13: {  	[smem:$0x3FAE] =	sst s0;
	s0 =	simm.s32 @!p1 $0x0  }
0x14: {  	s2 =	sld [smem:$0x3F92];
	s0 =	simm.s32 @p1 $0x1  }
0x15: {  	[smem:$0x3FAF] =	sst s0;
	s0 =	simm.s32 @!p2 $0x0  }
0x16: {  	s3 =	sld [smem:$0x3FDB];
	s0 =	simm.s32 @p2 $0x1  }
0x17: {  	s4 =	simm.s32 $0x1BF5;
	[smem:$0x3FB1] =	sst s0  }
0x18: {  	s0 =	sld [smem:$0x3F94];
	_ =	swait.ge [sflag:s4], $0x0  }
0x19: {  	s7 =	sld [smem:$0x3F95]  }
0x1a: {  	s8 =	sadd.s32 $0xFFFFE003, lr  }
0x1b: {  	s9 =	sadd.s32 $0xFFFFFEF7, lr;
	s5 =	simm.s32 $0xFFFFFFFF;
	p2 =	slt.u32 s8, $0xFFFFF086  }
0x1c: {  	p1 =	slt.u32 s9, $0xF7A;
	s5 =	simm.s32 @!p2 $0x0  }
0x1d: {  	s5 =	simm.s32 @p1 $0x1;
	p0 =	seq.s32 s7, s2  }
0x1e: {  	s7 =	smul.u32 @!p0 $0xF7A, s2;
	p2 =	seq.s32 @!p0 s5, $0x0  }
0x1f: {  	s9 =	smul.u32 $0xF7A, s1;
	s8 =	simm.s32 @!p0 $0x1BF5;
	p2 =	por !p2, p0  }
0x20: {  	[sflag:s8] =	ssyncset.s32 @!p0 $0xFFFFF086;
	s6 =	sadd.s32 @!p0 s3, s7;
	s7 =	simm.s32 @!p0 $0x108  }
0x21: {  	s3 =	sadd.s32 s3, s9;
	s6 =	sadd.s32 @!p0 $0x88, s6;
	s7 =	simm.s32 @p2 $0x1082  }
0x22: {  	[simem:s7], [sflag:s8] =	dma.local @!p0 [hbm:s6], $0xF7A  }
0x23: {  	s9 =	sor.u32 $0xD0000000, s2;
	s6 =	simm.s32 $0x108;
	_ =	swait.ge @!p0 [sflag:s8], $0x0  }
0x24: {  	s3 =	sadd.s32 $0x88, s3;
	s6 =	simm.s32 @!p1 $0x1082;
	[sflag:s4] =	ssyncset.s32 $0xFFFFF086  }
0x25: {  	[simem:s6], [sflag:s4] =	dma.local [hbm:s3], $0xF7A  }
0x26: {  	[smem:$0x3F95] =	sst s1;
	(tag) =	ssettag s2;
	_ =	strace s9  }
0x27: {  	s1 =	sld [smem:$0x3FA5]  }
0x28: {  	s2 =	sld [smem:$0x3FA6]  }
0x29: {  	s4 =	sld [smem:$0x3FA8]  }
0x2a: {  	p0 =	seq.s32 s5, $0x0;
	s5 =	sld [smem:$0x3FA9]  }
0x2b: {  	s6 =	sld [smem:$0x3FAA]  }
0x2c: {  	s7 =	sld [smem:$0x3FAB]  }
0x2d: {  	s3 =	simm.s32 $0x108;
	s8 =	sld [smem:$0x3FAC]  }
0x2e: {  	s3 =	simm.s32 @!p0 $0x1082;
	s9 =	sld [smem:$0x3FAD]  }
0x2f: {  	lr =	sadd.s32 s0, s3;
	s0 =	sld [smem:$0x3FA4]  }
0x30: {  	s3 =	sld [smem:$0x3FA7]  }
0x31: {  	[smem:$0x3FB0] =	sst s10  }
0x32: {  	s10 =	sld [smem:$0x3FAE];
	_ =	sdelay $0x3  }
0x33: {  	p0 =	seq.s32 s10, $0x1;
	s10 =	sld [smem:$0x3FB0];
	_ =	sdelay $0x3  }
0x34: {  	[smem:$0x3FB0] =	sst s10  }
0x35: {  	s10 =	sld [smem:$0x3FAF];
	_ =	sdelay $0x3  }
0x36: {  	p1 =	seq.s32 s10, $0x1;
	s10 =	sld [smem:$0x3FB0];
	_ =	sdelay $0x3  }
0x37: {  	[smem:$0x3FB0] =	sst s10  }
0x38: {  	s10 =	sld [smem:$0x3FB1]  }
0x39: {  	_ = 	snop;
	(pc) =	sbr.ind lr, $3  }
0x3a: {  	_ = 	snop  }
0x3b: {  	_ = 	snop  }
0x3c: {  	p2 =	seq.s32 s10, $0x1;
	s10 =	sld [smem:$0x3FB0]  }
0x3d: {  	_ =	shalt  }
0x3e: {  	_ =	shalt  }
0x3f: {  	_ =	shalt  }
0x40: {  	_ =	shalt  }
0x41: {  	_ =	shalt  }
0x42: {  	_ =	shalt  }
0x43: {  	_ =	shalt  }
0x44: {  	_ =	shalt  }
0x45: {  	_ =	shalt  }
0x46: {  	_ =	shalt  }
0x47: {  	_ =	shalt  }
0x48: {  	_ =	shalt  }
0x49: {  	_ =	shalt  }
0x4a: {  	_ =	shalt  }
0x4b: {  	_ =	shalt  }
0x4c: {  	_ =	shalt  }
0x4d: {  	_ =	shalt  }
0x4e: {  	_ =	shalt  }
0x4f: {  	_ =	shalt  }
0x50: {  	_ =	shalt  }
0x51: {  	_ =	shalt  }
0x52: {  	_ =	shalt  }
0x53: {  	_ =	shalt  }
0x54: {  	_ =	shalt  }
0x55: {  	_ =	shalt  }
0x56: {  	_ =	shalt  }
0x57: {  	_ =	shalt  }
0x58: {  	_ =	shalt  }
0x59: {  	_ =	shalt  }
0x5a: {  	_ =	shalt  }
0x5b: {  	_ =	shalt  }
0x5c: {  	_ =	shalt  }
0x5d: {  	_ =	shalt  }
0x5e: {  	_ =	shalt  }
0x5f: {  	_ =	shalt  }
0x60: {  	_ =	shalt  }
0x61: {  	_ =	shalt  }
0x62: {  	_ =	shalt  }
0x63: {  	_ =	shalt  }
0x64: {  	_ =	shalt  }
0x65: {  	_ =	shalt  }
0x66: {  	_ =	shalt  }
0x67: {  	_ =	shalt  }
0x68: {  	_ =	shalt  }
0x69: {  	_ =	shalt  }
0x6a: {  	_ =	shalt  }
0x6b: {  	_ =	shalt  }
0x6c: {  	_ =	shalt  }
0x6d: {  	_ =	shalt  }
0x6e: {  	_ =	shalt  }
0x6f: {  	_ =	shalt  }
0x70: {  	_ =	shalt  }
0x71: {  	_ =	shalt  }
0x72: {  	_ =	shalt  }
0x73: {  	_ =	shalt  }
0x74: {  	_ =	shalt  }
0x75: {  	_ =	shalt  }
0x76: {  	_ =	shalt  }
0x77: {  	_ =	shalt  }
0x78: {  	_ =	shalt  }
0x79: {  	_ =	shalt  }
0x7a: {  	_ =	shalt  }
0x7b: {  	_ =	shalt  }
0x7c: {  	_ =	shalt  }
0x7d: {  	_ =	shalt  }
0x7e: {  	_ =	shalt  }
0x7f: {  	_ =	shalt  }
0x80: {  	_ =	shalt  }
0x81: {  	_ =	shalt  }
0x82: {  	_ =	shalt  }
0x83: {  	_ =	shalt  }
0x84: {  	_ =	shalt  }
0x85: {  	_ =	shalt  }
0x86: {  	_ =	shalt  }
0x87: {  	_ =	shalt  }
.Lfunc_end0:
.L_simem_size_0:
called_computation.1_lowered:
.L_overlay_start_0:
0x88: {  	s2 =	sld [smem:$0x3FD9]  }
0x89: {  	s3 =	sld [smem:$0x3FFE];
	_ =	sdelay $0x1  }
0x8a: {  	s1 =	srdreg.scid  }
0x8b: {  	s0 =	sand.u32 $0x1, s1  }
0x8c: {  	s17 =	sshll.u32 s0, $0xA;
	s2 =	sadd.s32 s3, s2  }
0x8d: {  	s2 =	sadd.s32 s2, s17  }
0x8e: {  	[smem:$0x3FBC] =	sst s2  }
0x8f: {  	_ = 	snop  }
0x90: {  	s2 =	sld [smem:$0x3FD0];
	(tm) =	ssettm $0x1  }
0x91: {  	s18 =	sld [smem:$0x3FFB];
	_ =	sdelay $0x3  }
0x92: {  	_ =	strace s18  }
0x93: {  	s3 =	sld [smem:$0x3FFC];
	_ =	sdelay $0x3  }
0x94: {  	_ =	strace s3  }
0x95: {  	s3 =	sld [smem:$0x3FFD];
	_ =	sdelay $0x3  }
0x96: {  	_ =	strace s3  }
0x97: {  	_ =	strace $0x8FFFFFFF  }
0x98: {  	s19 =	sld [smem:$0x3FDB];
	_ =	sdelay $0x1  }
0x99: {  	s4 =	simm.s32 $_scs_section_size  }
0x9a: {  	s5 =	simm.s32 $_size__tile_overlayer_lowered;
	s6 =	simm.s32 $_tile_overlayer_lowered  }
0x9b: {  	s22 =	simm.s32 $0x1BFF;
	s21 =	sshll.u32 s6, $0x1;
	s3 =	sadd.s32 s4, s19  }
0x9c: {  	s7 =	simm.s32 $0x0;
	s20 =	sshll.u32 s5, $0x1;
	s5 =	sadd.s32 s21, s3  }
0x9d: {  	[timem:s7], [sflag:s22] =	dma.local [hbm:s5], s20  }
0x9e: {  	_ =	swait.ge [sflag:s22], s20  }
0x9f: {  	s4 =	ssub.s32 $0x0, s20;
	[sflag:s22] =	ssyncset.done $0x0  }
0xa0: {  	[sflag:s22] =	ssyncadd.s32 s4;
	_ =	sdelay $0x1  }
0xa1: {  	s23 =	simm.s32 $0x1B8B  }
0xa2: {  	_ =	swait.ge [sflag:s23], $0x1  }
0xa3: {  	[sflag:s23] =	ssyncset.done $0x0  }
0xa4: {  	s25 =	simm.s32 $0x1B8E;
	s24 =	sld [smem:$0x3FFE];
	[sflag:s23] =	ssyncadd.s32 $0xFFFFFFFF  }
0xa5: {  	s26 =	simm.s32 $execute0_lowered;
	[smem:$0x3FD2] =	sst s25  }
0xa6: {  	s5 =	sshll.u32 s26, $0x1;
	_ =	strace $0x80000049;
	[dreg:$0x1] =	wrdreg $0xFFFFFFFF  }
0xa7: {  	s28 =	simm.s32 $_size_execute0_lowered;
	s3 =	sadd.s32 s3, s5;
	[dreg:$0x0] =	wrdreg $0x0  }
0xa8: {  	s5 =	sshll.u32 s28, $0x1;
	[dreg:$0x2] =	wrdreg s3  }
0xa9: {  	[dreg:$0x3] =	wrdreg s5  }
0xaa: {  	[dreg:$0x4] =	wrdreg $0xC0  }
0xab: {  	_ =	task [dreg:s7], $0x5FFFF  }
0xac: {  	[dreg:$0x1] =	wrdreg $0xFFFFFFFF  }
0xad: {  	[dreg:$0x0] =	wrdreg $0x60  }
0xae: {  	[dreg:$0x2] =	wrdreg s24  }
0xaf: {  	[dreg:$0x3] =	wrdreg s2  }
0xb0: {  	[dreg:$0x4] =	wrdreg $0xA4000  }
0xb1: {  	[dreg:$0x5] =	wrdreg $0x1E7000  }
0xb2: {  	[dreg:$0x6] =	wrdreg $0x9  }
0xb3: {  	_ =	task.clear_ibuf [dreg:s7], $0x7FFFF;
	_ =	strace $0x90000049  }
0xb4: {  	s29 =	simm.s32 $0x9;
	_ =	strace $0x8000004B  }
0xb5: {  	_ =	swait.ge [sflag:s29], $0x1  }
0xb6: {  	[sflag:s29] =	ssyncadd.s32 $0xFFFFFFFF  }
0xb7: {  	_ =	strace $0x9000004B  }
0xb8: {  	_ =	sfence  }
0xb9: {  	s30 =	sld [smem:$0x0];
	_ =	sdelay $0x2  }
0xba: {  	s31 =	sshll.u32 s1, $0xD;
	s1 =	sshrl.u32 s1, $0x2  }
0xbb: {  	s3 =	sand.u32 $0x4000, s31;
	s1 =	sadd.s32 s1, s30  }
0xbc: {  	s0 =	sor.u32 s3, s0;
	s1 =	sshll.u32 s1, $0x11  }
0xbd: {  	s0 =	sor.u32 s1, s0  }
0xbe: {  	s0 =	sadd.s32 $0x8F2B, s0  }
0xbf: {  	[sflag:s0] =	ssyncadd.remote.s32 $0x1  }
0xc0: {  	_ =	sfence.sel $0xFFFF  }
0xc1: {  	[dreg:$0x0] =	wrdreg $0xFFFFFFFF;
	(pc) =	sbr.abs _section_cstart, $3  }
0xc2: {  	[dreg:$0x1] =	wrdreg $0xFFFFFFFF  }
0xc3: {  	_ =	task.clear_ibuf [dreg:s7], $0x2FFFF;
	_ =	strace $0x9FFFFFFF  }
0xc4: {  	(tm) =	ssettm $0x7FFFFFFF  }
0xc5: {  	_ =	shalt  }
tec
execute0_lowered:
.L_overlay_start_1:
0x0: {  	(tag) =	ssettag $0x1  }
0x1: {  	s0 =	rddreg [dreg:$0x0]  }
0x2: {  	s2 =	rddreg [dreg:$0x2]  }
0x3: {  	s3 =	rddreg [dreg:$0x3];
	s4 =	simm.s32 $0x0;
	s1 =	srdreg.scid  }
0x4: {  	s6 =	stileid.u32;
	s31 =	simm.s32 $0x50;
	s30 =	simm.s32 $0x5  }
0x5: {  	[smem:$0x7FF] =	sst s4;
	s8 =	sand.u32 $0x1, s1;
	s5 =	smul.u32 $0x280, s6  }
0x6: {  	s23 =	sadd.s32 $0xD000, s0;
	s24 =	sadd.s32 $0x3200, s0;
	s12 =	smul.u32 $0x50000, s6  }
0x7: {  	s13 =	sshll.u32 s6, $0x1;
	s14 =	smul.u32 $0x4E20, s6;
	_ =	strace $0x8000004A  }
0x8: {  	s1 =	smul.u32 $0x28000, s8;
	s21 =	sshll.u32 s8, $0x4;
	[dreg:$0xb] =	wrdreg s23  }
0x9: {  	s22 =	ssub.s32 $0x2, s8;
	[dreg:$0xc] =	wrdreg s24;
	s11 =	sadd.s32 s21, s0  }
0xa: {  	s9 =	sshrl.u32 s22, $0x1;
	s15 =	sadd.s32 $0xA0, s5;
	s16 =	sadd.s32 $0xF0, s5  }
0xb: {  	s18 =	sadd.s32 $0x140, s5;
	s19 =	sadd.s32 $0x190, s5;
	s10 =	sadd.s32 s1, s0  }
0xc: {  	s1 =	ssub.s32 s22, s9;
	s9 =	sor.u32 s8, s13;
	s8 =	smul.u32 $0x2710, s8  }
0xd: {  	s12 =	sshrl.u32 s12, $0x2;
	s13 =	sor.u32 $0x50, s5;
	s9 =	smul.u32 $0x2710, s9  }
0xe: {  	s11 =	sadd.s32 $0x3F600, s11;
	s8 =	sadd.s32 s8, s14;
	s14 =	smul.u32 $0x2800, s6  }
0xf: {  	s10 =	sadd.s32 $0x90000, s10;
	s20 =	sshll.u32 s13, $0x4;
	s6 =	smul.u32 $0xA0, s6  }
0x10: {  	s17 =	sadd.s32 $0x230, s8;
	s21 =	sadd.s32 $0x190, s8;
	s22 =	sadd.s32 $0x1E0, s8  }
0x11: {  	s7 =	sadd.s32 $0xF0, s8;
	s17 =	sshrl.u32 s17, $0x3;
	s6 =	sadd.s32 s6, s11  }
0x12: {  	s21 =	sshrl.u32 s21, $0x3;
	s17 =	sadd.s32 s17, s23;
	[dreg:$0xd] =	wrdreg s6  }
0x13: {  	s22 =	sshrl.u32 s22, $0x3;
	s25 =	sadd.s32 s21, s24;
	[dreg:$0x5] =	wrdreg s17  }
0x14: {  	s11 =	sadd.s32 $0x1E0, s5;
	s26 =	sadd.s32 s22, s23;
	[dreg:$0x6] =	wrdreg s25  }
0x15: {  	s21 =	sadd.s32 s21, s23;
	s22 =	sshrl.u32 s7, $0x3;
	[dreg:$0x7] =	wrdreg s26  }
0x16: {  	s6 =	sshll.u32 s16, $0x7;
	[dreg:$0x8] =	wrdreg s21;
	s25 =	sadd.s32 s22, s24  }
0x17: {  	s26 =	sadd.s32 $0xA0, s8;
	s28 =	sadd.s32 s6, s2;
	[dreg:$0x9] =	wrdreg s25  }
0x18: {  	s21 =	sshll.u32 s15, $0x4;
	s6 =	sadd.s32 s5, s3;
	[dreg:$0x1b] =	wrdreg s28  }
0x19: {  	s7 =	sshrl.u32 s26, $0x3;
	s26 =	sadd.s32 s14, s10;
	[smem:$0x7FD] =	sst s6  }
0x1a: {  	s25 =	sshll.u32 s18, $0x4;
	s14 =	sadd.s32 s21, s10;
	[dreg:$0xe] =	wrdreg s26  }
0x1b: {  	s21 =	sshll.u32 s19, $0x4;
	s17 =	sadd.s32 s7, s24;
	[dreg:$0x10] =	wrdreg s14  }
0x1c: {  	s7 =	sadd.s32 s20, s10;
	s20 =	sadd.s32 s25, s10;
	[dreg:$0xa] =	wrdreg s17  }
0x1d: {  	s14 =	sadd.s32 $0x230, s5;
	s22 =	sadd.s32 s21, s10;
	[dreg:$0xf] =	wrdreg s7  }
0x1e: {  	s25 =	sshll.u32 s11, $0x4;
	s21 =	sadd.s32 $0x3EE00, s0;
	[dreg:$0x12] =	wrdreg s20  }
0x1f: {  	s17 =	sshll.u32 s16, $0x4;
	[dreg:$0x13] =	wrdreg s22;
	s26 =	sshll.u32 s14, $0x4  }
0x20: {  	s7 =	sadd.s32 s25, s10;
	s20 =	sshll.u32 s13, $0x7;
	[dreg:$0x16] =	wrdreg s21  }
0x21: {  	s22 =	sadd.s32 s12, s2;
	s12 =	sshll.u32 s19, $0x7;
	s13 =	sshll.u32 s11, $0x7  }
0x22: {  	s19 =	sshrl.u32 s9, $0x3;
	s17 =	sadd.s32 s17, s10;
	[dreg:$0x14] =	wrdreg s7  }
0x23: {  	s10 =	sadd.s32 s26, s10;
	[dreg:$0x18] =	wrdreg s22;
	s25 =	sadd.s32 s20, s2  }
0x24: {  	s26 =	sshll.u32 s15, $0x7;
	s7 =	sshll.u32 s18, $0x7;
	s11 =	sadd.s32 s12, s2  }
0x25: {  	s15 =	sshll.u32 s14, $0x7;
	s9 =	sadd.s32 s23, s19;
	[dreg:$0x11] =	wrdreg s17  }
0x26: {  	s20 =	sadd.s32 $0xA, s19;
	s12 =	simm.s32 $0x1E400;
	[dreg:$0x15] =	wrdreg s10  }
0x27: {  	s14 =	simm.s32 $0x9;
	s17 =	sadd.s32 $0x16E00, s0;
	[dreg:$0x19] =	wrdreg s25  }
0x28: {  	s0 =	sadd.s32 $0x3F400, s0;
	s16 =	sadd.s32 s26, s2;
	[smem:$0x7FB] =	sst s9  }
0x29: {  	s29 =	sadd.s32 s7, s2;
	s10 =	sadd.s32 s13, s2;
	[dreg:$0x1d] =	wrdreg s11  }
0x2a: {  	s18 =	sadd.s32 s15, s2;
	s21 =	sadd.s32 s23, s20;
	[dreg:$0x17] =	wrdreg s0  }
0x2b: {  	s22 =	sadd.s32 s24, s20;
	s23 =	smax.u32 s1, $0x1;
	[smem:$0x7F6] =	sst s21  }
0x2c: {  	s25 =	sadd.s32 $0x14, s9;
	s26 =	sadd.s32 $0x1E, s9;
	[smem:$0x7F7] =	sst s22  }
0x2d: {  	s15 =	simm.s32 $0xA000;
	s1 =	simm.s32 $0xA300;
	[smem:$0x7F8] =	sst s23  }
0x2e: {  	s9 =	simm.s32 $0x5000;
	s20 =	simm.s32 $0xA380;
	[smem:$0x7FA] =	sst s25  }
0x2f: {  	s7 =	simm.s32 $0x0;
	s0 =	sadd.s32 s24, s19;
	[smem:$0x7FC] =	sst s26  }
0x30: {  	s5 =	smov.u32 s10;
	s24 =	sadd.s32 $0x140, s8;
	[dreg:$0x1a] =	wrdreg s16  }
0x31: {  	s8 =	smov.u32 s18;
	s18 =	simm.s32 $0xA200;
	[dreg:$0x1c] =	wrdreg s29  }
0x32: {  	s19 =	simm.s32 $0xA280;
	s10 =	simm.s32 $0x1;
	[smem:$0x7F5] =	sst s0  }
0x33: {  	s21 =	simm.s32 $0x7800;
	s22 =	simm.s32 $0x2;
	[smem:$0x7F9] =	sst s24  }
0x34: {  	s23 =	simm.s32 $0x6;
	s25 =	simm.s32 $0x7;
	[dreg:$0x1e] =	wrdreg s5  }
0x35: {  	s26 =	simm.s32 $0x8;
	s24 =	simm.s32 $0x3;
	[dreg:$0x1f] =	wrdreg s8  }
.LBB2_1:
0x36: {  	[smem:$0x7F4] =	sst s7  }
0x37: {  	s0 =	rddreg [dreg:$0x16];
	s13 =	simm.s32 $0xA  }
0x38: {  	[tilespmem:s4], [sflag:$0xA] =	stream.linear.gather [hbm4b:s0+s4], $0x2800, $0x38;
	[tilespmem:$0x1E980] =	vst v63  }
0x39: {  	_ =	swait.ge [sflag:s13], $0x2800  }
0x3a: {  	[sflag:s13] =	ssyncset.done $0x0  }
0x3b: {  	s0 =	rddreg [dreg:$0x18];
	[sflag:s13] =	ssyncadd.s32 $0xFFFFD800  }
0x3c: {  	[spmem:s0] =	stream.linear.scatter [tilespmem:s4], [sflag:$0x9], $0x2800, $0x38;
	[tilespmem:$0x1E980] =	vst v63  }
0x3d: {  	s0 =	rddreg [dreg:$0x19]  }
0x3e: {  	[spmem:s0] =	stream.linear.scatter [tilespmem:s4], [sflag:$0x9], $0x2800, $0x38;
	[tilespmem:$0x1E980] =	vst v63  }
0x3f: {  	_ = 	snop  }
0x40: {  	[spmem:s16] =	stream.linear.scatter [tilespmem:s4], [sflag:$0x9], $0x2800, $0x38;
	[tilespmem:$0x1E980] =	vst v63  }
0x41: {  	_ = 	snop  }
0x42: {  	[spmem:s28] =	stream.linear.scatter [tilespmem:s4], [sflag:$0x9], $0x2800, $0x38;
	[tilespmem:$0x1E980] =	vst v63  }
0x43: {  	_ = 	snop  }
0x44: {  	[spmem:s29] =	stream.linear.scatter [tilespmem:s4], [sflag:$0x9], $0x2800, $0x38;
	[tilespmem:$0x1E980] =	vst v63  }
0x45: {  	_ = 	snop  }
0x46: {  	[spmem:s11] =	stream.linear.scatter [tilespmem:s4], [sflag:$0x9], $0x2800, $0x38;
	[tilespmem:$0x1E980] =	vst v63  }
0x47: {  	_ = 	snop  }
0x48: {  	[spmem:s5] =	stream.linear.scatter [tilespmem:s4], [sflag:$0x9], $0x2800, $0x38;
	[tilespmem:$0x1E980] =	vst v63  }
0x49: {  	_ = 	snop  }
0x4a: {  	[spmem:s8] =	stream.linear.scatter [tilespmem:s4], [sflag:$0x9], $0x2800, $0x38;
	[tilespmem:$0x1E980] =	vst v63  }
0x4b: {  	s11 =	rddreg [dreg:$0x1]  }
0x4c: {  	[tilespmem:s12], [sflag:$0xA] =	stream.linear.gather [hbm4b:s11+s4], $0x80, $0x38;
	[tilespmem:$0x1E980] =	vst v63  }
0x4d: {  	_ =	swait.ge [sflag:s13], $0x80  }
0x4e: {  	[sflag:s13] =	ssyncset.done $0x0  }
0x4f: {  	s7 =	simm.s32 $0x1E480;
	s16 =	rddreg [dreg:$0x17];
	[sflag:s13] =	ssyncadd.s32 $0xFFFFFF80  }
0x50: {  	[tilespmem:s7], [sflag:$0xA] =	stream.linear.gather [hbm4b:s16+s4], $0x280, $0x38;
	[tilespmem:$0x1E980] =	vst v63  }
0x51: {  	_ =	swait.ge [sflag:s13], $0x280  }
0x52: {  	[sflag:s13] =	ssyncset.done $0x0  }
0x53: {  	[sflag:s13] =	ssyncadd.s32 $0xFFFFFD80  }
0x54: {  	[spmem:s6] =	stream.linear.scatter [tilespmem:s7], [sflag:$0x9], $0x280, $0x38;
	[tilespmem:$0x1E980] =	vst v63  }
0x55: {  	_ =	swait.ge [sflag:s14], $0x2800  }
0x56: {  	[sflag:s14] =	ssyncset.done $0x0  }
0x57: {  	[sflag:s14] =	ssyncadd.s32 $0xFFFFD800  }
0x58: {  	_ =	swait.ge [sflag:s14], $0x2800  }
0x59: {  	[sflag:s14] =	ssyncset.done $0x0  }
0x5a: {  	[sflag:s14] =	ssyncadd.s32 $0xFFFFD800  }
0x5b: {  	_ =	swait.ge [sflag:s14], $0x2800  }
0x5c: {  	[sflag:s14] =	ssyncset.done $0x0  }
0x5d: {  	[sflag:s14] =	ssyncadd.s32 $0xFFFFD800  }
0x5e: {  	_ =	swait.ge [sflag:s14], $0x2800  }
0x5f: {  	[sflag:s14] =	ssyncset.done $0x0  }
0x60: {  	[sflag:s14] =	ssyncadd.s32 $0xFFFFD800  }
0x61: {  	_ =	swait.ge [sflag:s14], $0x2800  }
0x62: {  	[sflag:s14] =	ssyncset.done $0x0  }
0x63: {  	[sflag:s14] =	ssyncadd.s32 $0xFFFFD800  }
0x64: {  	_ =	swait.ge [sflag:s14], $0x2800  }
0x65: {  	[sflag:s14] =	ssyncset.done $0x0  }
0x66: {  	[sflag:s14] =	ssyncadd.s32 $0xFFFFD800  }
0x67: {  	_ =	swait.ge [sflag:s14], $0x2800  }
0x68: {  	[sflag:s14] =	ssyncset.done $0x0  }
0x69: {  	[sflag:s14] =	ssyncadd.s32 $0xFFFFD800  }
0x6a: {  	_ =	swait.ge [sflag:s14], $0x2800  }
0x6b: {  	[sflag:s14] =	ssyncset.done $0x0  }
0x6c: {  	[sflag:s14] =	ssyncadd.s32 $0xFFFFD800  }
0x6d: {  	_ =	swait.ge [sflag:s14], $0x280  }
0x6e: {  	[sflag:s14] =	ssyncset.done $0x0  }
0x6f: {  	[sflag:s14] =	ssyncadd.s32 $0xFFFFFD80  }
0x70: {  	[bflag:$0x0] =	sbarrier.arrive $0xFFFF  }
0x71: {  	s29 =	sld [smem:$0x7FB];
	_ =	sdelay $0x2  }
0x72: {  	[tilespmem:s15], [sflag:$0xA] =	stream.linear.gather [hbm4b:s29+s4], $0x50, $0x38;
	[tilespmem:$0x1E980] =	vst v63  }
0x73: {  	_ =	swait.ge [sflag:s13], $0x50  }
0x74: {  	s5 =	sld [smem:$0x7F6]  }
0x75: {  	[sflag:s13] =	ssyncset.done $0x0  }
0x76: {  	s6 =	simm.s32 $0xA080;
	[sflag:s13] =	ssyncadd.s32 $0xFFFFFFB0  }
0x77: {  	[tilespmem:s6], [sflag:$0xA] =	stream.linear.gather [hbm4b:s5+s4], $0x50, $0x38;
	[tilespmem:$0x1E980] =	vst v63  }
0x78: {  	_ =	swait.ge [sflag:s13], $0x50  }
0x79: {  	s7 =	sld [smem:$0x7F5]  }
0x7a: {  	[sflag:s13] =	ssyncset.done $0x0  }
0x7b: {  	s8 =	sld [smem:$0x7F7];
	[sflag:s13] =	ssyncadd.s32 $0xFFFFFFB0  }
0x7c: {  	[tilespmem:s18], [sflag:$0x5] =	stream.linear.gather [hbm4b:s7+s4], $0x50, $0x38;
	[tilespmem:$0x1E980] =	vst v63  }
0x7d: {  	_ = 	snop  }
0x7e: {  	[tilespmem:s19], [sflag:$0x6] =	stream.linear.gather [hbm4b:s8+s4], $0x50, $0x38;
	[tilespmem:$0x1E980] =	vst v63  }
0x7f: {  	_ = 	snop  }
0x80: {  	[tilespmem:s4], [sflag:$0x1] =	stream.indirect.gather [hbm4b:s17+s31], $0x80, s15, s31, $0xb8;
	[tilespmem:$0x1E980] =	vst v63  }
0x81: {  	p0 =	por $0x1, $0x1;
	s16 =	simm.s32 $0x2800;
	s11 =	sld [smem:$0x7FA]  }
0x82: {  	[tilespmem:s16], [sflag:$0x2] =	stream.indirect.gather [hbm4b:s17+s31], $0x80, s6, s31, $0xb8;
	[tilespmem:$0x1E980] =	vst v63  }
0x83: {  	p0 =	por p0, p0;
	s29 =	sld [smem:$0x7FC];
	s13 =	simm.s32 $0xA100  }
0x84: {  	[tilespmem:s13], [sflag:$0x9] =	stream.linear.gather [hbm4b:s11+s4], $0x50, $0x38;
	[tilespmem:$0x1E980] =	vst v63  }
0x85: {  	s5 =	simm.s32 @!p0 $0x7;
	s7 =	simm.s32 $0xA180  }
0x86: {  	[tilespmem:s7], [sflag:$0x9] =	stream.linear.gather [hbm4b:s29+s4], $0x50, $0x38;
	[tilespmem:$0x1E980] =	vst v63  }
0x87: {  	_ =	swait.ge @!p0 [sflag:s5], $0x2800  }
0x88: {  	[sflag:s5] =	ssyncset.done @!p0 $0x0  }
0x89: {  	[sflag:s5] =	ssyncadd.s32 @!p0 $0xFFFFD800  }
0x8a: {  	_ =	swait.ge @!p0 [sflag:s5], $0x50  }
0x8b: {  	s0 =	rddreg [dreg:$0xa];
	[sflag:s5] =	ssyncset.done @!p0 $0x0  }
0x8c: {  	[sflag:s5] =	ssyncadd.s32 @!p0 $0xFFFFFFB0;
	s11 =	sadd.s32 $0x0, s0  }
0x8d: {  	[tilespmem:s1], [sflag:$0x7] =	stream.linear.gather [hbm4b:s11+s4], $0x50, $0x38;
	[tilespmem:$0x1E980] =	vst v63  }
0x8e: {  	_ =	swait.ge [sflag:s14], $0x50  }
0x8f: {  	[sflag:s14] =	ssyncset.done $0x0  }
0x90: {  	[sflag:s14] =	ssyncadd.s32 $0xFFFFFFB0  }
0x91: {  	[tilespmem:s9], [sflag:$0x3] =	stream.indirect.gather [hbm4b:s17+s31], $0x80, s13, s31, $0xb8;
	[tilespmem:$0x1E980] =	vst v63  }
0x92: {  	_ =	swait.ge [sflag:s10], $0x2800  }
0x93: {  	s6 =	sld [smem:$0x7F9];
	_ =	sdelay $0x2  }
0x94: {  	[sflag:s10] =	ssyncset.done $0x0;
	s13 =	rddreg [dreg:$0xb];
	s5 =	sshrl.u32 s6, $0x3  }
0x95: {  	[sflag:s10] =	ssyncadd.s32 $0xFFFFD800;
	s29 =	sadd.s32 s13, s5  }
0x96: {  	[tilespmem:s15], [sflag:$0x9] =	stream.linear.gather [hbm4b:s29+s4], $0x50, $0x38;
	[tilespmem:$0x1E980] =	vst v63  }
0x97: {  	_ =	swait.ge [sflag:s30], $0x50  }
0x98: {  	[sflag:s30] =	ssyncset.done $0x0  }
0x99: {  	[sflag:s30] =	ssyncadd.s32 $0xFFFFFFB0  }
0x9a: {  	[spmem:s2] =	stream.indirect.scatter.add.f32 [tilespmem:s4], [sflag:$0x5], $0x80, s18, s31, $0xb8;
	[tilespmem:$0x1E980] =	vst v63  }
0x9b: {  	s8 =	simm.s32 @!p0 $0x8  }
0x9c: {  	[spmem:s3] =	stream.indirect.scatter.add.f32 [tilespmem:s12], [sflag:$0x5], $0x1, s18, s31, $0xb8;
	[tilespmem:$0x1E980] =	vst v63  }
0x9d: {  	_ =	swait.ge @!p0 [sflag:s8], $0x2800  }
0x9e: {  	[sflag:s8] =	ssyncset.done @!p0 $0x0  }
0x9f: {  	[sflag:s8] =	ssyncadd.s32 @!p0 $0xFFFFD800  }
0xa0: {  	_ =	swait.ge @!p0 [sflag:s8], $0x50  }
0xa1: {  	s0 =	rddreg [dreg:$0x9];
	[sflag:s8] =	ssyncset.done @!p0 $0x0  }
0xa2: {  	[sflag:s8] =	ssyncadd.s32 @!p0 $0xFFFFFFB0;
	s13 =	sadd.s32 $0x0, s0  }
0xa3: {  	[tilespmem:s20], [sflag:$0x8] =	stream.linear.gather [hbm4b:s13+s4], $0x50, $0x38;
	[tilespmem:$0x1E980] =	vst v63  }
0xa4: {  	_ =	swait.ge [sflag:s14], $0x50  }
0xa5: {  	[sflag:s14] =	ssyncset.done $0x0  }
0xa6: {  	[sflag:s14] =	ssyncadd.s32 $0xFFFFFFB0  }
0xa7: {  	[tilespmem:s21], [sflag:$0x4] =	stream.indirect.gather [hbm4b:s17+s31], $0x80, s7, s31, $0xb8;
	[tilespmem:$0x1E980] =	vst v63  }
0xa8: {  	p0 =	por $0x0, $0x0;
	_ =	swait.ge [sflag:s22], $0x2800  }
0xa9: {  	s11 =	simm.s32 @!p0 $0x0;
	s8 =	rddreg [dreg:$0x8];
	[sflag:s22] =	ssyncset.done $0x0  }
0xaa: {  	s13 =	simm.s32 @!p0 $0xA080;
	[sflag:s22] =	ssyncadd.s32 $0xFFFFD800;
	s8 =	sadd.s32 @!p0 $0x0, s8  }
0xab: {  	[tilespmem:s13], [sflag:$0x9] =	stream.linear.gather @!p0 [hbm4b:s8+s11], $0x50, $0x38;
	[tilespmem:$0x1E980] =	vst v63  }
0xac: {  	_ =	swait.ge [sflag:s23], $0x50  }
0xad: {  	[sflag:s23] =	ssyncset.done $0x0  }
0xae: {  	[sflag:s23] =	ssyncadd.s32 $0xFFFFFFB0  }
0xaf: {  	[spmem:s2] =	stream.indirect.scatter.add.f32 [tilespmem:s16], [sflag:$0x6], $0x80, s19, s31, $0xb8;
	[tilespmem:$0x1E980] =	vst v63  }
0xb0: {  	_ = 	snop  }
0xb1: {  	[spmem:s3] =	stream.indirect.scatter.add.f32 [tilespmem:s12], [sflag:$0x6], $0x1, s19, s31, $0xb8;
	[tilespmem:$0x1E980] =	vst v63  }
0xb2: {  	_ =	swait.ge [sflag:s30], $0x2800  }
0xb3: {  	[sflag:s30] =	ssyncset.done $0x0  }
0xb4: {  	[sflag:s30] =	ssyncadd.s32 $0xFFFFD800  }
0xb5: {  	_ =	swait.ge [sflag:s30], $0x50  }
0xb6: {  	[sflag:s30] =	ssyncset.done $0x0;
	s29 =	rddreg [dreg:$0xc]  }
0xb7: {  	s5 =	sadd.s32 s29, s5;
	[sflag:s30] =	ssyncadd.s32 $0xFFFFFFB0  }
0xb8: {  	[tilespmem:s18], [sflag:$0x5] =	stream.linear.gather [hbm4b:s5+s4], $0x50, $0x38;
	[tilespmem:$0x1E980] =	vst v63  }
0xb9: {  	_ =	swait.ge [sflag:s14], $0x50  }
0xba: {  	[sflag:s14] =	ssyncset.done $0x0  }
0xbb: {  	[sflag:s14] =	ssyncadd.s32 $0xFFFFFFB0  }
0xbc: {  	[tilespmem:s4], [sflag:$0x1] =	stream.indirect.gather [hbm4b:s17+s31], $0x80, s15, s31, $0xb8;
	[tilespmem:$0x1E980] =	vst v63  }
0xbd: {  	_ =	swait.ge [sflag:s24], $0x2800  }
0xbe: {  	s5 =	rddreg [dreg:$0x7];
	[sflag:s24] =	ssyncset.done $0x0  }
0xbf: {  	s8 =	simm.s32 @!p0 $0xA100;
	[sflag:s24] =	ssyncadd.s32 $0xFFFFD800;
	s5 =	sadd.s32 @!p0 $0x0, s5  }
0xc0: {  	[tilespmem:s8], [sflag:$0x9] =	stream.linear.gather @!p0 [hbm4b:s5+s11], $0x50, $0x38;
	[tilespmem:$0x1E980] =	vst v63  }
0xc1: {  	_ =	swait.ge [sflag:s25], $0x50  }
0xc2: {  	[sflag:s25] =	ssyncset.done $0x0  }
0xc3: {  	[sflag:s25] =	ssyncadd.s32 $0xFFFFFFB0  }
0xc4: {  	[spmem:s2] =	stream.indirect.scatter.add.f32 [tilespmem:s9], [sflag:$0x7], $0x80, s1, s31, $0xb8;
	[tilespmem:$0x1E980] =	vst v63  }
0xc5: {  	_ = 	snop  }
0xc6: {  	[spmem:s3] =	stream.indirect.scatter.add.f32 [tilespmem:s12], [sflag:$0x7], $0x1, s1, s31, $0xb8;
	[tilespmem:$0x1E980] =	vst v63  }
0xc7: {  	_ =	swait.ge [sflag:s23], $0x2800  }
0xc8: {  	[sflag:s23] =	ssyncset.done $0x0  }
0xc9: {  	[sflag:s23] =	ssyncadd.s32 $0xFFFFD800  }
0xca: {  	_ =	swait.ge [sflag:s23], $0x50  }
0xcb: {  	[sflag:s23] =	ssyncset.done $0x0  }
0xcc: {  	s5 =	simm.s32 @p0 $0x4;
	[sflag:s23] =	ssyncadd.s32 $0xFFFFFFB0  }
0xcd: {  	_ =	swait.ge @p0 [sflag:s5], $0x2800  }
0xce: {  	s8 =	rddreg [dreg:$0x6];
	[sflag:s5] =	ssyncset.done @p0 $0x0  }
0xcf: {  	[sflag:s5] =	ssyncadd.s32 @p0 $0xFFFFD800;
	s5 =	simm.s32 @!p0 $0xA280;
	s8 =	sadd.s32 @!p0 $0x0, s8  }
0xd0: {  	[tilespmem:s5], [sflag:$0x6] =	stream.linear.gather @!p0 [hbm4b:s8+s11], $0x50, $0x38;
	[tilespmem:$0x1E980] =	vst v63  }
0xd1: {  	s5 =	simm.s32 @!p0 $0x9  }
0xd2: {  	_ =	swait.ge @!p0 [sflag:s5], $0x50  }
0xd3: {  	[sflag:s5] =	ssyncset.done @!p0 $0x0  }
0xd4: {  	s8 =	simm.s32 @!p0 $0x50;
	[sflag:s5] =	ssyncadd.s32 @!p0 $0xFFFFFFB0;
	s5 =	simm.s32 @!p0 $0x2800  }
0xd5: {  	[tilespmem:s5], [sflag:$0x2] =	stream.indirect.gather @!p0 [hbm4b:s17+s8], $0x80, s13, s8, $0xb8;
	[tilespmem:$0x1E980] =	vst v63  }
0xd6: {  	s5 =	simm.s32 @!p0 $0x4  }
0xd7: {  	_ =	swait.ge @!p0 [sflag:s5], $0x2800  }
0xd8: {  	s8 =	rddreg [dreg:$0x5];
	[sflag:s5] =	ssyncset.done @!p0 $0x0  }
0xd9: {  	[sflag:s5] =	ssyncadd.s32 @!p0 $0xFFFFD800;
	s5 =	simm.s32 @!p0 $0xA180;
	s8 =	sadd.s32 @!p0 $0x0, s8  }
0xda: {  	[tilespmem:s5], [sflag:$0x9] =	stream.linear.gather @!p0 [hbm4b:s8+s11], $0x50, $0x38;
	[tilespmem:$0x1E980] =	vst v63  }
0xdb: {  	p6 =	por $0x0, $0x0;
	s28 =	simm.s32 $0x50;
	_ =	swait.ge [sflag:s26], $0x50  }
0xdc: {  	s7 =	simm.s32 $0x2800;
	s13 =	simm.s32 $0x28;
	[sflag:s26] =	ssyncset.done $0x0  }
0xdd: {  	p0 =	por p6, p6;
	s8 =	sadd.s32 $0x140, s6;
	[sflag:s26] =	ssyncadd.s32 $0xFFFFFFB0  }
0xde: {  	[spmem:s2] =	stream.indirect.scatter.add.f32 [tilespmem:s21], [sflag:$0x8], $0x80, s20, s31, $0xb8;
	[tilespmem:$0x1E980] =	vst v63  }
.LBB2_2:
0xdf: {  	s5 =	simm.s32 @!p0 $0x7  }
0xe0: {  	[spmem:s3] =	stream.indirect.scatter.add.f32 [tilespmem:s12], [sflag:$0x8], $0x1, s20, s31, $0xb8;
	[tilespmem:$0x1E980] =	vst v63  }
0xe1: {  	_ =	swait.ge @!p0 [sflag:s5], $0x2800  }
0xe2: {  	[sflag:s5] =	ssyncset.done @!p0 $0x0  }
0xe3: {  	[sflag:s5] =	ssyncadd.s32 @!p0 $0xFFFFD800  }
0xe4: {  	_ =	swait.ge @!p0 [sflag:s5], $0x50  }
0xe5: {  	[sflag:s5] =	ssyncset.done @!p0 $0x0;
	s11 =	rddreg [dreg:$0xa]  }
0xe6: {  	[sflag:s5] =	ssyncadd.s32 @!p0 $0xFFFFFFB0;
	s11 =	sadd.s32 s13, s11  }
0xe7: {  	[tilespmem:s1], [sflag:$0x7] =	stream.linear.gather [hbm4b:s11+s4], $0x50, $0x38;
	[tilespmem:$0x1E980] =	vst v63  }
0xe8: {  	_ =	swait.ge [sflag:s14], $0x50  }
0xe9: {  	[sflag:s14] =	ssyncset.done $0x0  }
0xea: {  	s0 =	simm.s32 $0xA100;
	[sflag:s14] =	ssyncadd.s32 $0xFFFFFFB0  }
0xeb: {  	[tilespmem:s9], [sflag:$0x3] =	stream.indirect.gather [hbm4b:s17+s31], $0x80, s0, s31, $0xb8;
	[tilespmem:$0x1E980] =	vst v63  }
0xec: {  	_ =	swait.ge [sflag:s10], $0x2800  }
0xed: {  	s5 =	sshrl.u32 s8, $0x3;
	[sflag:s10] =	ssyncset.done $0x0;
	s16 =	rddreg [dreg:$0xb]  }
0xee: {  	[sflag:s10] =	ssyncadd.s32 $0xFFFFD800;
	s0 =	sadd.s32 s16, s5  }
0xef: {  	[tilespmem:s15], [sflag:$0x9] =	stream.linear.gather [hbm4b:s0+s4], $0x50, $0x38;
	[tilespmem:$0x1E980] =	vst v63  }
0xf0: {  	_ =	swait.ge [sflag:s30], $0x50  }
0xf1: {  	[sflag:s30] =	ssyncset.done $0x0  }
0xf2: {  	[sflag:s30] =	ssyncadd.s32 $0xFFFFFFB0  }
0xf3: {  	[spmem:s2] =	stream.indirect.scatter.add.f32 [tilespmem:s4], [sflag:$0x5], $0x80, s18, s31, $0xb8;
	[tilespmem:$0x1E980] =	vst v63  }
0xf4: {  	s11 =	simm.s32 @!p0 $0x8  }
0xf5: {  	[spmem:s3] =	stream.indirect.scatter.add.f32 [tilespmem:s12], [sflag:$0x5], $0x1, s18, s31, $0xb8;
	[tilespmem:$0x1E980] =	vst v63  }
0xf6: {  	_ =	swait.ge @!p0 [sflag:s11], $0x2800  }
0xf7: {  	[sflag:s11] =	ssyncset.done @!p0 $0x0  }
0xf8: {  	[sflag:s11] =	ssyncadd.s32 @!p0 $0xFFFFD800  }
0xf9: {  	_ =	swait.ge @!p0 [sflag:s11], $0x50  }
0xfa: {  	s16 =	rddreg [dreg:$0x9];
	[sflag:s11] =	ssyncset.done @!p0 $0x0  }
0xfb: {  	[sflag:s11] =	ssyncadd.s32 @!p0 $0xFFFFFFB0;
	s6 =	sadd.s32 s13, s16  }
0xfc: {  	[tilespmem:s20], [sflag:$0x8] =	stream.linear.gather [hbm4b:s6+s4], $0x50, $0x38;
	[tilespmem:$0x1E980] =	vst v63  }
0xfd: {  	_ =	swait.ge [sflag:s14], $0x50  }
0xfe: {  	[sflag:s14] =	ssyncset.done $0x0  }
0xff: {  	p2 =	seq.s32 s28, $0x0;
	s16 =	simm.s32 $0xA180;
	[sflag:s14] =	ssyncadd.s32 $0xFFFFFFB0  }
0x100: {  	[tilespmem:s21], [sflag:$0x4] =	stream.indirect.gather [hbm4b:s17+s31], $0x80, s16, s31, $0xb8;
	[tilespmem:$0x1E980] =	vst v63  }
0x101: {  	p0 =	por p2, p2;
	p2 =	seq.s32 s13, $0x4B0;
	_ =	swait.ge [sflag:s22], $0x2800  }
0x102: {  	s16 =	simm.s32 @!p2 $0xA080;
	s11 =	rddreg [dreg:$0x8];
	[sflag:s22] =	ssyncset.done $0x0  }
0x103: {  	[sflag:s22] =	ssyncadd.s32 $0xFFFFD800;
	s0 =	sadd.s32 @!p2 s13, s11;
	s11 =	simm.s32 @!p2 $0x0  }
0x104: {  	[tilespmem:s16], [sflag:$0x9] =	stream.linear.gather @!p2 [hbm4b:s0+s11], $0x50, $0x38;
	[tilespmem:$0x1E980] =	vst v63  }
0x105: {  	_ =	swait.ge [sflag:s23], $0x50  }
0x106: {  	[sflag:s23] =	ssyncset.done $0x0  }
0x107: {  	[sflag:s23] =	ssyncadd.s32 $0xFFFFFFB0  }
0x108: {  	[spmem:s2] =	stream.indirect.scatter.add.f32 [tilespmem:s7], [sflag:$0x6], $0x80, s19, s31, $0xb8;
	[tilespmem:$0x1E980] =	vst v63  }
0x109: {  	_ = 	snop  }
0x10a: {  	[spmem:s3] =	stream.indirect.scatter.add.f32 [tilespmem:s12], [sflag:$0x6], $0x1, s19, s31, $0xb8;
	[tilespmem:$0x1E980] =	vst v63  }
0x10b: {  	_ =	swait.ge [sflag:s30], $0x2800  }
0x10c: {  	[sflag:s30] =	ssyncset.done $0x0  }
0x10d: {  	[sflag:s30] =	ssyncadd.s32 $0xFFFFD800  }
0x10e: {  	_ =	swait.ge [sflag:s30], $0x50  }
0x10f: {  	[sflag:s30] =	ssyncset.done $0x0;
	s6 =	rddreg [dreg:$0xc]  }
0x110: {  	s0 =	sadd.s32 s6, s5;
	[sflag:s30] =	ssyncadd.s32 $0xFFFFFFB0  }
0x111: {  	[tilespmem:s18], [sflag:$0x5] =	stream.linear.gather [hbm4b:s0+s4], $0x50, $0x38;
	[tilespmem:$0x1E980] =	vst v63  }
0x112: {  	_ =	swait.ge [sflag:s14], $0x50  }
0x113: {  	[sflag:s14] =	ssyncset.done $0x0  }
0x114: {  	[sflag:s14] =	ssyncadd.s32 $0xFFFFFFB0  }
0x115: {  	[tilespmem:s4], [sflag:$0x1] =	stream.indirect.gather [hbm4b:s17+s31], $0x80, s15, s31, $0xb8;
	[tilespmem:$0x1E980] =	vst v63  }
0x116: {  	_ =	swait.ge [sflag:s24], $0x2800  }
0x117: {  	s0 =	rddreg [dreg:$0x7];
	[sflag:s24] =	ssyncset.done $0x0  }
0x118: {  	s5 =	simm.s32 @!p2 $0xA100;
	[sflag:s24] =	ssyncadd.s32 $0xFFFFD800;
	s0 =	sadd.s32 @!p2 s13, s0  }
0x119: {  	[tilespmem:s5], [sflag:$0x9] =	stream.linear.gather @!p2 [hbm4b:s0+s11], $0x50, $0x38;
	[tilespmem:$0x1E980] =	vst v63  }
0x11a: {  	_ =	swait.ge [sflag:s25], $0x50  }
0x11b: {  	[sflag:s25] =	ssyncset.done $0x0  }
0x11c: {  	[sflag:s25] =	ssyncadd.s32 $0xFFFFFFB0  }
0x11d: {  	[spmem:s2] =	stream.indirect.scatter.add.f32 [tilespmem:s9], [sflag:$0x7], $0x80, s1, s31, $0xb8;
	[tilespmem:$0x1E980] =	vst v63  }
0x11e: {  	_ = 	snop  }
0x11f: {  	[spmem:s3] =	stream.indirect.scatter.add.f32 [tilespmem:s12], [sflag:$0x7], $0x1, s1, s31, $0xb8;
	[tilespmem:$0x1E980] =	vst v63  }
0x120: {  	_ =	swait.ge [sflag:s23], $0x2800  }
0x121: {  	[sflag:s23] =	ssyncset.done $0x0  }
0x122: {  	[sflag:s23] =	ssyncadd.s32 $0xFFFFD800  }
0x123: {  	_ =	swait.ge [sflag:s23], $0x50  }
0x124: {  	[sflag:s23] =	ssyncset.done $0x0  }
0x125: {  	s0 =	simm.s32 @p2 $0x4;
	[sflag:s23] =	ssyncadd.s32 $0xFFFFFFB0  }
0x126: {  	_ =	swait.ge @p2 [sflag:s0], $0x2800  }
0x127: {  	s6 =	simm.s32 @!p2 $0x9;
	[sflag:s0] =	ssyncset.done @p2 $0x0;
	s5 =	rddreg [dreg:$0x6]  }
0x128: {  	[sflag:s0] =	ssyncadd.s32 @p2 $0xFFFFD800;
	s0 =	simm.s32 @!p2 $0xA280;
	s5 =	sadd.s32 @!p2 s13, s5  }
0x129: {  	[tilespmem:s0], [sflag:$0x6] =	stream.linear.gather @!p2 [hbm4b:s5+s11], $0x50, $0x38;
	[tilespmem:$0x1E980] =	vst v63  }
0x12a: {  	_ =	swait.ge @!p2 [sflag:s6], $0x50  }
0x12b: {  	s0 =	simm.s32 @!p2 $0x50;
	[sflag:s6] =	ssyncset.done @!p2 $0x0  }
0x12c: {  	s5 =	simm.s32 @!p2 $0x2800;
	[sflag:s6] =	ssyncadd.s32 @!p2 $0xFFFFFFB0;
	s6 =	simm.s32 @!p2 $0x4  }
0x12d: {  	[tilespmem:s5], [sflag:$0x2] =	stream.indirect.gather @!p2 [hbm4b:s17+s0], $0x80, s16, s0, $0xb8;
	[tilespmem:$0x1E980] =	vst v63  }
0x12e: {  	s29 =	smov.u32 s28;
	s28 =	sadd.s32 $0x28, s28;
	_ =	swait.ge @!p2 [sflag:s6], $0x2800  }
0x12f: {  	p1 =	sne.s32 s28, $0x4D8;
	[sflag:s6] =	ssyncset.done @!p2 $0x0;
	s0 =	rddreg [dreg:$0x5]  }
0x130: {  	s5 =	simm.s32 @!p2 $0xA180;
	[sflag:s6] =	ssyncadd.s32 @!p2 $0xFFFFD800;
	s0 =	sadd.s32 @!p2 s13, s0  }
0x131: {  	[tilespmem:s5], [sflag:$0x9] =	stream.linear.gather @!p2 [hbm4b:s0+s11], $0x50, $0x38;
	[tilespmem:$0x1E980] =	vst v63  }
.Ltmp0:
0x132: {  	_ = 	snop;
	(pc) =	sbr.rel @p1 .LBB2_2-.Ltmp0, $4  }
0x133: {  	_ =	swait.ge [sflag:s26], $0x50  }
0x134: {  	[sflag:s26] =	ssyncset.done $0x0  }
0x135: {  	s8 =	sadd.s32 $0x140, s8;
	s13 =	smov.u32 s29;
	[sflag:s26] =	ssyncadd.s32 $0xFFFFFFB0  }
0x136: {  	[spmem:s2] =	stream.indirect.scatter.add.f32 [tilespmem:s21], [sflag:$0x8], $0x80, s20, s31, $0xb8;
	[tilespmem:$0x1E980] =	vst v63  }
0x137: {  	s0 =	simm.s32 @!p0 $0x7  }
0x138: {  	[spmem:s3] =	stream.indirect.scatter.add.f32 [tilespmem:s12], [sflag:$0x8], $0x1, s20, s31, $0xb8;
	[tilespmem:$0x1E980] =	vst v63  }
0x139: {  	_ =	swait.ge @!p0 [sflag:s0], $0x2800  }
0x13a: {  	[sflag:s0] =	ssyncset.done @!p0 $0x0  }
0x13b: {  	[sflag:s0] =	ssyncadd.s32 @!p0 $0xFFFFD800  }
0x13c: {  	_ =	swait.ge @!p0 [sflag:s0], $0x50  }
0x13d: {  	s5 =	rddreg [dreg:$0xa];
	[sflag:s0] =	ssyncset.done @!p0 $0x0  }
0x13e: {  	[sflag:s0] =	ssyncadd.s32 @!p0 $0xFFFFFFB0;
	s5 =	sadd.s32 s13, s5  }
0x13f: {  	[tilespmem:s1], [sflag:$0x7] =	stream.linear.gather [hbm4b:s5+s4], $0x50, $0x38;
	[tilespmem:$0x1E980] =	vst v63  }
0x140: {  	_ =	swait.ge [sflag:s14], $0x50  }
0x141: {  	[sflag:s14] =	ssyncset.done $0x0  }
0x142: {  	s6 =	simm.s32 $0xA100;
	[sflag:s14] =	ssyncadd.s32 $0xFFFFFFB0  }
0x143: {  	[tilespmem:s9], [sflag:$0x3] =	stream.indirect.gather [hbm4b:s17+s31], $0x80, s6, s31, $0xb8;
	[tilespmem:$0x1E980] =	vst v63  }
0x144: {  	_ =	swait.ge [sflag:s10], $0x2800  }
0x145: {  	s0 =	sshrl.u32 s8, $0x3;
	[sflag:s10] =	ssyncset.done $0x0;
	s7 =	rddreg [dreg:$0xb]  }
0x146: {  	[sflag:s10] =	ssyncadd.s32 $0xFFFFD800;
	s5 =	sadd.s32 s7, s0  }
0x147: {  	[tilespmem:s15], [sflag:$0x9] =	stream.linear.gather [hbm4b:s5+s4], $0x50, $0x38;
	[tilespmem:$0x1E980] =	vst v63  }
0x148: {  	_ =	swait.ge [sflag:s30], $0x50  }
0x149: {  	[sflag:s30] =	ssyncset.done $0x0  }
0x14a: {  	[sflag:s30] =	ssyncadd.s32 $0xFFFFFFB0  }
0x14b: {  	[spmem:s2] =	stream.indirect.scatter.add.f32 [tilespmem:s4], [sflag:$0x5], $0x80, s18, s31, $0xb8;
	[tilespmem:$0x1E980] =	vst v63  }
0x14c: {  	s5 =	simm.s32 @!p0 $0x8  }
0x14d: {  	[spmem:s3] =	stream.indirect.scatter.add.f32 [tilespmem:s12], [sflag:$0x5], $0x1, s18, s31, $0xb8;
	[tilespmem:$0x1E980] =	vst v63  }
0x14e: {  	_ =	swait.ge @!p0 [sflag:s5], $0x2800  }
0x14f: {  	[sflag:s5] =	ssyncset.done @!p0 $0x0  }
0x150: {  	[sflag:s5] =	ssyncadd.s32 @!p0 $0xFFFFD800  }
0x151: {  	_ =	swait.ge @!p0 [sflag:s5], $0x50  }
0x152: {  	s6 =	rddreg [dreg:$0x9];
	[sflag:s5] =	ssyncset.done @!p0 $0x0  }
0x153: {  	[sflag:s5] =	ssyncadd.s32 @!p0 $0xFFFFFFB0;
	s8 =	sadd.s32 s13, s6  }
0x154: {  	[tilespmem:s20], [sflag:$0x8] =	stream.linear.gather [hbm4b:s8+s4], $0x50, $0x38;
	[tilespmem:$0x1E980] =	vst v63  }
0x155: {  	_ =	swait.ge [sflag:s14], $0x50  }
0x156: {  	[sflag:s14] =	ssyncset.done $0x0  }
0x157: {  	s11 =	simm.s32 $0xA180;
	[sflag:s14] =	ssyncadd.s32 $0xFFFFFFB0  }
0x158: {  	[tilespmem:s21], [sflag:$0x4] =	stream.indirect.gather [hbm4b:s17+s31], $0x80, s11, s31, $0xb8;
	[tilespmem:$0x1E980] =	vst v63  }
0x159: {  	p0 =	seq.s32 s13, $0x4B0;
	_ =	swait.ge [sflag:s22], $0x2800  }
0x15a: {  	s6 =	simm.s32 @!p0 $0x0;
	s5 =	rddreg [dreg:$0x8];
	[sflag:s22] =	ssyncset.done $0x0  }
0x15b: {  	s8 =	simm.s32 @!p0 $0xA080;
	[sflag:s22] =	ssyncadd.s32 $0xFFFFD800;
	s5 =	sadd.s32 @!p0 s13, s5  }
0x15c: {  	[tilespmem:s8], [sflag:$0x9] =	stream.linear.gather @!p0 [hbm4b:s5+s6], $0x50, $0x38;
	[tilespmem:$0x1E980] =	vst v63  }
0x15d: {  	_ =	swait.ge [sflag:s23], $0x50  }
0x15e: {  	[sflag:s23] =	ssyncset.done $0x0  }
0x15f: {  	s7 =	simm.s32 $0x2800;
	[sflag:s23] =	ssyncadd.s32 $0xFFFFFFB0  }
0x160: {  	[spmem:s2] =	stream.indirect.scatter.add.f32 [tilespmem:s7], [sflag:$0x6], $0x80, s19, s31, $0xb8;
	[tilespmem:$0x1E980] =	vst v63  }
0x161: {  	_ = 	snop  }
0x162: {  	[spmem:s3] =	stream.indirect.scatter.add.f32 [tilespmem:s12], [sflag:$0x6], $0x1, s19, s31, $0xb8;
	[tilespmem:$0x1E980] =	vst v63  }
0x163: {  	_ =	swait.ge [sflag:s30], $0x2800  }
0x164: {  	[sflag:s30] =	ssyncset.done $0x0  }
0x165: {  	[sflag:s30] =	ssyncadd.s32 $0xFFFFD800  }
0x166: {  	_ =	swait.ge [sflag:s30], $0x50  }
0x167: {  	[sflag:s30] =	ssyncset.done $0x0;
	s16 =	rddreg [dreg:$0xc]  }
0x168: {  	s0 =	sadd.s32 s16, s0;
	[sflag:s30] =	ssyncadd.s32 $0xFFFFFFB0  }
0x169: {  	[tilespmem:s18], [sflag:$0x5] =	stream.linear.gather [hbm4b:s0+s4], $0x50, $0x38;
	[tilespmem:$0x1E980] =	vst v63  }
0x16a: {  	_ =	swait.ge [sflag:s14], $0x50  }
0x16b: {  	[sflag:s14] =	ssyncset.done $0x0  }
0x16c: {  	[sflag:s14] =	ssyncadd.s32 $0xFFFFFFB0  }
0x16d: {  	[tilespmem:s4], [sflag:$0x1] =	stream.indirect.gather [hbm4b:s17+s31], $0x80, s15, s31, $0xb8;
	[tilespmem:$0x1E980] =	vst v63  }
0x16e: {  	_ =	swait.ge [sflag:s24], $0x2800  }
0x16f: {  	s0 =	rddreg [dreg:$0x7];
	[sflag:s24] =	ssyncset.done $0x0  }
0x170: {  	s5 =	simm.s32 @!p0 $0xA100;
	[sflag:s24] =	ssyncadd.s32 $0xFFFFD800;
	s0 =	sadd.s32 @!p0 s13, s0  }
0x171: {  	[tilespmem:s5], [sflag:$0x9] =	stream.linear.gather @!p0 [hbm4b:s0+s6], $0x50, $0x38;
	[tilespmem:$0x1E980] =	vst v63  }
0x172: {  	_ =	swait.ge [sflag:s25], $0x50  }
0x173: {  	[sflag:s25] =	ssyncset.done $0x0  }
0x174: {  	[sflag:s25] =	ssyncadd.s32 $0xFFFFFFB0  }
0x175: {  	[spmem:s2] =	stream.indirect.scatter.add.f32 [tilespmem:s9], [sflag:$0x7], $0x80, s1, s31, $0xb8;
	[tilespmem:$0x1E980] =	vst v63  }
0x176: {  	_ = 	snop  }
0x177: {  	[spmem:s3] =	stream.indirect.scatter.add.f32 [tilespmem:s12], [sflag:$0x7], $0x1, s1, s31, $0xb8;
	[tilespmem:$0x1E980] =	vst v63  }
0x178: {  	_ =	swait.ge [sflag:s23], $0x2800  }
0x179: {  	[sflag:s23] =	ssyncset.done $0x0  }
0x17a: {  	[sflag:s23] =	ssyncadd.s32 $0xFFFFD800  }
0x17b: {  	_ =	swait.ge [sflag:s23], $0x50  }
0x17c: {  	[sflag:s23] =	ssyncset.done $0x0  }
0x17d: {  	s0 =	simm.s32 @p0 $0x4;
	[sflag:s23] =	ssyncadd.s32 $0xFFFFFFB0  }
0x17e: {  	_ =	swait.ge @p0 [sflag:s0], $0x2800  }
0x17f: {  	s5 =	rddreg [dreg:$0x6];
	[sflag:s0] =	ssyncset.done @p0 $0x0  }
0x180: {  	[sflag:s0] =	ssyncadd.s32 @p0 $0xFFFFD800;
	s0 =	simm.s32 @!p0 $0xA280;
	s5 =	sadd.s32 @!p0 s13, s5  }
0x181: {  	[tilespmem:s0], [sflag:$0x6] =	stream.linear.gather @!p0 [hbm4b:s5+s6], $0x50, $0x38;
	[tilespmem:$0x1E980] =	vst v63  }
0x182: {  	s0 =	simm.s32 @!p0 $0x9  }
0x183: {  	_ =	swait.ge @!p0 [sflag:s0], $0x50  }
0x184: {  	[sflag:s0] =	ssyncset.done @!p0 $0x0  }
0x185: {  	s5 =	simm.s32 @!p0 $0x50;
	[sflag:s0] =	ssyncadd.s32 @!p0 $0xFFFFFFB0;
	s0 =	simm.s32 @!p0 $0x2800  }
0x186: {  	[tilespmem:s0], [sflag:$0x2] =	stream.indirect.gather @!p0 [hbm4b:s17+s5], $0x80, s8, s5, $0xb8;
	[tilespmem:$0x1E980] =	vst v63  }
0x187: {  	s0 =	simm.s32 @!p0 $0x4  }
0x188: {  	_ =	swait.ge @!p0 [sflag:s0], $0x2800  }
0x189: {  	s5 =	rddreg [dreg:$0x5];
	[sflag:s0] =	ssyncset.done @!p0 $0x0  }
0x18a: {  	[sflag:s0] =	ssyncadd.s32 @!p0 $0xFFFFD800;
	s0 =	sadd.s32 @!p0 s13, s5;
	s5 =	simm.s32 @!p0 $0xA180  }
0x18b: {  	[tilespmem:s5], [sflag:$0x9] =	stream.linear.gather @!p0 [hbm4b:s0+s6], $0x50, $0x38;
	[tilespmem:$0x1E980] =	vst v63  }
0x18c: {  	_ =	swait.ge [sflag:s26], $0x50  }
0x18d: {  	[sflag:s26] =	ssyncset.done $0x0  }
0x18e: {  	[sflag:s26] =	ssyncadd.s32 $0xFFFFFFB0  }
0x18f: {  	[spmem:s2] =	stream.indirect.scatter.add.f32 [tilespmem:s21], [sflag:$0x8], $0x80, s20, s31, $0xb8;
	[tilespmem:$0x1E980] =	vst v63  }
0x190: {  	_ = 	snop  }
0x191: {  	[spmem:s3] =	stream.indirect.scatter.add.f32 [tilespmem:s12], [sflag:$0x8], $0x1, s20, s31, $0xb8;
	[tilespmem:$0x1E980] =	vst v63  }
0x192: {  	_ =	swait.ge [sflag:s25], $0x2800  }
0x193: {  	[sflag:s25] =	ssyncset.done $0x0  }
0x194: {  	[sflag:s25] =	ssyncadd.s32 $0xFFFFD800  }
0x195: {  	_ =	swait.ge [sflag:s25], $0x50  }
0x196: {  	[sflag:s25] =	ssyncset.done $0x0  }
0x197: {  	[sflag:s25] =	ssyncadd.s32 $0xFFFFFFB0  }
0x198: {  	_ =	swait.ge [sflag:s10], $0x2800  }
0x199: {  	[sflag:s10] =	ssyncset.done $0x0  }
0x19a: {  	[sflag:s10] =	ssyncadd.s32 $0xFFFFD800  }
0x19b: {  	_ =	swait.ge [sflag:s30], $0x50  }
0x19c: {  	[sflag:s30] =	ssyncset.done $0x0  }
0x19d: {  	[sflag:s30] =	ssyncadd.s32 $0xFFFFFFB0  }
0x19e: {  	[spmem:s2] =	stream.indirect.scatter.add.f32 [tilespmem:s4], [sflag:$0x5], $0x80, s18, s31, $0xb8;
	[tilespmem:$0x1E980] =	vst v63  }
0x19f: {  	_ = 	snop  }
0x1a0: {  	[spmem:s3] =	stream.indirect.scatter.add.f32 [tilespmem:s12], [sflag:$0x5], $0x1, s18, s31, $0xb8;
	[tilespmem:$0x1E980] =	vst v63  }
0x1a1: {  	_ =	swait.ge [sflag:s26], $0x2800  }
0x1a2: {  	[sflag:s26] =	ssyncset.done $0x0  }
0x1a3: {  	[sflag:s26] =	ssyncadd.s32 $0xFFFFD800  }
0x1a4: {  	_ =	swait.ge [sflag:s26], $0x50  }
0x1a5: {  	[sflag:s26] =	ssyncset.done $0x0  }
0x1a6: {  	[sflag:s26] =	ssyncadd.s32 $0xFFFFFFB0  }
0x1a7: {  	_ =	swait.ge [sflag:s30], $0x2800  }
0x1a8: {  	[sflag:s30] =	ssyncset.done $0x0  }
0x1a9: {  	[sflag:s30] =	ssyncadd.s32 $0xFFFFD800  }
0x1aa: {  	_ =	swait.ge [sflag:s30], $0x50  }
0x1ab: {  	[sflag:s30] =	ssyncset.done $0x0  }
0x1ac: {  	[sflag:s30] =	ssyncadd.s32 $0xFFFFFFB0  }
0x1ad: {  	[bflag:$0x0] =	sbarrier.arrive $0xFFFF  }
0x1ae: {  	s8 =	rddreg [dreg:$0x18]  }
0x1af: {  	s11 =	rddreg [dreg:$0x19]  }
0x1b0: {  	[tilespmem:s4], [sflag:$0x5] =	stream.linear.gather [spmem:s8], $0x2800, $0x38;
	[tilespmem:$0x1E980] =	vst v63  }
0x1b1: {  	s16 =	rddreg [dreg:$0x1a]  }
0x1b2: {  	[tilespmem:s7], [sflag:$0x6] =	stream.linear.gather [spmem:s11], $0x2800, $0x38;
	[tilespmem:$0x1E980] =	vst v63  }
0x1b3: {  	s28 =	rddreg [dreg:$0x1b]  }
0x1b4: {  	[tilespmem:s9], [sflag:$0x7] =	stream.linear.gather [spmem:s16], $0x2800, $0x38;
	[tilespmem:$0x1E980] =	vst v63  }
0x1b5: {  	s6 =	sld [smem:$0x7FD]  }
0x1b6: {  	[tilespmem:s21], [sflag:$0x8] =	stream.linear.gather [spmem:s28], $0x2800, $0x38;
	[tilespmem:$0x1E980] =	vst v63  }
0x1b7: {  	s5 =	simm.s32 $0x1E480  }
0x1b8: {  	[tilespmem:s5], [sflag:$0x9] =	stream.linear.gather [spmem:s6], $0x280, $0x38;
	[tilespmem:$0x1E980] =	vst v63  }
0x1b9: {  	_ =	swait.ge [sflag:s30], $0x2800  }
0x1ba: {  	[sflag:s30] =	ssyncset.done $0x0  }
0x1bb: {  	s13 =	rddreg [dreg:$0xe];
	[sflag:s30] =	ssyncadd.s32 $0xFFFFD800  }
0x1bc: {  	[hbm4b:s13+s4] =	stream.linear.scatter [tilespmem:s4], [sflag:$0x1], $0x2800, $0x38;
	[tilespmem:$0x1E980] =	vst v63  }
0x1bd: {  	_ =	swait.ge [sflag:s23], $0x2800  }
0x1be: {  	[sflag:s23] =	ssyncset.done $0x0  }
0x1bf: {  	s8 =	rddreg [dreg:$0xf];
	[sflag:s23] =	ssyncadd.s32 $0xFFFFD800  }
0x1c0: {  	[hbm4b:s8+s4] =	stream.linear.scatter [tilespmem:s7], [sflag:$0x2], $0x2800, $0x38;
	[tilespmem:$0x1E980] =	vst v63  }
0x1c1: {  	_ =	swait.ge [sflag:s25], $0x2800  }
0x1c2: {  	[sflag:s25] =	ssyncset.done $0x0  }
0x1c3: {  	s11 =	rddreg [dreg:$0x10];
	[sflag:s25] =	ssyncadd.s32 $0xFFFFD800  }
0x1c4: {  	[hbm4b:s11+s4] =	stream.linear.scatter [tilespmem:s9], [sflag:$0x3], $0x2800, $0x38;
	[tilespmem:$0x1E980] =	vst v63  }
0x1c5: {  	_ =	swait.ge [sflag:s26], $0x2800  }
0x1c6: {  	[sflag:s26] =	ssyncset.done $0x0  }
0x1c7: {  	s13 =	rddreg [dreg:$0x11];
	[sflag:s26] =	ssyncadd.s32 $0xFFFFD800  }
0x1c8: {  	[hbm4b:s13+s4] =	stream.linear.scatter [tilespmem:s21], [sflag:$0x4], $0x2800, $0x38;
	[tilespmem:$0x1E980] =	vst v63  }
0x1c9: {  	_ =	swait.ge [sflag:s14], $0x280  }
0x1ca: {  	s11 =	simm.s32 $0x100;
	[sflag:s14] =	ssyncset.done $0x0  }
0x1cb: {  	s13 =	simm.s32 $0x80;
	s8 =	rddreg [dreg:$0xd];
	[sflag:s14] =	ssyncadd.s32 $0xFFFFFD80  }
0x1cc: {  	[hbm4b:s8+s13] =	stream.strided.scatter [tilespmem:s5], [sflag:$0x9], $0x280, s11, s13, $0x38;
	[tilespmem:$0x1E980] =	vst v63  }
0x1cd: {  	_ =	swait.ge [sflag:s10], $0x2800  }
0x1ce: {  	[sflag:s10] =	ssyncset.done $0x0  }
0x1cf: {  	s29 =	rddreg [dreg:$0x1c];
	[sflag:s10] =	ssyncadd.s32 $0xFFFFD800  }
0x1d0: {  	[tilespmem:s4], [sflag:$0x5] =	stream.linear.gather [spmem:s29], $0x2800, $0x38;
	[tilespmem:$0x1E980] =	vst v63  }
0x1d1: {  	_ =	swait.ge [sflag:s22], $0x2800  }
0x1d2: {  	[sflag:s22] =	ssyncset.done $0x0  }
0x1d3: {  	s11 =	rddreg [dreg:$0x1d];
	[sflag:s22] =	ssyncadd.s32 $0xFFFFD800  }
0x1d4: {  	[tilespmem:s7], [sflag:$0x6] =	stream.linear.gather [spmem:s11], $0x2800, $0x38;
	[tilespmem:$0x1E980] =	vst v63  }
0x1d5: {  	_ =	swait.ge [sflag:s24], $0x2800  }
0x1d6: {  	[sflag:s24] =	ssyncset.done $0x0  }
0x1d7: {  	s13 =	simm.s32 $0x4;
	s5 =	rddreg [dreg:$0x1e];
	[sflag:s24] =	ssyncadd.s32 $0xFFFFD800  }
0x1d8: {  	[tilespmem:s9], [sflag:$0x7] =	stream.linear.gather [spmem:s5], $0x2800, $0x38;
	[tilespmem:$0x1E980] =	vst v63  }
0x1d9: {  	_ =	swait.ge [sflag:s13], $0x2800  }
0x1da: {  	[sflag:s13] =	ssyncset.done $0x0  }
0x1db: {  	s8 =	rddreg [dreg:$0x1f];
	[sflag:s13] =	ssyncadd.s32 $0xFFFFD800  }
0x1dc: {  	[tilespmem:s21], [sflag:$0x8] =	stream.linear.gather [spmem:s8], $0x2800, $0x38;
	[tilespmem:$0x1E980] =	vst v63  }
0x1dd: {  	_ =	swait.ge [sflag:s30], $0x2800  }
0x1de: {  	[sflag:s30] =	ssyncset.done $0x0  }
0x1df: {  	s0 =	rddreg [dreg:$0x12];
	[sflag:s30] =	ssyncadd.s32 $0xFFFFD800  }
0x1e0: {  	[hbm4b:s0+s4] =	stream.linear.scatter [tilespmem:s4], [sflag:$0x1], $0x2800, $0x38;
	[tilespmem:$0x1E980] =	vst v63  }
0x1e1: {  	_ =	swait.ge [sflag:s23], $0x2800  }
0x1e2: {  	[sflag:s23] =	ssyncset.done $0x0  }
0x1e3: {  	s0 =	rddreg [dreg:$0x13];
	[sflag:s23] =	ssyncadd.s32 $0xFFFFD800  }
0x1e4: {  	[hbm4b:s0+s4] =	stream.linear.scatter [tilespmem:s7], [sflag:$0x2], $0x2800, $0x38;
	[tilespmem:$0x1E980] =	vst v63  }
0x1e5: {  	_ =	swait.ge [sflag:s25], $0x2800  }
0x1e6: {  	[sflag:s25] =	ssyncset.done $0x0  }
0x1e7: {  	s7 =	rddreg [dreg:$0x14];
	[sflag:s25] =	ssyncadd.s32 $0xFFFFD800  }
0x1e8: {  	[hbm4b:s7+s4] =	stream.linear.scatter [tilespmem:s9], [sflag:$0x3], $0x2800, $0x38;
	[tilespmem:$0x1E980] =	vst v63  }
0x1e9: {  	_ =	swait.ge [sflag:s26], $0x2800  }
0x1ea: {  	[sflag:s26] =	ssyncset.done $0x0  }
0x1eb: {  	s7 =	rddreg [dreg:$0x15];
	[sflag:s26] =	ssyncadd.s32 $0xFFFFD800  }
0x1ec: {  	[hbm4b:s7+s4] =	stream.linear.scatter [tilespmem:s21], [sflag:$0x4], $0x2800, $0x38;
	[tilespmem:$0x1E980] =	vst v63  }
0x1ed: {  	_ =	swait.ge [sflag:s10], $0x2800  }
0x1ee: {  	[sflag:s10] =	ssyncset.done $0x0  }
0x1ef: {  	[sflag:s10] =	ssyncadd.s32 $0xFFFFD800  }
0x1f0: {  	_ =	swait.ge [sflag:s22], $0x2800  }
0x1f1: {  	[sflag:s22] =	ssyncset.done $0x0  }
0x1f2: {  	[sflag:s22] =	ssyncadd.s32 $0xFFFFD800  }
0x1f3: {  	_ =	swait.ge [sflag:s24], $0x2800  }
0x1f4: {  	[sflag:s24] =	ssyncset.done $0x0  }
0x1f5: {  	[sflag:s24] =	ssyncadd.s32 $0xFFFFD800  }
0x1f6: {  	_ =	swait.ge [sflag:s13], $0x2800  }
0x1f7: {  	[sflag:s13] =	ssyncset.done $0x0  }
0x1f8: {  	[sflag:s13] =	ssyncadd.s32 $0xFFFFD800  }
0x1f9: {  	_ =	swait.ge [sflag:s14], $0x280  }
0x1fa: {  	s0 =	sld [smem:$0x7F4]  }
0x1fb: {  	s13 =	sld [smem:$0x7F8];
	_ =	sdelay $0x1  }
0x1fc: {  	s7 =	sadd.s32 $0x1, s0  }
0x1fd: {  	p0 =	sne.s32 s7, s13  }
.Ltmp1:
0x1fe: {  	_ = 	snop;
	(pc) =	sbr.rel @p0 .LBB2_1-.Ltmp1, $3  }
0x1ff: {  	_ =	sdelay $0x1  }
0x200: {  	[sflag:s14] =	ssyncset.done $0x0  }
0x201: {  	[sflag:s14] =	ssyncadd.s32 $0xFFFFFD80  }
0x202: {  	_ =	sfence.sel $0x180000  }
0x203: {  	[bflag:$0x0] =	sbarrier.arrive $0xFFFF  }
0x204: {  	_ =	strace $0x9000004A  }
0x205: {  	s0 =	stileid.u32;
	[bflag:$0x2] =	sbarrier.arrive $0xFFFF  }
0x206: {  	p0 =	sne.s32 s0, $0x0;
	s0 =	rddreg [dreg:$0x4]  }
0x207: {  	s0 =	sadd.s32 @!p0 $0x100000, s0  }
0x208: {  	[sflag:s0] =	ssyncadd.tile.s32 @!p0 $0x1;
	_ =	shalt  }
.Lfunc_end2:
_tile_overlayer_lowered:
.L_overlay_start_2:
0x209: {  	(tag) =	ssettag $0x2  }
0x20a: {  	s0 =	rddreg [dreg:$0x0];
	s2 =	stileid.u32  }
0x20b: {  	s1 =	rddreg [dreg:$0x1];
	p0 =	sne.s32 s2, $0x0  }
0x20c: {  	s3 =	rddreg [dreg:$0x2];
	[bflag:$0x3] =	sbarrier.arrive $0xFFFF;
	s2 =	simm.s32 @!p0 $0x1C0A  }
0x20d: {  	[timem:s3], [sflag:s2] =	dma.local @!p0 [hbm:s0], s1  }
0x20e: {  	s0 =	simm.s32 @!p0 $0xA  }
0x20f: {  	_ =	swait.ge @!p0 [sflag:s0], s1  }
0x210: {  	s1 =	ssub.s32 @!p0 $0x0, s1;
	[sflag:s0] =	ssyncset.done @!p0 $0x0  }
0x211: {  	[sflag:s0] =	ssyncadd.s32 @!p0 s1  }
0x212: {  	[bflag:$0x3] =	sbarrier.arrive $0xFFFF  }
0x213: {  	_ =	shalt  }

</sc_bundles>
